<compile_context>
chip_gen: v7x
topology: tpu7x:2x2x1
jax: 0.10.2.dev20260603
libtpu: 0.0.44.dev20260713+nightly
codegen_flags: <defaults>
</compile_context>

<pallas_src>
import functools

import jax
import jax.numpy as jnp
from jax import lax
from jax.experimental import pallas as pl
from jax.experimental.pallas import tpu as pltpu
from jax.experimental.pallas import tpu_sc as plsc

N_NODES = 10000
NACC = 10240
SPLIT = 5120
HALF = 5376
DUMP = 5120
K = 128
NCH_MAX = 84
ECAP = NCH_MAX * 16 * K
G = 256
CB = 128


def _pad2(a, r, c):
    return jnp.pad(a, ((0, r - a.shape[0]), (0, c - a.shape[1])))


def _pad1(a, n):
    return jnp.pad(a, (0, n - a.shape[0]))



def _sc_gat_body(ncb, h_hbm, asrc_hbm, adst_hbm, s_hbm, d_hbm,
                 out_hbm, ab_v, s_all, dloc_all, dglob_all, e_all,
                 w_v, den_g2, rows2_v, wbuf_v, zden_v, den_sp, out_sp,
                 sg0, sg1, ss):
    c = lax.axis_index("c")
    t = lax.axis_index("s")
    sg = (sg0, sg1)
    csplit = c * SPLIT

    pltpu.sync_copy(s_hbm.at[t], s_all)
    pltpu.sync_copy(d_hbm.at[t], dglob_all)

    def _zrow(r, _):
        for u in range(CB // 16):
            wbuf_v[r, pl.ds(u * 16, 16)] = jnp.zeros((16,), jnp.float32)
        return 0
    lax.fori_loop(0, 48, _zrow, 0)
    def _zden(i, _):
        zden_v[pl.ds(i * 16, 16)] = jnp.zeros((16,), jnp.float32)
        return 0
    lax.fori_loop(0, 21, _zden, 0)
    pltpu.sync_copy(zden_v, den_sp.at[pl.ds(t * 336, 336)])
    plsc.subcore_barrier()

    def _fire_g1(j, slot):
        pltpu.async_copy(asrc_hbm.at[s_all.at[j]], ab_v.at[slot, 0],
                         sg[slot])
        pltpu.async_copy(adst_hbm.at[dglob_all.at[j]],
                         ab_v.at[slot, 1], sg[slot])

    _fire_g1(0, 0)

    def _p1(jj, _):
        for hh in range(2):
            j = jj * 2 + hh
            if hh == 0:
                _fire_g1(j + 1, 1)
            else:
                @pl.when(jj < NCH_MAX // 2 - 1)
                def _():
                    _fire_g1(j + 1, 0)
            pltpu.make_async_copy(asrc_hbm.at[s_all.at[j]],
                                  ab_v.at[hh, 0], sg[hh]).wait()
            pltpu.make_async_copy(adst_hbm.at[dglob_all.at[j]],
                                  ab_v.at[hh, 1], sg[hh]).wait()
            for u in range(K // 16):
                sl = pl.ds(u * 16, 16)
                dg = dglob_all[j, sl]
                inb = (dg >= csplit) & (dg < csplit + SPLIT)
                dloc_all[j, sl] = jnp.where(
                    inb, dg - csplit, DUMP + (dg & 255))
                a = ab_v[hh, 0, sl] + ab_v[hh, 1, sl]
                a = jnp.where(a >= 0.0, a, a * 0.2)
                e_all[j, sl] = jnp.exp(a)
            if hh == 0:
                @pl.when(jj > 0)
                def _():
                    pltpu.make_async_copy(
                        e_all.at[j], den_sp.at[dloc_all.at[j]], ss).wait()
            else:
                pltpu.make_async_copy(
                    e_all.at[j], den_sp.at[dloc_all.at[j]], ss).wait()
            pltpu.async_copy(e_all.at[j], den_sp.at[dloc_all.at[j]], ss,
                             add=True)
        return 0
    lax.fori_loop(0, NCH_MAX // 2, _p1, 0)
    pltpu.make_async_copy(e_all.at[0], den_sp.at[dloc_all.at[0]], ss).wait()
    plsc.subcore_barrier()

    def _fire_d(j, slot):
        pltpu.async_copy(den_sp.at[dloc_all.at[j]], den_g2.at[slot],
                         sg[slot])

    _fire_d(0, 0)

    def _pw(jj, _):
        for hh in range(2):
            j = jj * 2 + hh
            if hh == 0:
                _fire_d(j + 1, 1)
            else:
                @pl.when(jj < NCH_MAX // 2 - 1)
                def _():
                    _fire_d(j + 1, 0)
            pltpu.make_async_copy(den_sp.at[dloc_all.at[j]],
                                  den_g2.at[hh], sg[hh]).wait()
            for u in range(K // 16):
                sl = pl.ds(u * 16, 16)
                e_all[j, sl] = e_all[j, sl] / (den_g2[hh, sl] + 1e-16)
        return 0
    lax.fori_loop(0, NCH_MAX // 2, _pw, 0)

    for cb in range(ncb):
        for q in range(7):
            pltpu.sync_copy(wbuf_v, out_sp.at[pl.ds(t * 336 + q * 48, 48)])
        plsc.subcore_barrier()

        def _fire_g2(j, slot, cb=cb):
            pltpu.async_copy(h_hbm.at[cb].at[s_all.at[j]],
                             rows2_v.at[slot], sg[slot])

        _fire_g2(0, 0)

        def _p2(jj, _, cb=cb):
            for hh in range(2):
                j = jj * 2 + hh
                if hh == 0:
                    @pl.when(jj > 0)
                    def _():
                        pltpu.make_async_copy(
                            rows2_v.at[1], out_sp.at[dloc_all.at[j]],
                            ss).wait()
                    _fire_g2(j + 1, 1)
                else:
                    pltpu.make_async_copy(
                        rows2_v.at[0], out_sp.at[dloc_all.at[j]], ss).wait()
                    @pl.when(jj < NCH_MAX // 2 - 1)
                    def _():
                        _fire_g2(j + 1, 0)
                pltpu.make_async_copy(h_hbm.at[cb].at[s_all.at[j]],
                                      rows2_v.at[hh], sg[hh]).wait()
                for u in range(K // 16):
                    sl = pl.ds(u * 16, 16)
                    w_v[sl] = e_all[j, sl]
                def _scale(k2, _):
                    for k in (k2 * 4, k2 * 4 + 1, k2 * 4 + 2, k2 * 4 + 3):
                        wv = w_v[pl.ds((k // 16) * 16, 16)]
                        wk = jnp.take_along_axis(
                            wv, jnp.full((16,), k % 16, jnp.int32), axis=0)
                        for u in range(CB // 16):
                            sl = pl.ds(u * 16, 16)
                            rows2_v[hh, k, sl] = rows2_v[hh, k, sl] * wk
                    return 0
                lax.fori_loop(0, K // 4, _scale, 0)
                pltpu.async_copy(rows2_v.at[hh], out_sp.at[dloc_all.at[j]],
                                 ss, add=True)
            return 0
        lax.fori_loop(0, NCH_MAX // 2, _p2, 0)
        pltpu.make_async_copy(rows2_v.at[1], out_sp.at[dloc_all.at[0]],
                              ss).wait()
        plsc.subcore_barrier()

        for q in range(7):
            r0 = t * 336 + q * 48
            pltpu.sync_copy(out_sp.at[pl.ds(r0, 48)],
                            rows2_v.at[0].at[pl.ds(0, 48)])
            pltpu.sync_copy(rows2_v.at[0].at[pl.ds(0, 48)],
                            out_hbm.at[c].at[cb].at[pl.ds(r0, 48)])
        plsc.subcore_barrier()


@functools.partial(jax.jit, static_argnums=(0,))
def _sc_gat(ncb, h, asrc, adst, s2, d2):
    mesh = plsc.VectorSubcoreMesh(core_axis_name="c", subcore_axis_name="s",
                                  num_cores=2, num_subcores=16)
    kfn = pl.kernel(
        functools.partial(_sc_gat_body, ncb),
        out_type=jax.ShapeDtypeStruct((2, ncb, HALF, CB), jnp.float32),
        mesh=mesh,
        scratch_types=[
            pltpu.VMEM((2, 2, K), jnp.float32),
            pltpu.VMEM((NCH_MAX, K), jnp.int32),
            pltpu.VMEM((NCH_MAX, K), jnp.int32),
            pltpu.VMEM((NCH_MAX, K), jnp.int32),
            pltpu.VMEM((NCH_MAX, K), jnp.float32),
            pltpu.VMEM((K,), jnp.float32),
            pltpu.VMEM((2, K), jnp.float32),
            pltpu.VMEM((2, K, CB), jnp.float32),
            pltpu.VMEM((48, CB), jnp.float32),
            pltpu.VMEM((336,), jnp.float32),
            pltpu.VMEM_SHARED((HALF,), jnp.float32),
            pltpu.VMEM_SHARED((HALF, CB), jnp.float32),
            pltpu.SemaphoreType.DMA,
            pltpu.SemaphoreType.DMA,
            pltpu.SemaphoreType.DMA,
        ],
        name=f"sc_gat_{ncb}",
    )
    return kfn(h, asrc, adst, s2, d2)



RB = 1024


def _rows_of(p_refs, b_ref):
    z = jnp.concatenate([p[0, 0] for p in p_refs], axis=1)
    return jnp.maximum(z + b_ref[...], 0.0)


def _tc_layer_body(variant, nin, x_refs, h_ref, av_ref):
    cb = pl.program_id(1)
    if variant == "x":
        xin = x_refs[0][...]
        rest = x_refs[1:]
    elif variant == "p":
        xin = _rows_of(x_refs[:nin], x_refs[nin])
        rest = x_refs[nin + 1:]
    else:
        z = _rows_of(x_refs[:nin], x_refs[nin])
        supp_ref, ids_ref = x_refs[nin + 1], x_refs[nin + 2]
        ids = ids_ref[0]
        oh = (lax.broadcasted_iota(jnp.int32, (G, RB), 0) == ids).astype(
            jnp.float32)
        sy = lax.dot_general(oh, supp_ref[...], (((0,), (0,)), ((), ())),
                             preferred_element_type=jnp.float32)
        xin = jnp.concatenate([z + sy, z - sy], axis=1)
        rest = x_refs[nin + 3:]
    w_ref, a8_ref = rest
    h = jnp.dot(xin, w_ref[...], preferred_element_type=jnp.float32)
    h_ref[0] = h
    @pl.when(cb == 0)
    def _():
        av_ref[...] = jnp.zeros_like(av_ref)
    av_ref[...] += lax.dot_general(a8_ref[...], h, (((1,), (1,)), ((), ())),
                                   preferred_element_type=jnp.float32)


def _full(shape):
    return pl.BlockSpec(shape, lambda r, cb: tuple(0 for _ in shape))


def _p_specs(nin):
    return [pl.BlockSpec((1, 1, RB, CB),
                         lambda r, cb, i=i: (r // 5, i, r % 5, 0))
            for i in range(nin)]


def _tc_layer(variant, fin, fout, inputs):
    ncb = fout // CB
    if variant == "x":
        nin = 0
        in_specs = [pl.BlockSpec((RB, fin), lambda r, cb: (r, 0))]
    elif variant == "p":
        nin = fin // CB
        in_specs = _p_specs(nin) + [_full((1, fin))]
    else:
        fs = fin // 2
        nin = fs // CB
        in_specs = _p_specs(nin) + [_full((1, fs)), _full((G, fs)),
                                    pl.BlockSpec((1, 1, RB),
                                                 lambda r, cb: (r, 0, 0))]
    in_specs += [pl.BlockSpec((fin, CB), lambda r, cb: (0, cb)),
                 pl.BlockSpec((8, CB), lambda r, cb: (0, cb))]
    return pl.pallas_call(
        lambda *refs: _tc_layer_body(variant, nin, refs[:-2], refs[-2],
                                     refs[-1]),
        grid=(NACC // RB, ncb),
        in_specs=in_specs,
        out_specs=[pl.BlockSpec((1, RB, CB), lambda r, cb: (cb, r, 0)),
                   pl.BlockSpec((8, RB), lambda r, cb: (0, r))],
        out_shape=[jax.ShapeDtypeStruct((ncb, NACC, CB), jnp.float32),
                   jax.ShapeDtypeStruct((8, NACC), jnp.float32)],
    )(*inputs)


def _pool_body(nin, refs):
    p_refs = refs[:nin]
    b_ref, ids_ref, pooled_ref, cnt_ref = refs[nin:]
    r = pl.program_id(0)
    z = _rows_of(p_refs, b_ref)
    ids = ids_ref[0]
    oh = (lax.broadcasted_iota(jnp.int32, (G, RB), 0) == ids).astype(
        jnp.float32)
    ps = lax.dot_general(oh, z, (((1,), (0,)), ((), ())),
                         preferred_element_type=jnp.float32)
    cs = jnp.sum(oh, axis=1, keepdims=True) * jnp.ones((1, 8), jnp.float32)
    @pl.when(r == 0)
    def _():
        pooled_ref[...] = jnp.zeros_like(pooled_ref)
        cnt_ref[...] = jnp.zeros_like(cnt_ref)
    pooled_ref[...] += ps
    cnt_ref[...] += cs


def _pool_p_specs(nin):
    return [pl.BlockSpec((1, 1, RB, CB),
                         lambda r, i=i: (r // 5, i, r % 5, 0))
            for i in range(nin)]


def _tc_pool(fp, p, b, ids3):
    nin = fp // CB
    return pl.pallas_call(
        lambda *refs: _pool_body(nin, refs),
        grid=(NACC // RB,),
        in_specs=_pool_p_specs(nin) + [
            pl.BlockSpec((1, fp), lambda r: (0, 0)),
            pl.BlockSpec((1, 1, RB), lambda r: (r, 0, 0))],
        out_specs=[pl.BlockSpec((G, fp), lambda r: (0, 0)),
                   pl.BlockSpec((G, 8), lambda r: (0, 0))],
        out_shape=[jax.ShapeDtypeStruct((G, fp), jnp.float32),
                   jax.ShapeDtypeStruct((G, 8), jnp.float32)],
    )(*([p] * nin + [b, ids3]))


def _mlp_body(x_ref, w1_ref, b1_ref, w2_ref, b2_ref, o_ref):
    h = jnp.maximum(jnp.dot(x_ref[...], w1_ref[...],
                            preferred_element_type=jnp.float32)
                    + b1_ref[...], 0.0)
    o_ref[...] = jnp.dot(h, w2_ref[...],
                         preferred_element_type=jnp.float32) + b2_ref[...]


def _tc_mlp(x, w1, b1, w2, b2):
    return pl.pallas_call(
        _mlp_body,
        out_shape=jax.ShapeDtypeStruct((x.shape[0], w2.shape[1]),
                                       jnp.float32),
    )(x, w1, b1, w2, b2)


def _mean_mlp_body(x_ref, cnt_ref, w1_ref, b1_ref, w2_ref, b2_ref, o_ref):
    cnt = jnp.maximum(cnt_ref[:, 0:1], 1.0)
    x = x_ref[...] / cnt
    h = jnp.maximum(jnp.dot(x, w1_ref[...],
                            preferred_element_type=jnp.float32)
                    + b1_ref[...], 0.0)
    o_ref[...] = jnp.dot(h, w2_ref[...],
                         preferred_element_type=jnp.float32) + b2_ref[...]


def _tc_mean_mlp(pooled, cnt, w1, b1, w2, b2):
    return pl.pallas_call(
        _mean_mlp_body,
        out_shape=jax.ShapeDtypeStruct((G, w2.shape[1]), jnp.float32),
    )(pooled, cnt, w1, b1, w2, b2)


def _cnn_body(ids_ref, emb_ref, w1_ref, b1_ref, w2_ref, b2_ref, o_ref):
    ids = ids_ref[0]
    oh = (lax.broadcasted_iota(jnp.int32, (65, 128), 0) == ids).astype(
        jnp.float32)
    xe = lax.dot_general(oh, emb_ref[...], (((0,), (0,)), ((), ())),
                         preferred_element_type=jnp.float32)
    z1 = jnp.zeros((1, 64), jnp.float32)
    xp = jnp.concatenate([z1, xe[0:100], z1], axis=0)
    y1 = jnp.dot(xp[0:99], w1_ref[0], preferred_element_type=jnp.float32)
    for k2 in range(1, 4):
        y1 += jnp.dot(xp[k2:k2 + 99], w1_ref[k2],
                      preferred_element_type=jnp.float32)
    y1 = jnp.maximum(y1 + b1_ref[...], 0.0)
    z2 = jnp.zeros((1, 512), jnp.float32)
    y1p = jnp.concatenate([z2, y1, z2], axis=0)
    y2 = jnp.dot(y1p[0:98], w2_ref[0], preferred_element_type=jnp.float32)
    for k2 in range(1, 4):
        y2 += jnp.dot(y1p[k2:k2 + 98], w2_ref[k2],
                      preferred_element_type=jnp.float32)
    y2 = jnp.maximum(y2 + b2_ref[...], 0.0)
    o_ref[...] = jnp.max(y2[0:97], axis=0, keepdims=True)[None]


def _tc_cnn(ids3, emb, w1r, b1, w2r, b2):
    return pl.pallas_call(
        _cnn_body,
        grid=(G,),
        in_specs=[pl.BlockSpec((1, 1, 128), lambda g: (g, 0, 0)),
                  pl.BlockSpec((65, 64), lambda g: (0, 0)),
                  pl.BlockSpec((4, 64, 512), lambda g: (0, 0, 0)),
                  pl.BlockSpec((1, 512), lambda g: (0, 0)),
                  pl.BlockSpec((4, 512, 256), lambda g: (0, 0, 0)),
                  pl.BlockSpec((1, 256), lambda g: (0, 0))],
        out_specs=pl.BlockSpec((1, 1, 256), lambda g: (g, 0, 0)),
        out_shape=jax.ShapeDtypeStruct((G, 1, 256), jnp.float32),
    )(ids3, emb, w1r, b1, w2r, b2).reshape(G, 256)



def _edge_setup(edge_index):
    src = edge_index[0].astype(jnp.int32)
    dst = edge_index[1].astype(jnp.int32)
    loop = jnp.arange(N_NODES, dtype=jnp.int32)
    npad = NCH_MAX * 16 * K - 2 * N_NODES - src.shape[0] + N_NODES
    ar = jnp.arange(npad, dtype=jnp.int32)
    s_buf = jnp.concatenate([src, loop, 10016 + (ar % 224)])
    d_buf = jnp.concatenate([dst, loop, N_NODES + (ar % 240)])

    def _lay(b):
        return b.reshape(NCH_MAX, 16, K).transpose(1, 0, 2)
    return _lay(s_buf), _lay(d_buf)


def _arrange_w2(w, fs, fsp, fop):
    out = jnp.zeros((2 * fsp, fop), jnp.float32)
    out = out.at[0:fs, 0:w.shape[1]].set(w[0:fs])
    out = out.at[fsp:fsp + fs, 0:w.shape[1]].set(w[fs:2 * fs])
    return out


def _a8(p, fop):
    a = jnp.zeros((8, fop), jnp.float32)
    a = a.at[0, 0:p["a_src"].shape[0]].set(p["a_src"])
    a = a.at[1, 0:p["a_dst"].shape[0]].set(p["a_dst"])
    return a


def _gat_stack(x, edge_index, batch, supp, layers, dims, out_mlp):
    s2, d2 = _edge_setup(edge_index)
    bat3 = jnp.concatenate(
        [batch.astype(jnp.int32),
         jnp.full((NACC - N_NODES,), G, jnp.int32)]).reshape(NACC // RB, 1, RB)

    fin0 = dims[0][0]
    x_p = _pad2(x, NACC, fin0)
    p_half = None
    for i, (fin, fout) in enumerate(dims):
        pp = layers[i]
        w = _pad2(pp["W"], fin, fout)
        if i == 2:
            fs = layers[1]["W"].shape[1]
            w = _arrange_w2(pp["W"], fs, fin // 2, fout)
        a8 = _a8(pp, fout)
        if i == 0:
            h, av = _tc_layer("x", fin, fout, [x_p, w, a8])
        elif i == 2:
            bprev = _pad1(layers[1]["b"], fin // 2).reshape(1, fin // 2)
            h, av = _tc_layer("ps", fin, fout,
                              [p_half] * (fin // 2 // CB)
                              + [bprev, supp, bat3, w, a8])
        else:
            bprev = _pad1(layers[i - 1]["b"], fin).reshape(1, fin)
            h, av = _tc_layer("p", fin, fout,
                              [p_half] * (fin // CB) + [bprev, w, a8])
        p_half = _sc_gat(fout // CB, h, av[0], av[1], s2, d2)

    fp = dims[-1][1]
    b_last = _pad1(layers[-1]["b"], fp).reshape(1, fp)
    pooled, cnt = _tc_pool(fp, p_half, b_last, bat3)
    w1 = _pad2(out_mlp["l1"]["W"], fp, 1024)
    return _tc_mean_mlp(pooled, cnt, w1,
                        out_mlp["l1"]["b"].reshape(1, 1024),
                        out_mlp["l2"]["W"],
                        out_mlp["l2"]["b"].reshape(1, 128))


def kernel(drug_x, drug_edge_index, drug_batch, drug_smiles, target_x,
           target_edge_index, target_batch, target_esm2, params):
    cnn = params["cnn"]
    ids3 = jnp.pad(drug_smiles.astype(jnp.int32),
                   ((0, 0), (0, 28))).reshape(G, 1, 128)
    w1r = jnp.transpose(cnn["w1"], (2, 1, 0))
    w2r = jnp.pad(jnp.transpose(cnn["w2"], (2, 1, 0)),
                  ((0, 0), (0, 0), (0, 100)))
    drug_supp = _tc_cnn(ids3, cnn["emb"], w1r,
                        cnn["b1"].reshape(1, 512), w2r,
                        _pad1(cnn["b2"], 256).reshape(1, 256))

    esm = params["esm"]
    target_supp = _tc_mlp(target_esm2, esm["l1"]["W"],
                          esm["l1"]["b"].reshape(1, 1024),
                          _pad2(esm["l2"]["W"], 1024, 128),
                          _pad1(esm["l2"]["b"], 128).reshape(1, 128))

    d_out = _gat_stack(drug_x, drug_edge_index, drug_batch, drug_supp,
                       params["drug_gat"],
                       [(128, 128), (128, 256), (512, 384), (384, 384)],
                       params["drug_out"])
    t_out = _gat_stack(target_x, target_edge_index, target_batch, target_supp,
                       params["target_gat"],
                       [(128, 128), (128, 128), (256, 256), (256, 256)],
                       params["target_out"])
    return d_out, t_out

# --- scband reference (transcript-rebuilt; emitter-appended) ---
"""Pipeline reference for scband-wo-hete-net-conv-net-or-gat-16698832847434 (READ-ONLY COPY).

The authoritative reference and input builder live on the scoring server;
editing this copy changes nothing except your own understanding.
"""

import jax, jax.numpy as jnp
import numpy as np

G = 256
N_D, E_D = 10000, 160000
N_T, E_T = 10000, 160000


def _glorot(k, shape):
    fi, fo = shape[0], shape[-1]
    s = float(np.sqrt(6.0 / (fi + fo)))
    return jax.random.uniform(k, shape, jnp.float32, -s, s)


def _lin(k, i, o):
    k1, _ = jax.random.split(k)
    return {"W": _glorot(k1, (i, o)), "b": jnp.zeros((o,), jnp.float32)}


def _gat(k, i, o):
    k1, k2, k3 = jax.random.split(k, 3)
    return {"W": _glorot(k1, (i, o)), "a_src": _glorot(k2, (1, o))[0], "a_dst": _glorot(k3, (1, o))[0], "b": jnp.zeros((o,), jnp.float32)}


def setup_inputs(seed: int = 0) -> dict:
    key = jax.random.key(seed)
    ks = jax.random.split(key, 32)
    inp = {}
    inp["drug_x"] = jax.random.normal(ks[0], (N_D, 78), jnp.float32)
    inp["drug_edge_index"] = jax.random.randint(ks[1], (2, E_D), 0, N_D)
    inp["drug_batch"] = jnp.sort(jax.random.randint(ks[2], (N_D,), 0, G))
    inp["drug_smiles"] = jax.random.randint(ks[3], (G, 100), 0, 65)
    inp["target_x"] = jax.random.normal(ks[4], (N_T, 54), jnp.float32)
    inp["target_edge_index"] = jax.random.randint(ks[5], (2, E_T), 0, N_T)
    inp["target_batch"] = jnp.sort(jax.random.randint(ks[6], (N_T,), 0, G))
    inp["target_esm2"] = jax.random.normal(ks[7], (G, 2560), jnp.float32)
    dg = [(78, 78), (78, 156), (312, 312), (312, 312)]
    tg = [(54, 54), (54, 108), (216, 216), (216, 216)]
    params = {
        "drug_gat": [_gat(ks[8 + i], a, b) for i, (a, b) in enumerate(dg)],
        "target_gat": [_gat(ks[12 + i], a, b) for i, (a, b) in enumerate(tg)],
        "cnn": {
            "emb": jax.random.normal(ks[16], (65, 64), jnp.float32),
            "w1": _glorot(ks[17], (512, 64, 4)),
            "b1": jnp.zeros((512,), jnp.float32),
            "w2": _glorot(ks[18], (156, 512, 4)),
            "b2": jnp.zeros((156,), jnp.float32),
        },
        "esm": {"l1": _lin(ks[19], 2560, 1024), "l2": _lin(ks[20], 1024, 108)},
        "drug_out": {"l1": _lin(ks[21], 312, 1024), "l2": _lin(ks[22], 1024, 128)},
        "target_out": {"l1": _lin(ks[23], 216, 1024), "l2": _lin(ks[24], 1024, 128)},
    }
    inp["params"] = params
    return inp


def _gat_conv(x, src, dst, p):
    N = x.shape[0]
    h = x @ p["W"]
    loop = jnp.arange(N, dtype=src.dtype)
    s = jnp.concatenate([src, loop])
    d = jnp.concatenate([dst, loop])
    a = (h * p["a_src"]).sum(-1)[s] + (h * p["a_dst"]).sum(-1)[d]
    a = jax.nn.leaky_relu(a, 0.2)
    amax = jax.ops.segment_max(a, d, num_segments=N)
    e = jnp.exp(a - amax[d])
    den = jax.ops.segment_sum(e, d, num_segments=N)
    w = e / (den[d] + 1e-16)
    out = jax.ops.segment_sum(h[s] * w[:, None], d, num_segments=N)
    return out + p["b"]


def _gat_block(x, ei, batch, supp, layers):
    out = x
    for i, p in enumerate(layers):
        if i == 2:
            sy = supp[batch]
            out = jnp.concatenate([out + sy, out - sy], axis=-1)
        out = jax.nn.relu(_gat_conv(out, ei[0], ei[1], p))
    summ = jax.ops.segment_sum(out, batch, num_segments=G)
    cnt = jax.ops.segment_sum(jnp.ones((out.shape[0],), out.dtype), batch, num_segments=G)
    return summ / jnp.maximum(cnt, 1.0)[:, None]


def _cnn(smiles, p):
    x = p["emb"][smiles].transpose(0, 2, 1)
    dn = ("NCH", "OIH", "NCH")
    x = jax.lax.conv_general_dilated(x, p["w1"], (1,), [(1, 1)], dimension_numbers=dn) + p["b1"][None, :, None]
    x = jax.nn.relu(x)
    x = jax.lax.conv_general_dilated(x, p["w2"], (1,), [(1, 1)], dimension_numbers=dn) + p["b2"][None, :, None]
    x = jax.nn.relu(x)
    x = jax.lax.reduce_window(x, -jnp.inf, jax.lax.max, (1, 1, 97), (1, 1, 97), "VALID")
    return x[:, :, 0]


def _mlp(x, p):
    h = jax.nn.relu(x @ p["l1"]["W"] + p["l1"]["b"])
    return h @ p["l2"]["W"] + p["l2"]["b"]


def reference(drug_x, drug_edge_index, drug_batch, drug_smiles, target_x, target_edge_index, target_batch, target_esm2, params):
    drug_supp = _cnn(drug_smiles, params["cnn"])
    target_supp = _mlp(target_esm2, params["esm"])
    d = _gat_block(drug_x, drug_edge_index, drug_batch, drug_supp, params["drug_gat"])
    t = _gat_block(target_x, target_edge_index, target_batch, target_supp, params["target_gat"])
    return _mlp(d, params["drug_out"]), _mlp(t, params["target_out"])

if __name__ == "__main__":
    import jax
    _d = setup_inputs()
    print(jax.jit(kernel)(*tuple(_d.values())))

</pallas_src>

<mosaic_0001>
#map = affine_map<(d0, d1) -> (0, 0, 0)>
#map1 = affine_map<(d0, d1) -> (0)>
#map2 = affine_map<(d0, d1) -> (0, 0, 0, 0)>
module attributes {stable_mosaic.version = 14 : i64} {
  func.func @sc_gat_1(%arg0: i32, %arg1: i32, %arg2: memref<1x10240x128xf32, #tpu.memory_space<hbm>>, %arg3: memref<10240xf32, #tpu.memory_space<hbm>>, %arg4: memref<10240xf32, #tpu.memory_space<hbm>>, %arg5: memref<16x84x128xi32, #tpu.memory_space<hbm>>, %arg6: memref<16x84x128xi32, #tpu.memory_space<hbm>>, %arg7: memref<2x1x5376x128xf32, #tpu.memory_space<hbm>>, %arg8: memref<2x2x128xf32, #tpu.memory_space<vmem>>, %arg9: memref<84x128xi32, #tpu.memory_space<vmem>>, %arg10: memref<84x128xi32, #tpu.memory_space<vmem>>, %arg11: memref<84x128xi32, #tpu.memory_space<vmem>>, %arg12: memref<84x128xf32, #tpu.memory_space<vmem>>, %arg13: memref<128xf32, #tpu.memory_space<vmem>>, %arg14: memref<2x128xf32, #tpu.memory_space<vmem>>, %arg15: memref<2x128x128xf32, #tpu.memory_space<vmem>>, %arg16: memref<48x128xf32, #tpu.memory_space<vmem>>, %arg17: memref<336xf32, #tpu.memory_space<vmem>>, %arg18: memref<5376xf32, #tpu.memory_space<vmem_shared>>, %arg19: memref<5376x128xf32, #tpu.memory_space<vmem_shared>>, %arg20: memref<!tpu.dma_semaphore, #tpu.memory_space<semaphore_mem>>, %arg21: memref<!tpu.dma_semaphore, #tpu.memory_space<semaphore_mem>>, %arg22: memref<!tpu.dma_semaphore, #tpu.memory_space<semaphore_mem>>) attributes {dimension_semantics = [#tpu.dimension_semantics<core_parallel>, #tpu.dimension_semantics<subcore_parallel>], iteration_bounds = array<i64: 2, 16>, scalar_prefetch = 0 : i64, scratch_operands = 15 : i64, tpu.core_type = #tpu.core_type<sc_vector_subcore>, window_params = [{transform_indices = #map}, {transform_indices = #map1}, {transform_indices = #map1}, {transform_indices = #map}, {transform_indices = #map}, {transform_indices = #map2}]} {
    %mul3A = arith.constant 5120 : i32
    %mul3A_0 = arith.muli %arg0, %mul3A : i32
    "tpu.region"() ({
      %run_scoped3A_185 = tpu.sem_alloc : memref<!tpu.dma_semaphore, #tpu.memory_space<semaphore_mem>>
      %dma_start3A_186 = arith.constant 0 : i32
      %dma_start3A_187 = arith.constant 0 : i32
      %dma_start3A_188 = tpu.memref_slice %arg5[%arg1, %dma_start3A_186, %dma_start3A_187] : memref<16x84x128xi32, #tpu.memory_space<hbm>> -> memref<1x84x128xi32, #tpu.memory_space<hbm>>
      %dma_start3A_189 = tpu.memref_squeeze %dma_start3A_188 : memref<1x84x128xi32, #tpu.memory_space<hbm>> -> memref<84x128xi32, #tpu.memory_space<hbm>>
      %dma_start3A_190 = arith.constant 0 : i32
      %dma_start3A_191 = arith.constant 0 : i32
      %dma_start3A_192 = tpu.memref_slice %arg5[%arg1, %dma_start3A_190, %dma_start3A_191] : memref<16x84x128xi32, #tpu.memory_space<hbm>> -> memref<1x84x128xi32, #tpu.memory_space<hbm>>
      %dma_start3A_193 = tpu.memref_squeeze %dma_start3A_192 : memref<1x84x128xi32, #tpu.memory_space<hbm>> -> memref<84x128xi32, #tpu.memory_space<hbm>>
      tpu.enqueue_dma source(%dma_start3A_193 : memref<84x128xi32, #tpu.memory_space<hbm>>) target(%arg9 : memref<84x128xi32, #tpu.memory_space<vmem>>) target_semaphore(%run_scoped3A_185 : memref<!tpu.dma_semaphore, #tpu.memory_space<semaphore_mem>>)
      %dma_wait3A_194 = arith.constant 0 : i32
      %dma_wait3A_195 = arith.constant 0 : i32
      %dma_wait3A_196 = tpu.memref_slice %arg5[%arg1, %dma_wait3A_194, %dma_wait3A_195] : memref<16x84x128xi32, #tpu.memory_space<hbm>> -> memref<1x84x128xi32, #tpu.memory_space<hbm>>
      %dma_wait3A_197 = tpu.memref_squeeze %dma_wait3A_196 : memref<1x84x128xi32, #tpu.memory_space<hbm>> -> memref<84x128xi32, #tpu.memory_space<hbm>>
      %dma_wait3A_198 = arith.constant 0 : i32
      %dma_wait3A_199 = arith.constant 0 : i32
      %dma_wait3A_200 = tpu.memref_slice %arg5[%arg1, %dma_wait3A_198, %dma_wait3A_199] : memref<16x84x128xi32, #tpu.memory_space<hbm>> -> memref<1x84x128xi32, #tpu.memory_space<hbm>>
      %dma_wait3A_201 = tpu.memref_squeeze %dma_wait3A_200 : memref<1x84x128xi32, #tpu.memory_space<hbm>> -> memref<84x128xi32, #tpu.memory_space<hbm>>
      tpu.wait_dma2 semaphore(%run_scoped3A_185 : memref<!tpu.dma_semaphore, #tpu.memory_space<semaphore_mem>>) src(%dma_wait3A_201 : memref<84x128xi32, #tpu.memory_space<hbm>>) dst(%arg9 : memref<84x128xi32, #tpu.memory_space<vmem>>)
      tpu.yield
    }) : () -> ()
    "tpu.region"() ({
      %run_scoped3A_185 = tpu.sem_alloc : memref<!tpu.dma_semaphore, #tpu.memory_space<semaphore_mem>>
      %dma_start3A_186 = arith.constant 0 : i32
      %dma_start3A_187 = arith.constant 0 : i32
      %dma_start3A_188 = tpu.memref_slice %arg6[%arg1, %dma_start3A_186, %dma_start3A_187] : memref<16x84x128xi32, #tpu.memory_space<hbm>> -> memref<1x84x128xi32, #tpu.memory_space<hbm>>
      %dma_start3A_189 = tpu.memref_squeeze %dma_start3A_188 : memref<1x84x128xi32, #tpu.memory_space<hbm>> -> memref<84x128xi32, #tpu.memory_space<hbm>>
      %dma_start3A_190 = arith.constant 0 : i32
      %dma_start3A_191 = arith.constant 0 : i32
      %dma_start3A_192 = tpu.memref_slice %arg6[%arg1, %dma_start3A_190, %dma_start3A_191] : memref<16x84x128xi32, #tpu.memory_space<hbm>> -> memref<1x84x128xi32, #tpu.memory_space<hbm>>
      %dma_start3A_193 = tpu.memref_squeeze %dma_start3A_192 : memref<1x84x128xi32, #tpu.memory_space<hbm>> -> memref<84x128xi32, #tpu.memory_space<hbm>>
      tpu.enqueue_dma source(%dma_start3A_193 : memref<84x128xi32, #tpu.memory_space<hbm>>) target(%arg11 : memref<84x128xi32, #tpu.memory_space<vmem>>) target_semaphore(%run_scoped3A_185 : memref<!tpu.dma_semaphore, #tpu.memory_space<semaphore_mem>>)
      %dma_wait3A_194 = arith.constant 0 : i32
      %dma_wait3A_195 = arith.constant 0 : i32
      %dma_wait3A_196 = tpu.memref_slice %arg6[%arg1, %dma_wait3A_194, %dma_wait3A_195] : memref<16x84x128xi32, #tpu.memory_space<hbm>> -> memref<1x84x128xi32, #tpu.memory_space<hbm>>
      %dma_wait3A_197 = tpu.memref_squeeze %dma_wait3A_196 : memref<1x84x128xi32, #tpu.memory_space<hbm>> -> memref<84x128xi32, #tpu.memory_space<hbm>>
      %dma_wait3A_198 = arith.constant 0 : i32
      %dma_wait3A_199 = arith.constant 0 : i32
      %dma_wait3A_200 = tpu.memref_slice %arg6[%arg1, %dma_wait3A_198, %dma_wait3A_199] : memref<16x84x128xi32, #tpu.memory_space<hbm>> -> memref<1x84x128xi32, #tpu.memory_space<hbm>>
      %dma_wait3A_201 = tpu.memref_squeeze %dma_wait3A_200 : memref<1x84x128xi32, #tpu.memory_space<hbm>> -> memref<84x128xi32, #tpu.memory_space<hbm>>
      tpu.wait_dma2 semaphore(%run_scoped3A_185 : memref<!tpu.dma_semaphore, #tpu.memory_space<semaphore_mem>>) src(%dma_wait3A_201 : memref<84x128xi32, #tpu.memory_space<hbm>>) dst(%arg11 : memref<84x128xi32, #tpu.memory_space<vmem>>)
      tpu.yield
    }) : () -> ()
    %scan3A = arith.constant 0 : i32
    %scan3A_1 = arith.constant 0 : i32
    %scan3A_2 = arith.constant 48 : i32
    %scan3A_3 = arith.addi %scan3A_1, %scan3A_2 : i32
    %scan3A_4 = arith.constant 1 : i32
    %scan3A_5 = scf.for %scan3A_185 = %scan3A_1 to %scan3A_3 step %scan3A_4 iter_args(%scan3A_186 = %scan3A) -> (i32)  : i32 {
      %broadcast_in_dim3A = arith.constant 0.000000e+00 : f32
      %broadcast_in_dim3A_187 = vector.broadcast %broadcast_in_dim3A : f32 to vector<16xf32>
      %swap3A = arith.index_cast %scan3A_185 : i32 to index
      %swap3A_188 = arith.constant 0 : index
      %swap3A_189 = tpu.vector_load %arg16[%swap3A, %swap3A_188] {strides = array<i32>} : memref<48x128xf32, #tpu.memory_space<vmem>>, vector<1x16xf32>,
      %swap3A_190 = vector.shape_cast %swap3A_189 : vector<1x16xf32> to vector<16xf32>
      %swap3A_191 = vector.shape_cast %broadcast_in_dim3A_187 : vector<16xf32> to vector<1x16xf32>
      tpu.vector_store %arg16[%swap3A, %swap3A_188], %swap3A_191 {strides = array<i32>} : memref<48x128xf32, #tpu.memory_space<vmem>>, vector<1x16xf32>,
      %broadcast_in_dim3A_192 = arith.constant 0.000000e+00 : f32
      %broadcast_in_dim3A_193 = vector.broadcast %broadcast_in_dim3A_192 : f32 to vector<16xf32>
      %swap3A_194 = arith.index_cast %scan3A_185 : i32 to index
      %swap3A_195 = arith.constant 16 : index
      %swap3A_196 = tpu.vector_load %arg16[%swap3A_194, %swap3A_195] {strides = array<i32>} : memref<48x128xf32, #tpu.memory_space<vmem>>, vector<1x16xf32>,
      %swap3A_197 = vector.shape_cast %swap3A_196 : vector<1x16xf32> to vector<16xf32>
      %swap3A_198 = vector.shape_cast %broadcast_in_dim3A_193 : vector<16xf32> to vector<1x16xf32>
      tpu.vector_store %arg16[%swap3A_194, %swap3A_195], %swap3A_198 {strides = array<i32>} : memref<48x128xf32, #tpu.memory_space<vmem>>, vector<1x16xf32>,
      %broadcast_in_dim3A_199 = arith.constant 0.000000e+00 : f32
      %broadcast_in_dim3A_200 = vector.broadcast %broadcast_in_dim3A_199 : f32 to vector<16xf32>
      %swap3A_201 = arith.index_cast %scan3A_185 : i32 to index
      %swap3A_202 = arith.constant 32 : index
      %swap3A_203 = tpu.vector_load %arg16[%swap3A_201, %swap3A_202] {strides = array<i32>} : memref<48x128xf32, #tpu.memory_space<vmem>>, vector<1x16xf32>,
      %swap3A_204 = vector.shape_cast %swap3A_203 : vector<1x16xf32> to vector<16xf32>
      %swap3A_205 = vector.shape_cast %broadcast_in_dim3A_200 : vector<16xf32> to vector<1x16xf32>
      tpu.vector_store %arg16[%swap3A_201, %swap3A_202], %swap3A_205 {strides = array<i32>} : memref<48x128xf32, #tpu.memory_space<vmem>>, vector<1x16xf32>,
      %broadcast_in_dim3A_206 = arith.constant 0.000000e+00 : f32
      %broadcast_in_dim3A_207 = vector.broadcast %broadcast_in_dim3A_206 : f32 to vector<16xf32>
      %swap3A_208 = arith.index_cast %scan3A_185 : i32 to index
      %swap3A_209 = arith.constant 48 : index
      %swap3A_210 = tpu.vector_load %arg16[%swap3A_208, %swap3A_209] {strides = array<i32>} : memref<48x128xf32, #tpu.memory_space<vmem>>, vector<1x16xf32>,
      %swap3A_211 = vector.shape_cast %swap3A_210 : vector<1x16xf32> to vector<16xf32>
      %swap3A_212 = vector.shape_cast %broadcast_in_dim3A_207 : vector<16xf32> to vector<1x16xf32>
      tpu.vector_store %arg16[%swap3A_208, %swap3A_209], %swap3A_212 {strides = array<i32>} : memref<48x128xf32, #tpu.memory_space<vmem>>, vector<1x16xf32>,
      %broadcast_in_dim3A_213 = arith.constant 0.000000e+00 : f32
      %broadcast_in_dim3A_214 = vector.broadcast %broadcast_in_dim3A_213 : f32 to vector<16xf32>
      %swap3A_215 = arith.index_cast %scan3A_185 : i32 to index
      %swap3A_216 = arith.constant 64 : index
      %swap3A_217 = tpu.vector_load %arg16[%swap3A_215, %swap3A_216] {strides = array<i32>} : memref<48x128xf32, #tpu.memory_space<vmem>>, vector<1x16xf32>,
      %swap3A_218 = vector.shape_cast %swap3A_217 : vector<1x16xf32> to vector<16xf32>
      %swap3A_219 = vector.shape_cast %broadcast_in_dim3A_214 : vector<16xf32> to vector<1x16xf32>
      tpu.vector_store %arg16[%swap3A_215, %swap3A_216], %swap3A_219 {strides = array<i32>} : memref<48x128xf32, #tpu.memory_space<vmem>>, vector<1x16xf32>,
      %broadcast_in_dim3A_220 = arith.constant 0.000000e+00 : f32
      %broadcast_in_dim3A_221 = vector.broadcast %broadcast_in_dim3A_220 : f32 to vector<16xf32>
      %swap3A_222 = arith.index_cast %scan3A_185 : i32 to index
      %swap3A_223 = arith.constant 80 : index
      %swap3A_224 = tpu.vector_load %arg16[%swap3A_222, %swap3A_223] {strides = array<i32>} : memref<48x128xf32, #tpu.memory_space<vmem>>, vector<1x16xf32>,
      %swap3A_225 = vector.shape_cast %swap3A_224 : vector<1x16xf32> to vector<16xf32>
      %swap3A_226 = vector.shape_cast %broadcast_in_dim3A_221 : vector<16xf32> to vector<1x16xf32>
      tpu.vector_store %arg16[%swap3A_222, %swap3A_223], %swap3A_226 {strides = array<i32>} : memref<48x128xf32, #tpu.memory_space<vmem>>, vector<1x16xf32>,
      %broadcast_in_dim3A_227 = arith.constant 0.000000e+00 : f32
      %broadcast_in_dim3A_228 = vector.broadcast %broadcast_in_dim3A_227 : f32 to vector<16xf32>
      %swap3A_229 = arith.index_cast %scan3A_185 : i32 to index
      %swap3A_230 = arith.constant 96 : index
      %swap3A_231 = tpu.vector_load %arg16[%swap3A_229, %swap3A_230] {strides = array<i32>} : memref<48x128xf32, #tpu.memory_space<vmem>>, vector<1x16xf32>,
      %swap3A_232 = vector.shape_cast %swap3A_231 : vector<1x16xf32> to vector<16xf32>
      %swap3A_233 = vector.shape_cast %broadcast_in_dim3A_228 : vector<16xf32> to vector<1x16xf32>
      tpu.vector_store %arg16[%swap3A_229, %swap3A_230], %swap3A_233 {strides = array<i32>} : memref<48x128xf32, #tpu.memory_space<vmem>>, vector<1x16xf32>,
      %broadcast_in_dim3A_234 = arith.constant 0.000000e+00 : f32
      %broadcast_in_dim3A_235 = vector.broadcast %broadcast_in_dim3A_234 : f32 to vector<16xf32>
      %swap3A_236 = arith.index_cast %scan3A_185 : i32 to index
      %swap3A_237 = arith.constant 112 : index
      %swap3A_238 = tpu.vector_load %arg16[%swap3A_236, %swap3A_237] {strides = array<i32>} : memref<48x128xf32, #tpu.memory_space<vmem>>, vector<1x16xf32>,
      %swap3A_239 = vector.shape_cast %swap3A_238 : vector<1x16xf32> to vector<16xf32>
      %swap3A_240 = vector.shape_cast %broadcast_in_dim3A_235 : vector<16xf32> to vector<1x16xf32>
      tpu.vector_store %arg16[%swap3A_236, %swap3A_237], %swap3A_240 {strides = array<i32>} : memref<48x128xf32, #tpu.memory_space<vmem>>, vector<1x16xf32>,
      %scan3A_241 = arith.constant 0 : i32
      scf.yield %scan3A_241 : i32
    }
    %scan3A_6 = arith.constant 48 : i32
    %scan3A_7 = arith.constant 0 : i32
    %scan3A_8 = arith.constant 0 : i32
    %scan3A_9 = arith.constant 21 : i32
    %scan3A_10 = arith.addi %scan3A_8, %scan3A_9 : i32
    %scan3A_11 = arith.constant 1 : i32
    %scan3A_12 = scf.for %scan3A_185 = %scan3A_8 to %scan3A_10 step %scan3A_11 iter_args(%scan3A_186 = %scan3A_7) -> (i32)  : i32 {
      %broadcast_in_dim3A = arith.constant 0.000000e+00 : f32
      %broadcast_in_dim3A_187 = vector.broadcast %broadcast_in_dim3A : f32 to vector<16xf32>
      %mul3A_188 = arith.constant 16 : i32
      %mul3A_189 = arith.muli %scan3A_185, %mul3A_188 : i32
      %swap3A = arith.index_cast %mul3A_189 : i32 to index
      %swap3A_190 = tpu.vector_load %arg17[%swap3A] {strides = array<i32>} : memref<336xf32, #tpu.memory_space<vmem>>, vector<16xf32>,
      %swap3A_191 = vector.shape_cast %swap3A_190 : vector<16xf32> to vector<16xf32>
      %swap3A_192 = vector.shape_cast %broadcast_in_dim3A_187 : vector<16xf32> to vector<16xf32>
      tpu.vector_store %arg17[%swap3A], %swap3A_192 {strides = array<i32>} : memref<336xf32, #tpu.memory_space<vmem>>, vector<16xf32>,
      %scan3A_193 = arith.constant 0 : i32
      scf.yield %scan3A_193 : i32
    }
    %scan3A_13 = arith.constant 21 : i32
    %mul3A_14 = arith.constant 336 : i32
    %mul3A_15 = arith.muli %arg1, %mul3A_14 : i32
    "tpu.region"() ({
      %run_scoped3A_185 = tpu.sem_alloc : memref<!tpu.dma_semaphore, #tpu.memory_space<semaphore_mem>>
      %dma_start3A_186 = tpu.memref_slice %arg18[%mul3A_15] : memref<5376xf32, #tpu.memory_space<vmem_shared>> -> memref<336xf32, #tpu.memory_space<vmem_shared>>
      %dma_start3A_187 = tpu.memref_slice %arg18[%mul3A_15] : memref<5376xf32, #tpu.memory_space<vmem_shared>> -> memref<336xf32, #tpu.memory_space<vmem_shared>>
      tpu.enqueue_dma source(%arg17 : memref<336xf32, #tpu.memory_space<vmem>>) target(%dma_start3A_187 : memref<336xf32, #tpu.memory_space<vmem_shared>>) target_semaphore(%run_scoped3A_185 : memref<!tpu.dma_semaphore, #tpu.memory_space<semaphore_mem>>)
      %dma_wait3A_188 = tpu.memref_slice %arg18[%mul3A_15] : memref<5376xf32, #tpu.memory_space<vmem_shared>> -> memref<336xf32, #tpu.memory_space<vmem_shared>>
      %dma_wait3A_189 = tpu.memref_slice %arg18[%mul3A_15] : memref<5376xf32, #tpu.memory_space<vmem_shared>> -> memref<336xf32, #tpu.memory_space<vmem_shared>>
      tpu.wait_dma2 semaphore(%run_scoped3A_185 : memref<!tpu.dma_semaphore, #tpu.memory_space<semaphore_mem>>) src(%arg17 : memref<336xf32, #tpu.memory_space<vmem>>) dst(%dma_wait3A_189 : memref<336xf32, #tpu.memory_space<vmem_shared>>)
      tpu.yield
    }) : () -> ()
    %barrier3A = arith.constant 0 : index
    tpu.barrier barrier_id(%barrier3A)
    %dma_start3A = arith.constant 0 : i32
    %dma_start3A_16 = arith.constant 0 : i32
    %dma_start3A_17 = arith.constant 0 : i32
    %dma_start3A_18 = arith.constant 0 : i32
    %dma_start3A_19 = tpu.memref_slice %arg8[%dma_start3A_16, %dma_start3A_17, %dma_start3A_18] : memref<2x2x128xf32, #tpu.memory_space<vmem>> -> memref<1x1x128xf32, #tpu.memory_space<vmem>>
    %dma_start3A_20 = tpu.memref_squeeze %dma_start3A_19 : memref<1x1x128xf32, #tpu.memory_space<vmem>> -> memref<128xf32, #tpu.memory_space<vmem>>
    %dma_start3A_21 = arith.constant 0 : i32
    %dma_start3A_22 = tpu.memref_slice %arg9[%dma_start3A, %dma_start3A_21] : memref<84x128xi32, #tpu.memory_space<vmem>> -> memref<1x128xi32, #tpu.memory_space<vmem>>
    %dma_start3A_23 = tpu.memref_squeeze %dma_start3A_22 : memref<1x128xi32, #tpu.memory_space<vmem>> -> memref<128xi32, #tpu.memory_space<vmem>>
    %dma_start3A_24 = arith.constant 0 : i32
    %dma_start3A_25 = tpu.memref_slice %arg3[%dma_start3A_24] : memref<10240xf32, #tpu.memory_space<hbm>> -> memref<10240xf32, #tpu.memory_space<hbm>>
    tpu.enqueue_indirect_dma source(%dma_start3A_25 : memref<10240xf32, #tpu.memory_space<hbm>>) target(%dma_start3A_20 : memref<128xf32, #tpu.memory_space<vmem>>) offsets(%dma_start3A_23 : memref<128xi32, #tpu.memory_space<vmem>>) semaphore(%arg20 : memref<!tpu.dma_semaphore, #tpu.memory_space<semaphore_mem>>)
    %dma_start3A_26 = arith.constant 0 : i32
    %dma_start3A_27 = arith.constant 0 : i32
    %dma_start3A_28 = arith.constant 1 : i32
    %dma_start3A_29 = arith.constant 0 : i32
    %dma_start3A_30 = tpu.memref_slice %arg8[%dma_start3A_27, %dma_start3A_28, %dma_start3A_29] : memref<2x2x128xf32, #tpu.memory_space<vmem>> -> memref<1x1x128xf32, #tpu.memory_space<vmem>>
    %dma_start3A_31 = tpu.memref_squeeze %dma_start3A_30 : memref<1x1x128xf32, #tpu.memory_space<vmem>> -> memref<128xf32, #tpu.memory_space<vmem>>
    %dma_start3A_32 = arith.constant 0 : i32
    %dma_start3A_33 = tpu.memref_slice %arg11[%dma_start3A_26, %dma_start3A_32] : memref<84x128xi32, #tpu.memory_space<vmem>> -> memref<1x128xi32, #tpu.memory_space<vmem>>
    %dma_start3A_34 = tpu.memref_squeeze %dma_start3A_33 : memref<1x128xi32, #tpu.memory_space<vmem>> -> memref<128xi32, #tpu.memory_space<vmem>>
    %dma_start3A_35 = arith.constant 0 : i32
    %dma_start3A_36 = tpu.memref_slice %arg4[%dma_start3A_35] : memref<10240xf32, #tpu.memory_space<hbm>> -> memref<10240xf32, #tpu.memory_space<hbm>>
    tpu.enqueue_indirect_dma source(%dma_start3A_36 : memref<10240xf32, #tpu.memory_space<hbm>>) target(%dma_start3A_31 : memref<128xf32, #tpu.memory_space<vmem>>) offsets(%dma_start3A_34 : memref<128xi32, #tpu.memory_space<vmem>>) semaphore(%arg20 : memref<!tpu.dma_semaphore, #tpu.memory_space<semaphore_mem>>)
    %scan3A_37 = arith.constant 0 : i32
    %scan3A_38 = arith.constant 0 : i32
    %scan3A_39 = arith.constant 42 : i32
    %scan3A_40 = arith.addi %scan3A_38, %scan3A_39 : i32
    %scan3A_41 = arith.constant 1 : i32
    %scan3A_42 = scf.for %scan3A_185 = %scan3A_38 to %scan3A_40 step %scan3A_41 iter_args(%scan3A_186 = %scan3A_37) -> (i32)  : i32 {
      %mul3A_187 = arith.constant 2 : i32
      %mul3A_188 = arith.muli %scan3A_185, %mul3A_187 : i32
      %add3A_189 = arith.constant 0 : i32
      %add3A_190 = arith.addi %mul3A_188, %add3A_189 : i32
      %add3A_191 = arith.constant 1 : i32
      %add3A_192 = arith.addi %add3A_190, %add3A_191 : i32
      %dma_start3A_193 = arith.constant 1 : i32
      %dma_start3A_194 = arith.constant 0 : i32
      %dma_start3A_195 = arith.constant 0 : i32
      %dma_start3A_196 = tpu.memref_slice %arg8[%dma_start3A_193, %dma_start3A_194, %dma_start3A_195] : memref<2x2x128xf32, #tpu.memory_space<vmem>> -> memref<1x1x128xf32, #tpu.memory_space<vmem>>
      %dma_start3A_197 = tpu.memref_squeeze %dma_start3A_196 : memref<1x1x128xf32, #tpu.memory_space<vmem>> -> memref<128xf32, #tpu.memory_space<vmem>>
      %dma_start3A_198 = arith.constant 0 : i32
      %dma_start3A_199 = tpu.memref_slice %arg9[%add3A_192, %dma_start3A_198] : memref<84x128xi32, #tpu.memory_space<vmem>> -> memref<1x128xi32, #tpu.memory_space<vmem>>
      %dma_start3A_200 = tpu.memref_squeeze %dma_start3A_199 : memref<1x128xi32, #tpu.memory_space<vmem>> -> memref<128xi32, #tpu.memory_space<vmem>>
      %dma_start3A_201 = arith.constant 0 : i32
      %dma_start3A_202 = tpu.memref_slice %arg3[%dma_start3A_201] : memref<10240xf32, #tpu.memory_space<hbm>> -> memref<10240xf32, #tpu.memory_space<hbm>>
      tpu.enqueue_indirect_dma source(%dma_start3A_202 : memref<10240xf32, #tpu.memory_space<hbm>>) target(%dma_start3A_197 : memref<128xf32, #tpu.memory_space<vmem>>) offsets(%dma_start3A_200 : memref<128xi32, #tpu.memory_space<vmem>>) semaphore(%arg21 : memref<!tpu.dma_semaphore, #tpu.memory_space<semaphore_mem>>)
      %dma_start3A_203 = arith.constant 1 : i32
      %dma_start3A_204 = arith.constant 1 : i32
      %dma_start3A_205 = arith.constant 0 : i32
      %dma_start3A_206 = tpu.memref_slice %arg8[%dma_start3A_203, %dma_start3A_204, %dma_start3A_205] : memref<2x2x128xf32, #tpu.memory_space<vmem>> -> memref<1x1x128xf32, #tpu.memory_space<vmem>>
      %dma_start3A_207 = tpu.memref_squeeze %dma_start3A_206 : memref<1x1x128xf32, #tpu.memory_space<vmem>> -> memref<128xf32, #tpu.memory_space<vmem>>
      %dma_start3A_208 = arith.constant 0 : i32
      %dma_start3A_209 = tpu.memref_slice %arg11[%add3A_192, %dma_start3A_208] : memref<84x128xi32, #tpu.memory_space<vmem>> -> memref<1x128xi32, #tpu.memory_space<vmem>>
      %dma_start3A_210 = tpu.memref_squeeze %dma_start3A_209 : memref<1x128xi32, #tpu.memory_space<vmem>> -> memref<128xi32, #tpu.memory_space<vmem>>
      %dma_start3A_211 = arith.constant 0 : i32
      %dma_start3A_212 = tpu.memref_slice %arg4[%dma_start3A_211] : memref<10240xf32, #tpu.memory_space<hbm>> -> memref<10240xf32, #tpu.memory_space<hbm>>
      tpu.enqueue_indirect_dma source(%dma_start3A_212 : memref<10240xf32, #tpu.memory_space<hbm>>) target(%dma_start3A_207 : memref<128xf32, #tpu.memory_space<vmem>>) offsets(%dma_start3A_210 : memref<128xi32, #tpu.memory_space<vmem>>) semaphore(%arg21 : memref<!tpu.dma_semaphore, #tpu.memory_space<semaphore_mem>>)
      %dma_wait3A_213 = arith.constant 0 : i32
      %dma_wait3A_214 = arith.constant 0 : i32
      %dma_wait3A_215 = arith.constant 0 : i32
      %dma_wait3A_216 = tpu.memref_slice %arg8[%dma_wait3A_213, %dma_wait3A_214, %dma_wait3A_215] : memref<2x2x128xf32, #tpu.memory_space<vmem>> -> memref<1x1x128xf32, #tpu.memory_space<vmem>>
      %dma_wait3A_217 = tpu.memref_squeeze %dma_wait3A_216 : memref<1x1x128xf32, #tpu.memory_space<vmem>> -> memref<128xf32, #tpu.memory_space<vmem>>
      %dma_wait3A_218 = arith.constant 0 : i32
      %dma_wait3A_219 = tpu.memref_slice %arg9[%add3A_190, %dma_wait3A_218] : memref<84x128xi32, #tpu.memory_space<vmem>> -> memref<1x128xi32, #tpu.memory_space<vmem>>
      %dma_wait3A_220 = tpu.memref_squeeze %dma_wait3A_219 : memref<1x128xi32, #tpu.memory_space<vmem>> -> memref<128xi32, #tpu.memory_space<vmem>>
      %dma_wait3A_221 = arith.constant 0 : i32
      %dma_wait3A_222 = tpu.memref_slice %arg3[%dma_wait3A_221] : memref<10240xf32, #tpu.memory_space<hbm>> -> memref<10240xf32, #tpu.memory_space<hbm>>
      tpu.wait_indirect_dma semaphore(%arg20 : memref<!tpu.dma_semaphore, #tpu.memory_space<semaphore_mem>>) src(%dma_wait3A_222 : memref<10240xf32, #tpu.memory_space<hbm>>) dst(%dma_wait3A_217 : memref<128xf32, #tpu.memory_space<vmem>>)
      %dma_wait3A_223 = arith.constant 0 : i32
      %dma_wait3A_224 = arith.constant 1 : i32
      %dma_wait3A_225 = arith.constant 0 : i32
      %dma_wait3A_226 = tpu.memref_slice %arg8[%dma_wait3A_223, %dma_wait3A_224, %dma_wait3A_225] : memref<2x2x128xf32, #tpu.memory_space<vmem>> -> memref<1x1x128xf32, #tpu.memory_space<vmem>>
      %dma_wait3A_227 = tpu.memref_squeeze %dma_wait3A_226 : memref<1x1x128xf32, #tpu.memory_space<vmem>> -> memref<128xf32, #tpu.memory_space<vmem>>
      %dma_wait3A_228 = arith.constant 0 : i32
      %dma_wait3A_229 = tpu.memref_slice %arg11[%add3A_190, %dma_wait3A_228] : memref<84x128xi32, #tpu.memory_space<vmem>> -> memref<1x128xi32, #tpu.memory_space<vmem>>
      %dma_wait3A_230 = tpu.memref_squeeze %dma_wait3A_229 : memref<1x128xi32, #tpu.memory_space<vmem>> -> memref<128xi32, #tpu.memory_space<vmem>>
      %dma_wait3A_231 = arith.constant 0 : i32
      %dma_wait3A_232 = tpu.memref_slice %arg4[%dma_wait3A_231] : memref<10240xf32, #tpu.memory_space<hbm>> -> memref<10240xf32, #tpu.memory_space<hbm>>
      tpu.wait_indirect_dma semaphore(%arg20 : memref<!tpu.dma_semaphore, #tpu.memory_space<semaphore_mem>>) src(%dma_wait3A_232 : memref<10240xf32, #tpu.memory_space<hbm>>) dst(%dma_wait3A_227 : memref<128xf32, #tpu.memory_space<vmem>>)
      %get3A = arith.index_cast %add3A_190 : i32 to index
      %get3A_233 = arith.constant 0 : index
      %get3A_234 = tpu.vector_load %arg11[%get3A, %get3A_233] {strides = array<i32>} : memref<84x128xi32, #tpu.memory_space<vmem>>, vector<1x16xi32>,
      %get3A_235 = vector.shape_cast %get3A_234 : vector<1x16xi32> to vector<16xi32>
      %ge3A = vector.broadcast %mul3A_0 : i32 to vector<16xi32>
      %ge3A_236 = arith.cmpi sge, %get3A_235, %ge3A : vector<16xi32>
      %add3A_237 = arith.constant 5120 : i32
      %add3A_238 = arith.addi %mul3A_0, %add3A_237 : i32
      %lt3A = vector.broadcast %add3A_238 : i32 to vector<16xi32>
      %lt3A_239 = arith.cmpi slt, %get3A_235, %lt3A : vector<16xi32>
      %and3A = arith.andi %ge3A_236, %lt3A_239 : vector<16xi1>
      %sub3A = vector.broadcast %mul3A_0 : i32 to vector<16xi32>
      %sub3A_240 = arith.subi %get3A_235, %sub3A : vector<16xi32>
      %and3A_241 = arith.constant 255 : i32
      %and3A_242 = vector.broadcast %and3A_241 : i32 to vector<16xi32>
      %and3A_243 = arith.andi %get3A_235, %and3A_242 : vector<16xi32>
      %add3A_244 = arith.constant 5120 : i32
      %add3A_245 = vector.broadcast %add3A_244 : i32 to vector<16xi32>
      %add3A_246 = arith.addi %add3A_245, %and3A_243 : vector<16xi32>
      %select_n3A = arith.select %and3A, %sub3A_240, %add3A_246 : vector<16xi1>, vector<16xi32>
      %swap3A = arith.index_cast %add3A_190 : i32 to index
      %swap3A_247 = arith.constant 0 : index
      %swap3A_248 = tpu.vector_load %arg10[%swap3A, %swap3A_247] {strides = array<i32>} : memref<84x128xi32, #tpu.memory_space<vmem>>, vector<1x16xi32>,
      %swap3A_249 = vector.shape_cast %swap3A_248 : vector<1x16xi32> to vector<16xi32>
      %swap3A_250 = vector.shape_cast %select_n3A : vector<16xi32> to vector<1x16xi32>
      tpu.vector_store %arg10[%swap3A, %swap3A_247], %swap3A_250 {strides = array<i32>} : memref<84x128xi32, #tpu.memory_space<vmem>>, vector<1x16xi32>,
      %get3A_251 = arith.constant 0 : i32
      %get3A_252 = arith.constant 0 : i32
      %get3A_253 = arith.index_cast %get3A_251 : i32 to index
      %get3A_254 = arith.index_cast %get3A_252 : i32 to index
      %get3A_255 = arith.constant 0 : index
      %get3A_256 = tpu.vector_load %arg8[%get3A_253, %get3A_254, %get3A_255] {strides = array<i32>} : memref<2x2x128xf32, #tpu.memory_space<vmem>>, vector<1x1x16xf32>,
      %get3A_257 = vector.shape_cast %get3A_256 : vector<1x1x16xf32> to vector<16xf32>
      %get3A_258 = arith.constant 0 : i32
      %get3A_259 = arith.constant 1 : i32
      %get3A_260 = arith.index_cast %get3A_258 : i32 to index
      %get3A_261 = arith.index_cast %get3A_259 : i32 to index
      %get3A_262 = arith.constant 0 : index
      %get3A_263 = tpu.vector_load %arg8[%get3A_260, %get3A_261, %get3A_262] {strides = array<i32>} : memref<2x2x128xf32, #tpu.memory_space<vmem>>, vector<1x1x16xf32>,
      %get3A_264 = vector.shape_cast %get3A_263 : vector<1x1x16xf32> to vector<16xf32>
      %add3A_265 = arith.addf %get3A_257, %get3A_264 : vector<16xf32>
      %ge3A_266 = arith.constant 0.000000e+00 : f32
      %ge3A_267 = vector.broadcast %ge3A_266 : f32 to vector<16xf32>
      %ge3A_268 = arith.cmpf oge, %add3A_265, %ge3A_267 : vector<16xf32>
      %mul3A_269 = arith.constant 2.000000e-01 : f32
      %mul3A_270 = vector.broadcast %mul3A_269 : f32 to vector<16xf32>
      %mul3A_271 = arith.mulf %add3A_265, %mul3A_270 : vector<16xf32>
      %select_n3A_272 = arith.select %ge3A_268, %add3A_265, %mul3A_271 : vector<16xi1>, vector<16xf32>
      %exp3A = math.exp %select_n3A_272 : vector<16xf32>
      %swap3A_273 = arith.index_cast %add3A_190 : i32 to index
      %swap3A_274 = arith.constant 0 : index
      %swap3A_275 = tpu.vector_load %arg12[%swap3A_273, %swap3A_274] {strides = array<i32>} : memref<84x128xf32, #tpu.memory_space<vmem>>, vector<1x16xf32>,
      %swap3A_276 = vector.shape_cast %swap3A_275 : vector<1x16xf32> to vector<16xf32>
      %swap3A_277 = vector.shape_cast %exp3A : vector<16xf32> to vector<1x16xf32>
      tpu.vector_store %arg12[%swap3A_273, %swap3A_274], %swap3A_277 {strides = array<i32>} : memref<84x128xf32, #tpu.memory_space<vmem>>, vector<1x16xf32>,
      %get3A_278 = arith.index_cast %add3A_190 : i32 to index
      %get3A_279 = arith.constant 16 : index
      %get3A_280 = tpu.vector_load %arg11[%get3A_278, %get3A_279] {strides = array<i32>} : memref<84x128xi32, #tpu.memory_space<vmem>>, vector<1x16xi32>,
      %get3A_281 = vector.shape_cast %get3A_280 : vector<1x16xi32> to vector<16xi32>
      %ge3A_282 = vector.broadcast %mul3A_0 : i32 to vector<16xi32>
      %ge3A_283 = arith.cmpi sge, %get3A_281, %ge3A_282 : vector<16xi32>
      %add3A_284 = arith.constant 5120 : i32
      %add3A_285 = arith.addi %mul3A_0, %add3A_284 : i32
      %lt3A_286 = vector.broadcast %add3A_285 : i32 to vector<16xi32>
      %lt3A_287 = arith.cmpi slt, %get3A_281, %lt3A_286 : vector<16xi32>
      %and3A_288 = arith.andi %ge3A_283, %lt3A_287 : vector<16xi1>
      %sub3A_289 = vector.broadcast %mul3A_0 : i32 to vector<16xi32>
      %sub3A_290 = arith.subi %get3A_281, %sub3A_289 : vector<16xi32>
      %and3A_291 = arith.constant 255 : i32
      %and3A_292 = vector.broadcast %and3A_291 : i32 to vector<16xi32>
      %and3A_293 = arith.andi %get3A_281, %and3A_292 : vector<16xi32>
      %add3A_294 = arith.constant 5120 : i32
      %add3A_295 = vector.broadcast %add3A_294 : i32 to vector<16xi32>
      %add3A_296 = arith.addi %add3A_295, %and3A_293 : vector<16xi32>
      %select_n3A_297 = arith.select %and3A_288, %sub3A_290, %add3A_296 : vector<16xi1>, vector<16xi32>
      %swap3A_298 = arith.index_cast %add3A_190 : i32 to index
      %swap3A_299 = arith.constant 16 : index
      %swap3A_300 = tpu.vector_load %arg10[%swap3A_298, %swap3A_299] {strides = array<i32>} : memref<84x128xi32, #tpu.memory_space<vmem>>, vector<1x16xi32>,
      %swap3A_301 = vector.shape_cast %swap3A_300 : vector<1x16xi32> to vector<16xi32>
      %swap3A_302 = vector.shape_cast %select_n3A_297 : vector<16xi32> to vector<1x16xi32>
      tpu.vector_store %arg10[%swap3A_298, %swap3A_299], %swap3A_302 {strides = array<i32>} : memref<84x128xi32, #tpu.memory_space<vmem>>, vector<1x16xi32>,
      %get3A_303 = arith.constant 0 : i32
      %get3A_304 = arith.constant 0 : i32
      %get3A_305 = arith.index_cast %get3A_303 : i32 to index
      %get3A_306 = arith.index_cast %get3A_304 : i32 to index
      %get3A_307 = arith.constant 16 : index
      %get3A_308 = tpu.vector_load %arg8[%get3A_305, %get3A_306, %get3A_307] {strides = array<i32>} : memref<2x2x128xf32, #tpu.memory_space<vmem>>, vector<1x1x16xf32>,
      %get3A_309 = vector.shape_cast %get3A_308 : vector<1x1x16xf32> to vector<16xf32>
      %get3A_310 = arith.constant 0 : i32
      %get3A_311 = arith.constant 1 : i32
      %get3A_312 = arith.index_cast %get3A_310 : i32 to index
      %get3A_313 = arith.index_cast %get3A_311 : i32 to index
      %get3A_314 = arith.constant 16 : index
      %get3A_315 = tpu.vector_load %arg8[%get3A_312, %get3A_313, %get3A_314] {strides = array<i32>} : memref<2x2x128xf32, #tpu.memory_space<vmem>>, vector<1x1x16xf32>,
      %get3A_316 = vector.shape_cast %get3A_315 : vector<1x1x16xf32> to vector<16xf32>
      %add3A_317 = arith.addf %get3A_309, %get3A_316 : vector<16xf32>
      %ge3A_318 = arith.constant 0.000000e+00 : f32
      %ge3A_319 = vector.broadcast %ge3A_318 : f32 to vector<16xf32>
      %ge3A_320 = arith.cmpf oge, %add3A_317, %ge3A_319 : vector<16xf32>
      %mul3A_321 = arith.constant 2.000000e-01 : f32
      %mul3A_322 = vector.broadcast %mul3A_321 : f32 to vector<16xf32>
      %mul3A_323 = arith.mulf %add3A_317, %mul3A_322 : vector<16xf32>
      %select_n3A_324 = arith.select %ge3A_320, %add3A_317, %mul3A_323 : vector<16xi1>, vector<16xf32>
      %exp3A_325 = math.exp %select_n3A_324 : vector<16xf32>
      %swap3A_326 = arith.index_cast %add3A_190 : i32 to index
      %swap3A_327 = arith.constant 16 : index
      %swap3A_328 = tpu.vector_load %arg12[%swap3A_326, %swap3A_327] {strides = array<i32>} : memref<84x128xf32, #tpu.memory_space<vmem>>, vector<1x16xf32>,
      %swap3A_329 = vector.shape_cast %swap3A_328 : vector<1x16xf32> to vector<16xf32>
      %swap3A_330 = vector.shape_cast %exp3A_325 : vector<16xf32> to vector<1x16xf32>
      tpu.vector_store %arg12[%swap3A_326, %swap3A_327], %swap3A_330 {strides = array<i32>} : memref<84x128xf32, #tpu.memory_space<vmem>>, vector<1x16xf32>,
      %get3A_331 = arith.index_cast %add3A_190 : i32 to index
      %get3A_332 = arith.constant 32 : index
      %get3A_333 = tpu.vector_load %arg11[%get3A_331, %get3A_332] {strides = array<i32>} : memref<84x128xi32, #tpu.memory_space<vmem>>, vector<1x16xi32>,
      %get3A_334 = vector.shape_cast %get3A_333 : vector<1x16xi32> to vector<16xi32>
      %ge3A_335 = vector.broadcast %mul3A_0 : i32 to vector<16xi32>
      %ge3A_336 = arith.cmpi sge, %get3A_334, %ge3A_335 : vector<16xi32>
      %add3A_337 = arith.constant 5120 : i32
      %add3A_338 = arith.addi %mul3A_0, %add3A_337 : i32
      %lt3A_339 = vector.broadcast %add3A_338 : i32 to vector<16xi32>
      %lt3A_340 = arith.cmpi slt, %get3A_334, %lt3A_339 : vector<16xi32>
      %and3A_341 = arith.andi %ge3A_336, %lt3A_340 : vector<16xi1>
      %sub3A_342 = vector.broadcast %mul3A_0 : i32 to vector<16xi32>
      %sub3A_343 = arith.subi %get3A_334, %sub3A_342 : vector<16xi32>
      %and3A_344 = arith.constant 255 : i32
      %and3A_345 = vector.broadcast %and3A_344 : i32 to vector<16xi32>
      %and3A_346 = arith.andi %get3A_334, %and3A_345 : vector<16xi32>
      %add3A_347 = arith.constant 5120 : i32
      %add3A_348 = vector.broadcast %add3A_347 : i32 to vector<16xi32>
      %add3A_349 = arith.addi %add3A_348, %and3A_346 : vector<16xi32>
      %select_n3A_350 = arith.select %and3A_341, %sub3A_343, %add3A_349 : vector<16xi1>, vector<16xi32>
      %swap3A_351 = arith.index_cast %add3A_190 : i32 to index
      %swap3A_352 = arith.constant 32 : index
      %swap3A_353 = tpu.vector_load %arg10[%swap3A_351, %swap3A_352] {strides = array<i32>} : memref<84x128xi32, #tpu.memory_space<vmem>>, vector<1x16xi32>,
      %swap3A_354 = vector.shape_cast %swap3A_353 : vector<1x16xi32> to vector<16xi32>
      %swap3A_355 = vector.shape_cast %select_n3A_350 : vector<16xi32> to vector<1x16xi32>
      tpu.vector_store %arg10[%swap3A_351, %swap3A_352], %swap3A_355 {strides = array<i32>} : memref<84x128xi32, #tpu.memory_space<vmem>>, vector<1x16xi32>,
      %get3A_356 = arith.constant 0 : i32
      %get3A_357 = arith.constant 0 : i32
      %get3A_358 = arith.index_cast %get3A_356 : i32 to index
      %get3A_359 = arith.index_cast %get3A_357 : i32 to index
      %get3A_360 = arith.constant 32 : index
      %get3A_361 = tpu.vector_load %arg8[%get3A_358, %get3A_359, %get3A_360] {strides = array<i32>} : memref<2x2x128xf32, #tpu.memory_space<vmem>>, vector<1x1x16xf32>,
      %get3A_362 = vector.shape_cast %get3A_361 : vector<1x1x16xf32> to vector<16xf32>
      %get3A_363 = arith.constant 0 : i32
      %get3A_364 = arith.constant 1 : i32
      %get3A_365 = arith.index_cast %get3A_363 : i32 to index
      %get3A_366 = arith.index_cast %get3A_364 : i32 to index
      %get3A_367 = arith.constant 32 : index
      %get3A_368 = tpu.vector_load %arg8[%get3A_365, %get3A_366, %get3A_367] {strides = array<i32>} : memref<2x2x128xf32, #tpu.memory_space<vmem>>, vector<1x1x16xf32>,
      %get3A_369 = vector.shape_cast %get3A_368 : vector<1x1x16xf32> to vector<16xf32>
      %add3A_370 = arith.addf %get3A_362, %get3A_369 : vector<16xf32>
      %ge3A_371 = arith.constant 0.000000e+00 : f32
      %ge3A_372 = vector.broadcast %ge3A_371 : f32 to vector<16xf32>
      %ge3A_373 = arith.cmpf oge, %add3A_370, %ge3A_372 : vector<16xf32>
      %mul3A_374 = arith.constant 2.000000e-01 : f32
      %mul3A_375 = vector.broadcast %mul3A_374 : f32 to vector<16xf32>
      %mul3A_376 = arith.mulf %add3A_370, %mul3A_375 : vector<16xf32>
      %select_n3A_377 = arith.select %ge3A_373, %add3A_370, %mul3A_376 : vector<16xi1>, vector<16xf32>
      %exp3A_378 = math.exp %select_n3A_377 : vector<16xf32>
      %swap3A_379 = arith.index_cast %add3A_190 : i32 to index
      %swap3A_380 = arith.constant 32 : index
      %swap3A_381 = tpu.vector_load %arg12[%swap3A_379, %swap3A_380] {strides = array<i32>} : memref<84x128xf32, #tpu.memory_space<vmem>>, vector<1x16xf32>,
      %swap3A_382 = vector.shape_cast %swap3A_381 : vector<1x16xf32> to vector<16xf32>
      %swap3A_383 = vector.shape_cast %exp3A_378 : vector<16xf32> to vector<1x16xf32>
      tpu.vector_store %arg12[%swap3A_379, %swap3A_380], %swap3A_383 {strides = array<i32>} : memref<84x128xf32, #tpu.memory_space<vmem>>, vector<1x16xf32>,
      %get3A_384 = arith.index_cast %add3A_190 : i32 to index
      %get3A_385 = arith.constant 48 : index
      %get3A_386 = tpu.vector_load %arg11[%get3A_384, %get3A_385] {strides = array<i32>} : memref<84x128xi32, #tpu.memory_space<vmem>>, vector<1x16xi32>,
      %get3A_387 = vector.shape_cast %get3A_386 : vector<1x16xi32> to vector<16xi32>
      %ge3A_388 = vector.broadcast %mul3A_0 : i32 to vector<16xi32>
      %ge3A_389 = arith.cmpi sge, %get3A_387, %ge3A_388 : vector<16xi32>
      %add3A_390 = arith.constant 5120 : i32
      %add3A_391 = arith.addi %mul3A_0, %add3A_390 : i32
      %lt3A_392 = vector.broadcast %add3A_391 : i32 to vector<16xi32>
      %lt3A_393 = arith.cmpi slt, %get3A_387, %lt3A_392 : vector<16xi32>
      %and3A_394 = arith.andi %ge3A_389, %lt3A_393 : vector<16xi1>
      %sub3A_395 = vector.broadcast %mul3A_0 : i32 to vector<16xi32>
      %sub3A_396 = arith.subi %get3A_387, %sub3A_395 : vector<16xi32>
      %and3A_397 = arith.constant 255 : i32
      %and3A_398 = vector.broadcast %and3A_397 : i32 to vector<16xi32>
      %and3A_399 = arith.andi %get3A_387, %and3A_398 : vector<16xi32>
      %add3A_400 = arith.constant 5120 : i32
      %add3A_401 = vector.broadcast %add3A_400 : i32 to vector<16xi32>
      %add3A_402 = arith.addi %add3A_401, %and3A_399 : vector<16xi32>
      %select_n3A_403 = arith.select %and3A_394, %sub3A_396, %add3A_402 : vector<16xi1>, vector<16xi32>
      %swap3A_404 = arith.index_cast %add3A_190 : i32 to index
      %swap3A_405 = arith.constant 48 : index
      %swap3A_406 = tpu.vector_load %arg10[%swap3A_404, %swap3A_405] {strides = array<i32>} : memref<84x128xi32, #tpu.memory_space<vmem>>, vector<1x16xi32>,
      %swap3A_407 = vector.shape_cast %swap3A_406 : vector<1x16xi32> to vector<16xi32>
      %swap3A_408 = vector.shape_cast %select_n3A_403 : vector<16xi32> to vector<1x16xi32>
      tpu.vector_store %arg10[%swap3A_404, %swap3A_405], %swap3A_408 {strides = array<i32>} : memref<84x128xi32, #tpu.memory_space<vmem>>, vector<1x16xi32>,
      %get3A_409 = arith.constant 0 : i32
      %get3A_410 = arith.constant 0 : i32
      %get3A_411 = arith.index_cast %get3A_409 : i32 to index
      %get3A_412 = arith.index_cast %get3A_410 : i32 to index
      %get3A_413 = arith.constant 48 : index
      %get3A_414 = tpu.vector_load %arg8[%get3A_411, %get3A_412, %get3A_413] {strides = array<i32>} : memref<2x2x128xf32, #tpu.memory_space<vmem>>, vector<1x1x16xf32>,
      %get3A_415 = vector.shape_cast %get3A_414 : vector<1x1x16xf32> to vector<16xf32>
      %get3A_416 = arith.constant 0 : i32
      %get3A_417 = arith.constant 1 : i32
      %get3A_418 = arith.index_cast %get3A_416 : i32 to index
      %get3A_419 = arith.index_cast %get3A_417 : i32 to index
      %get3A_420 = arith.constant 48 : index
      %get3A_421 = tpu.vector_load %arg8[%get3A_418, %get3A_419, %get3A_420] {strides = array<i32>} : memref<2x2x128xf32, #tpu.memory_space<vmem>>, vector<1x1x16xf32>,
      %get3A_422 = vector.shape_cast %get3A_421 : vector<1x1x16xf32> to vector<16xf32>
      %add3A_423 = arith.addf %get3A_415, %get3A_422 : vector<16xf32>
      %ge3A_424 = arith.constant 0.000000e+00 : f32
      %ge3A_425 = vector.broadcast %ge3A_424 : f32 to vector<16xf32>
      %ge3A_426 = arith.cmpf oge, %add3A_423, %ge3A_425 : vector<16xf32>
      %mul3A_427 = arith.constant 2.000000e-01 : f32
      %mul3A_428 = vector.broadcast %mul3A_427 : f32 to vector<16xf32>
      %mul3A_429 = arith.mulf %add3A_423, %mul3A_428 : vector<16xf32>
      %select_n3A_430 = arith.select %ge3A_426, %add3A_423, %mul3A_429 : vector<16xi1>, vector<16xf32>
      %exp3A_431 = math.exp %select_n3A_430 : vector<16xf32>
      %swap3A_432 = arith.index_cast %add3A_190 : i32 to index
      %swap3A_433 = arith.constant 48 : index
      %swap3A_434 = tpu.vector_load %arg12[%swap3A_432, %swap3A_433] {strides = array<i32>} : memref<84x128xf32, #tpu.memory_space<vmem>>, vector<1x16xf32>,
      %swap3A_435 = vector.shape_cast %swap3A_434 : vector<1x16xf32> to vector<16xf32>
      %swap3A_436 = vector.shape_cast %exp3A_431 : vector<16xf32> to vector<1x16xf32>
      tpu.vector_store %arg12[%swap3A_432, %swap3A_433], %swap3A_436 {strides = array<i32>} : memref<84x128xf32, #tpu.memory_space<vmem>>, vector<1x16xf32>,
      %get3A_437 = arith.index_cast %add3A_190 : i32 to index
      %get3A_438 = arith.constant 64 : index
      %get3A_439 = tpu.vector_load %arg11[%get3A_437, %get3A_438] {strides = array<i32>} : memref<84x128xi32, #tpu.memory_space<vmem>>, vector<1x16xi32>,
      %get3A_440 = vector.shape_cast %get3A_439 : vector<1x16xi32> to vector<16xi32>
      %ge3A_441 = vector.broadcast %mul3A_0 : i32 to vector<16xi32>
      %ge3A_442 = arith.cmpi sge, %get3A_440, %ge3A_441 : vector<16xi32>
      %add3A_443 = arith.constant 5120 : i32
      %add3A_444 = arith.addi %mul3A_0, %add3A_443 : i32
      %lt3A_445 = vector.broadcast %add3A_444 : i32 to vector<16xi32>
      %lt3A_446 = arith.cmpi slt, %get3A_440, %lt3A_445 : vector<16xi32>
      %and3A_447 = arith.andi %ge3A_442, %lt3A_446 : vector<16xi1>
      %sub3A_448 = vector.broadcast %mul3A_0 : i32 to vector<16xi32>
      %sub3A_449 = arith.subi %get3A_440, %sub3A_448 : vector<16xi32>
      %and3A_450 = arith.constant 255 : i32
      %and3A_451 = vector.broadcast %and3A_450 : i32 to vector<16xi32>
      %and3A_452 = arith.andi %get3A_440, %and3A_451 : vector<16xi32>
      %add3A_453 = arith.constant 5120 : i32
      %add3A_454 = vector.broadcast %add3A_453 : i32 to vector<16xi32>
      %add3A_455 = arith.addi %add3A_454, %and3A_452 : vector<16xi32>
      %select_n3A_456 = arith.select %and3A_447, %sub3A_449, %add3A_455 : vector<16xi1>, vector<16xi32>
      %swap3A_457 = arith.index_cast %add3A_190 : i32 to index
      %swap3A_458 = arith.constant 64 : index
      %swap3A_459 = tpu.vector_load %arg10[%swap3A_457, %swap3A_458] {strides = array<i32>} : memref<84x128xi32, #tpu.memory_space<vmem>>, vector<1x16xi32>,
      %swap3A_460 = vector.shape_cast %swap3A_459 : vector<1x16xi32> to vector<16xi32>
      %swap3A_461 = vector.shape_cast %select_n3A_456 : vector<16xi32> to vector<1x16xi32>
      tpu.vector_store %arg10[%swap3A_457, %swap3A_458], %swap3A_461 {strides = array<i32>} : memref<84x128xi32, #tpu.memory_space<vmem>>, vector<1x16xi32>,
      %get3A_462 = arith.constant 0 : i32
      %get3A_463 = arith.constant 0 : i32
      %get3A_464 = arith.index_cast %get3A_462 : i32 to index
      %get3A_465 = arith.index_cast %get3A_463 : i32 to index
      %get3A_466 = arith.constant 64 : index
      %get3A_467 = tpu.vector_load %arg8[%get3A_464, %get3A_465, %get3A_466] {strides = array<i32>} : memref<2x2x128xf32, #tpu.memory_space<vmem>>, vector<1x1x16xf32>,
      %get3A_468 = vector.shape_cast %get3A_467 : vector<1x1x16xf32> to vector<16xf32>
      %get3A_469 = arith.constant 0 : i32
      %get3A_470 = arith.constant 1 : i32
      %get3A_471 = arith.index_cast %get3A_469 : i32 to index
      %get3A_472 = arith.index_cast %get3A_470 : i32 to index
      %get3A_473 = arith.constant 64 : index
      %get3A_474 = tpu.vector_load %arg8[%get3A_471, %get3A_472, %get3A_473] {strides = array<i32>} : memref<2x2x128xf32, #tpu.memory_space<vmem>>, vector<1x1x16xf32>,
      %get3A_475 = vector.shape_cast %get3A_474 : vector<1x1x16xf32> to vector<16xf32>
      %add3A_476 = arith.addf %get3A_468, %get3A_475 : vector<16xf32>
      %ge3A_477 = arith.constant 0.000000e+00 : f32
      %ge3A_478 = vector.broadcast %ge3A_477 : f32 to vector<16xf32>
      %ge3A_479 = arith.cmpf oge, %add3A_476, %ge3A_478 : vector<16xf32>
      %mul3A_480 = arith.constant 2.000000e-01 : f32
      %mul3A_481 = vector.broadcast %mul3A_480 : f32 to vector<16xf32>
      %mul3A_482 = arith.mulf %add3A_476, %mul3A_481 : vector<16xf32>
      %select_n3A_483 = arith.select %ge3A_479, %add3A_476, %mul3A_482 : vector<16xi1>, vector<16xf32>
      %exp3A_484 = math.exp %select_n3A_483 : vector<16xf32>
      %swap3A_485 = arith.index_cast %add3A_190 : i32 to index
      %swap3A_486 = arith.constant 64 : index
      %swap3A_487 = tpu.vector_load %arg12[%swap3A_485, %swap3A_486] {strides = array<i32>} : memref<84x128xf32, #tpu.memory_space<vmem>>, vector<1x16xf32>,
      %swap3A_488 = vector.shape_cast %swap3A_487 : vector<1x16xf32> to vector<16xf32>
      %swap3A_489 = vector.shape_cast %exp3A_484 : vector<16xf32> to vector<1x16xf32>
      tpu.vector_store %arg12[%swap3A_485, %swap3A_486], %swap3A_489 {strides = array<i32>} : memref<84x128xf32, #tpu.memory_space<vmem>>, vector<1x16xf32>,
      %get3A_490 = arith.index_cast %add3A_190 : i32 to index
      %get3A_491 = arith.constant 80 : index
      %get3A_492 = tpu.vector_load %arg11[%get3A_490, %get3A_491] {strides = array<i32>} : memref<84x128xi32, #tpu.memory_space<vmem>>, vector<1x16xi32>,
      %get3A_493 = vector.shape_cast %get3A_492 : vector<1x16xi32> to vector<16xi32>
      %ge3A_494 = vector.broadcast %mul3A_0 : i32 to vector<16xi32>
      %ge3A_495 = arith.cmpi sge, %get3A_493, %ge3A_494 : vector<16xi32>
      %add3A_496 = arith.constant 5120 : i32
      %add3A_497 = arith.addi %mul3A_0, %add3A_496 : i32
      %lt3A_498 = vector.broadcast %add3A_497 : i32 to vector<16xi32>
      %lt3A_499 = arith.cmpi slt, %get3A_493, %lt3A_498 : vector<16xi32>
      %and3A_500 = arith.andi %ge3A_495, %lt3A_499 : vector<16xi1>
      %sub3A_501 = vector.broadcast %mul3A_0 : i32 to vector<16xi32>
      %sub3A_502 = arith.subi %get3A_493, %sub3A_501 : vector<16xi32>
      %and3A_503 = arith.constant 255 : i32
      %and3A_504 = vector.broadcast %and3A_503 : i32 to vector<16xi32>
      %and3A_505 = arith.andi %get3A_493, %and3A_504 : vector<16xi32>
      %add3A_506 = arith.constant 5120 : i32
      %add3A_507 = vector.broadcast %add3A_506 : i32 to vector<16xi32>
      %add3A_508 = arith.addi %add3A_507, %and3A_505 : vector<16xi32>
      %select_n3A_509 = arith.select %and3A_500, %sub3A_502, %add3A_508 : vector<16xi1>, vector<16xi32>
      %swap3A_510 = arith.index_cast %add3A_190 : i32 to index
      %swap3A_511 = arith.constant 80 : index
      %swap3A_512 = tpu.vector_load %arg10[%swap3A_510, %swap3A_511] {strides = array<i32>} : memref<84x128xi32, #tpu.memory_space<vmem>>, vector<1x16xi32>,
      %swap3A_513 = vector.shape_cast %swap3A_512 : vector<1x16xi32> to vector<16xi32>
      %swap3A_514 = vector.shape_cast %select_n3A_509 : vector<16xi32> to vector<1x16xi32>
      tpu.vector_store %arg10[%swap3A_510, %swap3A_511], %swap3A_514 {strides = array<i32>} : memref<84x128xi32, #tpu.memory_space<vmem>>, vector<1x16xi32>,
      %get3A_515 = arith.constant 0 : i32
      %get3A_516 = arith.constant 0 : i32
      %get3A_517 = arith.index_cast %get3A_515 : i32 to index
      %get3A_518 = arith.index_cast %get3A_516 : i32 to index
      %get3A_519 = arith.constant 80 : index
      %get3A_520 = tpu.vector_load %arg8[%get3A_517, %get3A_518, %get3A_519] {strides = array<i32>} : memref<2x2x128xf32, #tpu.memory_space<vmem>>, vector<1x1x16xf32>,
      %get3A_521 = vector.shape_cast %get3A_520 : vector<1x1x16xf32> to vector<16xf32>
      %get3A_522 = arith.constant 0 : i32
      %get3A_523 = arith.constant 1 : i32
      %get3A_524 = arith.index_cast %get3A_522 : i32 to index
      %get3A_525 = arith.index_cast %get3A_523 : i32 to index
      %get3A_526 = arith.constant 80 : index
      %get3A_527 = tpu.vector_load %arg8[%get3A_524, %get3A_525, %get3A_526] {strides = array<i32>} : memref<2x2x128xf32, #tpu.memory_space<vmem>>, vector<1x1x16xf32>,
      %get3A_528 = vector.shape_cast %get3A_527 : vector<1x1x16xf32> to vector<16xf32>
      %add3A_529 = arith.addf %get3A_521, %get3A_528 : vector<16xf32>
      %ge3A_530 = arith.constant 0.000000e+00 : f32
      %ge3A_531 = vector.broadcast %ge3A_530 : f32 to vector<16xf32>
      %ge3A_532 = arith.cmpf oge, %add3A_529, %ge3A_531 : vector<16xf32>
      %mul3A_533 = arith.constant 2.000000e-01 : f32
      %mul3A_534 = vector.broadcast %mul3A_533 : f32 to vector<16xf32>
      %mul3A_535 = arith.mulf %add3A_529, %mul3A_534 : vector<16xf32>
      %select_n3A_536 = arith.select %ge3A_532, %add3A_529, %mul3A_535 : vector<16xi1>, vector<16xf32>
      %exp3A_537 = math.exp %select_n3A_536 : vector<16xf32>
      %swap3A_538 = arith.index_cast %add3A_190 : i32 to index
      %swap3A_539 = arith.constant 80 : index
      %swap3A_540 = tpu.vector_load %arg12[%swap3A_538, %swap3A_539] {strides = array<i32>} : memref<84x128xf32, #tpu.memory_space<vmem>>, vector<1x16xf32>,
      %swap3A_541 = vector.shape_cast %swap3A_540 : vector<1x16xf32> to vector<16xf32>
      %swap3A_542 = vector.shape_cast %exp3A_537 : vector<16xf32> to vector<1x16xf32>
      tpu.vector_store %arg12[%swap3A_538, %swap3A_539], %swap3A_542 {strides = array<i32>} : memref<84x128xf32, #tpu.memory_space<vmem>>, vector<1x16xf32>,
      %get3A_543 = arith.index_cast %add3A_190 : i32 to index
      %get3A_544 = arith.constant 96 : index
      %get3A_545 = tpu.vector_load %arg11[%get3A_543, %get3A_544] {strides = array<i32>} : memref<84x128xi32, #tpu.memory_space<vmem>>, vector<1x16xi32>,
      %get3A_546 = vector.shape_cast %get3A_545 : vector<1x16xi32> to vector<16xi32>
      %ge3A_547 = vector.broadcast %mul3A_0 : i32 to vector<16xi32>
      %ge3A_548 = arith.cmpi sge, %get3A_546, %ge3A_547 : vector<16xi32>
      %add3A_549 = arith.constant 5120 : i32
      %add3A_550 = arith.addi %mul3A_0, %add3A_549 : i32
      %lt3A_551 = vector.broadcast %add3A_550 : i32 to vector<16xi32>
      %lt3A_552 = arith.cmpi slt, %get3A_546, %lt3A_551 : vector<16xi32>
      %and3A_553 = arith.andi %ge3A_548, %lt3A_552 : vector<16xi1>
      %sub3A_554 = vector.broadcast %mul3A_0 : i32 to vector<16xi32>
      %sub3A_555 = arith.subi %get3A_546, %sub3A_554 : vector<16xi32>
      %and3A_556 = arith.constant 255 : i32
      %and3A_557 = vector.broadcast %and3A_556 : i32 to vector<16xi32>
      %and3A_558 = arith.andi %get3A_546, %and3A_557 : vector<16xi32>
      %add3A_559 = arith.constant 5120 : i32
      %add3A_560 = vector.broadcast %add3A_559 : i32 to vector<16xi32>
      %add3A_561 = arith.addi %add3A_560, %and3A_558 : vector<16xi32>
      %select_n3A_562 = arith.select %and3A_553, %sub3A_555, %add3A_561 : vector<16xi1>, vector<16xi32>
      %swap3A_563 = arith.index_cast %add3A_190 : i32 to index
      %swap3A_564 = arith.constant 96 : index
      %swap3A_565 = tpu.vector_load %arg10[%swap3A_563, %swap3A_564] {strides = array<i32>} : memref<84x128xi32, #tpu.memory_space<vmem>>, vector<1x16xi32>,
      %swap3A_566 = vector.shape_cast %swap3A_565 : vector<1x16xi32> to vector<16xi32>
      %swap3A_567 = vector.shape_cast %select_n3A_562 : vector<16xi32> to vector<1x16xi32>
      tpu.vector_store %arg10[%swap3A_563, %swap3A_564], %swap3A_567 {strides = array<i32>} : memref<84x128xi32, #tpu.memory_space<vmem>>, vector<1x16xi32>,
      %get3A_568 = arith.constant 0 : i32
      %get3A_569 = arith.constant 0 : i32
      %get3A_570 = arith.index_cast %get3A_568 : i32 to index
      %get3A_571 = arith.index_cast %get3A_569 : i32 to index
      %get3A_572 = arith.constant 96 : index
      %get3A_573 = tpu.vector_load %arg8[%get3A_570, %get3A_571, %get3A_572] {strides = array<i32>} : memref<2x2x128xf32, #tpu.memory_space<vmem>>, vector<1x1x16xf32>,
      %get3A_574 = vector.shape_cast %get3A_573 : vector<1x1x16xf32> to vector<16xf32>
      %get3A_575 = arith.constant 0 : i32
      %get3A_576 = arith.constant 1 : i32
      %get3A_577 = arith.index_cast %get3A_575 : i32 to index
      %get3A_578 = arith.index_cast %get3A_576 : i32 to index
      %get3A_579 = arith.constant 96 : index
      %get3A_580 = tpu.vector_load %arg8[%get3A_577, %get3A_578, %get3A_579] {strides = array<i32>} : memref<2x2x128xf32, #tpu.memory_space<vmem>>, vector<1x1x16xf32>,
      %get3A_581 = vector.shape_cast %get3A_580 : vector<1x1x16xf32> to vector<16xf32>
      %add3A_582 = arith.addf %get3A_574, %get3A_581 : vector<16xf32>
      %ge3A_583 = arith.constant 0.000000e+00 : f32
      %ge3A_584 = vector.broadcast %ge3A_583 : f32 to vector<16xf32>
      %ge3A_585 = arith.cmpf oge, %add3A_582, %ge3A_584 : vector<16xf32>
      %mul3A_586 = arith.constant 2.000000e-01 : f32
      %mul3A_587 = vector.broadcast %mul3A_586 : f32 to vector<16xf32>
      %mul3A_588 = arith.mulf %add3A_582, %mul3A_587 : vector<16xf32>
      %select_n3A_589 = arith.select %ge3A_585, %add3A_582, %mul3A_588 : vector<16xi1>, vector<16xf32>
      %exp3A_590 = math.exp %select_n3A_589 : vector<16xf32>
      %swap3A_591 = arith.index_cast %add3A_190 : i32 to index
      %swap3A_592 = arith.constant 96 : index
      %swap3A_593 = tpu.vector_load %arg12[%swap3A_591, %swap3A_592] {strides = array<i32>} : memref<84x128xf32, #tpu.memory_space<vmem>>, vector<1x16xf32>,
      %swap3A_594 = vector.shape_cast %swap3A_593 : vector<1x16xf32> to vector<16xf32>
      %swap3A_595 = vector.shape_cast %exp3A_590 : vector<16xf32> to vector<1x16xf32>
      tpu.vector_store %arg12[%swap3A_591, %swap3A_592], %swap3A_595 {strides = array<i32>} : memref<84x128xf32, #tpu.memory_space<vmem>>, vector<1x16xf32>,
      %get3A_596 = arith.index_cast %add3A_190 : i32 to index
      %get3A_597 = arith.constant 112 : index
      %get3A_598 = tpu.vector_load %arg11[%get3A_596, %get3A_597] {strides = array<i32>} : memref<84x128xi32, #tpu.memory_space<vmem>>, vector<1x16xi32>,
      %get3A_599 = vector.shape_cast %get3A_598 : vector<1x16xi32> to vector<16xi32>
      %ge3A_600 = vector.broadcast %mul3A_0 : i32 to vector<16xi32>
      %ge3A_601 = arith.cmpi sge, %get3A_599, %ge3A_600 : vector<16xi32>
      %add3A_602 = arith.constant 5120 : i32
      %add3A_603 = arith.addi %mul3A_0, %add3A_602 : i32
      %lt3A_604 = vector.broadcast %add3A_603 : i32 to vector<16xi32>
      %lt3A_605 = arith.cmpi slt, %get3A_599, %lt3A_604 : vector<16xi32>
      %and3A_606 = arith.andi %ge3A_601, %lt3A_605 : vector<16xi1>
      %sub3A_607 = vector.broadcast %mul3A_0 : i32 to vector<16xi32>
      %sub3A_608 = arith.subi %get3A_599, %sub3A_607 : vector<16xi32>
      %and3A_609 = arith.constant 255 : i32
      %and3A_610 = vector.broadcast %and3A_609 : i32 to vector<16xi32>
      %and3A_611 = arith.andi %get3A_599, %and3A_610 : vector<16xi32>
      %add3A_612 = arith.constant 5120 : i32
      %add3A_613 = vector.broadcast %add3A_612 : i32 to vector<16xi32>
      %add3A_614 = arith.addi %add3A_613, %and3A_611 : vector<16xi32>
      %select_n3A_615 = arith.select %and3A_606, %sub3A_608, %add3A_614 : vector<16xi1>, vector<16xi32>
      %swap3A_616 = arith.index_cast %add3A_190 : i32 to index
      %swap3A_617 = arith.constant 112 : index
      %swap3A_618 = tpu.vector_load %arg10[%swap3A_616, %swap3A_617] {strides = array<i32>} : memref<84x128xi32, #tpu.memory_space<vmem>>, vector<1x16xi32>,
      %swap3A_619 = vector.shape_cast %swap3A_618 : vector<1x16xi32> to vector<16xi32>
      %swap3A_620 = vector.shape_cast %select_n3A_615 : vector<16xi32> to vector<1x16xi32>
      tpu.vector_store %arg10[%swap3A_616, %swap3A_617], %swap3A_620 {strides = array<i32>} : memref<84x128xi32, #tpu.memory_space<vmem>>, vector<1x16xi32>,
      %get3A_621 = arith.constant 0 : i32
      %get3A_622 = arith.constant 0 : i32
      %get3A_623 = arith.index_cast %get3A_621 : i32 to index
      %get3A_624 = arith.index_cast %get3A_622 : i32 to index
      %get3A_625 = arith.constant 112 : index
      %get3A_626 = tpu.vector_load %arg8[%get3A_623, %get3A_624, %get3A_625] {strides = array<i32>} : memref<2x2x128xf32, #tpu.memory_space<vmem>>, vector<1x1x16xf32>,
      %get3A_627 = vector.shape_cast %get3A_626 : vector<1x1x16xf32> to vector<16xf32>
      %get3A_628 = arith.constant 0 : i32
      %get3A_629 = arith.constant 1 : i32
      %get3A_630 = arith.index_cast %get3A_628 : i32 to index
      %get3A_631 = arith.index_cast %get3A_629 : i32 to index
      %get3A_632 = arith.constant 112 : index
      %get3A_633 = tpu.vector_load %arg8[%get3A_630, %get3A_631, %get3A_632] {strides = array<i32>} : memref<2x2x128xf32, #tpu.memory_space<vmem>>, vector<1x1x16xf32>,
      %get3A_634 = vector.shape_cast %get3A_633 : vector<1x1x16xf32> to vector<16xf32>
      %add3A_635 = arith.addf %get3A_627, %get3A_634 : vector<16xf32>
      %ge3A_636 = arith.constant 0.000000e+00 : f32
      %ge3A_637 = vector.broadcast %ge3A_636 : f32 to vector<16xf32>
      %ge3A_638 = arith.cmpf oge, %add3A_635, %ge3A_637 : vector<16xf32>
      %mul3A_639 = arith.constant 2.000000e-01 : f32
      %mul3A_640 = vector.broadcast %mul3A_639 : f32 to vector<16xf32>
      %mul3A_641 = arith.mulf %add3A_635, %mul3A_640 : vector<16xf32>
      %select_n3A_642 = arith.select %ge3A_638, %add3A_635, %mul3A_641 : vector<16xi1>, vector<16xf32>
      %exp3A_643 = math.exp %select_n3A_642 : vector<16xf32>
      %swap3A_644 = arith.index_cast %add3A_190 : i32 to index
      %swap3A_645 = arith.constant 112 : index
      %swap3A_646 = tpu.vector_load %arg12[%swap3A_644, %swap3A_645] {strides = array<i32>} : memref<84x128xf32, #tpu.memory_space<vmem>>, vector<1x16xf32>,
      %swap3A_647 = vector.shape_cast %swap3A_646 : vector<1x16xf32> to vector<16xf32>
      %swap3A_648 = vector.shape_cast %exp3A_643 : vector<16xf32> to vector<1x16xf32>
      tpu.vector_store %arg12[%swap3A_644, %swap3A_645], %swap3A_648 {strides = array<i32>} : memref<84x128xf32, #tpu.memory_space<vmem>>, vector<1x16xf32>,
      %gt3A = arith.constant 0 : i32
      %gt3A_649 = arith.cmpi sgt, %scan3A_185, %gt3A : i32
      %convert_element_type3A = arith.extui %gt3A_649 : i1 to i32
      %cond3A = arith.constant 0 : i32
      %cond3A_650 = arith.cmpi ne, %convert_element_type3A, %cond3A : i32
      scf.if %cond3A_650 {
        %dma_wait3A_1129 = arith.constant 0 : i32
        %dma_wait3A_1130 = tpu.memref_slice %arg12[%add3A_190, %dma_wait3A_1129] : memref<84x128xf32, #tpu.memory_space<vmem>> -> memref<1x128xf32, #tpu.memory_space<vmem>>
        %dma_wait3A_1131 = tpu.memref_squeeze %dma_wait3A_1130 : memref<1x128xf32, #tpu.memory_space<vmem>> -> memref<128xf32, #tpu.memory_space<vmem>>
        %dma_wait3A_1132 = arith.constant 0 : i32
        %dma_wait3A_1133 = tpu.memref_slice %arg10[%add3A_190, %dma_wait3A_1132] : memref<84x128xi32, #tpu.memory_space<vmem>> -> memref<1x128xi32, #tpu.memory_space<vmem>>
        %dma_wait3A_1134 = tpu.memref_squeeze %dma_wait3A_1133 : memref<1x128xi32, #tpu.memory_space<vmem>> -> memref<128xi32, #tpu.memory_space<vmem>>
        %dma_wait3A_1135 = arith.constant 0 : i32
        %dma_wait3A_1136 = tpu.memref_slice %arg18[%dma_wait3A_1135] : memref<5376xf32, #tpu.memory_space<vmem_shared>> -> memref<5376xf32, #tpu.memory_space<vmem_shared>>
        tpu.wait_indirect_dma semaphore(%arg22 : memref<!tpu.dma_semaphore, #tpu.memory_space<semaphore_mem>>) src(%dma_wait3A_1131 : memref<128xf32, #tpu.memory_space<vmem>>) dst(%dma_wait3A_1136 : memref<5376xf32, #tpu.memory_space<vmem_shared>>)
      } else {
      }
      %dma_start3A_651 = arith.constant 0 : i32
      %dma_start3A_652 = tpu.memref_slice %arg12[%add3A_190, %dma_start3A_651] : memref<84x128xf32, #tpu.memory_space<vmem>> -> memref<1x128xf32, #tpu.memory_space<vmem>>
      %dma_start3A_653 = tpu.memref_squeeze %dma_start3A_652 : memref<1x128xf32, #tpu.memory_space<vmem>> -> memref<128xf32, #tpu.memory_space<vmem>>
      %dma_start3A_654 = arith.constant 0 : i32
      %dma_start3A_655 = tpu.memref_slice %arg10[%add3A_190, %dma_start3A_654] : memref<84x128xi32, #tpu.memory_space<vmem>> -> memref<1x128xi32, #tpu.memory_space<vmem>>
      %dma_start3A_656 = tpu.memref_squeeze %dma_start3A_655 : memref<1x128xi32, #tpu.memory_space<vmem>> -> memref<128xi32, #tpu.memory_space<vmem>>
      %dma_start3A_657 = arith.constant 0 : i32
      %dma_start3A_658 = tpu.memref_slice %arg18[%dma_start3A_657] : memref<5376xf32, #tpu.memory_space<vmem_shared>> -> memref<5376xf32, #tpu.memory_space<vmem_shared>>
      tpu.enqueue_indirect_dma source(%dma_start3A_653 : memref<128xf32, #tpu.memory_space<vmem>>) target(%dma_start3A_658 : memref<5376xf32, #tpu.memory_space<vmem_shared>>) offsets(%dma_start3A_656 : memref<128xi32, #tpu.memory_space<vmem>>) semaphore(%arg22 : memref<!tpu.dma_semaphore, #tpu.memory_space<semaphore_mem>>) {add = true}
      %mul3A_659 = arith.constant 2 : i32
      %mul3A_660 = arith.muli %scan3A_185, %mul3A_659 : i32
      %add3A_661 = arith.constant 1 : i32
      %add3A_662 = arith.addi %mul3A_660, %add3A_661 : i32
      %lt3A_663 = arith.constant 41 : i32
      %lt3A_664 = arith.cmpi slt, %scan3A_185, %lt3A_663 : i32
      %convert_element_type3A_665 = arith.extui %lt3A_664 : i1 to i32
      %cond3A_666 = arith.constant 0 : i32
      %cond3A_667 = arith.cmpi ne, %convert_element_type3A_665, %cond3A_666 : i32
      scf.if %cond3A_667 {
        %add3A_1129 = arith.constant 1 : i32
        %add3A_1130 = arith.addi %add3A_662, %add3A_1129 : i32
        %dma_start3A_1131 = arith.constant 0 : i32
        %dma_start3A_1132 = arith.constant 0 : i32
        %dma_start3A_1133 = arith.constant 0 : i32
        %dma_start3A_1134 = tpu.memref_slice %arg8[%dma_start3A_1131, %dma_start3A_1132, %dma_start3A_1133] : memref<2x2x128xf32, #tpu.memory_space<vmem>> -> memref<1x1x128xf32, #tpu.memory_space<vmem>>
        %dma_start3A_1135 = tpu.memref_squeeze %dma_start3A_1134 : memref<1x1x128xf32, #tpu.memory_space<vmem>> -> memref<128xf32, #tpu.memory_space<vmem>>
        %dma_start3A_1136 = arith.constant 0 : i32
        %dma_start3A_1137 = tpu.memref_slice %arg9[%add3A_1130, %dma_start3A_1136] : memref<84x128xi32, #tpu.memory_space<vmem>> -> memref<1x128xi32, #tpu.memory_space<vmem>>
        %dma_start3A_1138 = tpu.memref_squeeze %dma_start3A_1137 : memref<1x128xi32, #tpu.memory_space<vmem>> -> memref<128xi32, #tpu.memory_space<vmem>>
        %dma_start3A_1139 = arith.constant 0 : i32
        %dma_start3A_1140 = tpu.memref_slice %arg3[%dma_start3A_1139] : memref<10240xf32, #tpu.memory_space<hbm>> -> memref<10240xf32, #tpu.memory_space<hbm>>
        tpu.enqueue_indirect_dma source(%dma_start3A_1140 : memref<10240xf32, #tpu.memory_space<hbm>>) target(%dma_start3A_1135 : memref<128xf32, #tpu.memory_space<vmem>>) offsets(%dma_start3A_1138 : memref<128xi32, #tpu.memory_space<vmem>>) semaphore(%arg20 : memref<!tpu.dma_semaphore, #tpu.memory_space<semaphore_mem>>)
        %dma_start3A_1141 = arith.constant 0 : i32
        %dma_start3A_1142 = arith.constant 1 : i32
        %dma_start3A_1143 = arith.constant 0 : i32
        %dma_start3A_1144 = tpu.memref_slice %arg8[%dma_start3A_1141, %dma_start3A_1142, %dma_start3A_1143] : memref<2x2x128xf32, #tpu.memory_space<vmem>> -> memref<1x1x128xf32, #tpu.memory_space<vmem>>
        %dma_start3A_1145 = tpu.memref_squeeze %dma_start3A_1144 : memref<1x1x128xf32, #tpu.memory_space<vmem>> -> memref<128xf32, #tpu.memory_space<vmem>>
        %dma_start3A_1146 = arith.constant 0 : i32
        %dma_start3A_1147 = tpu.memref_slice %arg11[%add3A_1130, %dma_start3A_1146] : memref<84x128xi32, #tpu.memory_space<vmem>> -> memref<1x128xi32, #tpu.memory_space<vmem>>
        %dma_start3A_1148 = tpu.memref_squeeze %dma_start3A_1147 : memref<1x128xi32, #tpu.memory_space<vmem>> -> memref<128xi32, #tpu.memory_space<vmem>>
        %dma_start3A_1149 = arith.constant 0 : i32
        %dma_start3A_1150 = tpu.memref_slice %arg4[%dma_start3A_1149] : memref<10240xf32, #tpu.memory_space<hbm>> -> memref<10240xf32, #tpu.memory_space<hbm>>
        tpu.enqueue_indirect_dma source(%dma_start3A_1150 : memref<10240xf32, #tpu.memory_space<hbm>>) target(%dma_start3A_1145 : memref<128xf32, #tpu.memory_space<vmem>>) offsets(%dma_start3A_1148 : memref<128xi32, #tpu.memory_space<vmem>>) semaphore(%arg20 : memref<!tpu.dma_semaphore, #tpu.memory_space<semaphore_mem>>)
      } else {
      }
      %dma_wait3A_668 = arith.constant 1 : i32
      %dma_wait3A_669 = arith.constant 0 : i32
      %dma_wait3A_670 = arith.constant 0 : i32
      %dma_wait3A_671 = tpu.memref_slice %arg8[%dma_wait3A_668, %dma_wait3A_669, %dma_wait3A_670] : memref<2x2x128xf32, #tpu.memory_space<vmem>> -> memref<1x1x128xf32, #tpu.memory_space<vmem>>
      %dma_wait3A_672 = tpu.memref_squeeze %dma_wait3A_671 : memref<1x1x128xf32, #tpu.memory_space<vmem>> -> memref<128xf32, #tpu.memory_space<vmem>>
      %dma_wait3A_673 = arith.constant 0 : i32
      %dma_wait3A_674 = tpu.memref_slice %arg9[%add3A_662, %dma_wait3A_673] : memref<84x128xi32, #tpu.memory_space<vmem>> -> memref<1x128xi32, #tpu.memory_space<vmem>>
      %dma_wait3A_675 = tpu.memref_squeeze %dma_wait3A_674 : memref<1x128xi32, #tpu.memory_space<vmem>> -> memref<128xi32, #tpu.memory_space<vmem>>
      %dma_wait3A_676 = arith.constant 0 : i32
      %dma_wait3A_677 = tpu.memref_slice %arg3[%dma_wait3A_676] : memref<10240xf32, #tpu.memory_space<hbm>> -> memref<10240xf32, #tpu.memory_space<hbm>>
      tpu.wait_indirect_dma semaphore(%arg21 : memref<!tpu.dma_semaphore, #tpu.memory_space<semaphore_mem>>) src(%dma_wait3A_677 : memref<10240xf32, #tpu.memory_space<hbm>>) dst(%dma_wait3A_672 : memref<128xf32, #tpu.memory_space<vmem>>)
      %dma_wait3A_678 = arith.constant 1 : i32
      %dma_wait3A_679 = arith.constant 1 : i32
      %dma_wait3A_680 = arith.constant 0 : i32
      %dma_wait3A_681 = tpu.memref_slice %arg8[%dma_wait3A_678, %dma_wait3A_679, %dma_wait3A_680] : memref<2x2x128xf32, #tpu.memory_space<vmem>> -> memref<1x1x128xf32, #tpu.memory_space<vmem>>
      %dma_wait3A_682 = tpu.memref_squeeze %dma_wait3A_681 : memref<1x1x128xf32, #tpu.memory_space<vmem>> -> memref<128xf32, #tpu.memory_space<vmem>>
      %dma_wait3A_683 = arith.constant 0 : i32
      %dma_wait3A_684 = tpu.memref_slice %arg11[%add3A_662, %dma_wait3A_683] : memref<84x128xi32, #tpu.memory_space<vmem>> -> memref<1x128xi32, #tpu.memory_space<vmem>>
      %dma_wait3A_685 = tpu.memref_squeeze %dma_wait3A_684 : memref<1x128xi32, #tpu.memory_space<vmem>> -> memref<128xi32, #tpu.memory_space<vmem>>
      %dma_wait3A_686 = arith.constant 0 : i32
      %dma_wait3A_687 = tpu.memref_slice %arg4[%dma_wait3A_686] : memref<10240xf32, #tpu.memory_space<hbm>> -> memref<10240xf32, #tpu.memory_space<hbm>>
      tpu.wait_indirect_dma semaphore(%arg21 : memref<!tpu.dma_semaphore, #tpu.memory_space<semaphore_mem>>) src(%dma_wait3A_687 : memref<10240xf32, #tpu.memory_space<hbm>>) dst(%dma_wait3A_682 : memref<128xf32, #tpu.memory_space<vmem>>)
      %get3A_688 = arith.index_cast %add3A_662 : i32 to index
      %get3A_689 = arith.constant 0 : index
      %get3A_690 = tpu.vector_load %arg11[%get3A_688, %get3A_689] {strides = array<i32>} : memref<84x128xi32, #tpu.memory_space<vmem>>, vector<1x16xi32>,
      %get3A_691 = vector.shape_cast %get3A_690 : vector<1x16xi32> to vector<16xi32>
      %ge3A_692 = vector.broadcast %mul3A_0 : i32 to vector<16xi32>
      %ge3A_693 = arith.cmpi sge, %get3A_691, %ge3A_692 : vector<16xi32>
      %add3A_694 = arith.constant 5120 : i32
      %add3A_695 = arith.addi %mul3A_0, %add3A_694 : i32
      %lt3A_696 = vector.broadcast %add3A_695 : i32 to vector<16xi32>
      %lt3A_697 = arith.cmpi slt, %get3A_691, %lt3A_696 : vector<16xi32>
      %and3A_698 = arith.andi %ge3A_693, %lt3A_697 : vector<16xi1>
      %sub3A_699 = vector.broadcast %mul3A_0 : i32 to vector<16xi32>
      %sub3A_700 = arith.subi %get3A_691, %sub3A_699 : vector<16xi32>
      %and3A_701 = arith.constant 255 : i32
      %and3A_702 = vector.broadcast %and3A_701 : i32 to vector<16xi32>
      %and3A_703 = arith.andi %get3A_691, %and3A_702 : vector<16xi32>
      %add3A_704 = arith.constant 5120 : i32
      %add3A_705 = vector.broadcast %add3A_704 : i32 to vector<16xi32>
      %add3A_706 = arith.addi %add3A_705, %and3A_703 : vector<16xi32>
      %select_n3A_707 = arith.select %and3A_698, %sub3A_700, %add3A_706 : vector<16xi1>, vector<16xi32>
      %swap3A_708 = arith.index_cast %add3A_662 : i32 to index
      %swap3A_709 = arith.constant 0 : index
      %swap3A_710 = tpu.vector_load %arg10[%swap3A_708, %swap3A_709] {strides = array<i32>} : memref<84x128xi32, #tpu.memory_space<vmem>>, vector<1x16xi32>,
      %swap3A_711 = vector.shape_cast %swap3A_710 : vector<1x16xi32> to vector<16xi32>
      %swap3A_712 = vector.shape_cast %select_n3A_707 : vector<16xi32> to vector<1x16xi32>
      tpu.vector_store %arg10[%swap3A_708, %swap3A_709], %swap3A_712 {strides = array<i32>} : memref<84x128xi32, #tpu.memory_space<vmem>>, vector<1x16xi32>,
      %get3A_713 = arith.constant 1 : i32
      %get3A_714 = arith.constant 0 : i32
      %get3A_715 = arith.index_cast %get3A_713 : i32 to index
      %get3A_716 = arith.index_cast %get3A_714 : i32 to index
      %get3A_717 = arith.constant 0 : index
      %get3A_718 = tpu.vector_load %arg8[%get3A_715, %get3A_716, %get3A_717] {strides = array<i32>} : memref<2x2x128xf32, #tpu.memory_space<vmem>>, vector<1x1x16xf32>,
      %get3A_719 = vector.shape_cast %get3A_718 : vector<1x1x16xf32> to vector<16xf32>
      %get3A_720 = arith.constant 1 : i32
      %get3A_721 = arith.constant 1 : i32
      %get3A_722 = arith.index_cast %get3A_720 : i32 to index
      %get3A_723 = arith.index_cast %get3A_721 : i32 to index
      %get3A_724 = arith.constant 0 : index
      %get3A_725 = tpu.vector_load %arg8[%get3A_722, %get3A_723, %get3A_724] {strides = array<i32>} : memref<2x2x128xf32, #tpu.memory_space<vmem>>, vector<1x1x16xf32>,
      %get3A_726 = vector.shape_cast %get3A_725 : vector<1x1x16xf32> to vector<16xf32>
      %add3A_727 = arith.addf %get3A_719, %get3A_726 : vector<16xf32>
      %ge3A_728 = arith.constant 0.000000e+00 : f32
      %ge3A_729 = vector.broadcast %ge3A_728 : f32 to vector<16xf32>
      %ge3A_730 = arith.cmpf oge, %add3A_727, %ge3A_729 : vector<16xf32>
      %mul3A_731 = arith.constant 2.000000e-01 : f32
      %mul3A_732 = vector.broadcast %mul3A_731 : f32 to vector<16xf32>
      %mul3A_733 = arith.mulf %add3A_727, %mul3A_732 : vector<16xf32>
      %select_n3A_734 = arith.select %ge3A_730, %add3A_727, %mul3A_733 : vector<16xi1>, vector<16xf32>
      %exp3A_735 = math.exp %select_n3A_734 : vector<16xf32>
      %swap3A_736 = arith.index_cast %add3A_662 : i32 to index
      %swap3A_737 = arith.constant 0 : index
      %swap3A_738 = tpu.vector_load %arg12[%swap3A_736, %swap3A_737] {strides = array<i32>} : memref<84x128xf32, #tpu.memory_space<vmem>>, vector<1x16xf32>,
      %swap3A_739 = vector.shape_cast %swap3A_738 : vector<1x16xf32> to vector<16xf32>
      %swap3A_740 = vector.shape_cast %exp3A_735 : vector<16xf32> to vector<1x16xf32>
      tpu.vector_store %arg12[%swap3A_736, %swap3A_737], %swap3A_740 {strides = array<i32>} : memref<84x128xf32, #tpu.memory_space<vmem>>, vector<1x16xf32>,
      %get3A_741 = arith.index_cast %add3A_662 : i32 to index
      %get3A_742 = arith.constant 16 : index
      %get3A_743 = tpu.vector_load %arg11[%get3A_741, %get3A_742] {strides = array<i32>} : memref<84x128xi32, #tpu.memory_space<vmem>>, vector<1x16xi32>,
      %get3A_744 = vector.shape_cast %get3A_743 : vector<1x16xi32> to vector<16xi32>
      %ge3A_745 = vector.broadcast %mul3A_0 : i32 to vector<16xi32>
      %ge3A_746 = arith.cmpi sge, %get3A_744, %ge3A_745 : vector<16xi32>
      %add3A_747 = arith.constant 5120 : i32
      %add3A_748 = arith.addi %mul3A_0, %add3A_747 : i32
      %lt3A_749 = vector.broadcast %add3A_748 : i32 to vector<16xi32>
      %lt3A_750 = arith.cmpi slt, %get3A_744, %lt3A_749 : vector<16xi32>
      %and3A_751 = arith.andi %ge3A_746, %lt3A_750 : vector<16xi1>
      %sub3A_752 = vector.broadcast %mul3A_0 : i32 to vector<16xi32>
      %sub3A_753 = arith.subi %get3A_744, %sub3A_752 : vector<16xi32>
      %and3A_754 = arith.constant 255 : i32
      %and3A_755 = vector.broadcast %and3A_754 : i32 to vector<16xi32>
      %and3A_756 = arith.andi %get3A_744, %and3A_755 : vector<16xi32>
      %add3A_757 = arith.constant 5120 : i32
      %add3A_758 = vector.broadcast %add3A_757 : i32 to vector<16xi32>
      %add3A_759 = arith.addi %add3A_758, %and3A_756 : vector<16xi32>
      %select_n3A_760 = arith.select %and3A_751, %sub3A_753, %add3A_759 : vector<16xi1>, vector<16xi32>
      %swap3A_761 = arith.index_cast %add3A_662 : i32 to index
      %swap3A_762 = arith.constant 16 : index
      %swap3A_763 = tpu.vector_load %arg10[%swap3A_761, %swap3A_762] {strides = array<i32>} : memref<84x128xi32, #tpu.memory_space<vmem>>, vector<1x16xi32>,
      %swap3A_764 = vector.shape_cast %swap3A_763 : vector<1x16xi32> to vector<16xi32>
      %swap3A_765 = vector.shape_cast %select_n3A_760 : vector<16xi32> to vector<1x16xi32>
      tpu.vector_store %arg10[%swap3A_761, %swap3A_762], %swap3A_765 {strides = array<i32>} : memref<84x128xi32, #tpu.memory_space<vmem>>, vector<1x16xi32>,
      %get3A_766 = arith.constant 1 : i32
      %get3A_767 = arith.constant 0 : i32
      %get3A_768 = arith.index_cast %get3A_766 : i32 to index
      %get3A_769 = arith.index_cast %get3A_767 : i32 to index
      %get3A_770 = arith.constant 16 : index
      %get3A_771 = tpu.vector_load %arg8[%get3A_768, %get3A_769, %get3A_770] {strides = array<i32>} : memref<2x2x128xf32, #tpu.memory_space<vmem>>, vector<1x1x16xf32>,
      %get3A_772 = vector.shape_cast %get3A_771 : vector<1x1x16xf32> to vector<16xf32>
      %get3A_773 = arith.constant 1 : i32
      %get3A_774 = arith.constant 1 : i32
      %get3A_775 = arith.index_cast %get3A_773 : i32 to index
      %get3A_776 = arith.index_cast %get3A_774 : i32 to index
      %get3A_777 = arith.constant 16 : index
      %get3A_778 = tpu.vector_load %arg8[%get3A_775, %get3A_776, %get3A_777] {strides = array<i32>} : memref<2x2x128xf32, #tpu.memory_space<vmem>>, vector<1x1x16xf32>,
      %get3A_779 = vector.shape_cast %get3A_778 : vector<1x1x16xf32> to vector<16xf32>
      %add3A_780 = arith.addf %get3A_772, %get3A_779 : vector<16xf32>
      %ge3A_781 = arith.constant 0.000000e+00 : f32
      %ge3A_782 = vector.broadcast %ge3A_781 : f32 to vector<16xf32>
      %ge3A_783 = arith.cmpf oge, %add3A_780, %ge3A_782 : vector<16xf32>
      %mul3A_784 = arith.constant 2.000000e-01 : f32
      %mul3A_785 = vector.broadcast %mul3A_784 : f32 to vector<16xf32>
      %mul3A_786 = arith.mulf %add3A_780, %mul3A_785 : vector<16xf32>
      %select_n3A_787 = arith.select %ge3A_783, %add3A_780, %mul3A_786 : vector<16xi1>, vector<16xf32>
      %exp3A_788 = math.exp %select_n3A_787 : vector<16xf32>
      %swap3A_789 = arith.index_cast %add3A_662 : i32 to index
      %swap3A_790 = arith.constant 16 : index
      %swap3A_791 = tpu.vector_load %arg12[%swap3A_789, %swap3A_790] {strides = array<i32>} : memref<84x128xf32, #tpu.memory_space<vmem>>, vector<1x16xf32>,
      %swap3A_792 = vector.shape_cast %swap3A_791 : vector<1x16xf32> to vector<16xf32>
      %swap3A_793 = vector.shape_cast %exp3A_788 : vector<16xf32> to vector<1x16xf32>
      tpu.vector_store %arg12[%swap3A_789, %swap3A_790], %swap3A_793 {strides = array<i32>} : memref<84x128xf32, #tpu.memory_space<vmem>>, vector<1x16xf32>,
      %get3A_794 = arith.index_cast %add3A_662 : i32 to index
      %get3A_795 = arith.constant 32 : index
      %get3A_796 = tpu.vector_load %arg11[%get3A_794, %get3A_795] {strides = array<i32>} : memref<84x128xi32, #tpu.memory_space<vmem>>, vector<1x16xi32>,
      %get3A_797 = vector.shape_cast %get3A_796 : vector<1x16xi32> to vector<16xi32>
      %ge3A_798 = vector.broadcast %mul3A_0 : i32 to vector<16xi32>
      %ge3A_799 = arith.cmpi sge, %get3A_797, %ge3A_798 : vector<16xi32>
      %add3A_800 = arith.constant 5120 : i32
      %add3A_801 = arith.addi %mul3A_0, %add3A_800 : i32
      %lt3A_802 = vector.broadcast %add3A_801 : i32 to vector<16xi32>
      %lt3A_803 = arith.cmpi slt, %get3A_797, %lt3A_802 : vector<16xi32>
      %and3A_804 = arith.andi %ge3A_799, %lt3A_803 : vector<16xi1>
      %sub3A_805 = vector.broadcast %mul3A_0 : i32 to vector<16xi32>
      %sub3A_806 = arith.subi %get3A_797, %sub3A_805 : vector<16xi32>
      %and3A_807 = arith.constant 255 : i32
      %and3A_808 = vector.broadcast %and3A_807 : i32 to vector<16xi32>
      %and3A_809 = arith.andi %get3A_797, %and3A_808 : vector<16xi32>
      %add3A_810 = arith.constant 5120 : i32
      %add3A_811 = vector.broadcast %add3A_810 : i32 to vector<16xi32>
      %add3A_812 = arith.addi %add3A_811, %and3A_809 : vector<16xi32>
      %select_n3A_813 = arith.select %and3A_804, %sub3A_806, %add3A_812 : vector<16xi1>, vector<16xi32>
      %swap3A_814 = arith.index_cast %add3A_662 : i32 to index
      %swap3A_815 = arith.constant 32 : index
      %swap3A_816 = tpu.vector_load %arg10[%swap3A_814, %swap3A_815] {strides = array<i32>} : memref<84x128xi32, #tpu.memory_space<vmem>>, vector<1x16xi32>,
      %swap3A_817 = vector.shape_cast %swap3A_816 : vector<1x16xi32> to vector<16xi32>
      %swap3A_818 = vector.shape_cast %select_n3A_813 : vector<16xi32> to vector<1x16xi32>
      tpu.vector_store %arg10[%swap3A_814, %swap3A_815], %swap3A_818 {strides = array<i32>} : memref<84x128xi32, #tpu.memory_space<vmem>>, vector<1x16xi32>,
      %get3A_819 = arith.constant 1 : i32
      %get3A_820 = arith.constant 0 : i32
      %get3A_821 = arith.index_cast %get3A_819 : i32 to index
      %get3A_822 = arith.index_cast %get3A_820 : i32 to index
      %get3A_823 = arith.constant 32 : index
      %get3A_824 = tpu.vector_load %arg8[%get3A_821, %get3A_822, %get3A_823] {strides = array<i32>} : memref<2x2x128xf32, #tpu.memory_space<vmem>>, vector<1x1x16xf32>,
      %get3A_825 = vector.shape_cast %get3A_824 : vector<1x1x16xf32> to vector<16xf32>
      %get3A_826 = arith.constant 1 : i32
      %get3A_827 = arith.constant 1 : i32
      %get3A_828 = arith.index_cast %get3A_826 : i32 to index
      %get3A_829 = arith.index_cast %get3A_827 : i32 to index
      %get3A_830 = arith.constant 32 : index
      %get3A_831 = tpu.vector_load %arg8[%get3A_828, %get3A_829, %get3A_830] {strides = array<i32>} : memref<2x2x128xf32, #tpu.memory_space<vmem>>, vector<1x1x16xf32>,
      %get3A_832 = vector.shape_cast %get3A_831 : vector<1x1x16xf32> to vector<16xf32>
      %add3A_833 = arith.addf %get3A_825, %get3A_832 : vector<16xf32>
      %ge3A_834 = arith.constant 0.000000e+00 : f32
      %ge3A_835 = vector.broadcast %ge3A_834 : f32 to vector<16xf32>
      %ge3A_836 = arith.cmpf oge, %add3A_833, %ge3A_835 : vector<16xf32>
      %mul3A_837 = arith.constant 2.000000e-01 : f32
      %mul3A_838 = vector.broadcast %mul3A_837 : f32 to vector<16xf32>
      %mul3A_839 = arith.mulf %add3A_833, %mul3A_838 : vector<16xf32>
      %select_n3A_840 = arith.select %ge3A_836, %add3A_833, %mul3A_839 : vector<16xi1>, vector<16xf32>
      %exp3A_841 = math.exp %select_n3A_840 : vector<16xf32>
      %swap3A_842 = arith.index_cast %add3A_662 : i32 to index
      %swap3A_843 = arith.constant 32 : index
      %swap3A_844 = tpu.vector_load %arg12[%swap3A_842, %swap3A_843] {strides = array<i32>} : memref<84x128xf32, #tpu.memory_space<vmem>>, vector<1x16xf32>,
      %swap3A_845 = vector.shape_cast %swap3A_844 : vector<1x16xf32> to vector<16xf32>
      %swap3A_846 = vector.shape_cast %exp3A_841 : vector<16xf32> to vector<1x16xf32>
      tpu.vector_store %arg12[%swap3A_842, %swap3A_843], %swap3A_846 {strides = array<i32>} : memref<84x128xf32, #tpu.memory_space<vmem>>, vector<1x16xf32>,
      %get3A_847 = arith.index_cast %add3A_662 : i32 to index
      %get3A_848 = arith.constant 48 : index
      %get3A_849 = tpu.vector_load %arg11[%get3A_847, %get3A_848] {strides = array<i32>} : memref<84x128xi32, #tpu.memory_space<vmem>>, vector<1x16xi32>,
      %get3A_850 = vector.shape_cast %get3A_849 : vector<1x16xi32> to vector<16xi32>
      %ge3A_851 = vector.broadcast %mul3A_0 : i32 to vector<16xi32>
      %ge3A_852 = arith.cmpi sge, %get3A_850, %ge3A_851 : vector<16xi32>
      %add3A_853 = arith.constant 5120 : i32
      %add3A_854 = arith.addi %mul3A_0, %add3A_853 : i32
      %lt3A_855 = vector.broadcast %add3A_854 : i32 to vector<16xi32>
      %lt3A_856 = arith.cmpi slt, %get3A_850, %lt3A_855 : vector<16xi32>
      %and3A_857 = arith.andi %ge3A_852, %lt3A_856 : vector<16xi1>
      %sub3A_858 = vector.broadcast %mul3A_0 : i32 to vector<16xi32>
      %sub3A_859 = arith.subi %get3A_850, %sub3A_858 : vector<16xi32>
      %and3A_860 = arith.constant 255 : i32
      %and3A_861 = vector.broadcast %and3A_860 : i32 to vector<16xi32>
      %and3A_862 = arith.andi %get3A_850, %and3A_861 : vector<16xi32>
      %add3A_863 = arith.constant 5120 : i32
      %add3A_864 = vector.broadcast %add3A_863 : i32 to vector<16xi32>
      %add3A_865 = arith.addi %add3A_864, %and3A_862 : vector<16xi32>
      %select_n3A_866 = arith.select %and3A_857, %sub3A_859, %add3A_865 : vector<16xi1>, vector<16xi32>
      %swap3A_867 = arith.index_cast %add3A_662 : i32 to index
      %swap3A_868 = arith.constant 48 : index
      %swap3A_869 = tpu.vector_load %arg10[%swap3A_867, %swap3A_868] {strides = array<i32>} : memref<84x128xi32, #tpu.memory_space<vmem>>, vector<1x16xi32>,
      %swap3A_870 = vector.shape_cast %swap3A_869 : vector<1x16xi32> to vector<16xi32>
      %swap3A_871 = vector.shape_cast %select_n3A_866 : vector<16xi32> to vector<1x16xi32>
      tpu.vector_store %arg10[%swap3A_867, %swap3A_868], %swap3A_871 {strides = array<i32>} : memref<84x128xi32, #tpu.memory_space<vmem>>, vector<1x16xi32>,
      %get3A_872 = arith.constant 1 : i32
      %get3A_873 = arith.constant 0 : i32
      %get3A_874 = arith.index_cast %get3A_872 : i32 to index
      %get3A_875 = arith.index_cast %get3A_873 : i32 to index
      %get3A_876 = arith.constant 48 : index
      %get3A_877 = tpu.vector_load %arg8[%get3A_874, %get3A_875, %get3A_876] {strides = array<i32>} : memref<2x2x128xf32, #tpu.memory_space<vmem>>, vector<1x1x16xf32>,
      %get3A_878 = vector.shape_cast %get3A_877 : vector<1x1x16xf32> to vector<16xf32>
      %get3A_879 = arith.constant 1 : i32
      %get3A_880 = arith.constant 1 : i32
      %get3A_881 = arith.index_cast %get3A_879 : i32 to index
      %get3A_882 = arith.index_cast %get3A_880 : i32 to index
      %get3A_883 = arith.constant 48 : index
      %get3A_884 = tpu.vector_load %arg8[%get3A_881, %get3A_882, %get3A_883] {strides = array<i32>} : memref<2x2x128xf32, #tpu.memory_space<vmem>>, vector<1x1x16xf32>,
      %get3A_885 = vector.shape_cast %get3A_884 : vector<1x1x16xf32> to vector<16xf32>
      %add3A_886 = arith.addf %get3A_878, %get3A_885 : vector<16xf32>
      %ge3A_887 = arith.constant 0.000000e+00 : f32
      %ge3A_888 = vector.broadcast %ge3A_887 : f32 to vector<16xf32>
      %ge3A_889 = arith.cmpf oge, %add3A_886, %ge3A_888 : vector<16xf32>
      %mul3A_890 = arith.constant 2.000000e-01 : f32
      %mul3A_891 = vector.broadcast %mul3A_890 : f32 to vector<16xf32>
      %mul3A_892 = arith.mulf %add3A_886, %mul3A_891 : vector<16xf32>
      %select_n3A_893 = arith.select %ge3A_889, %add3A_886, %mul3A_892 : vector<16xi1>, vector<16xf32>
      %exp3A_894 = math.exp %select_n3A_893 : vector<16xf32>
      %swap3A_895 = arith.index_cast %add3A_662 : i32 to index
      %swap3A_896 = arith.constant 48 : index
      %swap3A_897 = tpu.vector_load %arg12[%swap3A_895, %swap3A_896] {strides = array<i32>} : memref<84x128xf32, #tpu.memory_space<vmem>>, vector<1x16xf32>,
      %swap3A_898 = vector.shape_cast %swap3A_897 : vector<1x16xf32> to vector<16xf32>
      %swap3A_899 = vector.shape_cast %exp3A_894 : vector<16xf32> to vector<1x16xf32>
      tpu.vector_store %arg12[%swap3A_895, %swap3A_896], %swap3A_899 {strides = array<i32>} : memref<84x128xf32, #tpu.memory_space<vmem>>, vector<1x16xf32>,
      %get3A_900 = arith.index_cast %add3A_662 : i32 to index
      %get3A_901 = arith.constant 64 : index
      %get3A_902 = tpu.vector_load %arg11[%get3A_900, %get3A_901] {strides = array<i32>} : memref<84x128xi32, #tpu.memory_space<vmem>>, vector<1x16xi32>,
      %get3A_903 = vector.shape_cast %get3A_902 : vector<1x16xi32> to vector<16xi32>
      %ge3A_904 = vector.broadcast %mul3A_0 : i32 to vector<16xi32>
      %ge3A_905 = arith.cmpi sge, %get3A_903, %ge3A_904 : vector<16xi32>
      %add3A_906 = arith.constant 5120 : i32
      %add3A_907 = arith.addi %mul3A_0, %add3A_906 : i32
      %lt3A_908 = vector.broadcast %add3A_907 : i32 to vector<16xi32>
      %lt3A_909 = arith.cmpi slt, %get3A_903, %lt3A_908 : vector<16xi32>
      %and3A_910 = arith.andi %ge3A_905, %lt3A_909 : vector<16xi1>
      %sub3A_911 = vector.broadcast %mul3A_0 : i32 to vector<16xi32>
      %sub3A_912 = arith.subi %get3A_903, %sub3A_911 : vector<16xi32>
      %and3A_913 = arith.constant 255 : i32
      %and3A_914 = vector.broadcast %and3A_913 : i32 to vector<16xi32>
      %and3A_915 = arith.andi %get3A_903, %and3A_914 : vector<16xi32>
      %add3A_916 = arith.constant 5120 : i32
      %add3A_917 = vector.broadcast %add3A_916 : i32 to vector<16xi32>
      %add3A_918 = arith.addi %add3A_917, %and3A_915 : vector<16xi32>
      %select_n3A_919 = arith.select %and3A_910, %sub3A_912, %add3A_918 : vector<16xi1>, vector<16xi32>
      %swap3A_920 = arith.index_cast %add3A_662 : i32 to index
      %swap3A_921 = arith.constant 64 : index
      %swap3A_922 = tpu.vector_load %arg10[%swap3A_920, %swap3A_921] {strides = array<i32>} : memref<84x128xi32, #tpu.memory_space<vmem>>, vector<1x16xi32>,
      %swap3A_923 = vector.shape_cast %swap3A_922 : vector<1x16xi32> to vector<16xi32>
      %swap3A_924 = vector.shape_cast %select_n3A_919 : vector<16xi32> to vector<1x16xi32>
      tpu.vector_store %arg10[%swap3A_920, %swap3A_921], %swap3A_924 {strides = array<i32>} : memref<84x128xi32, #tpu.memory_space<vmem>>, vector<1x16xi32>,
      %get3A_925 = arith.constant 1 : i32
      %get3A_926 = arith.constant 0 : i32
      %get3A_927 = arith.index_cast %get3A_925 : i32 to index
      %get3A_928 = arith.index_cast %get3A_926 : i32 to index
      %get3A_929 = arith.constant 64 : index
      %get3A_930 = tpu.vector_load %arg8[%get3A_927, %get3A_928, %get3A_929] {strides = array<i32>} : memref<2x2x128xf32, #tpu.memory_space<vmem>>, vector<1x1x16xf32>,
      %get3A_931 = vector.shape_cast %get3A_930 : vector<1x1x16xf32> to vector<16xf32>
      %get3A_932 = arith.constant 1 : i32
      %get3A_933 = arith.constant 1 : i32
      %get3A_934 = arith.index_cast %get3A_932 : i32 to index
      %get3A_935 = arith.index_cast %get3A_933 : i32 to index
      %get3A_936 = arith.constant 64 : index
      %get3A_937 = tpu.vector_load %arg8[%get3A_934, %get3A_935, %get3A_936] {strides = array<i32>} : memref<2x2x128xf32, #tpu.memory_space<vmem>>, vector<1x1x16xf32>,
      %get3A_938 = vector.shape_cast %get3A_937 : vector<1x1x16xf32> to vector<16xf32>
      %add3A_939 = arith.addf %get3A_931, %get3A_938 : vector<16xf32>
      %ge3A_940 = arith.constant 0.000000e+00 : f32
      %ge3A_941 = vector.broadcast %ge3A_940 : f32 to vector<16xf32>
      %ge3A_942 = arith.cmpf oge, %add3A_939, %ge3A_941 : vector<16xf32>
      %mul3A_943 = arith.constant 2.000000e-01 : f32
      %mul3A_944 = vector.broadcast %mul3A_943 : f32 to vector<16xf32>
      %mul3A_945 = arith.mulf %add3A_939, %mul3A_944 : vector<16xf32>
      %select_n3A_946 = arith.select %ge3A_942, %add3A_939, %mul3A_945 : vector<16xi1>, vector<16xf32>
      %exp3A_947 = math.exp %select_n3A_946 : vector<16xf32>
      %swap3A_948 = arith.index_cast %add3A_662 : i32 to index
      %swap3A_949 = arith.constant 64 : index
      %swap3A_950 = tpu.vector_load %arg12[%swap3A_948, %swap3A_949] {strides = array<i32>} : memref<84x128xf32, #tpu.memory_space<vmem>>, vector<1x16xf32>,
      %swap3A_951 = vector.shape_cast %swap3A_950 : vector<1x16xf32> to vector<16xf32>
      %swap3A_952 = vector.shape_cast %exp3A_947 : vector<16xf32> to vector<1x16xf32>
      tpu.vector_store %arg12[%swap3A_948, %swap3A_949], %swap3A_952 {strides = array<i32>} : memref<84x128xf32, #tpu.memory_space<vmem>>, vector<1x16xf32>,
      %get3A_953 = arith.index_cast %add3A_662 : i32 to index
      %get3A_954 = arith.constant 80 : index
      %get3A_955 = tpu.vector_load %arg11[%get3A_953, %get3A_954] {strides = array<i32>} : memref<84x128xi32, #tpu.memory_space<vmem>>, vector<1x16xi32>,
      %get3A_956 = vector.shape_cast %get3A_955 : vector<1x16xi32> to vector<16xi32>
      %ge3A_957 = vector.broadcast %mul3A_0 : i32 to vector<16xi32>
      %ge3A_958 = arith.cmpi sge, %get3A_956, %ge3A_957 : vector<16xi32>
      %add3A_959 = arith.constant 5120 : i32
      %add3A_960 = arith.addi %mul3A_0, %add3A_959 : i32
      %lt3A_961 = vector.broadcast %add3A_960 : i32 to vector<16xi32>
      %lt3A_962 = arith.cmpi slt, %get3A_956, %lt3A_961 : vector<16xi32>
      %and3A_963 = arith.andi %ge3A_958, %lt3A_962 : vector<16xi1>
      %sub3A_964 = vector.broadcast %mul3A_0 : i32 to vector<16xi32>
      %sub3A_965 = arith.subi %get3A_956, %sub3A_964 : vector<16xi32>
      %and3A_966 = arith.constant 255 : i32
      %and3A_967 = vector.broadcast %and3A_966 : i32 to vector<16xi32>
      %and3A_968 = arith.andi %get3A_956, %and3A_967 : vector<16xi32>
      %add3A_969 = arith.constant 5120 : i32
      %add3A_970 = vector.broadcast %add3A_969 : i32 to vector<16xi32>
      %add3A_971 = arith.addi %add3A_970, %and3A_968 : vector<16xi32>
      %select_n3A_972 = arith.select %and3A_963, %sub3A_965, %add3A_971 : vector<16xi1>, vector<16xi32>
      %swap3A_973 = arith.index_cast %add3A_662 : i32 to index
      %swap3A_974 = arith.constant 80 : index
      %swap3A_975 = tpu.vector_load %arg10[%swap3A_973, %swap3A_974] {strides = array<i32>} : memref<84x128xi32, #tpu.memory_space<vmem>>, vector<1x16xi32>,
      %swap3A_976 = vector.shape_cast %swap3A_975 : vector<1x16xi32> to vector<16xi32>
      %swap3A_977 = vector.shape_cast %select_n3A_972 : vector<16xi32> to vector<1x16xi32>
      tpu.vector_store %arg10[%swap3A_973, %swap3A_974], %swap3A_977 {strides = array<i32>} : memref<84x128xi32, #tpu.memory_space<vmem>>, vector<1x16xi32>,
      %get3A_978 = arith.constant 1 : i32
      %get3A_979 = arith.constant 0 : i32
      %get3A_980 = arith.index_cast %get3A_978 : i32 to index
      %get3A_981 = arith.index_cast %get3A_979 : i32 to index
      %get3A_982 = arith.constant 80 : index
      %get3A_983 = tpu.vector_load %arg8[%get3A_980, %get3A_981, %get3A_982] {strides = array<i32>} : memref<2x2x128xf32, #tpu.memory_space<vmem>>, vector<1x1x16xf32>,
      %get3A_984 = vector.shape_cast %get3A_983 : vector<1x1x16xf32> to vector<16xf32>
      %get3A_985 = arith.constant 1 : i32
      %get3A_986 = arith.constant 1 : i32
      %get3A_987 = arith.index_cast %get3A_985 : i32 to index
      %get3A_988 = arith.index_cast %get3A_986 : i32 to index
      %get3A_989 = arith.constant 80 : index
      %get3A_990 = tpu.vector_load %arg8[%get3A_987, %get3A_988, %get3A_989] {strides = array<i32>} : memref<2x2x128xf32, #tpu.memory_space<vmem>>, vector<1x1x16xf32>,
      %get3A_991 = vector.shape_cast %get3A_990 : vector<1x1x16xf32> to vector<16xf32>
      %add3A_992 = arith.addf %get3A_984, %get3A_991 : vector<16xf32>
      %ge3A_993 = arith.constant 0.000000e+00 : f32
      %ge3A_994 = vector.broadcast %ge3A_993 : f32 to vector<16xf32>
      %ge3A_995 = arith.cmpf oge, %add3A_992, %ge3A_994 : vector<16xf32>
      %mul3A_996 = arith.constant 2.000000e-01 : f32
      %mul3A_997 = vector.broadcast %mul3A_996 : f32 to vector<16xf32>
      %mul3A_998 = arith.mulf %add3A_992, %mul3A_997 : vector<16xf32>
      %select_n3A_999 = arith.select %ge3A_995, %add3A_992, %mul3A_998 : vector<16xi1>, vector<16xf32>
      %exp3A_1000 = math.exp %select_n3A_999 : vector<16xf32>
      %swap3A_1001 = arith.index_cast %add3A_662 : i32 to index
      %swap3A_1002 = arith.constant 80 : index
      %swap3A_1003 = tpu.vector_load %arg12[%swap3A_1001, %swap3A_1002] {strides = array<i32>} : memref<84x128xf32, #tpu.memory_space<vmem>>, vector<1x16xf32>,
      %swap3A_1004 = vector.shape_cast %swap3A_1003 : vector<1x16xf32> to vector<16xf32>
      %swap3A_1005 = vector.shape_cast %exp3A_1000 : vector<16xf32> to vector<1x16xf32>
      tpu.vector_store %arg12[%swap3A_1001, %swap3A_1002], %swap3A_1005 {strides = array<i32>} : memref<84x128xf32, #tpu.memory_space<vmem>>, vector<1x16xf32>,
      %get3A_1006 = arith.index_cast %add3A_662 : i32 to index
      %get3A_1007 = arith.constant 96 : index
      %get3A_1008 = tpu.vector_load %arg11[%get3A_1006, %get3A_1007] {strides = array<i32>} : memref<84x128xi32, #tpu.memory_space<vmem>>, vector<1x16xi32>,
      %get3A_1009 = vector.shape_cast %get3A_1008 : vector<1x16xi32> to vector<16xi32>
      %ge3A_1010 = vector.broadcast %mul3A_0 : i32 to vector<16xi32>
      %ge3A_1011 = arith.cmpi sge, %get3A_1009, %ge3A_1010 : vector<16xi32>
      %add3A_1012 = arith.constant 5120 : i32
      %add3A_1013 = arith.addi %mul3A_0, %add3A_1012 : i32
      %lt3A_1014 = vector.broadcast %add3A_1013 : i32 to vector<16xi32>
      %lt3A_1015 = arith.cmpi slt, %get3A_1009, %lt3A_1014 : vector<16xi32>
      %and3A_1016 = arith.andi %ge3A_1011, %lt3A_1015 : vector<16xi1>
      %sub3A_1017 = vector.broadcast %mul3A_0 : i32 to vector<16xi32>
      %sub3A_1018 = arith.subi %get3A_1009, %sub3A_1017 : vector<16xi32>
      %and3A_1019 = arith.constant 255 : i32
      %and3A_1020 = vector.broadcast %and3A_1019 : i32 to vector<16xi32>
      %and3A_1021 = arith.andi %get3A_1009, %and3A_1020 : vector<16xi32>
      %add3A_1022 = arith.constant 5120 : i32
      %add3A_1023 = vector.broadcast %add3A_1022 : i32 to vector<16xi32>
      %add3A_1024 = arith.addi %add3A_1023, %and3A_1021 : vector<16xi32>
      %select_n3A_1025 = arith.select %and3A_1016, %sub3A_1018, %add3A_1024 : vector<16xi1>, vector<16xi32>
      %swap3A_1026 = arith.index_cast %add3A_662 : i32 to index
      %swap3A_1027 = arith.constant 96 : index
      %swap3A_1028 = tpu.vector_load %arg10[%swap3A_1026, %swap3A_1027] {strides = array<i32>} : memref<84x128xi32, #tpu.memory_space<vmem>>, vector<1x16xi32>,
      %swap3A_1029 = vector.shape_cast %swap3A_1028 : vector<1x16xi32> to vector<16xi32>
      %swap3A_1030 = vector.shape_cast %select_n3A_1025 : vector<16xi32> to vector<1x16xi32>
      tpu.vector_store %arg10[%swap3A_1026, %swap3A_1027], %swap3A_1030 {strides = array<i32>} : memref<84x128xi32, #tpu.memory_space<vmem>>, vector<1x16xi32>,
      %get3A_1031 = arith.constant 1 : i32
      %get3A_1032 = arith.constant 0 : i32
      %get3A_1033 = arith.index_cast %get3A_1031 : i32 to index
      %get3A_1034 = arith.index_cast %get3A_1032 : i32 to index
      %get3A_1035 = arith.constant 96 : index
      %get3A_1036 = tpu.vector_load %arg8[%get3A_1033, %get3A_1034, %get3A_1035] {strides = array<i32>} : memref<2x2x128xf32, #tpu.memory_space<vmem>>, vector<1x1x16xf32>,
      %get3A_1037 = vector.shape_cast %get3A_1036 : vector<1x1x16xf32> to vector<16xf32>
      %get3A_1038 = arith.constant 1 : i32
      %get3A_1039 = arith.constant 1 : i32
      %get3A_1040 = arith.index_cast %get3A_1038 : i32 to index
      %get3A_1041 = arith.index_cast %get3A_1039 : i32 to index
      %get3A_1042 = arith.constant 96 : index
      %get3A_1043 = tpu.vector_load %arg8[%get3A_1040, %get3A_1041, %get3A_1042] {strides = array<i32>} : memref<2x2x128xf32, #tpu.memory_space<vmem>>, vector<1x1x16xf32>,
      %get3A_1044 = vector.shape_cast %get3A_1043 : vector<1x1x16xf32> to vector<16xf32>
      %add3A_1045 = arith.addf %get3A_1037, %get3A_1044 : vector<16xf32>
      %ge3A_1046 = arith.constant 0.000000e+00 : f32
      %ge3A_1047 = vector.broadcast %ge3A_1046 : f32 to vector<16xf32>
      %ge3A_1048 = arith.cmpf oge, %add3A_1045, %ge3A_1047 : vector<16xf32>
      %mul3A_1049 = arith.constant 2.000000e-01 : f32
      %mul3A_1050 = vector.broadcast %mul3A_1049 : f32 to vector<16xf32>
      %mul3A_1051 = arith.mulf %add3A_1045, %mul3A_1050 : vector<16xf32>
      %select_n3A_1052 = arith.select %ge3A_1048, %add3A_1045, %mul3A_1051 : vector<16xi1>, vector<16xf32>
      %exp3A_1053 = math.exp %select_n3A_1052 : vector<16xf32>
      %swap3A_1054 = arith.index_cast %add3A_662 : i32 to index
      %swap3A_1055 = arith.constant 96 : index
      %swap3A_1056 = tpu.vector_load %arg12[%swap3A_1054, %swap3A_1055] {strides = array<i32>} : memref<84x128xf32, #tpu.memory_space<vmem>>, vector<1x16xf32>,
      %swap3A_1057 = vector.shape_cast %swap3A_1056 : vector<1x16xf32> to vector<16xf32>
      %swap3A_1058 = vector.shape_cast %exp3A_1053 : vector<16xf32> to vector<1x16xf32>
      tpu.vector_store %arg12[%swap3A_1054, %swap3A_1055], %swap3A_1058 {strides = array<i32>} : memref<84x128xf32, #tpu.memory_space<vmem>>, vector<1x16xf32>,
      %get3A_1059 = arith.index_cast %add3A_662 : i32 to index
      %get3A_1060 = arith.constant 112 : index
      %get3A_1061 = tpu.vector_load %arg11[%get3A_1059, %get3A_1060] {strides = array<i32>} : memref<84x128xi32, #tpu.memory_space<vmem>>, vector<1x16xi32>,
      %get3A_1062 = vector.shape_cast %get3A_1061 : vector<1x16xi32> to vector<16xi32>
      %ge3A_1063 = vector.broadcast %mul3A_0 : i32 to vector<16xi32>
      %ge3A_1064 = arith.cmpi sge, %get3A_1062, %ge3A_1063 : vector<16xi32>
      %add3A_1065 = arith.constant 5120 : i32
      %add3A_1066 = arith.addi %mul3A_0, %add3A_1065 : i32
      %lt3A_1067 = vector.broadcast %add3A_1066 : i32 to vector<16xi32>
      %lt3A_1068 = arith.cmpi slt, %get3A_1062, %lt3A_1067 : vector<16xi32>
      %and3A_1069 = arith.andi %ge3A_1064, %lt3A_1068 : vector<16xi1>
      %sub3A_1070 = vector.broadcast %mul3A_0 : i32 to vector<16xi32>
      %sub3A_1071 = arith.subi %get3A_1062, %sub3A_1070 : vector<16xi32>
      %and3A_1072 = arith.constant 255 : i32
      %and3A_1073 = vector.broadcast %and3A_1072 : i32 to vector<16xi32>
      %and3A_1074 = arith.andi %get3A_1062, %and3A_1073 : vector<16xi32>
      %add3A_1075 = arith.constant 5120 : i32
      %add3A_1076 = vector.broadcast %add3A_1075 : i32 to vector<16xi32>
      %add3A_1077 = arith.addi %add3A_1076, %and3A_1074 : vector<16xi32>
      %select_n3A_1078 = arith.select %and3A_1069, %sub3A_1071, %add3A_1077 : vector<16xi1>, vector<16xi32>
      %swap3A_1079 = arith.index_cast %add3A_662 : i32 to index
      %swap3A_1080 = arith.constant 112 : index
      %swap3A_1081 = tpu.vector_load %arg10[%swap3A_1079, %swap3A_1080] {strides = array<i32>} : memref<84x128xi32, #tpu.memory_space<vmem>>, vector<1x16xi32>,
      %swap3A_1082 = vector.shape_cast %swap3A_1081 : vector<1x16xi32> to vector<16xi32>
      %swap3A_1083 = vector.shape_cast %select_n3A_1078 : vector<16xi32> to vector<1x16xi32>
      tpu.vector_store %arg10[%swap3A_1079, %swap3A_1080], %swap3A_1083 {strides = array<i32>} : memref<84x128xi32, #tpu.memory_space<vmem>>, vector<1x16xi32>,
      %get3A_1084 = arith.constant 1 : i32
      %get3A_1085 = arith.constant 0 : i32
      %get3A_1086 = arith.index_cast %get3A_1084 : i32 to index
      %get3A_1087 = arith.index_cast %get3A_1085 : i32 to index
      %get3A_1088 = arith.constant 112 : index
      %get3A_1089 = tpu.vector_load %arg8[%get3A_1086, %get3A_1087, %get3A_1088] {strides = array<i32>} : memref<2x2x128xf32, #tpu.memory_space<vmem>>, vector<1x1x16xf32>,
      %get3A_1090 = vector.shape_cast %get3A_1089 : vector<1x1x16xf32> to vector<16xf32>
      %get3A_1091 = arith.constant 1 : i32
      %get3A_1092 = arith.constant 1 : i32
      %get3A_1093 = arith.index_cast %get3A_1091 : i32 to index
      %get3A_1094 = arith.index_cast %get3A_1092 : i32 to index
      %get3A_1095 = arith.constant 112 : index
      %get3A_1096 = tpu.vector_load %arg8[%get3A_1093, %get3A_1094, %get3A_1095] {strides = array<i32>} : memref<2x2x128xf32, #tpu.memory_space<vmem>>, vector<1x1x16xf32>,
      %get3A_1097 = vector.shape_cast %get3A_1096 : vector<1x1x16xf32> to vector<16xf32>
      %add3A_1098 = arith.addf %get3A_1090, %get3A_1097 : vector<16xf32>
      %ge3A_1099 = arith.constant 0.000000e+00 : f32
      %ge3A_1100 = vector.broadcast %ge3A_1099 : f32 to vector<16xf32>
      %ge3A_1101 = arith.cmpf oge, %add3A_1098, %ge3A_1100 : vector<16xf32>
      %mul3A_1102 = arith.constant 2.000000e-01 : f32
      %mul3A_1103 = vector.broadcast %mul3A_1102 : f32 to vector<16xf32>
      %mul3A_1104 = arith.mulf %add3A_1098, %mul3A_1103 : vector<16xf32>
      %select_n3A_1105 = arith.select %ge3A_1101, %add3A_1098, %mul3A_1104 : vector<16xi1>, vector<16xf32>
      %exp3A_1106 = math.exp %select_n3A_1105 : vector<16xf32>
      %swap3A_1107 = arith.index_cast %add3A_662 : i32 to index
      %swap3A_1108 = arith.constant 112 : index
      %swap3A_1109 = tpu.vector_load %arg12[%swap3A_1107, %swap3A_1108] {strides = array<i32>} : memref<84x128xf32, #tpu.memory_space<vmem>>, vector<1x16xf32>,
      %swap3A_1110 = vector.shape_cast %swap3A_1109 : vector<1x16xf32> to vector<16xf32>
      %swap3A_1111 = vector.shape_cast %exp3A_1106 : vector<16xf32> to vector<1x16xf32>
      tpu.vector_store %arg12[%swap3A_1107, %swap3A_1108], %swap3A_1111 {strides = array<i32>} : memref<84x128xf32, #tpu.memory_space<vmem>>, vector<1x16xf32>,
      %dma_wait3A_1112 = arith.constant 0 : i32
      %dma_wait3A_1113 = tpu.memref_slice %arg12[%add3A_662, %dma_wait3A_1112] : memref<84x128xf32, #tpu.memory_space<vmem>> -> memref<1x128xf32, #tpu.memory_space<vmem>>
      %dma_wait3A_1114 = tpu.memref_squeeze %dma_wait3A_1113 : memref<1x128xf32, #tpu.memory_space<vmem>> -> memref<128xf32, #tpu.memory_space<vmem>>
      %dma_wait3A_1115 = arith.constant 0 : i32
      %dma_wait3A_1116 = tpu.memref_slice %arg10[%add3A_662, %dma_wait3A_1115] : memref<84x128xi32, #tpu.memory_space<vmem>> -> memref<1x128xi32, #tpu.memory_space<vmem>>
      %dma_wait3A_1117 = tpu.memref_squeeze %dma_wait3A_1116 : memref<1x128xi32, #tpu.memory_space<vmem>> -> memref<128xi32, #tpu.memory_space<vmem>>
      %dma_wait3A_1118 = arith.constant 0 : i32
      %dma_wait3A_1119 = tpu.memref_slice %arg18[%dma_wait3A_1118] : memref<5376xf32, #tpu.memory_space<vmem_shared>> -> memref<5376xf32, #tpu.memory_space<vmem_shared>>
      tpu.wait_indirect_dma semaphore(%arg22 : memref<!tpu.dma_semaphore, #tpu.memory_space<semaphore_mem>>) src(%dma_wait3A_1114 : memref<128xf32, #tpu.memory_space<vmem>>) dst(%dma_wait3A_1119 : memref<5376xf32, #tpu.memory_space<vmem_shared>>)
      %dma_start3A_1120 = arith.constant 0 : i32
      %dma_start3A_1121 = tpu.memref_slice %arg12[%add3A_662, %dma_start3A_1120] : memref<84x128xf32, #tpu.memory_space<vmem>> -> memref<1x128xf32, #tpu.memory_space<vmem>>
      %dma_start3A_1122 = tpu.memref_squeeze %dma_start3A_1121 : memref<1x128xf32, #tpu.memory_space<vmem>> -> memref<128xf32, #tpu.memory_space<vmem>>
      %dma_start3A_1123 = arith.constant 0 : i32
      %dma_start3A_1124 = tpu.memref_slice %arg10[%add3A_662, %dma_start3A_1123] : memref<84x128xi32, #tpu.memory_space<vmem>> -> memref<1x128xi32, #tpu.memory_space<vmem>>
      %dma_start3A_1125 = tpu.memref_squeeze %dma_start3A_1124 : memref<1x128xi32, #tpu.memory_space<vmem>> -> memref<128xi32, #tpu.memory_space<vmem>>
      %dma_start3A_1126 = arith.constant 0 : i32
      %dma_start3A_1127 = tpu.memref_slice %arg18[%dma_start3A_1126] : memref<5376xf32, #tpu.memory_space<vmem_shared>> -> memref<5376xf32, #tpu.memory_space<vmem_shared>>
      tpu.enqueue_indirect_dma source(%dma_start3A_1122 : memref<128xf32, #tpu.memory_space<vmem>>) target(%dma_start3A_1127 : memref<5376xf32, #tpu.memory_space<vmem_shared>>) offsets(%dma_start3A_1125 : memref<128xi32, #tpu.memory_space<vmem>>) semaphore(%arg22 : memref<!tpu.dma_semaphore, #tpu.memory_space<semaphore_mem>>) {add = true}
      %scan3A_1128 = arith.constant 0 : i32
      scf.yield %scan3A_1128 : i32
    }
    %scan3A_43 = arith.constant 42 : i32
    %dma_wait3A = arith.constant 0 : i32
    %dma_wait3A_44 = arith.constant 0 : i32
    %dma_wait3A_45 = arith.constant 0 : i32
    %dma_wait3A_46 = tpu.memref_slice %arg12[%dma_wait3A, %dma_wait3A_45] : memref<84x128xf32, #tpu.memory_space<vmem>> -> memref<1x128xf32, #tpu.memory_space<vmem>>
    %dma_wait3A_47 = tpu.memref_squeeze %dma_wait3A_46 : memref<1x128xf32, #tpu.memory_space<vmem>> -> memref<128xf32, #tpu.memory_space<vmem>>
    %dma_wait3A_48 = arith.constant 0 : i32
    %dma_wait3A_49 = tpu.memref_slice %arg10[%dma_wait3A_44, %dma_wait3A_48] : memref<84x128xi32, #tpu.memory_space<vmem>> -> memref<1x128xi32, #tpu.memory_space<vmem>>
    %dma_wait3A_50 = tpu.memref_squeeze %dma_wait3A_49 : memref<1x128xi32, #tpu.memory_space<vmem>> -> memref<128xi32, #tpu.memory_space<vmem>>
    %dma_wait3A_51 = arith.constant 0 : i32
    %dma_wait3A_52 = tpu.memref_slice %arg18[%dma_wait3A_51] : memref<5376xf32, #tpu.memory_space<vmem_shared>> -> memref<5376xf32, #tpu.memory_space<vmem_shared>>
    tpu.wait_indirect_dma semaphore(%arg22 : memref<!tpu.dma_semaphore, #tpu.memory_space<semaphore_mem>>) src(%dma_wait3A_47 : memref<128xf32, #tpu.memory_space<vmem>>) dst(%dma_wait3A_52 : memref<5376xf32, #tpu.memory_space<vmem_shared>>)
    %barrier3A_53 = arith.constant 0 : index
    tpu.barrier barrier_id(%barrier3A_53)
    %dma_start3A_54 = arith.constant 0 : i32
    %dma_start3A_55 = arith.constant 0 : i32
    %dma_start3A_56 = arith.constant 0 : i32
    %dma_start3A_57 = tpu.memref_slice %arg14[%dma_start3A_55, %dma_start3A_56] : memref<2x128xf32, #tpu.memory_space<vmem>> -> memref<1x128xf32, #tpu.memory_space<vmem>>
    %dma_start3A_58 = tpu.memref_squeeze %dma_start3A_57 : memref<1x128xf32, #tpu.memory_space<vmem>> -> memref<128xf32, #tpu.memory_space<vmem>>
    %dma_start3A_59 = arith.constant 0 : i32
    %dma_start3A_60 = tpu.memref_slice %arg10[%dma_start3A_54, %dma_start3A_59] : memref<84x128xi32, #tpu.memory_space<vmem>> -> memref<1x128xi32, #tpu.memory_space<vmem>>
    %dma_start3A_61 = tpu.memref_squeeze %dma_start3A_60 : memref<1x128xi32, #tpu.memory_space<vmem>> -> memref<128xi32, #tpu.memory_space<vmem>>
    %dma_start3A_62 = arith.constant 0 : i32
    %dma_start3A_63 = tpu.memref_slice %arg18[%dma_start3A_62] : memref<5376xf32, #tpu.memory_space<vmem_shared>> -> memref<5376xf32, #tpu.memory_space<vmem_shared>>
    tpu.enqueue_indirect_dma source(%dma_start3A_63 : memref<5376xf32, #tpu.memory_space<vmem_shared>>) target(%dma_start3A_58 : memref<128xf32, #tpu.memory_space<vmem>>) offsets(%dma_start3A_61 : memref<128xi32, #tpu.memory_space<vmem>>) semaphore(%arg20 : memref<!tpu.dma_semaphore, #tpu.memory_space<semaphore_mem>>)
    %scan3A_64 = arith.constant 0 : i32
    %scan3A_65 = arith.constant 0 : i32
    %scan3A_66 = arith.constant 42 : i32
    %scan3A_67 = arith.addi %scan3A_65, %scan3A_66 : i32
    %scan3A_68 = arith.constant 1 : i32
    %scan3A_69 = scf.for %scan3A_185 = %scan3A_65 to %scan3A_67 step %scan3A_68 iter_args(%scan3A_186 = %scan3A_64) -> (i32)  : i32 {
      %mul3A_187 = arith.constant 2 : i32
      %mul3A_188 = arith.muli %scan3A_185, %mul3A_187 : i32
      %add3A_189 = arith.constant 0 : i32
      %add3A_190 = arith.addi %mul3A_188, %add3A_189 : i32
      %add3A_191 = arith.constant 1 : i32
      %add3A_192 = arith.addi %add3A_190, %add3A_191 : i32
      %dma_start3A_193 = arith.constant 1 : i32
      %dma_start3A_194 = arith.constant 0 : i32
      %dma_start3A_195 = tpu.memref_slice %arg14[%dma_start3A_193, %dma_start3A_194] : memref<2x128xf32, #tpu.memory_space<vmem>> -> memref<1x128xf32, #tpu.memory_space<vmem>>
      %dma_start3A_196 = tpu.memref_squeeze %dma_start3A_195 : memref<1x128xf32, #tpu.memory_space<vmem>> -> memref<128xf32, #tpu.memory_space<vmem>>
      %dma_start3A_197 = arith.constant 0 : i32
      %dma_start3A_198 = tpu.memref_slice %arg10[%add3A_192, %dma_start3A_197] : memref<84x128xi32, #tpu.memory_space<vmem>> -> memref<1x128xi32, #tpu.memory_space<vmem>>
      %dma_start3A_199 = tpu.memref_squeeze %dma_start3A_198 : memref<1x128xi32, #tpu.memory_space<vmem>> -> memref<128xi32, #tpu.memory_space<vmem>>
      %dma_start3A_200 = arith.constant 0 : i32
      %dma_start3A_201 = tpu.memref_slice %arg18[%dma_start3A_200] : memref<5376xf32, #tpu.memory_space<vmem_shared>> -> memref<5376xf32, #tpu.memory_space<vmem_shared>>
      tpu.enqueue_indirect_dma source(%dma_start3A_201 : memref<5376xf32, #tpu.memory_space<vmem_shared>>) target(%dma_start3A_196 : memref<128xf32, #tpu.memory_space<vmem>>) offsets(%dma_start3A_199 : memref<128xi32, #tpu.memory_space<vmem>>) semaphore(%arg21 : memref<!tpu.dma_semaphore, #tpu.memory_space<semaphore_mem>>)
      %dma_wait3A_202 = arith.constant 0 : i32
      %dma_wait3A_203 = arith.constant 0 : i32
      %dma_wait3A_204 = tpu.memref_slice %arg14[%dma_wait3A_202, %dma_wait3A_203] : memref<2x128xf32, #tpu.memory_space<vmem>> -> memref<1x128xf32, #tpu.memory_space<vmem>>
      %dma_wait3A_205 = tpu.memref_squeeze %dma_wait3A_204 : memref<1x128xf32, #tpu.memory_space<vmem>> -> memref<128xf32, #tpu.memory_space<vmem>>
      %dma_wait3A_206 = arith.constant 0 : i32
      %dma_wait3A_207 = tpu.memref_slice %arg10[%add3A_190, %dma_wait3A_206] : memref<84x128xi32, #tpu.memory_space<vmem>> -> memref<1x128xi32, #tpu.memory_space<vmem>>
      %dma_wait3A_208 = tpu.memref_squeeze %dma_wait3A_207 : memref<1x128xi32, #tpu.memory_space<vmem>> -> memref<128xi32, #tpu.memory_space<vmem>>
      %dma_wait3A_209 = arith.constant 0 : i32
      %dma_wait3A_210 = tpu.memref_slice %arg18[%dma_wait3A_209] : memref<5376xf32, #tpu.memory_space<vmem_shared>> -> memref<5376xf32, #tpu.memory_space<vmem_shared>>
      tpu.wait_indirect_dma semaphore(%arg20 : memref<!tpu.dma_semaphore, #tpu.memory_space<semaphore_mem>>) src(%dma_wait3A_210 : memref<5376xf32, #tpu.memory_space<vmem_shared>>) dst(%dma_wait3A_205 : memref<128xf32, #tpu.memory_space<vmem>>)
      %get3A = arith.index_cast %add3A_190 : i32 to index
      %get3A_211 = arith.constant 0 : index
      %get3A_212 = tpu.vector_load %arg12[%get3A, %get3A_211] {strides = array<i32>} : memref<84x128xf32, #tpu.memory_space<vmem>>, vector<1x16xf32>,
      %get3A_213 = vector.shape_cast %get3A_212 : vector<1x16xf32> to vector<16xf32>
      %get3A_214 = arith.constant 0 : i32
      %get3A_215 = arith.index_cast %get3A_214 : i32 to index
      %get3A_216 = arith.constant 0 : index
      %get3A_217 = tpu.vector_load %arg14[%get3A_215, %get3A_216] {strides = array<i32>} : memref<2x128xf32, #tpu.memory_space<vmem>>, vector<1x16xf32>,
      %get3A_218 = vector.shape_cast %get3A_217 : vector<1x16xf32> to vector<16xf32>
      %add3A_219 = arith.constant 1.000000e-16 : f32
      %add3A_220 = vector.broadcast %add3A_219 : f32 to vector<16xf32>
      %add3A_221 = arith.addf %get3A_218, %add3A_220 : vector<16xf32>
      %div3A = arith.divf %get3A_213, %add3A_221 : vector<16xf32>
      %swap3A = arith.index_cast %add3A_190 : i32 to index
      %swap3A_222 = arith.constant 0 : index
      %swap3A_223 = tpu.vector_load %arg12[%swap3A, %swap3A_222] {strides = array<i32>} : memref<84x128xf32, #tpu.memory_space<vmem>>, vector<1x16xf32>,
      %swap3A_224 = vector.shape_cast %swap3A_223 : vector<1x16xf32> to vector<16xf32>
      %swap3A_225 = vector.shape_cast %div3A : vector<16xf32> to vector<1x16xf32>
      tpu.vector_store %arg12[%swap3A, %swap3A_222], %swap3A_225 {strides = array<i32>} : memref<84x128xf32, #tpu.memory_space<vmem>>, vector<1x16xf32>,
      %get3A_226 = arith.index_cast %add3A_190 : i32 to index
      %get3A_227 = arith.constant 16 : index
      %get3A_228 = tpu.vector_load %arg12[%get3A_226, %get3A_227] {strides = array<i32>} : memref<84x128xf32, #tpu.memory_space<vmem>>, vector<1x16xf32>,
      %get3A_229 = vector.shape_cast %get3A_228 : vector<1x16xf32> to vector<16xf32>
      %get3A_230 = arith.constant 0 : i32
      %get3A_231 = arith.index_cast %get3A_230 : i32 to index
      %get3A_232 = arith.constant 16 : index
      %get3A_233 = tpu.vector_load %arg14[%get3A_231, %get3A_232] {strides = array<i32>} : memref<2x128xf32, #tpu.memory_space<vmem>>, vector<1x16xf32>,
      %get3A_234 = vector.shape_cast %get3A_233 : vector<1x16xf32> to vector<16xf32>
      %add3A_235 = arith.constant 1.000000e-16 : f32
      %add3A_236 = vector.broadcast %add3A_235 : f32 to vector<16xf32>
      %add3A_237 = arith.addf %get3A_234, %add3A_236 : vector<16xf32>
      %div3A_238 = arith.divf %get3A_229, %add3A_237 : vector<16xf32>
      %swap3A_239 = arith.index_cast %add3A_190 : i32 to index
      %swap3A_240 = arith.constant 16 : index
      %swap3A_241 = tpu.vector_load %arg12[%swap3A_239, %swap3A_240] {strides = array<i32>} : memref<84x128xf32, #tpu.memory_space<vmem>>, vector<1x16xf32>,
      %swap3A_242 = vector.shape_cast %swap3A_241 : vector<1x16xf32> to vector<16xf32>
      %swap3A_243 = vector.shape_cast %div3A_238 : vector<16xf32> to vector<1x16xf32>
      tpu.vector_store %arg12[%swap3A_239, %swap3A_240], %swap3A_243 {strides = array<i32>} : memref<84x128xf32, #tpu.memory_space<vmem>>, vector<1x16xf32>,
      %get3A_244 = arith.index_cast %add3A_190 : i32 to index
      %get3A_245 = arith.constant 32 : index
      %get3A_246 = tpu.vector_load %arg12[%get3A_244, %get3A_245] {strides = array<i32>} : memref<84x128xf32, #tpu.memory_space<vmem>>, vector<1x16xf32>,
      %get3A_247 = vector.shape_cast %get3A_246 : vector<1x16xf32> to vector<16xf32>
      %get3A_248 = arith.constant 0 : i32
      %get3A_249 = arith.index_cast %get3A_248 : i32 to index
      %get3A_250 = arith.constant 32 : index
      %get3A_251 = tpu.vector_load %arg14[%get3A_249, %get3A_250] {strides = array<i32>} : memref<2x128xf32, #tpu.memory_space<vmem>>, vector<1x16xf32>,
      %get3A_252 = vector.shape_cast %get3A_251 : vector<1x16xf32> to vector<16xf32>
      %add3A_253 = arith.constant 1.000000e-16 : f32
      %add3A_254 = vector.broadcast %add3A_253 : f32 to vector<16xf32>
      %add3A_255 = arith.addf %get3A_252, %add3A_254 : vector<16xf32>
      %div3A_256 = arith.divf %get3A_247, %add3A_255 : vector<16xf32>
      %swap3A_257 = arith.index_cast %add3A_190 : i32 to index
      %swap3A_258 = arith.constant 32 : index
      %swap3A_259 = tpu.vector_load %arg12[%swap3A_257, %swap3A_258] {strides = array<i32>} : memref<84x128xf32, #tpu.memory_space<vmem>>, vector<1x16xf32>,
      %swap3A_260 = vector.shape_cast %swap3A_259 : vector<1x16xf32> to vector<16xf32>
      %swap3A_261 = vector.shape_cast %div3A_256 : vector<16xf32> to vector<1x16xf32>
      tpu.vector_store %arg12[%swap3A_257, %swap3A_258], %swap3A_261 {strides = array<i32>} : memref<84x128xf32, #tpu.memory_space<vmem>>, vector<1x16xf32>,
      %get3A_262 = arith.index_cast %add3A_190 : i32 to index
      %get3A_263 = arith.constant 48 : index
      %get3A_264 = tpu.vector_load %arg12[%get3A_262, %get3A_263] {strides = array<i32>} : memref<84x128xf32, #tpu.memory_space<vmem>>, vector<1x16xf32>,
      %get3A_265 = vector.shape_cast %get3A_264 : vector<1x16xf32> to vector<16xf32>
      %get3A_266 = arith.constant 0 : i32
      %get3A_267 = arith.index_cast %get3A_266 : i32 to index
      %get3A_268 = arith.constant 48 : index
      %get3A_269 = tpu.vector_load %arg14[%get3A_267, %get3A_268] {strides = array<i32>} : memref<2x128xf32, #tpu.memory_space<vmem>>, vector<1x16xf32>,
      %get3A_270 = vector.shape_cast %get3A_269 : vector<1x16xf32> to vector<16xf32>
      %add3A_271 = arith.constant 1.000000e-16 : f32
      %add3A_272 = vector.broadcast %add3A_271 : f32 to vector<16xf32>
      %add3A_273 = arith.addf %get3A_270, %add3A_272 : vector<16xf32>
      %div3A_274 = arith.divf %get3A_265, %add3A_273 : vector<16xf32>
      %swap3A_275 = arith.index_cast %add3A_190 : i32 to index
      %swap3A_276 = arith.constant 48 : index
      %swap3A_277 = tpu.vector_load %arg12[%swap3A_275, %swap3A_276] {strides = array<i32>} : memref<84x128xf32, #tpu.memory_space<vmem>>, vector<1x16xf32>,
      %swap3A_278 = vector.shape_cast %swap3A_277 : vector<1x16xf32> to vector<16xf32>
      %swap3A_279 = vector.shape_cast %div3A_274 : vector<16xf32> to vector<1x16xf32>
      tpu.vector_store %arg12[%swap3A_275, %swap3A_276], %swap3A_279 {strides = array<i32>} : memref<84x128xf32, #tpu.memory_space<vmem>>, vector<1x16xf32>,
      %get3A_280 = arith.index_cast %add3A_190 : i32 to index
      %get3A_281 = arith.constant 64 : index
      %get3A_282 = tpu.vector_load %arg12[%get3A_280, %get3A_281] {strides = array<i32>} : memref<84x128xf32, #tpu.memory_space<vmem>>, vector<1x16xf32>,
      %get3A_283 = vector.shape_cast %get3A_282 : vector<1x16xf32> to vector<16xf32>
      %get3A_284 = arith.constant 0 : i32
      %get3A_285 = arith.index_cast %get3A_284 : i32 to index
      %get3A_286 = arith.constant 64 : index
      %get3A_287 = tpu.vector_load %arg14[%get3A_285, %get3A_286] {strides = array<i32>} : memref<2x128xf32, #tpu.memory_space<vmem>>, vector<1x16xf32>,
      %get3A_288 = vector.shape_cast %get3A_287 : vector<1x16xf32> to vector<16xf32>
      %add3A_289 = arith.constant 1.000000e-16 : f32
      %add3A_290 = vector.broadcast %add3A_289 : f32 to vector<16xf32>
      %add3A_291 = arith.addf %get3A_288, %add3A_290 : vector<16xf32>
      %div3A_292 = arith.divf %get3A_283, %add3A_291 : vector<16xf32>
      %swap3A_293 = arith.index_cast %add3A_190 : i32 to index
      %swap3A_294 = arith.constant 64 : index
      %swap3A_295 = tpu.vector_load %arg12[%swap3A_293, %swap3A_294] {strides = array<i32>} : memref<84x128xf32, #tpu.memory_space<vmem>>, vector<1x16xf32>,
      %swap3A_296 = vector.shape_cast %swap3A_295 : vector<1x16xf32> to vector<16xf32>
      %swap3A_297 = vector.shape_cast %div3A_292 : vector<16xf32> to vector<1x16xf32>
      tpu.vector_store %arg12[%swap3A_293, %swap3A_294], %swap3A_297 {strides = array<i32>} : memref<84x128xf32, #tpu.memory_space<vmem>>, vector<1x16xf32>,
      %get3A_298 = arith.index_cast %add3A_190 : i32 to index
      %get3A_299 = arith.constant 80 : index
      %get3A_300 = tpu.vector_load %arg12[%get3A_298, %get3A_299] {strides = array<i32>} : memref<84x128xf32, #tpu.memory_space<vmem>>, vector<1x16xf32>,
      %get3A_301 = vector.shape_cast %get3A_300 : vector<1x16xf32> to vector<16xf32>
      %get3A_302 = arith.constant 0 : i32
      %get3A_303 = arith.index_cast %get3A_302 : i32 to index
      %get3A_304 = arith.constant 80 : index
      %get3A_305 = tpu.vector_load %arg14[%get3A_303, %get3A_304] {strides = array<i32>} : memref<2x128xf32, #tpu.memory_space<vmem>>, vector<1x16xf32>,
      %get3A_306 = vector.shape_cast %get3A_305 : vector<1x16xf32> to vector<16xf32>
      %add3A_307 = arith.constant 1.000000e-16 : f32
      %add3A_308 = vector.broadcast %add3A_307 : f32 to vector<16xf32>
      %add3A_309 = arith.addf %get3A_306, %add3A_308 : vector<16xf32>
      %div3A_310 = arith.divf %get3A_301, %add3A_309 : vector<16xf32>
      %swap3A_311 = arith.index_cast %add3A_190 : i32 to index
      %swap3A_312 = arith.constant 80 : index
      %swap3A_313 = tpu.vector_load %arg12[%swap3A_311, %swap3A_312] {strides = array<i32>} : memref<84x128xf32, #tpu.memory_space<vmem>>, vector<1x16xf32>,
      %swap3A_314 = vector.shape_cast %swap3A_313 : vector<1x16xf32> to vector<16xf32>
      %swap3A_315 = vector.shape_cast %div3A_310 : vector<16xf32> to vector<1x16xf32>
      tpu.vector_store %arg12[%swap3A_311, %swap3A_312], %swap3A_315 {strides = array<i32>} : memref<84x128xf32, #tpu.memory_space<vmem>>, vector<1x16xf32>,
      %get3A_316 = arith.index_cast %add3A_190 : i32 to index
      %get3A_317 = arith.constant 96 : index
      %get3A_318 = tpu.vector_load %arg12[%get3A_316, %get3A_317] {strides = array<i32>} : memref<84x128xf32, #tpu.memory_space<vmem>>, vector<1x16xf32>,
      %get3A_319 = vector.shape_cast %get3A_318 : vector<1x16xf32> to vector<16xf32>
      %get3A_320 = arith.constant 0 : i32
      %get3A_321 = arith.index_cast %get3A_320 : i32 to index
      %get3A_322 = arith.constant 96 : index
      %get3A_323 = tpu.vector_load %arg14[%get3A_321, %get3A_322] {strides = array<i32>} : memref<2x128xf32, #tpu.memory_space<vmem>>, vector<1x16xf32>,
      %get3A_324 = vector.shape_cast %get3A_323 : vector<1x16xf32> to vector<16xf32>
      %add3A_325 = arith.constant 1.000000e-16 : f32
      %add3A_326 = vector.broadcast %add3A_325 : f32 to vector<16xf32>
      %add3A_327 = arith.addf %get3A_324, %add3A_326 : vector<16xf32>
      %div3A_328 = arith.divf %get3A_319, %add3A_327 : vector<16xf32>
      %swap3A_329 = arith.index_cast %add3A_190 : i32 to index
      %swap3A_330 = arith.constant 96 : index
      %swap3A_331 = tpu.vector_load %arg12[%swap3A_329, %swap3A_330] {strides = array<i32>} : memref<84x128xf32, #tpu.memory_space<vmem>>, vector<1x16xf32>,
      %swap3A_332 = vector.shape_cast %swap3A_331 : vector<1x16xf32> to vector<16xf32>
      %swap3A_333 = vector.shape_cast %div3A_328 : vector<16xf32> to vector<1x16xf32>
      tpu.vector_store %arg12[%swap3A_329, %swap3A_330], %swap3A_333 {strides = array<i32>} : memref<84x128xf32, #tpu.memory_space<vmem>>, vector<1x16xf32>,
      %get3A_334 = arith.index_cast %add3A_190 : i32 to index
      %get3A_335 = arith.constant 112 : index
      %get3A_336 = tpu.vector_load %arg12[%get3A_334, %get3A_335] {strides = array<i32>} : memref<84x128xf32, #tpu.memory_space<vmem>>, vector<1x16xf32>,
      %get3A_337 = vector.shape_cast %get3A_336 : vector<1x16xf32> to vector<16xf32>
      %get3A_338 = arith.constant 0 : i32
      %get3A_339 = arith.index_cast %get3A_338 : i32 to index
      %get3A_340 = arith.constant 112 : index
      %get3A_341 = tpu.vector_load %arg14[%get3A_339, %get3A_340] {strides = array<i32>} : memref<2x128xf32, #tpu.memory_space<vmem>>, vector<1x16xf32>,
      %get3A_342 = vector.shape_cast %get3A_341 : vector<1x16xf32> to vector<16xf32>
      %add3A_343 = arith.constant 1.000000e-16 : f32
      %add3A_344 = vector.broadcast %add3A_343 : f32 to vector<16xf32>
      %add3A_345 = arith.addf %get3A_342, %add3A_344 : vector<16xf32>
      %div3A_346 = arith.divf %get3A_337, %add3A_345 : vector<16xf32>
      %swap3A_347 = arith.index_cast %add3A_190 : i32 to index
      %swap3A_348 = arith.constant 112 : index
      %swap3A_349 = tpu.vector_load %arg12[%swap3A_347, %swap3A_348] {strides = array<i32>} : memref<84x128xf32, #tpu.memory_space<vmem>>, vector<1x16xf32>,
      %swap3A_350 = vector.shape_cast %swap3A_349 : vector<1x16xf32> to vector<16xf32>
      %swap3A_351 = vector.shape_cast %div3A_346 : vector<16xf32> to vector<1x16xf32>
      tpu.vector_store %arg12[%swap3A_347, %swap3A_348], %swap3A_351 {strides = array<i32>} : memref<84x128xf32, #tpu.memory_space<vmem>>, vector<1x16xf32>,
      %mul3A_352 = arith.constant 2 : i32
      %mul3A_353 = arith.muli %scan3A_185, %mul3A_352 : i32
      %add3A_354 = arith.constant 1 : i32
      %add3A_355 = arith.addi %mul3A_353, %add3A_354 : i32
      %lt3A = arith.constant 41 : i32
      %lt3A_356 = arith.cmpi slt, %scan3A_185, %lt3A : i32
      %convert_element_type3A = arith.extui %lt3A_356 : i1 to i32
      %cond3A = arith.constant 0 : i32
      %cond3A_357 = arith.cmpi ne, %convert_element_type3A, %cond3A : i32
      scf.if %cond3A_357 {
        %add3A_512 = arith.constant 1 : i32
        %add3A_513 = arith.addi %add3A_355, %add3A_512 : i32
        %dma_start3A_514 = arith.constant 0 : i32
        %dma_start3A_515 = arith.constant 0 : i32
        %dma_start3A_516 = tpu.memref_slice %arg14[%dma_start3A_514, %dma_start3A_515] : memref<2x128xf32, #tpu.memory_space<vmem>> -> memref<1x128xf32, #tpu.memory_space<vmem>>
        %dma_start3A_517 = tpu.memref_squeeze %dma_start3A_516 : memref<1x128xf32, #tpu.memory_space<vmem>> -> memref<128xf32, #tpu.memory_space<vmem>>
        %dma_start3A_518 = arith.constant 0 : i32
        %dma_start3A_519 = tpu.memref_slice %arg10[%add3A_513, %dma_start3A_518] : memref<84x128xi32, #tpu.memory_space<vmem>> -> memref<1x128xi32, #tpu.memory_space<vmem>>
        %dma_start3A_520 = tpu.memref_squeeze %dma_start3A_519 : memref<1x128xi32, #tpu.memory_space<vmem>> -> memref<128xi32, #tpu.memory_space<vmem>>
        %dma_start3A_521 = arith.constant 0 : i32
        %dma_start3A_522 = tpu.memref_slice %arg18[%dma_start3A_521] : memref<5376xf32, #tpu.memory_space<vmem_shared>> -> memref<5376xf32, #tpu.memory_space<vmem_shared>>
        tpu.enqueue_indirect_dma source(%dma_start3A_522 : memref<5376xf32, #tpu.memory_space<vmem_shared>>) target(%dma_start3A_517 : memref<128xf32, #tpu.memory_space<vmem>>) offsets(%dma_start3A_520 : memref<128xi32, #tpu.memory_space<vmem>>) semaphore(%arg20 : memref<!tpu.dma_semaphore, #tpu.memory_space<semaphore_mem>>)
      } else {
      }
      %dma_wait3A_358 = arith.constant 1 : i32
      %dma_wait3A_359 = arith.constant 0 : i32
      %dma_wait3A_360 = tpu.memref_slice %arg14[%dma_wait3A_358, %dma_wait3A_359] : memref<2x128xf32, #tpu.memory_space<vmem>> -> memref<1x128xf32, #tpu.memory_space<vmem>>
      %dma_wait3A_361 = tpu.memref_squeeze %dma_wait3A_360 : memref<1x128xf32, #tpu.memory_space<vmem>> -> memref<128xf32, #tpu.memory_space<vmem>>
      %dma_wait3A_362 = arith.constant 0 : i32
      %dma_wait3A_363 = tpu.memref_slice %arg10[%add3A_355, %dma_wait3A_362] : memref<84x128xi32, #tpu.memory_space<vmem>> -> memref<1x128xi32, #tpu.memory_space<vmem>>
      %dma_wait3A_364 = tpu.memref_squeeze %dma_wait3A_363 : memref<1x128xi32, #tpu.memory_space<vmem>> -> memref<128xi32, #tpu.memory_space<vmem>>
      %dma_wait3A_365 = arith.constant 0 : i32
      %dma_wait3A_366 = tpu.memref_slice %arg18[%dma_wait3A_365] : memref<5376xf32, #tpu.memory_space<vmem_shared>> -> memref<5376xf32, #tpu.memory_space<vmem_shared>>
      tpu.wait_indirect_dma semaphore(%arg21 : memref<!tpu.dma_semaphore, #tpu.memory_space<semaphore_mem>>) src(%dma_wait3A_366 : memref<5376xf32, #tpu.memory_space<vmem_shared>>) dst(%dma_wait3A_361 : memref<128xf32, #tpu.memory_space<vmem>>)
      %get3A_367 = arith.index_cast %add3A_355 : i32 to index
      %get3A_368 = arith.constant 0 : index
      %get3A_369 = tpu.vector_load %arg12[%get3A_367, %get3A_368] {strides = array<i32>} : memref<84x128xf32, #tpu.memory_space<vmem>>, vector<1x16xf32>,
      %get3A_370 = vector.shape_cast %get3A_369 : vector<1x16xf32> to vector<16xf32>
      %get3A_371 = arith.constant 1 : i32
      %get3A_372 = arith.index_cast %get3A_371 : i32 to index
      %get3A_373 = arith.constant 0 : index
      %get3A_374 = tpu.vector_load %arg14[%get3A_372, %get3A_373] {strides = array<i32>} : memref<2x128xf32, #tpu.memory_space<vmem>>, vector<1x16xf32>,
      %get3A_375 = vector.shape_cast %get3A_374 : vector<1x16xf32> to vector<16xf32>
      %add3A_376 = arith.constant 1.000000e-16 : f32
      %add3A_377 = vector.broadcast %add3A_376 : f32 to vector<16xf32>
      %add3A_378 = arith.addf %get3A_375, %add3A_377 : vector<16xf32>
      %div3A_379 = arith.divf %get3A_370, %add3A_378 : vector<16xf32>
      %swap3A_380 = arith.index_cast %add3A_355 : i32 to index
      %swap3A_381 = arith.constant 0 : index
      %swap3A_382 = tpu.vector_load %arg12[%swap3A_380, %swap3A_381] {strides = array<i32>} : memref<84x128xf32, #tpu.memory_space<vmem>>, vector<1x16xf32>,
      %swap3A_383 = vector.shape_cast %swap3A_382 : vector<1x16xf32> to vector<16xf32>
      %swap3A_384 = vector.shape_cast %div3A_379 : vector<16xf32> to vector<1x16xf32>
      tpu.vector_store %arg12[%swap3A_380, %swap3A_381], %swap3A_384 {strides = array<i32>} : memref<84x128xf32, #tpu.memory_space<vmem>>, vector<1x16xf32>,
      %get3A_385 = arith.index_cast %add3A_355 : i32 to index
      %get3A_386 = arith.constant 16 : index
      %get3A_387 = tpu.vector_load %arg12[%get3A_385, %get3A_386] {strides = array<i32>} : memref<84x128xf32, #tpu.memory_space<vmem>>, vector<1x16xf32>,
      %get3A_388 = vector.shape_cast %get3A_387 : vector<1x16xf32> to vector<16xf32>
      %get3A_389 = arith.constant 1 : i32
      %get3A_390 = arith.index_cast %get3A_389 : i32 to index
      %get3A_391 = arith.constant 16 : index
      %get3A_392 = tpu.vector_load %arg14[%get3A_390, %get3A_391] {strides = array<i32>} : memref<2x128xf32, #tpu.memory_space<vmem>>, vector<1x16xf32>,
      %get3A_393 = vector.shape_cast %get3A_392 : vector<1x16xf32> to vector<16xf32>
      %add3A_394 = arith.constant 1.000000e-16 : f32
      %add3A_395 = vector.broadcast %add3A_394 : f32 to vector<16xf32>
      %add3A_396 = arith.addf %get3A_393, %add3A_395 : vector<16xf32>
      %div3A_397 = arith.divf %get3A_388, %add3A_396 : vector<16xf32>
      %swap3A_398 = arith.index_cast %add3A_355 : i32 to index
      %swap3A_399 = arith.constant 16 : index
      %swap3A_400 = tpu.vector_load %arg12[%swap3A_398, %swap3A_399] {strides = array<i32>} : memref<84x128xf32, #tpu.memory_space<vmem>>, vector<1x16xf32>,
      %swap3A_401 = vector.shape_cast %swap3A_400 : vector<1x16xf32> to vector<16xf32>
      %swap3A_402 = vector.shape_cast %div3A_397 : vector<16xf32> to vector<1x16xf32>
      tpu.vector_store %arg12[%swap3A_398, %swap3A_399], %swap3A_402 {strides = array<i32>} : memref<84x128xf32, #tpu.memory_space<vmem>>, vector<1x16xf32>,
      %get3A_403 = arith.index_cast %add3A_355 : i32 to index
      %get3A_404 = arith.constant 32 : index
      %get3A_405 = tpu.vector_load %arg12[%get3A_403, %get3A_404] {strides = array<i32>} : memref<84x128xf32, #tpu.memory_space<vmem>>, vector<1x16xf32>,
      %get3A_406 = vector.shape_cast %get3A_405 : vector<1x16xf32> to vector<16xf32>
      %get3A_407 = arith.constant 1 : i32
      %get3A_408 = arith.index_cast %get3A_407 : i32 to index
      %get3A_409 = arith.constant 32 : index
      %get3A_410 = tpu.vector_load %arg14[%get3A_408, %get3A_409] {strides = array<i32>} : memref<2x128xf32, #tpu.memory_space<vmem>>, vector<1x16xf32>,
      %get3A_411 = vector.shape_cast %get3A_410 : vector<1x16xf32> to vector<16xf32>
      %add3A_412 = arith.constant 1.000000e-16 : f32
      %add3A_413 = vector.broadcast %add3A_412 : f32 to vector<16xf32>
      %add3A_414 = arith.addf %get3A_411, %add3A_413 : vector<16xf32>
      %div3A_415 = arith.divf %get3A_406, %add3A_414 : vector<16xf32>
      %swap3A_416 = arith.index_cast %add3A_355 : i32 to index
      %swap3A_417 = arith.constant 32 : index
      %swap3A_418 = tpu.vector_load %arg12[%swap3A_416, %swap3A_417] {strides = array<i32>} : memref<84x128xf32, #tpu.memory_space<vmem>>, vector<1x16xf32>,
      %swap3A_419 = vector.shape_cast %swap3A_418 : vector<1x16xf32> to vector<16xf32>
      %swap3A_420 = vector.shape_cast %div3A_415 : vector<16xf32> to vector<1x16xf32>
      tpu.vector_store %arg12[%swap3A_416, %swap3A_417], %swap3A_420 {strides = array<i32>} : memref<84x128xf32, #tpu.memory_space<vmem>>, vector<1x16xf32>,
      %get3A_421 = arith.index_cast %add3A_355 : i32 to index
      %get3A_422 = arith.constant 48 : index
      %get3A_423 = tpu.vector_load %arg12[%get3A_421, %get3A_422] {strides = array<i32>} : memref<84x128xf32, #tpu.memory_space<vmem>>, vector<1x16xf32>,
      %get3A_424 = vector.shape_cast %get3A_423 : vector<1x16xf32> to vector<16xf32>
      %get3A_425 = arith.constant 1 : i32
      %get3A_426 = arith.index_cast %get3A_425 : i32 to index
      %get3A_427 = arith.constant 48 : index
      %get3A_428 = tpu.vector_load %arg14[%get3A_426, %get3A_427] {strides = array<i32>} : memref<2x128xf32, #tpu.memory_space<vmem>>, vector<1x16xf32>,
      %get3A_429 = vector.shape_cast %get3A_428 : vector<1x16xf32> to vector<16xf32>
      %add3A_430 = arith.constant 1.000000e-16 : f32
      %add3A_431 = vector.broadcast %add3A_430 : f32 to vector<16xf32>
      %add3A_432 = arith.addf %get3A_429, %add3A_431 : vector<16xf32>
      %div3A_433 = arith.divf %get3A_424, %add3A_432 : vector<16xf32>
      %swap3A_434 = arith.index_cast %add3A_355 : i32 to index
      %swap3A_435 = arith.constant 48 : index
      %swap3A_436 = tpu.vector_load %arg12[%swap3A_434, %swap3A_435] {strides = array<i32>} : memref<84x128xf32, #tpu.memory_space<vmem>>, vector<1x16xf32>,
      %swap3A_437 = vector.shape_cast %swap3A_436 : vector<1x16xf32> to vector<16xf32>
      %swap3A_438 = vector.shape_cast %div3A_433 : vector<16xf32> to vector<1x16xf32>
      tpu.vector_store %arg12[%swap3A_434, %swap3A_435], %swap3A_438 {strides = array<i32>} : memref<84x128xf32, #tpu.memory_space<vmem>>, vector<1x16xf32>,
      %get3A_439 = arith.index_cast %add3A_355 : i32 to index
      %get3A_440 = arith.constant 64 : index
      %get3A_441 = tpu.vector_load %arg12[%get3A_439, %get3A_440] {strides = array<i32>} : memref<84x128xf32, #tpu.memory_space<vmem>>, vector<1x16xf32>,
      %get3A_442 = vector.shape_cast %get3A_441 : vector<1x16xf32> to vector<16xf32>
      %get3A_443 = arith.constant 1 : i32
      %get3A_444 = arith.index_cast %get3A_443 : i32 to index
      %get3A_445 = arith.constant 64 : index
      %get3A_446 = tpu.vector_load %arg14[%get3A_444, %get3A_445] {strides = array<i32>} : memref<2x128xf32, #tpu.memory_space<vmem>>, vector<1x16xf32>,
      %get3A_447 = vector.shape_cast %get3A_446 : vector<1x16xf32> to vector<16xf32>
      %add3A_448 = arith.constant 1.000000e-16 : f32
      %add3A_449 = vector.broadcast %add3A_448 : f32 to vector<16xf32>
      %add3A_450 = arith.addf %get3A_447, %add3A_449 : vector<16xf32>
      %div3A_451 = arith.divf %get3A_442, %add3A_450 : vector<16xf32>
      %swap3A_452 = arith.index_cast %add3A_355 : i32 to index
      %swap3A_453 = arith.constant 64 : index
      %swap3A_454 = tpu.vector_load %arg12[%swap3A_452, %swap3A_453] {strides = array<i32>} : memref<84x128xf32, #tpu.memory_space<vmem>>, vector<1x16xf32>,
      %swap3A_455 = vector.shape_cast %swap3A_454 : vector<1x16xf32> to vector<16xf32>
      %swap3A_456 = vector.shape_cast %div3A_451 : vector<16xf32> to vector<1x16xf32>
      tpu.vector_store %arg12[%swap3A_452, %swap3A_453], %swap3A_456 {strides = array<i32>} : memref<84x128xf32, #tpu.memory_space<vmem>>, vector<1x16xf32>,
      %get3A_457 = arith.index_cast %add3A_355 : i32 to index
      %get3A_458 = arith.constant 80 : index
      %get3A_459 = tpu.vector_load %arg12[%get3A_457, %get3A_458] {strides = array<i32>} : memref<84x128xf32, #tpu.memory_space<vmem>>, vector<1x16xf32>,
      %get3A_460 = vector.shape_cast %get3A_459 : vector<1x16xf32> to vector<16xf32>
      %get3A_461 = arith.constant 1 : i32
      %get3A_462 = arith.index_cast %get3A_461 : i32 to index
      %get3A_463 = arith.constant 80 : index
      %get3A_464 = tpu.vector_load %arg14[%get3A_462, %get3A_463] {strides = array<i32>} : memref<2x128xf32, #tpu.memory_space<vmem>>, vector<1x16xf32>,
      %get3A_465 = vector.shape_cast %get3A_464 : vector<1x16xf32> to vector<16xf32>
      %add3A_466 = arith.constant 1.000000e-16 : f32
      %add3A_467 = vector.broadcast %add3A_466 : f32 to vector<16xf32>
      %add3A_468 = arith.addf %get3A_465, %add3A_467 : vector<16xf32>
      %div3A_469 = arith.divf %get3A_460, %add3A_468 : vector<16xf32>
      %swap3A_470 = arith.index_cast %add3A_355 : i32 to index
      %swap3A_471 = arith.constant 80 : index
      %swap3A_472 = tpu.vector_load %arg12[%swap3A_470, %swap3A_471] {strides = array<i32>} : memref<84x128xf32, #tpu.memory_space<vmem>>, vector<1x16xf32>,
      %swap3A_473 = vector.shape_cast %swap3A_472 : vector<1x16xf32> to vector<16xf32>
      %swap3A_474 = vector.shape_cast %div3A_469 : vector<16xf32> to vector<1x16xf32>
      tpu.vector_store %arg12[%swap3A_470, %swap3A_471], %swap3A_474 {strides = array<i32>} : memref<84x128xf32, #tpu.memory_space<vmem>>, vector<1x16xf32>,
      %get3A_475 = arith.index_cast %add3A_355 : i32 to index
      %get3A_476 = arith.constant 96 : index
      %get3A_477 = tpu.vector_load %arg12[%get3A_475, %get3A_476] {strides = array<i32>} : memref<84x128xf32, #tpu.memory_space<vmem>>, vector<1x16xf32>,
      %get3A_478 = vector.shape_cast %get3A_477 : vector<1x16xf32> to vector<16xf32>
      %get3A_479 = arith.constant 1 : i32
      %get3A_480 = arith.index_cast %get3A_479 : i32 to index
      %get3A_481 = arith.constant 96 : index
      %get3A_482 = tpu.vector_load %arg14[%get3A_480, %get3A_481] {strides = array<i32>} : memref<2x128xf32, #tpu.memory_space<vmem>>, vector<1x16xf32>,
      %get3A_483 = vector.shape_cast %get3A_482 : vector<1x16xf32> to vector<16xf32>
      %add3A_484 = arith.constant 1.000000e-16 : f32
      %add3A_485 = vector.broadcast %add3A_484 : f32 to vector<16xf32>
      %add3A_486 = arith.addf %get3A_483, %add3A_485 : vector<16xf32>
      %div3A_487 = arith.divf %get3A_478, %add3A_486 : vector<16xf32>
      %swap3A_488 = arith.index_cast %add3A_355 : i32 to index
      %swap3A_489 = arith.constant 96 : index
      %swap3A_490 = tpu.vector_load %arg12[%swap3A_488, %swap3A_489] {strides = array<i32>} : memref<84x128xf32, #tpu.memory_space<vmem>>, vector<1x16xf32>,
      %swap3A_491 = vector.shape_cast %swap3A_490 : vector<1x16xf32> to vector<16xf32>
      %swap3A_492 = vector.shape_cast %div3A_487 : vector<16xf32> to vector<1x16xf32>
      tpu.vector_store %arg12[%swap3A_488, %swap3A_489], %swap3A_492 {strides = array<i32>} : memref<84x128xf32, #tpu.memory_space<vmem>>, vector<1x16xf32>,
      %get3A_493 = arith.index_cast %add3A_355 : i32 to index
      %get3A_494 = arith.constant 112 : index
      %get3A_495 = tpu.vector_load %arg12[%get3A_493, %get3A_494] {strides = array<i32>} : memref<84x128xf32, #tpu.memory_space<vmem>>, vector<1x16xf32>,
      %get3A_496 = vector.shape_cast %get3A_495 : vector<1x16xf32> to vector<16xf32>
      %get3A_497 = arith.constant 1 : i32
      %get3A_498 = arith.index_cast %get3A_497 : i32 to index
      %get3A_499 = arith.constant 112 : index
      %get3A_500 = tpu.vector_load %arg14[%get3A_498, %get3A_499] {strides = array<i32>} : memref<2x128xf32, #tpu.memory_space<vmem>>, vector<1x16xf32>,
      %get3A_501 = vector.shape_cast %get3A_500 : vector<1x16xf32> to vector<16xf32>
      %add3A_502 = arith.constant 1.000000e-16 : f32
      %add3A_503 = vector.broadcast %add3A_502 : f32 to vector<16xf32>
      %add3A_504 = arith.addf %get3A_501, %add3A_503 : vector<16xf32>
      %div3A_505 = arith.divf %get3A_496, %add3A_504 : vector<16xf32>
      %swap3A_506 = arith.index_cast %add3A_355 : i32 to index
      %swap3A_507 = arith.constant 112 : index
      %swap3A_508 = tpu.vector_load %arg12[%swap3A_506, %swap3A_507] {strides = array<i32>} : memref<84x128xf32, #tpu.memory_space<vmem>>, vector<1x16xf32>,
      %swap3A_509 = vector.shape_cast %swap3A_508 : vector<1x16xf32> to vector<16xf32>
      %swap3A_510 = vector.shape_cast %div3A_505 : vector<16xf32> to vector<1x16xf32>
      tpu.vector_store %arg12[%swap3A_506, %swap3A_507], %swap3A_510 {strides = array<i32>} : memref<84x128xf32, #tpu.memory_space<vmem>>, vector<1x16xf32>,
      %scan3A_511 = arith.constant 0 : i32
      scf.yield %scan3A_511 : i32
    }
    %scan3A_70 = arith.constant 42 : i32
    %mul3A_71 = arith.constant 336 : i32
    %mul3A_72 = arith.muli %arg1, %mul3A_71 : i32
    %add3A = arith.constant 0 : i32
    %add3A_73 = arith.addi %mul3A_72, %add3A : i32
    "tpu.region"() ({
      %run_scoped3A_185 = tpu.sem_alloc : memref<!tpu.dma_semaphore, #tpu.memory_space<semaphore_mem>>
      %dma_start3A_186 = arith.constant 0 : i32
      %dma_start3A_187 = tpu.memref_slice %arg19[%add3A_73, %dma_start3A_186] : memref<5376x128xf32, #tpu.memory_space<vmem_shared>> -> memref<48x128xf32, #tpu.memory_space<vmem_shared>>
      %dma_start3A_188 = arith.constant 0 : i32
      %dma_start3A_189 = tpu.memref_slice %arg19[%add3A_73, %dma_start3A_188] : memref<5376x128xf32, #tpu.memory_space<vmem_shared>> -> memref<48x128xf32, #tpu.memory_space<vmem_shared>>
      tpu.enqueue_dma source(%arg16 : memref<48x128xf32, #tpu.memory_space<vmem>>) target(%dma_start3A_189 : memref<48x128xf32, #tpu.memory_space<vmem_shared>>) target_semaphore(%run_scoped3A_185 : memref<!tpu.dma_semaphore, #tpu.memory_space<semaphore_mem>>)
      %dma_wait3A_190 = arith.constant 0 : i32
      %dma_wait3A_191 = tpu.memref_slice %arg19[%add3A_73, %dma_wait3A_190] : memref<5376x128xf32, #tpu.memory_space<vmem_shared>> -> memref<48x128xf32, #tpu.memory_space<vmem_shared>>
      %dma_wait3A_192 = arith.constant 0 : i32
      %dma_wait3A_193 = tpu.memref_slice %arg19[%add3A_73, %dma_wait3A_192] : memref<5376x128xf32, #tpu.memory_space<vmem_shared>> -> memref<48x128xf32, #tpu.memory_space<vmem_shared>>
      tpu.wait_dma2 semaphore(%run_scoped3A_185 : memref<!tpu.dma_semaphore, #tpu.memory_space<semaphore_mem>>) src(%arg16 : memref<48x128xf32, #tpu.memory_space<vmem>>) dst(%dma_wait3A_193 : memref<48x128xf32, #tpu.memory_space<vmem_shared>>)
      tpu.yield
    }) : () -> ()
    %mul3A_74 = arith.constant 336 : i32
    %mul3A_75 = arith.muli %arg1, %mul3A_74 : i32
    %add3A_76 = arith.constant 48 : i32
    %add3A_77 = arith.addi %mul3A_75, %add3A_76 : i32
    "tpu.region"() ({
      %run_scoped3A_185 = tpu.sem_alloc : memref<!tpu.dma_semaphore, #tpu.memory_space<semaphore_mem>>
      %dma_start3A_186 = arith.constant 0 : i32
      %dma_start3A_187 = tpu.memref_slice %arg19[%add3A_77, %dma_start3A_186] : memref<5376x128xf32, #tpu.memory_space<vmem_shared>> -> memref<48x128xf32, #tpu.memory_space<vmem_shared>>
      %dma_start3A_188 = arith.constant 0 : i32
      %dma_start3A_189 = tpu.memref_slice %arg19[%add3A_77, %dma_start3A_188] : memref<5376x128xf32, #tpu.memory_space<vmem_shared>> -> memref<48x128xf32, #tpu.memory_space<vmem_shared>>
      tpu.enqueue_dma source(%arg16 : memref<48x128xf32, #tpu.memory_space<vmem>>) target(%dma_start3A_189 : memref<48x128xf32, #tpu.memory_space<vmem_shared>>) target_semaphore(%run_scoped3A_185 : memref<!tpu.dma_semaphore, #tpu.memory_space<semaphore_mem>>)
      %dma_wait3A_190 = arith.constant 0 : i32
      %dma_wait3A_191 = tpu.memref_slice %arg19[%add3A_77, %dma_wait3A_190] : memref<5376x128xf32, #tpu.memory_space<vmem_shared>> -> memref<48x128xf32, #tpu.memory_space<vmem_shared>>
      %dma_wait3A_192 = arith.constant 0 : i32
      %dma_wait3A_193 = tpu.memref_slice %arg19[%add3A_77, %dma_wait3A_192] : memref<5376x128xf32, #tpu.memory_space<vmem_shared>> -> memref<48x128xf32, #tpu.memory_space<vmem_shared>>
      tpu.wait_dma2 semaphore(%run_scoped3A_185 : memref<!tpu.dma_semaphore, #tpu.memory_space<semaphore_mem>>) src(%arg16 : memref<48x128xf32, #tpu.memory_space<vmem>>) dst(%dma_wait3A_193 : memref<48x128xf32, #tpu.memory_space<vmem_shared>>)
      tpu.yield
    }) : () -> ()
    %mul3A_78 = arith.constant 336 : i32
    %mul3A_79 = arith.muli %arg1, %mul3A_78 : i32
    %add3A_80 = arith.constant 96 : i32
    %add3A_81 = arith.addi %mul3A_79, %add3A_80 : i32
    "tpu.region"() ({
      %run_scoped3A_185 = tpu.sem_alloc : memref<!tpu.dma_semaphore, #tpu.memory_space<semaphore_mem>>
      %dma_start3A_186 = arith.constant 0 : i32
      %dma_start3A_187 = tpu.memref_slice %arg19[%add3A_81, %dma_start3A_186] : memref<5376x128xf32, #tpu.memory_space<vmem_shared>> -> memref<48x128xf32, #tpu.memory_space<vmem_shared>>
      %dma_start3A_188 = arith.constant 0 : i32
      %dma_start3A_189 = tpu.memref_slice %arg19[%add3A_81, %dma_start3A_188] : memref<5376x128xf32, #tpu.memory_space<vmem_shared>> -> memref<48x128xf32, #tpu.memory_space<vmem_shared>>
      tpu.enqueue_dma source(%arg16 : memref<48x128xf32, #tpu.memory_space<vmem>>) target(%dma_start3A_189 : memref<48x128xf32, #tpu.memory_space<vmem_shared>>) target_semaphore(%run_scoped3A_185 : memref<!tpu.dma_semaphore, #tpu.memory_space<semaphore_mem>>)
      %dma_wait3A_190 = arith.constant 0 : i32
      %dma_wait3A_191 = tpu.memref_slice %arg19[%add3A_81, %dma_wait3A_190] : memref<5376x128xf32, #tpu.memory_space<vmem_shared>> -> memref<48x128xf32, #tpu.memory_space<vmem_shared>>
      %dma_wait3A_192 = arith.constant 0 : i32
      %dma_wait3A_193 = tpu.memref_slice %arg19[%add3A_81, %dma_wait3A_192] : memref<5376x128xf32, #tpu.memory_space<vmem_shared>> -> memref<48x128xf32, #tpu.memory_space<vmem_shared>>
      tpu.wait_dma2 semaphore(%run_scoped3A_185 : memref<!tpu.dma_semaphore, #tpu.memory_space<semaphore_mem>>) src(%arg16 : memref<48x128xf32, #tpu.memory_space<vmem>>) dst(%dma_wait3A_193 : memref<48x128xf32, #tpu.memory_space<vmem_shared>>)
      tpu.yield
    }) : () -> ()
    %mul3A_82 = arith.constant 336 : i32
    %mul3A_83 = arith.muli %arg1, %mul3A_82 : i32
    %add3A_84 = arith.constant 144 : i32
    %add3A_85 = arith.addi %mul3A_83, %add3A_84 : i32
    "tpu.region"() ({
      %run_scoped3A_185 = tpu.sem_alloc : memref<!tpu.dma_semaphore, #tpu.memory_space<semaphore_mem>>
      %dma_start3A_186 = arith.constant 0 : i32
      %dma_start3A_187 = tpu.memref_slice %arg19[%add3A_85, %dma_start3A_186] : memref<5376x128xf32, #tpu.memory_space<vmem_shared>> -> memref<48x128xf32, #tpu.memory_space<vmem_shared>>
      %dma_start3A_188 = arith.constant 0 : i32
      %dma_start3A_189 = tpu.memref_slice %arg19[%add3A_85, %dma_start3A_188] : memref<5376x128xf32, #tpu.memory_space<vmem_shared>> -> memref<48x128xf32, #tpu.memory_space<vmem_shared>>
      tpu.enqueue_dma source(%arg16 : memref<48x128xf32, #tpu.memory_space<vmem>>) target(%dma_start3A_189 : memref<48x128xf32, #tpu.memory_space<vmem_shared>>) target_semaphore(%run_scoped3A_185 : memref<!tpu.dma_semaphore, #tpu.memory_space<semaphore_mem>>)
      %dma_wait3A_190 = arith.constant 0 : i32
      %dma_wait3A_191 = tpu.memref_slice %arg19[%add3A_85, %dma_wait3A_190] : memref<5376x128xf32, #tpu.memory_space<vmem_shared>> -> memref<48x128xf32, #tpu.memory_space<vmem_shared>>
      %dma_wait3A_192 = arith.constant 0 : i32
      %dma_wait3A_193 = tpu.memref_slice %arg19[%add3A_85, %dma_wait3A_192] : memref<5376x128xf32, #tpu.memory_space<vmem_shared>> -> memref<48x128xf32, #tpu.memory_space<vmem_shared>>
      tpu.wait_dma2 semaphore(%run_scoped3A_185 : memref<!tpu.dma_semaphore, #tpu.memory_space<semaphore_mem>>) src(%arg16 : memref<48x128xf32, #tpu.memory_space<vmem>>) dst(%dma_wait3A_193 : memref<48x128xf32, #tpu.memory_space<vmem_shared>>)
      tpu.yield
    }) : () -> ()
    %mul3A_86 = arith.constant 336 : i32
    %mul3A_87 = arith.muli %arg1, %mul3A_86 : i32
    %add3A_88 = arith.constant 192 : i32
    %add3A_89 = arith.addi %mul3A_87, %add3A_88 : i32
    "tpu.region"() ({
      %run_scoped3A_185 = tpu.sem_alloc : memref<!tpu.dma_semaphore, #tpu.memory_space<semaphore_mem>>
      %dma_start3A_186 = arith.constant 0 : i32
      %dma_start3A_187 = tpu.memref_slice %arg19[%add3A_89, %dma_start3A_186] : memref<5376x128xf32, #tpu.memory_space<vmem_shared>> -> memref<48x128xf32, #tpu.memory_space<vmem_shared>>
      %dma_start3A_188 = arith.constant 0 : i32
      %dma_start3A_189 = tpu.memref_slice %arg19[%add3A_89, %dma_start3A_188] : memref<5376x128xf32, #tpu.memory_space<vmem_shared>> -> memref<48x128xf32, #tpu.memory_space<vmem_shared>>
      tpu.enqueue_dma source(%arg16 : memref<48x128xf32, #tpu.memory_space<vmem>>) target(%dma_start3A_189 : memref<48x128xf32, #tpu.memory_space<vmem_shared>>) target_semaphore(%run_scoped3A_185 : memref<!tpu.dma_semaphore, #tpu.memory_space<semaphore_mem>>)
      %dma_wait3A_190 = arith.constant 0 : i32
      %dma_wait3A_191 = tpu.memref_slice %arg19[%add3A_89, %dma_wait3A_190] : memref<5376x128xf32, #tpu.memory_space<vmem_shared>> -> memref<48x128xf32, #tpu.memory_space<vmem_shared>>
      %dma_wait3A_192 = arith.constant 0 : i32
      %dma_wait3A_193 = tpu.memref_slice %arg19[%add3A_89, %dma_wait3A_192] : memref<5376x128xf32, #tpu.memory_space<vmem_shared>> -> memref<48x128xf32, #tpu.memory_space<vmem_shared>>
      tpu.wait_dma2 semaphore(%run_scoped3A_185 : memref<!tpu.dma_semaphore, #tpu.memory_space<semaphore_mem>>) src(%arg16 : memref<48x128xf32, #tpu.memory_space<vmem>>) dst(%dma_wait3A_193 : memref<48x128xf32, #tpu.memory_space<vmem_shared>>)
      tpu.yield
    }) : () -> ()
    %mul3A_90 = arith.constant 336 : i32
    %mul3A_91 = arith.muli %arg1, %mul3A_90 : i32
    %add3A_92 = arith.constant 240 : i32
    %add3A_93 = arith.addi %mul3A_91, %add3A_92 : i32
    "tpu.region"() ({
      %run_scoped3A_185 = tpu.sem_alloc : memref<!tpu.dma_semaphore, #tpu.memory_space<semaphore_mem>>
      %dma_start3A_186 = arith.constant 0 : i32
      %dma_start3A_187 = tpu.memref_slice %arg19[%add3A_93, %dma_start3A_186] : memref<5376x128xf32, #tpu.memory_space<vmem_shared>> -> memref<48x128xf32, #tpu.memory_space<vmem_shared>>
      %dma_start3A_188 = arith.constant 0 : i32
      %dma_start3A_189 = tpu.memref_slice %arg19[%add3A_93, %dma_start3A_188] : memref<5376x128xf32, #tpu.memory_space<vmem_shared>> -> memref<48x128xf32, #tpu.memory_space<vmem_shared>>
      tpu.enqueue_dma source(%arg16 : memref<48x128xf32, #tpu.memory_space<vmem>>) target(%dma_start3A_189 : memref<48x128xf32, #tpu.memory_space<vmem_shared>>) target_semaphore(%run_scoped3A_185 : memref<!tpu.dma_semaphore, #tpu.memory_space<semaphore_mem>>)
      %dma_wait3A_190 = arith.constant 0 : i32
      %dma_wait3A_191 = tpu.memref_slice %arg19[%add3A_93, %dma_wait3A_190] : memref<5376x128xf32, #tpu.memory_space<vmem_shared>> -> memref<48x128xf32, #tpu.memory_space<vmem_shared>>
      %dma_wait3A_192 = arith.constant 0 : i32
      %dma_wait3A_193 = tpu.memref_slice %arg19[%add3A_93, %dma_wait3A_192] : memref<5376x128xf32, #tpu.memory_space<vmem_shared>> -> memref<48x128xf32, #tpu.memory_space<vmem_shared>>
      tpu.wait_dma2 semaphore(%run_scoped3A_185 : memref<!tpu.dma_semaphore, #tpu.memory_space<semaphore_mem>>) src(%arg16 : memref<48x128xf32, #tpu.memory_space<vmem>>) dst(%dma_wait3A_193 : memref<48x128xf32, #tpu.memory_space<vmem_shared>>)
      tpu.yield
    }) : () -> ()
    %mul3A_94 = arith.constant 336 : i32
    %mul3A_95 = arith.muli %arg1, %mul3A_94 : i32
    %add3A_96 = arith.constant 288 : i32
    %add3A_97 = arith.addi %mul3A_95, %add3A_96 : i32
    "tpu.region"() ({
      %run_scoped3A_185 = tpu.sem_alloc : memref<!tpu.dma_semaphore, #tpu.memory_space<semaphore_mem>>
      %dma_start3A_186 = arith.constant 0 : i32
      %dma_start3A_187 = tpu.memref_slice %arg19[%add3A_97, %dma_start3A_186] : memref<5376x128xf32, #tpu.memory_space<vmem_shared>> -> memref<48x128xf32, #tpu.memory_space<vmem_shared>>
      %dma_start3A_188 = arith.constant 0 : i32
      %dma_start3A_189 = tpu.memref_slice %arg19[%add3A_97, %dma_start3A_188] : memref<5376x128xf32, #tpu.memory_space<vmem_shared>> -> memref<48x128xf32, #tpu.memory_space<vmem_shared>>
      tpu.enqueue_dma source(%arg16 : memref<48x128xf32, #tpu.memory_space<vmem>>) target(%dma_start3A_189 : memref<48x128xf32, #tpu.memory_space<vmem_shared>>) target_semaphore(%run_scoped3A_185 : memref<!tpu.dma_semaphore, #tpu.memory_space<semaphore_mem>>)
      %dma_wait3A_190 = arith.constant 0 : i32
      %dma_wait3A_191 = tpu.memref_slice %arg19[%add3A_97, %dma_wait3A_190] : memref<5376x128xf32, #tpu.memory_space<vmem_shared>> -> memref<48x128xf32, #tpu.memory_space<vmem_shared>>
      %dma_wait3A_192 = arith.constant 0 : i32
      %dma_wait3A_193 = tpu.memref_slice %arg19[%add3A_97, %dma_wait3A_192] : memref<5376x128xf32, #tpu.memory_space<vmem_shared>> -> memref<48x128xf32, #tpu.memory_space<vmem_shared>>
      tpu.wait_dma2 semaphore(%run_scoped3A_185 : memref<!tpu.dma_semaphore, #tpu.memory_space<semaphore_mem>>) src(%arg16 : memref<48x128xf32, #tpu.memory_space<vmem>>) dst(%dma_wait3A_193 : memref<48x128xf32, #tpu.memory_space<vmem_shared>>)
      tpu.yield
    }) : () -> ()
    %barrier3A_98 = arith.constant 0 : index
    tpu.barrier barrier_id(%barrier3A_98)
    %dma_start3A_99 = arith.constant 0 : i32
    %dma_start3A_100 = arith.constant 0 : i32
    %dma_start3A_101 = arith.constant 0 : i32
    %dma_start3A_102 = arith.constant 0 : i32
    %dma_start3A_103 = arith.constant 0 : i32
    %dma_start3A_104 = tpu.memref_slice %arg15[%dma_start3A_101, %dma_start3A_102, %dma_start3A_103] : memref<2x128x128xf32, #tpu.memory_space<vmem>> -> memref<1x128x128xf32, #tpu.memory_space<vmem>>
    %dma_start3A_105 = tpu.memref_squeeze %dma_start3A_104 : memref<1x128x128xf32, #tpu.memory_space<vmem>> -> memref<128x128xf32, #tpu.memory_space<vmem>>
    %dma_start3A_106 = arith.constant 0 : i32
    %dma_start3A_107 = tpu.memref_slice %arg9[%dma_start3A_100, %dma_start3A_106] : memref<84x128xi32, #tpu.memory_space<vmem>> -> memref<1x128xi32, #tpu.memory_space<vmem>>
    %dma_start3A_108 = tpu.memref_squeeze %dma_start3A_107 : memref<1x128xi32, #tpu.memory_space<vmem>> -> memref<128xi32, #tpu.memory_space<vmem>>
    %dma_start3A_109 = arith.constant 0 : i32
    %dma_start3A_110 = arith.constant 0 : i32
    %dma_start3A_111 = tpu.memref_slice %arg2[%dma_start3A_99, %dma_start3A_109, %dma_start3A_110] : memref<1x10240x128xf32, #tpu.memory_space<hbm>> -> memref<1x10240x128xf32, #tpu.memory_space<hbm>>
    %dma_start3A_112 = tpu.memref_squeeze %dma_start3A_111 : memref<1x10240x128xf32, #tpu.memory_space<hbm>> -> memref<10240x128xf32, #tpu.memory_space<hbm>>
    %dma_start3A_113 = arith.constant 0 : i32
    %dma_start3A_114 = arith.constant 0 : i32
    %dma_start3A_115 = tpu.memref_slice %dma_start3A_112[%dma_start3A_113, %dma_start3A_114] : memref<10240x128xf32, #tpu.memory_space<hbm>> -> memref<10240x128xf32, #tpu.memory_space<hbm>>
    tpu.enqueue_indirect_dma source(%dma_start3A_115 : memref<10240x128xf32, #tpu.memory_space<hbm>>) target(%dma_start3A_105 : memref<128x128xf32, #tpu.memory_space<vmem>>) offsets(%dma_start3A_108 : memref<128xi32, #tpu.memory_space<vmem>>) semaphore(%arg20 : memref<!tpu.dma_semaphore, #tpu.memory_space<semaphore_mem>>)
    %scan3A_116 = arith.constant 0 : i32
    %scan3A_117 = arith.constant 0 : i32
    %scan3A_118 = arith.constant 42 : i32
    %scan3A_119 = arith.addi %scan3A_117, %scan3A_118 : i32
    %scan3A_120 = arith.constant 1 : i32
    %scan3A_121 = scf.for %scan3A_185 = %scan3A_117 to %scan3A_119 step %scan3A_120 iter_args(%scan3A_186 = %scan3A_116) -> (i32)  : i32 {
      %mul3A_187 = arith.constant 2 : i32
      %mul3A_188 = arith.muli %scan3A_185, %mul3A_187 : i32
      %add3A_189 = arith.constant 0 : i32
      %add3A_190 = arith.addi %mul3A_188, %add3A_189 : i32
      %gt3A = arith.constant 0 : i32
      %gt3A_191 = arith.cmpi sgt, %scan3A_185, %gt3A : i32
      %convert_element_type3A = arith.extui %gt3A_191 : i1 to i32
      %cond3A = arith.constant 0 : i32
      %cond3A_192 = arith.cmpi ne, %convert_element_type3A, %cond3A : i32
      scf.if %cond3A_192 {
        %dma_wait3A_425 = arith.constant 1 : i32
        %dma_wait3A_426 = arith.constant 0 : i32
        %dma_wait3A_427 = arith.constant 0 : i32
        %dma_wait3A_428 = tpu.memref_slice %arg15[%dma_wait3A_425, %dma_wait3A_426, %dma_wait3A_427] : memref<2x128x128xf32, #tpu.memory_space<vmem>> -> memref<1x128x128xf32, #tpu.memory_space<vmem>>
        %dma_wait3A_429 = tpu.memref_squeeze %dma_wait3A_428 : memref<1x128x128xf32, #tpu.memory_space<vmem>> -> memref<128x128xf32, #tpu.memory_space<vmem>>
        %dma_wait3A_430 = arith.constant 0 : i32
        %dma_wait3A_431 = tpu.memref_slice %arg10[%add3A_190, %dma_wait3A_430] : memref<84x128xi32, #tpu.memory_space<vmem>> -> memref<1x128xi32, #tpu.memory_space<vmem>>
        %dma_wait3A_432 = tpu.memref_squeeze %dma_wait3A_431 : memref<1x128xi32, #tpu.memory_space<vmem>> -> memref<128xi32, #tpu.memory_space<vmem>>
        %dma_wait3A_433 = arith.constant 0 : i32
        %dma_wait3A_434 = arith.constant 0 : i32
        %dma_wait3A_435 = tpu.memref_slice %arg19[%dma_wait3A_433, %dma_wait3A_434] : memref<5376x128xf32, #tpu.memory_space<vmem_shared>> -> memref<5376x128xf32, #tpu.memory_space<vmem_shared>>
        tpu.wait_indirect_dma semaphore(%arg22 : memref<!tpu.dma_semaphore, #tpu.memory_space<semaphore_mem>>) src(%dma_wait3A_429 : memref<128x128xf32, #tpu.memory_space<vmem>>) dst(%dma_wait3A_435 : memref<5376x128xf32, #tpu.memory_space<vmem_shared>>)
      } else {
      }
      %add3A_193 = arith.constant 1 : i32
      %add3A_194 = arith.addi %add3A_190, %add3A_193 : i32
      %dma_start3A_195 = arith.constant 0 : i32
      %dma_start3A_196 = arith.constant 1 : i32
      %dma_start3A_197 = arith.constant 0 : i32
      %dma_start3A_198 = arith.constant 0 : i32
      %dma_start3A_199 = tpu.memref_slice %arg15[%dma_start3A_196, %dma_start3A_197, %dma_start3A_198] : memref<2x128x128xf32, #tpu.memory_space<vmem>> -> memref<1x128x128xf32, #tpu.memory_space<vmem>>
      %dma_start3A_200 = tpu.memref_squeeze %dma_start3A_199 : memref<1x128x128xf32, #tpu.memory_space<vmem>> -> memref<128x128xf32, #tpu.memory_space<vmem>>
      %dma_start3A_201 = arith.constant 0 : i32
      %dma_start3A_202 = tpu.memref_slice %arg9[%add3A_194, %dma_start3A_201] : memref<84x128xi32, #tpu.memory_space<vmem>> -> memref<1x128xi32, #tpu.memory_space<vmem>>
      %dma_start3A_203 = tpu.memref_squeeze %dma_start3A_202 : memref<1x128xi32, #tpu.memory_space<vmem>> -> memref<128xi32, #tpu.memory_space<vmem>>
      %dma_start3A_204 = arith.constant 0 : i32
      %dma_start3A_205 = arith.constant 0 : i32
      %dma_start3A_206 = tpu.memref_slice %arg2[%dma_start3A_195, %dma_start3A_204, %dma_start3A_205] : memref<1x10240x128xf32, #tpu.memory_space<hbm>> -> memref<1x10240x128xf32, #tpu.memory_space<hbm>>
      %dma_start3A_207 = tpu.memref_squeeze %dma_start3A_206 : memref<1x10240x128xf32, #tpu.memory_space<hbm>> -> memref<10240x128xf32, #tpu.memory_space<hbm>>
      %dma_start3A_208 = arith.constant 0 : i32
      %dma_start3A_209 = arith.constant 0 : i32
      %dma_start3A_210 = tpu.memref_slice %dma_start3A_207[%dma_start3A_208, %dma_start3A_209] : memref<10240x128xf32, #tpu.memory_space<hbm>> -> memref<10240x128xf32, #tpu.memory_space<hbm>>
      tpu.enqueue_indirect_dma source(%dma_start3A_210 : memref<10240x128xf32, #tpu.memory_space<hbm>>) target(%dma_start3A_200 : memref<128x128xf32, #tpu.memory_space<vmem>>) offsets(%dma_start3A_203 : memref<128xi32, #tpu.memory_space<vmem>>) semaphore(%arg21 : memref<!tpu.dma_semaphore, #tpu.memory_space<semaphore_mem>>)
      %dma_wait3A_211 = arith.constant 0 : i32
      %dma_wait3A_212 = arith.constant 0 : i32
      %dma_wait3A_213 = arith.constant 0 : i32
      %dma_wait3A_214 = arith.constant 0 : i32
      %dma_wait3A_215 = tpu.memref_slice %arg15[%dma_wait3A_212, %dma_wait3A_213, %dma_wait3A_214] : memref<2x128x128xf32, #tpu.memory_space<vmem>> -> memref<1x128x128xf32, #tpu.memory_space<vmem>>
      %dma_wait3A_216 = tpu.memref_squeeze %dma_wait3A_215 : memref<1x128x128xf32, #tpu.memory_space<vmem>> -> memref<128x128xf32, #tpu.memory_space<vmem>>
      %dma_wait3A_217 = arith.constant 0 : i32
      %dma_wait3A_218 = tpu.memref_slice %arg9[%add3A_190, %dma_wait3A_217] : memref<84x128xi32, #tpu.memory_space<vmem>> -> memref<1x128xi32, #tpu.memory_space<vmem>>
      %dma_wait3A_219 = tpu.memref_squeeze %dma_wait3A_218 : memref<1x128xi32, #tpu.memory_space<vmem>> -> memref<128xi32, #tpu.memory_space<vmem>>
      %dma_wait3A_220 = arith.constant 0 : i32
      %dma_wait3A_221 = arith.constant 0 : i32
      %dma_wait3A_222 = tpu.memref_slice %arg2[%dma_wait3A_211, %dma_wait3A_220, %dma_wait3A_221] : memref<1x10240x128xf32, #tpu.memory_space<hbm>> -> memref<1x10240x128xf32, #tpu.memory_space<hbm>>
      %dma_wait3A_223 = tpu.memref_squeeze %dma_wait3A_222 : memref<1x10240x128xf32, #tpu.memory_space<hbm>> -> memref<10240x128xf32, #tpu.memory_space<hbm>>
      %dma_wait3A_224 = arith.constant 0 : i32
      %dma_wait3A_225 = arith.constant 0 : i32
      %dma_wait3A_226 = tpu.memref_slice %dma_wait3A_223[%dma_wait3A_224, %dma_wait3A_225] : memref<10240x128xf32, #tpu.memory_space<hbm>> -> memref<10240x128xf32, #tpu.memory_space<hbm>>
      tpu.wait_indirect_dma semaphore(%arg20 : memref<!tpu.dma_semaphore, #tpu.memory_space<semaphore_mem>>) src(%dma_wait3A_226 : memref<10240x128xf32, #tpu.memory_space<hbm>>) dst(%dma_wait3A_216 : memref<128x128xf32, #tpu.memory_space<vmem>>)
      %get3A = arith.index_cast %add3A_190 : i32 to index
      %get3A_227 = arith.constant 0 : index
      %get3A_228 = tpu.vector_load %arg12[%get3A, %get3A_227] {strides = array<i32>} : memref<84x128xf32, #tpu.memory_space<vmem>>, vector<1x16xf32>,
      %get3A_229 = vector.shape_cast %get3A_228 : vector<1x16xf32> to vector<16xf32>
      %swap3A = arith.constant 0 : index
      %swap3A_230 = tpu.vector_load %arg13[%swap3A] {strides = array<i32>} : memref<128xf32, #tpu.memory_space<vmem>>, vector<16xf32>,
      %swap3A_231 = vector.shape_cast %swap3A_230 : vector<16xf32> to vector<16xf32>
      %swap3A_232 = vector.shape_cast %get3A_229 : vector<16xf32> to vector<16xf32>
      tpu.vector_store %arg13[%swap3A], %swap3A_232 {strides = array<i32>} : memref<128xf32, #tpu.memory_space<vmem>>, vector<16xf32>,
      %get3A_233 = arith.index_cast %add3A_190 : i32 to index
      %get3A_234 = arith.constant 16 : index
      %get3A_235 = tpu.vector_load %arg12[%get3A_233, %get3A_234] {strides = array<i32>} : memref<84x128xf32, #tpu.memory_space<vmem>>, vector<1x16xf32>,
      %get3A_236 = vector.shape_cast %get3A_235 : vector<1x16xf32> to vector<16xf32>
      %swap3A_237 = arith.constant 16 : index
      %swap3A_238 = tpu.vector_load %arg13[%swap3A_237] {strides = array<i32>} : memref<128xf32, #tpu.memory_space<vmem>>, vector<16xf32>,
      %swap3A_239 = vector.shape_cast %swap3A_238 : vector<16xf32> to vector<16xf32>
      %swap3A_240 = vector.shape_cast %get3A_236 : vector<16xf32> to vector<16xf32>
      tpu.vector_store %arg13[%swap3A_237], %swap3A_240 {strides = array<i32>} : memref<128xf32, #tpu.memory_space<vmem>>, vector<16xf32>,
      %get3A_241 = arith.index_cast %add3A_190 : i32 to index
      %get3A_242 = arith.constant 32 : index
      %get3A_243 = tpu.vector_load %arg12[%get3A_241, %get3A_242] {strides = array<i32>} : memref<84x128xf32, #tpu.memory_space<vmem>>, vector<1x16xf32>,
      %get3A_244 = vector.shape_cast %get3A_243 : vector<1x16xf32> to vector<16xf32>
      %swap3A_245 = arith.constant 32 : index
      %swap3A_246 = tpu.vector_load %arg13[%swap3A_245] {strides = array<i32>} : memref<128xf32, #tpu.memory_space<vmem>>, vector<16xf32>,
      %swap3A_247 = vector.shape_cast %swap3A_246 : vector<16xf32> to vector<16xf32>
      %swap3A_248 = vector.shape_cast %get3A_244 : vector<16xf32> to vector<16xf32>
      tpu.vector_store %arg13[%swap3A_245], %swap3A_248 {strides = array<i32>} : memref<128xf32, #tpu.memory_space<vmem>>, vector<16xf32>,
      %get3A_249 = arith.index_cast %add3A_190 : i32 to index
      %get3A_250 = arith.constant 48 : index
      %get3A_251 = tpu.vector_load %arg12[%get3A_249, %get3A_250] {strides = array<i32>} : memref<84x128xf32, #tpu.memory_space<vmem>>, vector<1x16xf32>,
      %get3A_252 = vector.shape_cast %get3A_251 : vector<1x16xf32> to vector<16xf32>
      %swap3A_253 = arith.constant 48 : index
      %swap3A_254 = tpu.vector_load %arg13[%swap3A_253] {strides = array<i32>} : memref<128xf32, #tpu.memory_space<vmem>>, vector<16xf32>,
      %swap3A_255 = vector.shape_cast %swap3A_254 : vector<16xf32> to vector<16xf32>
      %swap3A_256 = vector.shape_cast %get3A_252 : vector<16xf32> to vector<16xf32>
      tpu.vector_store %arg13[%swap3A_253], %swap3A_256 {strides = array<i32>} : memref<128xf32, #tpu.memory_space<vmem>>, vector<16xf32>,
      %get3A_257 = arith.index_cast %add3A_190 : i32 to index
      %get3A_258 = arith.constant 64 : index
      %get3A_259 = tpu.vector_load %arg12[%get3A_257, %get3A_258] {strides = array<i32>} : memref<84x128xf32, #tpu.memory_space<vmem>>, vector<1x16xf32>,
      %get3A_260 = vector.shape_cast %get3A_259 : vector<1x16xf32> to vector<16xf32>
      %swap3A_261 = arith.constant 64 : index
      %swap3A_262 = tpu.vector_load %arg13[%swap3A_261] {strides = array<i32>} : memref<128xf32, #tpu.memory_space<vmem>>, vector<16xf32>,
      %swap3A_263 = vector.shape_cast %swap3A_262 : vector<16xf32> to vector<16xf32>
      %swap3A_264 = vector.shape_cast %get3A_260 : vector<16xf32> to vector<16xf32>
      tpu.vector_store %arg13[%swap3A_261], %swap3A_264 {strides = array<i32>} : memref<128xf32, #tpu.memory_space<vmem>>, vector<16xf32>,
      %get3A_265 = arith.index_cast %add3A_190 : i32 to index
      %get3A_266 = arith.constant 80 : index
      %get3A_267 = tpu.vector_load %arg12[%get3A_265, %get3A_266] {strides = array<i32>} : memref<84x128xf32, #tpu.memory_space<vmem>>, vector<1x16xf32>,
      %get3A_268 = vector.shape_cast %get3A_267 : vector<1x16xf32> to vector<16xf32>
      %swap3A_269 = arith.constant 80 : index
      %swap3A_270 = tpu.vector_load %arg13[%swap3A_269] {strides = array<i32>} : memref<128xf32, #tpu.memory_space<vmem>>, vector<16xf32>,
      %swap3A_271 = vector.shape_cast %swap3A_270 : vector<16xf32> to vector<16xf32>
      %swap3A_272 = vector.shape_cast %get3A_268 : vector<16xf32> to vector<16xf32>
      tpu.vector_store %arg13[%swap3A_269], %swap3A_272 {strides = array<i32>} : memref<128xf32, #tpu.memory_space<vmem>>, vector<16xf32>,
      %get3A_273 = arith.index_cast %add3A_190 : i32 to index
      %get3A_274 = arith.constant 96 : index
      %get3A_275 = tpu.vector_load %arg12[%get3A_273, %get3A_274] {strides = array<i32>} : memref<84x128xf32, #tpu.memory_space<vmem>>, vector<1x16xf32>,
      %get3A_276 = vector.shape_cast %get3A_275 : vector<1x16xf32> to vector<16xf32>
      %swap3A_277 = arith.constant 96 : index
      %swap3A_278 = tpu.vector_load %arg13[%swap3A_277] {strides = array<i32>} : memref<128xf32, #tpu.memory_space<vmem>>, vector<16xf32>,
      %swap3A_279 = vector.shape_cast %swap3A_278 : vector<16xf32> to vector<16xf32>
      %swap3A_280 = vector.shape_cast %get3A_276 : vector<16xf32> to vector<16xf32>
      tpu.vector_store %arg13[%swap3A_277], %swap3A_280 {strides = array<i32>} : memref<128xf32, #tpu.memory_space<vmem>>, vector<16xf32>,
      %get3A_281 = arith.index_cast %add3A_190 : i32 to index
      %get3A_282 = arith.constant 112 : index
      %get3A_283 = tpu.vector_load %arg12[%get3A_281, %get3A_282] {strides = array<i32>} : memref<84x128xf32, #tpu.memory_space<vmem>>, vector<1x16xf32>,
      %get3A_284 = vector.shape_cast %get3A_283 : vector<1x16xf32> to vector<16xf32>
      %swap3A_285 = arith.constant 112 : index
      %swap3A_286 = tpu.vector_load %arg13[%swap3A_285] {strides = array<i32>} : memref<128xf32, #tpu.memory_space<vmem>>, vector<16xf32>,
      %swap3A_287 = vector.shape_cast %swap3A_286 : vector<16xf32> to vector<16xf32>
      %swap3A_288 = vector.shape_cast %get3A_284 : vector<16xf32> to vector<16xf32>
      tpu.vector_store %arg13[%swap3A_285], %swap3A_288 {strides = array<i32>} : memref<128xf32, #tpu.memory_space<vmem>>, vector<16xf32>,
      %scan3A_289 = arith.constant 0 : i32
      %scan3A_290 = arith.constant 0 : i32
      %scan3A_291 = arith.constant 32 : i32
      %scan3A_292 = arith.addi %scan3A_290, %scan3A_291 : i32
      %scan3A_293 = arith.constant 1 : i32
      %scan3A_294 = scf.for %scan3A_425 = %scan3A_290 to %scan3A_292 step %scan3A_293 iter_args(%scan3A_426 = %scan3A_289) -> (i32)  : i32 {
        %mul3A_427 = arith.constant 4 : i32
        %mul3A_428 = arith.muli %scan3A_425, %mul3A_427 : i32
        %mul3A_429 = arith.constant 4 : i32
        %mul3A_430 = arith.muli %scan3A_425, %mul3A_429 : i32
        %add3A_431 = arith.constant 1 : i32
        %add3A_432 = arith.addi %mul3A_430, %add3A_431 : i32
        %mul3A_433 = arith.constant 4 : i32
        %mul3A_434 = arith.muli %scan3A_425, %mul3A_433 : i32
        %add3A_435 = arith.constant 2 : i32
        %add3A_436 = arith.addi %mul3A_434, %add3A_435 : i32
        %mul3A_437 = arith.constant 4 : i32
        %mul3A_438 = arith.muli %scan3A_425, %mul3A_437 : i32
        %add3A_439 = arith.constant 3 : i32
        %add3A_440 = arith.addi %mul3A_438, %add3A_439 : i32
        %jit3A = arith.constant 16 : i32
        %div3A = arith.divsi %mul3A_428, %jit3A : i32
        %sign3A = arith.constant 0 : i32
        %sign3A_441 = arith.cmpi sgt, %mul3A_428, %sign3A : i32
        %sign3A_442 = arith.extui %sign3A_441 : i1 to i32
        %sign3A_443 = arith.constant 0 : i32
        %sign3A_444 = arith.cmpi slt, %mul3A_428, %sign3A_443 : i32
        %sign3A_445 = arith.extui %sign3A_444 : i1 to i32
        %sign3A_446 = arith.subi %sign3A_442, %sign3A_445 : i32
        %sign3A_447 = arith.constant 0 : i32
        %sign3A_448 = arith.cmpi sgt, %jit3A, %sign3A_447 : i32
        %sign3A_449 = arith.extui %sign3A_448 : i1 to i32
        %sign3A_450 = arith.constant 0 : i32
        %sign3A_451 = arith.cmpi slt, %jit3A, %sign3A_450 : i32
        %sign3A_452 = arith.extui %sign3A_451 : i1 to i32
        %sign3A_453 = arith.subi %sign3A_449, %sign3A_452 : i32
        %ne3A = arith.cmpi ne, %sign3A_446, %sign3A_453 : i32
        %rem3A = arith.remsi %mul3A_428, %jit3A : i32
        %ne3A_454 = arith.constant 0 : i32
        %ne3A_455 = arith.cmpi ne, %rem3A, %ne3A_454 : i32
        %and3A = arith.andi %ne3A, %ne3A_455 : i1
        %sub3A = arith.constant 1 : i32
        %sub3A_456 = arith.subi %div3A, %sub3A : i32
        %select_n3A = arith.select %and3A, %sub3A_456, %div3A : i32
        %mul3A_457 = arith.constant 16 : i32
        %mul3A_458 = arith.muli %select_n3A, %mul3A_457 : i32
        %get3A_459 = arith.index_cast %mul3A_458 : i32 to index
        %get3A_460 = tpu.vector_load %arg13[%get3A_459] {strides = array<i32>} : memref<128xf32, #tpu.memory_space<vmem>>, vector<16xf32>,
        %get3A_461 = vector.shape_cast %get3A_460 : vector<16xf32> to vector<16xf32>
        %jit3A_462 = arith.constant 16 : i32
        %eq3A = arith.constant 0 : i32
        %eq3A_463 = arith.cmpi eq, %jit3A_462, %eq3A : i32
        %jit3A_464 = arith.constant 1 : i32
        %select_n3A_465 = arith.select %eq3A_463, %jit3A_464, %jit3A_462 : i32
        %rem3A_466 = arith.remsi %mul3A_428, %select_n3A_465 : i32
        %ne3A_467 = arith.constant 0 : i32
        %ne3A_468 = arith.cmpi ne, %rem3A_466, %ne3A_467 : i32
        %lt3A_469 = arith.constant 0 : i32
        %lt3A_470 = arith.cmpi slt, %rem3A_466, %lt3A_469 : i32
        %lt3A_471 = arith.constant 0 : i32
        %lt3A_472 = arith.cmpi slt, %select_n3A_465, %lt3A_471 : i32
        %ne3A_473 = arith.xori %lt3A_470, %lt3A_472 : i1
        %and3A_474 = arith.andi %ne3A_473, %ne3A_468 : i1
        %add3A_475 = arith.addi %rem3A_466, %select_n3A_465 : i32
        %select_n3A_476 = arith.select %and3A_474, %add3A_475, %rem3A_466 : i32
        %broadcast_in_dim3A = vector.broadcast %select_n3A_476 : i32 to vector<16xi32>
        %lt3A_477 = arith.constant 0 : i32
        %lt3A_478 = vector.broadcast %lt3A_477 : i32 to vector<16xi32>
        %lt3A_479 = arith.cmpi slt, %broadcast_in_dim3A, %lt3A_478 : vector<16xi32>
        %add3A_480 = arith.constant 16 : i32
        %add3A_481 = vector.broadcast %add3A_480 : i32 to vector<16xi32>
        %add3A_482 = arith.addi %broadcast_in_dim3A, %add3A_481 : vector<16xi32>
        %select_n3A_483 = arith.select %lt3A_479, %add3A_482, %broadcast_in_dim3A : vector<16xi1>, vector<16xi32>
        %reshape3A = vector.shape_cast %select_n3A_483 : vector<16xi32> to vector<16x1xi32>
        %gather3A = vector.shape_cast %reshape3A : vector<16x1xi32> to vector<16xi32>
        %gather3A_484 = tpu.dynamic_gather %get3A_461[%gather3A] in [0] : vector<16xf32>, vector<16xi32> -> vector<16xf32>
        %get3A_485 = arith.constant 0 : i32
        %get3A_486 = arith.index_cast %get3A_485 : i32 to index
        %get3A_487 = arith.index_cast %mul3A_428 : i32 to index
        %get3A_488 = arith.constant 0 : index
        %get3A_489 = tpu.vector_load %arg15[%get3A_486, %get3A_487, %get3A_488] {strides = array<i32>} : memref<2x128x128xf32, #tpu.memory_space<vmem>>, vector<1x1x16xf32>,
        %get3A_490 = vector.shape_cast %get3A_489 : vector<1x1x16xf32> to vector<16xf32>
        %mul3A_491 = arith.mulf %get3A_490, %gather3A_484 : vector<16xf32>
        %swap3A_492 = arith.constant 0 : i32
        %swap3A_493 = arith.index_cast %swap3A_492 : i32 to index
        %swap3A_494 = arith.index_cast %mul3A_428 : i32 to index
        %swap3A_495 = arith.constant 0 : index
        %swap3A_496 = tpu.vector_load %arg15[%swap3A_493, %swap3A_494, %swap3A_495] {strides = array<i32>} : memref<2x128x128xf32, #tpu.memory_space<vmem>>, vector<1x1x16xf32>,
        %swap3A_497 = vector.shape_cast %swap3A_496 : vector<1x1x16xf32> to vector<16xf32>
        %swap3A_498 = vector.shape_cast %mul3A_491 : vector<16xf32> to vector<1x1x16xf32>
        tpu.vector_store %arg15[%swap3A_493, %swap3A_494, %swap3A_495], %swap3A_498 {strides = array<i32>} : memref<2x128x128xf32, #tpu.memory_space<vmem>>, vector<1x1x16xf32>,
        %get3A_499 = arith.constant 0 : i32
        %get3A_500 = arith.index_cast %get3A_499 : i32 to index
        %get3A_501 = arith.index_cast %mul3A_428 : i32 to index
        %get3A_502 = arith.constant 16 : index
        %get3A_503 = tpu.vector_load %arg15[%get3A_500, %get3A_501, %get3A_502] {strides = array<i32>} : memref<2x128x128xf32, #tpu.memory_space<vmem>>, vector<1x1x16xf32>,
        %get3A_504 = vector.shape_cast %get3A_503 : vector<1x1x16xf32> to vector<16xf32>
        %mul3A_505 = arith.mulf %get3A_504, %gather3A_484 : vector<16xf32>
        %swap3A_506 = arith.constant 0 : i32
        %swap3A_507 = arith.index_cast %swap3A_506 : i32 to index
        %swap3A_508 = arith.index_cast %mul3A_428 : i32 to index
        %swap3A_509 = arith.constant 16 : index
        %swap3A_510 = tpu.vector_load %arg15[%swap3A_507, %swap3A_508, %swap3A_509] {strides = array<i32>} : memref<2x128x128xf32, #tpu.memory_space<vmem>>, vector<1x1x16xf32>,
        %swap3A_511 = vector.shape_cast %swap3A_510 : vector<1x1x16xf32> to vector<16xf32>
        %swap3A_512 = vector.shape_cast %mul3A_505 : vector<16xf32> to vector<1x1x16xf32>
        tpu.vector_store %arg15[%swap3A_507, %swap3A_508, %swap3A_509], %swap3A_512 {strides = array<i32>} : memref<2x128x128xf32, #tpu.memory_space<vmem>>, vector<1x1x16xf32>,
        %get3A_513 = arith.constant 0 : i32
        %get3A_514 = arith.index_cast %get3A_513 : i32 to index
        %get3A_515 = arith.index_cast %mul3A_428 : i32 to index
        %get3A_516 = arith.constant 32 : index
        %get3A_517 = tpu.vector_load %arg15[%get3A_514, %get3A_515, %get3A_516] {strides = array<i32>} : memref<2x128x128xf32, #tpu.memory_space<vmem>>, vector<1x1x16xf32>,
        %get3A_518 = vector.shape_cast %get3A_517 : vector<1x1x16xf32> to vector<16xf32>
        %mul3A_519 = arith.mulf %get3A_518, %gather3A_484 : vector<16xf32>
        %swap3A_520 = arith.constant 0 : i32
        %swap3A_521 = arith.index_cast %swap3A_520 : i32 to index
        %swap3A_522 = arith.index_cast %mul3A_428 : i32 to index
        %swap3A_523 = arith.constant 32 : index
        %swap3A_524 = tpu.vector_load %arg15[%swap3A_521, %swap3A_522, %swap3A_523] {strides = array<i32>} : memref<2x128x128xf32, #tpu.memory_space<vmem>>, vector<1x1x16xf32>,
        %swap3A_525 = vector.shape_cast %swap3A_524 : vector<1x1x16xf32> to vector<16xf32>
        %swap3A_526 = vector.shape_cast %mul3A_519 : vector<16xf32> to vector<1x1x16xf32>
        tpu.vector_store %arg15[%swap3A_521, %swap3A_522, %swap3A_523], %swap3A_526 {strides = array<i32>} : memref<2x128x128xf32, #tpu.memory_space<vmem>>, vector<1x1x16xf32>,
        %get3A_527 = arith.constant 0 : i32
        %get3A_528 = arith.index_cast %get3A_527 : i32 to index
        %get3A_529 = arith.index_cast %mul3A_428 : i32 to index
        %get3A_530 = arith.constant 48 : index
        %get3A_531 = tpu.vector_load %arg15[%get3A_528, %get3A_529, %get3A_530] {strides = array<i32>} : memref<2x128x128xf32, #tpu.memory_space<vmem>>, vector<1x1x16xf32>,
        %get3A_532 = vector.shape_cast %get3A_531 : vector<1x1x16xf32> to vector<16xf32>
        %mul3A_533 = arith.mulf %get3A_532, %gather3A_484 : vector<16xf32>
        %swap3A_534 = arith.constant 0 : i32
        %swap3A_535 = arith.index_cast %swap3A_534 : i32 to index
        %swap3A_536 = arith.index_cast %mul3A_428 : i32 to index
        %swap3A_537 = arith.constant 48 : index
        %swap3A_538 = tpu.vector_load %arg15[%swap3A_535, %swap3A_536, %swap3A_537] {strides = array<i32>} : memref<2x128x128xf32, #tpu.memory_space<vmem>>, vector<1x1x16xf32>,
        %swap3A_539 = vector.shape_cast %swap3A_538 : vector<1x1x16xf32> to vector<16xf32>
        %swap3A_540 = vector.shape_cast %mul3A_533 : vector<16xf32> to vector<1x1x16xf32>
        tpu.vector_store %arg15[%swap3A_535, %swap3A_536, %swap3A_537], %swap3A_540 {strides = array<i32>} : memref<2x128x128xf32, #tpu.memory_space<vmem>>, vector<1x1x16xf32>,
        %get3A_541 = arith.constant 0 : i32
        %get3A_542 = arith.index_cast %get3A_541 : i32 to index
        %get3A_543 = arith.index_cast %mul3A_428 : i32 to index
        %get3A_544 = arith.constant 64 : index
        %get3A_545 = tpu.vector_load %arg15[%get3A_542, %get3A_543, %get3A_544] {strides = array<i32>} : memref<2x128x128xf32, #tpu.memory_space<vmem>>, vector<1x1x16xf32>,
        %get3A_546 = vector.shape_cast %get3A_545 : vector<1x1x16xf32> to vector<16xf32>
        %mul3A_547 = arith.mulf %get3A_546, %gather3A_484 : vector<16xf32>
        %swap3A_548 = arith.constant 0 : i32
        %swap3A_549 = arith.index_cast %swap3A_548 : i32 to index
        %swap3A_550 = arith.index_cast %mul3A_428 : i32 to index
        %swap3A_551 = arith.constant 64 : index
        %swap3A_552 = tpu.vector_load %arg15[%swap3A_549, %swap3A_550, %swap3A_551] {strides = array<i32>} : memref<2x128x128xf32, #tpu.memory_space<vmem>>, vector<1x1x16xf32>,
        %swap3A_553 = vector.shape_cast %swap3A_552 : vector<1x1x16xf32> to vector<16xf32>
        %swap3A_554 = vector.shape_cast %mul3A_547 : vector<16xf32> to vector<1x1x16xf32>
        tpu.vector_store %arg15[%swap3A_549, %swap3A_550, %swap3A_551], %swap3A_554 {strides = array<i32>} : memref<2x128x128xf32, #tpu.memory_space<vmem>>, vector<1x1x16xf32>,
        %get3A_555 = arith.constant 0 : i32
        %get3A_556 = arith.index_cast %get3A_555 : i32 to index
        %get3A_557 = arith.index_cast %mul3A_428 : i32 to index
        %get3A_558 = arith.constant 80 : index
        %get3A_559 = tpu.vector_load %arg15[%get3A_556, %get3A_557, %get3A_558] {strides = array<i32>} : memref<2x128x128xf32, #tpu.memory_space<vmem>>, vector<1x1x16xf32>,
        %get3A_560 = vector.shape_cast %get3A_559 : vector<1x1x16xf32> to vector<16xf32>
        %mul3A_561 = arith.mulf %get3A_560, %gather3A_484 : vector<16xf32>
        %swap3A_562 = arith.constant 0 : i32
        %swap3A_563 = arith.index_cast %swap3A_562 : i32 to index
        %swap3A_564 = arith.index_cast %mul3A_428 : i32 to index
        %swap3A_565 = arith.constant 80 : index
        %swap3A_566 = tpu.vector_load %arg15[%swap3A_563, %swap3A_564, %swap3A_565] {strides = array<i32>} : memref<2x128x128xf32, #tpu.memory_space<vmem>>, vector<1x1x16xf32>,
        %swap3A_567 = vector.shape_cast %swap3A_566 : vector<1x1x16xf32> to vector<16xf32>
        %swap3A_568 = vector.shape_cast %mul3A_561 : vector<16xf32> to vector<1x1x16xf32>
        tpu.vector_store %arg15[%swap3A_563, %swap3A_564, %swap3A_565], %swap3A_568 {strides = array<i32>} : memref<2x128x128xf32, #tpu.memory_space<vmem>>, vector<1x1x16xf32>,
        %get3A_569 = arith.constant 0 : i32
        %get3A_570 = arith.index_cast %get3A_569 : i32 to index
        %get3A_571 = arith.index_cast %mul3A_428 : i32 to index
        %get3A_572 = arith.constant 96 : index
        %get3A_573 = tpu.vector_load %arg15[%get3A_570, %get3A_571, %get3A_572] {strides = array<i32>} : memref<2x128x128xf32, #tpu.memory_space<vmem>>, vector<1x1x16xf32>,
        %get3A_574 = vector.shape_cast %get3A_573 : vector<1x1x16xf32> to vector<16xf32>
        %mul3A_575 = arith.mulf %get3A_574, %gather3A_484 : vector<16xf32>
        %swap3A_576 = arith.constant 0 : i32
        %swap3A_577 = arith.index_cast %swap3A_576 : i32 to index
        %swap3A_578 = arith.index_cast %mul3A_428 : i32 to index
        %swap3A_579 = arith.constant 96 : index
        %swap3A_580 = tpu.vector_load %arg15[%swap3A_577, %swap3A_578, %swap3A_579] {strides = array<i32>} : memref<2x128x128xf32, #tpu.memory_space<vmem>>, vector<1x1x16xf32>,
        %swap3A_581 = vector.shape_cast %swap3A_580 : vector<1x1x16xf32> to vector<16xf32>
        %swap3A_582 = vector.shape_cast %mul3A_575 : vector<16xf32> to vector<1x1x16xf32>
        tpu.vector_store %arg15[%swap3A_577, %swap3A_578, %swap3A_579], %swap3A_582 {strides = array<i32>} : memref<2x128x128xf32, #tpu.memory_space<vmem>>, vector<1x1x16xf32>,
        %get3A_583 = arith.constant 0 : i32
        %get3A_584 = arith.index_cast %get3A_583 : i32 to index
        %get3A_585 = arith.index_cast %mul3A_428 : i32 to index
        %get3A_586 = arith.constant 112 : index
        %get3A_587 = tpu.vector_load %arg15[%get3A_584, %get3A_585, %get3A_586] {strides = array<i32>} : memref<2x128x128xf32, #tpu.memory_space<vmem>>, vector<1x1x16xf32>,
        %get3A_588 = vector.shape_cast %get3A_587 : vector<1x1x16xf32> to vector<16xf32>
        %mul3A_589 = arith.mulf %get3A_588, %gather3A_484 : vector<16xf32>
        %swap3A_590 = arith.constant 0 : i32
        %swap3A_591 = arith.index_cast %swap3A_590 : i32 to index
        %swap3A_592 = arith.index_cast %mul3A_428 : i32 to index
        %swap3A_593 = arith.constant 112 : index
        %swap3A_594 = tpu.vector_load %arg15[%swap3A_591, %swap3A_592, %swap3A_593] {strides = array<i32>} : memref<2x128x128xf32, #tpu.memory_space<vmem>>, vector<1x1x16xf32>,
        %swap3A_595 = vector.shape_cast %swap3A_594 : vector<1x1x16xf32> to vector<16xf32>
        %swap3A_596 = vector.shape_cast %mul3A_589 : vector<16xf32> to vector<1x1x16xf32>
        tpu.vector_store %arg15[%swap3A_591, %swap3A_592, %swap3A_593], %swap3A_596 {strides = array<i32>} : memref<2x128x128xf32, #tpu.memory_space<vmem>>, vector<1x1x16xf32>,
        %jit3A_597 = arith.constant 16 : i32
        %div3A_598 = arith.divsi %add3A_432, %jit3A_597 : i32
        %sign3A_599 = arith.constant 0 : i32
        %sign3A_600 = arith.cmpi sgt, %add3A_432, %sign3A_599 : i32
        %sign3A_601 = arith.extui %sign3A_600 : i1 to i32
        %sign3A_602 = arith.constant 0 : i32
        %sign3A_603 = arith.cmpi slt, %add3A_432, %sign3A_602 : i32
        %sign3A_604 = arith.extui %sign3A_603 : i1 to i32
        %sign3A_605 = arith.subi %sign3A_601, %sign3A_604 : i32
        %sign3A_606 = arith.constant 0 : i32
        %sign3A_607 = arith.cmpi sgt, %jit3A_597, %sign3A_606 : i32
        %sign3A_608 = arith.extui %sign3A_607 : i1 to i32
        %sign3A_609 = arith.constant 0 : i32
        %sign3A_610 = arith.cmpi slt, %jit3A_597, %sign3A_609 : i32
        %sign3A_611 = arith.extui %sign3A_610 : i1 to i32
        %sign3A_612 = arith.subi %sign3A_608, %sign3A_611 : i32
        %ne3A_613 = arith.cmpi ne, %sign3A_605, %sign3A_612 : i32
        %rem3A_614 = arith.remsi %add3A_432, %jit3A_597 : i32
        %ne3A_615 = arith.constant 0 : i32
        %ne3A_616 = arith.cmpi ne, %rem3A_614, %ne3A_615 : i32
        %and3A_617 = arith.andi %ne3A_613, %ne3A_616 : i1
        %sub3A_618 = arith.constant 1 : i32
        %sub3A_619 = arith.subi %div3A_598, %sub3A_618 : i32
        %select_n3A_620 = arith.select %and3A_617, %sub3A_619, %div3A_598 : i32
        %mul3A_621 = arith.constant 16 : i32
        %mul3A_622 = arith.muli %select_n3A_620, %mul3A_621 : i32
        %get3A_623 = arith.index_cast %mul3A_622 : i32 to index
        %get3A_624 = tpu.vector_load %arg13[%get3A_623] {strides = array<i32>} : memref<128xf32, #tpu.memory_space<vmem>>, vector<16xf32>,
        %get3A_625 = vector.shape_cast %get3A_624 : vector<16xf32> to vector<16xf32>
        %jit3A_626 = arith.constant 16 : i32
        %eq3A_627 = arith.constant 0 : i32
        %eq3A_628 = arith.cmpi eq, %jit3A_626, %eq3A_627 : i32
        %jit3A_629 = arith.constant 1 : i32
        %select_n3A_630 = arith.select %eq3A_628, %jit3A_629, %jit3A_626 : i32
        %rem3A_631 = arith.remsi %add3A_432, %select_n3A_630 : i32
        %ne3A_632 = arith.constant 0 : i32
        %ne3A_633 = arith.cmpi ne, %rem3A_631, %ne3A_632 : i32
        %lt3A_634 = arith.constant 0 : i32
        %lt3A_635 = arith.cmpi slt, %rem3A_631, %lt3A_634 : i32
        %lt3A_636 = arith.constant 0 : i32
        %lt3A_637 = arith.cmpi slt, %select_n3A_630, %lt3A_636 : i32
        %ne3A_638 = arith.xori %lt3A_635, %lt3A_637 : i1
        %and3A_639 = arith.andi %ne3A_638, %ne3A_633 : i1
        %add3A_640 = arith.addi %rem3A_631, %select_n3A_630 : i32
        %select_n3A_641 = arith.select %and3A_639, %add3A_640, %rem3A_631 : i32
        %broadcast_in_dim3A_642 = vector.broadcast %select_n3A_641 : i32 to vector<16xi32>
        %lt3A_643 = arith.constant 0 : i32
        %lt3A_644 = vector.broadcast %lt3A_643 : i32 to vector<16xi32>
        %lt3A_645 = arith.cmpi slt, %broadcast_in_dim3A_642, %lt3A_644 : vector<16xi32>
        %add3A_646 = arith.constant 16 : i32
        %add3A_647 = vector.broadcast %add3A_646 : i32 to vector<16xi32>
        %add3A_648 = arith.addi %broadcast_in_dim3A_642, %add3A_647 : vector<16xi32>
        %select_n3A_649 = arith.select %lt3A_645, %add3A_648, %broadcast_in_dim3A_642 : vector<16xi1>, vector<16xi32>
        %reshape3A_650 = vector.shape_cast %select_n3A_649 : vector<16xi32> to vector<16x1xi32>
        %gather3A_651 = vector.shape_cast %reshape3A_650 : vector<16x1xi32> to vector<16xi32>
        %gather3A_652 = tpu.dynamic_gather %get3A_625[%gather3A_651] in [0] : vector<16xf32>, vector<16xi32> -> vector<16xf32>
        %get3A_653 = arith.constant 0 : i32
        %get3A_654 = arith.index_cast %get3A_653 : i32 to index
        %get3A_655 = arith.index_cast %add3A_432 : i32 to index
        %get3A_656 = arith.constant 0 : index
        %get3A_657 = tpu.vector_load %arg15[%get3A_654, %get3A_655, %get3A_656] {strides = array<i32>} : memref<2x128x128xf32, #tpu.memory_space<vmem>>, vector<1x1x16xf32>,
        %get3A_658 = vector.shape_cast %get3A_657 : vector<1x1x16xf32> to vector<16xf32>
        %mul3A_659 = arith.mulf %get3A_658, %gather3A_652 : vector<16xf32>
        %swap3A_660 = arith.constant 0 : i32
        %swap3A_661 = arith.index_cast %swap3A_660 : i32 to index
        %swap3A_662 = arith.index_cast %add3A_432 : i32 to index
        %swap3A_663 = arith.constant 0 : index
        %swap3A_664 = tpu.vector_load %arg15[%swap3A_661, %swap3A_662, %swap3A_663] {strides = array<i32>} : memref<2x128x128xf32, #tpu.memory_space<vmem>>, vector<1x1x16xf32>,
        %swap3A_665 = vector.shape_cast %swap3A_664 : vector<1x1x16xf32> to vector<16xf32>
        %swap3A_666 = vector.shape_cast %mul3A_659 : vector<16xf32> to vector<1x1x16xf32>
        tpu.vector_store %arg15[%swap3A_661, %swap3A_662, %swap3A_663], %swap3A_666 {strides = array<i32>} : memref<2x128x128xf32, #tpu.memory_space<vmem>>, vector<1x1x16xf32>,
        %get3A_667 = arith.constant 0 : i32
        %get3A_668 = arith.index_cast %get3A_667 : i32 to index
        %get3A_669 = arith.index_cast %add3A_432 : i32 to index
        %get3A_670 = arith.constant 16 : index
        %get3A_671 = tpu.vector_load %arg15[%get3A_668, %get3A_669, %get3A_670] {strides = array<i32>} : memref<2x128x128xf32, #tpu.memory_space<vmem>>, vector<1x1x16xf32>,
        %get3A_672 = vector.shape_cast %get3A_671 : vector<1x1x16xf32> to vector<16xf32>
        %mul3A_673 = arith.mulf %get3A_672, %gather3A_652 : vector<16xf32>
        %swap3A_674 = arith.constant 0 : i32
        %swap3A_675 = arith.index_cast %swap3A_674 : i32 to index
        %swap3A_676 = arith.index_cast %add3A_432 : i32 to index
        %swap3A_677 = arith.constant 16 : index
        %swap3A_678 = tpu.vector_load %arg15[%swap3A_675, %swap3A_676, %swap3A_677] {strides = array<i32>} : memref<2x128x128xf32, #tpu.memory_space<vmem>>, vector<1x1x16xf32>,
        %swap3A_679 = vector.shape_cast %swap3A_678 : vector<1x1x16xf32> to vector<16xf32>
        %swap3A_680 = vector.shape_cast %mul3A_673 : vector<16xf32> to vector<1x1x16xf32>
        tpu.vector_store %arg15[%swap3A_675, %swap3A_676, %swap3A_677], %swap3A_680 {strides = array<i32>} : memref<2x128x128xf32, #tpu.memory_space<vmem>>, vector<1x1x16xf32>,
        %get3A_681 = arith.constant 0 : i32
        %get3A_682 = arith.index_cast %get3A_681 : i32 to index
        %get3A_683 = arith.index_cast %add3A_432 : i32 to index
        %get3A_684 = arith.constant 32 : index
        %get3A_685 = tpu.vector_load %arg15[%get3A_682, %get3A_683, %get3A_684] {strides = array<i32>} : memref<2x128x128xf32, #tpu.memory_space<vmem>>, vector<1x1x16xf32>,
        %get3A_686 = vector.shape_cast %get3A_685 : vector<1x1x16xf32> to vector<16xf32>
        %mul3A_687 = arith.mulf %get3A_686, %gather3A_652 : vector<16xf32>
        %swap3A_688 = arith.constant 0 : i32
        %swap3A_689 = arith.index_cast %swap3A_688 : i32 to index
        %swap3A_690 = arith.index_cast %add3A_432 : i32 to index
        %swap3A_691 = arith.constant 32 : index
        %swap3A_692 = tpu.vector_load %arg15[%swap3A_689, %swap3A_690, %swap3A_691] {strides = array<i32>} : memref<2x128x128xf32, #tpu.memory_space<vmem>>, vector<1x1x16xf32>,
        %swap3A_693 = vector.shape_cast %swap3A_692 : vector<1x1x16xf32> to vector<16xf32>
        %swap3A_694 = vector.shape_cast %mul3A_687 : vector<16xf32> to vector<1x1x16xf32>
        tpu.vector_store %arg15[%swap3A_689, %swap3A_690, %swap3A_691], %swap3A_694 {strides = array<i32>} : memref<2x128x128xf32, #tpu.memory_space<vmem>>, vector<1x1x16xf32>,
        %get3A_695 = arith.constant 0 : i32
        %get3A_696 = arith.index_cast %get3A_695 : i32 to index
        %get3A_697 = arith.index_cast %add3A_432 : i32 to index
        %get3A_698 = arith.constant 48 : index
        %get3A_699 = tpu.vector_load %arg15[%get3A_696, %get3A_697, %get3A_698] {strides = array<i32>} : memref<2x128x128xf32, #tpu.memory_space<vmem>>, vector<1x1x16xf32>,
        %get3A_700 = vector.shape_cast %get3A_699 : vector<1x1x16xf32> to vector<16xf32>
        %mul3A_701 = arith.mulf %get3A_700, %gather3A_652 : vector<16xf32>
        %swap3A_702 = arith.constant 0 : i32
        %swap3A_703 = arith.index_cast %swap3A_702 : i32 to index
        %swap3A_704 = arith.index_cast %add3A_432 : i32 to index
        %swap3A_705 = arith.constant 48 : index
        %swap3A_706 = tpu.vector_load %arg15[%swap3A_703, %swap3A_704, %swap3A_705] {strides = array<i32>} : memref<2x128x128xf32, #tpu.memory_space<vmem>>, vector<1x1x16xf32>,
        %swap3A_707 = vector.shape_cast %swap3A_706 : vector<1x1x16xf32> to vector<16xf32>
        %swap3A_708 = vector.shape_cast %mul3A_701 : vector<16xf32> to vector<1x1x16xf32>
        tpu.vector_store %arg15[%swap3A_703, %swap3A_704, %swap3A_705], %swap3A_708 {strides = array<i32>} : memref<2x128x128xf32, #tpu.memory_space<vmem>>, vector<1x1x16xf32>,
        %get3A_709 = arith.constant 0 : i32
        %get3A_710 = arith.index_cast %get3A_709 : i32 to index
        %get3A_711 = arith.index_cast %add3A_432 : i32 to index
        %get3A_712 = arith.constant 64 : index
        %get3A_713 = tpu.vector_load %arg15[%get3A_710, %get3A_711, %get3A_712] {strides = array<i32>} : memref<2x128x128xf32, #tpu.memory_space<vmem>>, vector<1x1x16xf32>,
        %get3A_714 = vector.shape_cast %get3A_713 : vector<1x1x16xf32> to vector<16xf32>
        %mul3A_715 = arith.mulf %get3A_714, %gather3A_652 : vector<16xf32>
        %swap3A_716 = arith.constant 0 : i32
        %swap3A_717 = arith.index_cast %swap3A_716 : i32 to index
        %swap3A_718 = arith.index_cast %add3A_432 : i32 to index
        %swap3A_719 = arith.constant 64 : index
        %swap3A_720 = tpu.vector_load %arg15[%swap3A_717, %swap3A_718, %swap3A_719] {strides = array<i32>} : memref<2x128x128xf32, #tpu.memory_space<vmem>>, vector<1x1x16xf32>,
        %swap3A_721 = vector.shape_cast %swap3A_720 : vector<1x1x16xf32> to vector<16xf32>
        %swap3A_722 = vector.shape_cast %mul3A_715 : vector<16xf32> to vector<1x1x16xf32>
        tpu.vector_store %arg15[%swap3A_717, %swap3A_718, %swap3A_719], %swap3A_722 {strides = array<i32>} : memref<2x128x128xf32, #tpu.memory_space<vmem>>, vector<1x1x16xf32>,
        %get3A_723 = arith.constant 0 : i32
        %get3A_724 = arith.index_cast %get3A_723 : i32 to index
        %get3A_725 = arith.index_cast %add3A_432 : i32 to index
        %get3A_726 = arith.constant 80 : index
        %get3A_727 = tpu.vector_load %arg15[%get3A_724, %get3A_725, %get3A_726] {strides = array<i32>} : memref<2x128x128xf32, #tpu.memory_space<vmem>>, vector<1x1x16xf32>,
        %get3A_728 = vector.shape_cast %get3A_727 : vector<1x1x16xf32> to vector<16xf32>
        %mul3A_729 = arith.mulf %get3A_728, %gather3A_652 : vector<16xf32>
        %swap3A_730 = arith.constant 0 : i32
        %swap3A_731 = arith.index_cast %swap3A_730 : i32 to index
        %swap3A_732 = arith.index_cast %add3A_432 : i32 to index
        %swap3A_733 = arith.constant 80 : index
        %swap3A_734 = tpu.vector_load %arg15[%swap3A_731, %swap3A_732, %swap3A_733] {strides = array<i32>} : memref<2x128x128xf32, #tpu.memory_space<vmem>>, vector<1x1x16xf32>,
        %swap3A_735 = vector.shape_cast %swap3A_734 : vector<1x1x16xf32> to vector<16xf32>
        %swap3A_736 = vector.shape_cast %mul3A_729 : vector<16xf32> to vector<1x1x16xf32>
        tpu.vector_store %arg15[%swap3A_731, %swap3A_732, %swap3A_733], %swap3A_736 {strides = array<i32>} : memref<2x128x128xf32, #tpu.memory_space<vmem>>, vector<1x1x16xf32>,
        %get3A_737 = arith.constant 0 : i32
        %get3A_738 = arith.index_cast %get3A_737 : i32 to index
        %get3A_739 = arith.index_cast %add3A_432 : i32 to index
        %get3A_740 = arith.constant 96 : index
        %get3A_741 = tpu.vector_load %arg15[%get3A_738, %get3A_739, %get3A_740] {strides = array<i32>} : memref<2x128x128xf32, #tpu.memory_space<vmem>>, vector<1x1x16xf32>,
        %get3A_742 = vector.shape_cast %get3A_741 : vector<1x1x16xf32> to vector<16xf32>
        %mul3A_743 = arith.mulf %get3A_742, %gather3A_652 : vector<16xf32>
        %swap3A_744 = arith.constant 0 : i32
        %swap3A_745 = arith.index_cast %swap3A_744 : i32 to index
        %swap3A_746 = arith.index_cast %add3A_432 : i32 to index
        %swap3A_747 = arith.constant 96 : index
        %swap3A_748 = tpu.vector_load %arg15[%swap3A_745, %swap3A_746, %swap3A_747] {strides = array<i32>} : memref<2x128x128xf32, #tpu.memory_space<vmem>>, vector<1x1x16xf32>,
        %swap3A_749 = vector.shape_cast %swap3A_748 : vector<1x1x16xf32> to vector<16xf32>
        %swap3A_750 = vector.shape_cast %mul3A_743 : vector<16xf32> to vector<1x1x16xf32>
        tpu.vector_store %arg15[%swap3A_745, %swap3A_746, %swap3A_747], %swap3A_750 {strides = array<i32>} : memref<2x128x128xf32, #tpu.memory_space<vmem>>, vector<1x1x16xf32>,
        %get3A_751 = arith.constant 0 : i32
        %get3A_752 = arith.index_cast %get3A_751 : i32 to index
        %get3A_753 = arith.index_cast %add3A_432 : i32 to index
        %get3A_754 = arith.constant 112 : index
        %get3A_755 = tpu.vector_load %arg15[%get3A_752, %get3A_753, %get3A_754] {strides = array<i32>} : memref<2x128x128xf32, #tpu.memory_space<vmem>>, vector<1x1x16xf32>,
        %get3A_756 = vector.shape_cast %get3A_755 : vector<1x1x16xf32> to vector<16xf32>
        %mul3A_757 = arith.mulf %get3A_756, %gather3A_652 : vector<16xf32>
        %swap3A_758 = arith.constant 0 : i32
        %swap3A_759 = arith.index_cast %swap3A_758 : i32 to index
        %swap3A_760 = arith.index_cast %add3A_432 : i32 to index
        %swap3A_761 = arith.constant 112 : index
        %swap3A_762 = tpu.vector_load %arg15[%swap3A_759, %swap3A_760, %swap3A_761] {strides = array<i32>} : memref<2x128x128xf32, #tpu.memory_space<vmem>>, vector<1x1x16xf32>,
        %swap3A_763 = vector.shape_cast %swap3A_762 : vector<1x1x16xf32> to vector<16xf32>
        %swap3A_764 = vector.shape_cast %mul3A_757 : vector<16xf32> to vector<1x1x16xf32>
        tpu.vector_store %arg15[%swap3A_759, %swap3A_760, %swap3A_761], %swap3A_764 {strides = array<i32>} : memref<2x128x128xf32, #tpu.memory_space<vmem>>, vector<1x1x16xf32>,
        %jit3A_765 = arith.constant 16 : i32
        %div3A_766 = arith.divsi %add3A_436, %jit3A_765 : i32
        %sign3A_767 = arith.constant 0 : i32
        %sign3A_768 = arith.cmpi sgt, %add3A_436, %sign3A_767 : i32
        %sign3A_769 = arith.extui %sign3A_768 : i1 to i32
        %sign3A_770 = arith.constant 0 : i32
        %sign3A_771 = arith.cmpi slt, %add3A_436, %sign3A_770 : i32
        %sign3A_772 = arith.extui %sign3A_771 : i1 to i32
        %sign3A_773 = arith.subi %sign3A_769, %sign3A_772 : i32
        %sign3A_774 = arith.constant 0 : i32
        %sign3A_775 = arith.cmpi sgt, %jit3A_765, %sign3A_774 : i32
        %sign3A_776 = arith.extui %sign3A_775 : i1 to i32
        %sign3A_777 = arith.constant 0 : i32
        %sign3A_778 = arith.cmpi slt, %jit3A_765, %sign3A_777 : i32
        %sign3A_779 = arith.extui %sign3A_778 : i1 to i32
        %sign3A_780 = arith.subi %sign3A_776, %sign3A_779 : i32
        %ne3A_781 = arith.cmpi ne, %sign3A_773, %sign3A_780 : i32
        %rem3A_782 = arith.remsi %add3A_436, %jit3A_765 : i32
        %ne3A_783 = arith.constant 0 : i32
        %ne3A_784 = arith.cmpi ne, %rem3A_782, %ne3A_783 : i32
        %and3A_785 = arith.andi %ne3A_781, %ne3A_784 : i1
        %sub3A_786 = arith.constant 1 : i32
        %sub3A_787 = arith.subi %div3A_766, %sub3A_786 : i32
        %select_n3A_788 = arith.select %and3A_785, %sub3A_787, %div3A_766 : i32
        %mul3A_789 = arith.constant 16 : i32
        %mul3A_790 = arith.muli %select_n3A_788, %mul3A_789 : i32
        %get3A_791 = arith.index_cast %mul3A_790 : i32 to index
        %get3A_792 = tpu.vector_load %arg13[%get3A_791] {strides = array<i32>} : memref<128xf32, #tpu.memory_space<vmem>>, vector<16xf32>,
        %get3A_793 = vector.shape_cast %get3A_792 : vector<16xf32> to vector<16xf32>
        %jit3A_794 = arith.constant 16 : i32
        %eq3A_795 = arith.constant 0 : i32
        %eq3A_796 = arith.cmpi eq, %jit3A_794, %eq3A_795 : i32
        %jit3A_797 = arith.constant 1 : i32
        %select_n3A_798 = arith.select %eq3A_796, %jit3A_797, %jit3A_794 : i32
        %rem3A_799 = arith.remsi %add3A_436, %select_n3A_798 : i32
        %ne3A_800 = arith.constant 0 : i32
        %ne3A_801 = arith.cmpi ne, %rem3A_799, %ne3A_800 : i32
        %lt3A_802 = arith.constant 0 : i32
        %lt3A_803 = arith.cmpi slt, %rem3A_799, %lt3A_802 : i32
        %lt3A_804 = arith.constant 0 : i32
        %lt3A_805 = arith.cmpi slt, %select_n3A_798, %lt3A_804 : i32
        %ne3A_806 = arith.xori %lt3A_803, %lt3A_805 : i1
        %and3A_807 = arith.andi %ne3A_806, %ne3A_801 : i1
        %add3A_808 = arith.addi %rem3A_799, %select_n3A_798 : i32
        %select_n3A_809 = arith.select %and3A_807, %add3A_808, %rem3A_799 : i32
        %broadcast_in_dim3A_810 = vector.broadcast %select_n3A_809 : i32 to vector<16xi32>
        %lt3A_811 = arith.constant 0 : i32
        %lt3A_812 = vector.broadcast %lt3A_811 : i32 to vector<16xi32>
        %lt3A_813 = arith.cmpi slt, %broadcast_in_dim3A_810, %lt3A_812 : vector<16xi32>
        %add3A_814 = arith.constant 16 : i32
        %add3A_815 = vector.broadcast %add3A_814 : i32 to vector<16xi32>
        %add3A_816 = arith.addi %broadcast_in_dim3A_810, %add3A_815 : vector<16xi32>
        %select_n3A_817 = arith.select %lt3A_813, %add3A_816, %broadcast_in_dim3A_810 : vector<16xi1>, vector<16xi32>
        %reshape3A_818 = vector.shape_cast %select_n3A_817 : vector<16xi32> to vector<16x1xi32>
        %gather3A_819 = vector.shape_cast %reshape3A_818 : vector<16x1xi32> to vector<16xi32>
        %gather3A_820 = tpu.dynamic_gather %get3A_793[%gather3A_819] in [0] : vector<16xf32>, vector<16xi32> -> vector<16xf32>
        %get3A_821 = arith.constant 0 : i32
        %get3A_822 = arith.index_cast %get3A_821 : i32 to index
        %get3A_823 = arith.index_cast %add3A_436 : i32 to index
        %get3A_824 = arith.constant 0 : index
        %get3A_825 = tpu.vector_load %arg15[%get3A_822, %get3A_823, %get3A_824] {strides = array<i32>} : memref<2x128x128xf32, #tpu.memory_space<vmem>>, vector<1x1x16xf32>,
        %get3A_826 = vector.shape_cast %get3A_825 : vector<1x1x16xf32> to vector<16xf32>
        %mul3A_827 = arith.mulf %get3A_826, %gather3A_820 : vector<16xf32>
        %swap3A_828 = arith.constant 0 : i32
        %swap3A_829 = arith.index_cast %swap3A_828 : i32 to index
        %swap3A_830 = arith.index_cast %add3A_436 : i32 to index
        %swap3A_831 = arith.constant 0 : index
        %swap3A_832 = tpu.vector_load %arg15[%swap3A_829, %swap3A_830, %swap3A_831] {strides = array<i32>} : memref<2x128x128xf32, #tpu.memory_space<vmem>>, vector<1x1x16xf32>,
        %swap3A_833 = vector.shape_cast %swap3A_832 : vector<1x1x16xf32> to vector<16xf32>
        %swap3A_834 = vector.shape_cast %mul3A_827 : vector<16xf32> to vector<1x1x16xf32>
        tpu.vector_store %arg15[%swap3A_829, %swap3A_830, %swap3A_831], %swap3A_834 {strides = array<i32>} : memref<2x128x128xf32, #tpu.memory_space<vmem>>, vector<1x1x16xf32>,
        %get3A_835 = arith.constant 0 : i32
        %get3A_836 = arith.index_cast %get3A_835 : i32 to index
        %get3A_837 = arith.index_cast %add3A_436 : i32 to index
        %get3A_838 = arith.constant 16 : index
        %get3A_839 = tpu.vector_load %arg15[%get3A_836, %get3A_837, %get3A_838] {strides = array<i32>} : memref<2x128x128xf32, #tpu.memory_space<vmem>>, vector<1x1x16xf32>,
        %get3A_840 = vector.shape_cast %get3A_839 : vector<1x1x16xf32> to vector<16xf32>
        %mul3A_841 = arith.mulf %get3A_840, %gather3A_820 : vector<16xf32>
        %swap3A_842 = arith.constant 0 : i32
        %swap3A_843 = arith.index_cast %swap3A_842 : i32 to index
        %swap3A_844 = arith.index_cast %add3A_436 : i32 to index
        %swap3A_845 = arith.constant 16 : index
        %swap3A_846 = tpu.vector_load %arg15[%swap3A_843, %swap3A_844, %swap3A_845] {strides = array<i32>} : memref<2x128x128xf32, #tpu.memory_space<vmem>>, vector<1x1x16xf32>,
        %swap3A_847 = vector.shape_cast %swap3A_846 : vector<1x1x16xf32> to vector<16xf32>
        %swap3A_848 = vector.shape_cast %mul3A_841 : vector<16xf32> to vector<1x1x16xf32>
        tpu.vector_store %arg15[%swap3A_843, %swap3A_844, %swap3A_845], %swap3A_848 {strides = array<i32>} : memref<2x128x128xf32, #tpu.memory_space<vmem>>, vector<1x1x16xf32>,
        %get3A_849 = arith.constant 0 : i32
        %get3A_850 = arith.index_cast %get3A_849 : i32 to index
        %get3A_851 = arith.index_cast %add3A_436 : i32 to index
        %get3A_852 = arith.constant 32 : index
        %get3A_853 = tpu.vector_load %arg15[%get3A_850, %get3A_851, %get3A_852] {strides = array<i32>} : memref<2x128x128xf32, #tpu.memory_space<vmem>>, vector<1x1x16xf32>,
        %get3A_854 = vector.shape_cast %get3A_853 : vector<1x1x16xf32> to vector<16xf32>
        %mul3A_855 = arith.mulf %get3A_854, %gather3A_820 : vector<16xf32>
        %swap3A_856 = arith.constant 0 : i32
        %swap3A_857 = arith.index_cast %swap3A_856 : i32 to index
        %swap3A_858 = arith.index_cast %add3A_436 : i32 to index
        %swap3A_859 = arith.constant 32 : index
        %swap3A_860 = tpu.vector_load %arg15[%swap3A_857, %swap3A_858, %swap3A_859] {strides = array<i32>} : memref<2x128x128xf32, #tpu.memory_space<vmem>>, vector<1x1x16xf32>,
        %swap3A_861 = vector.shape_cast %swap3A_860 : vector<1x1x16xf32> to vector<16xf32>
        %swap3A_862 = vector.shape_cast %mul3A_855 : vector<16xf32> to vector<1x1x16xf32>
        tpu.vector_store %arg15[%swap3A_857, %swap3A_858, %swap3A_859], %swap3A_862 {strides = array<i32>} : memref<2x128x128xf32, #tpu.memory_space<vmem>>, vector<1x1x16xf32>,
        %get3A_863 = arith.constant 0 : i32
        %get3A_864 = arith.index_cast %get3A_863 : i32 to index
        %get3A_865 = arith.index_cast %add3A_436 : i32 to index
        %get3A_866 = arith.constant 48 : index
        %get3A_867 = tpu.vector_load %arg15[%get3A_864, %get3A_865, %get3A_866] {strides = array<i32>} : memref<2x128x128xf32, #tpu.memory_space<vmem>>, vector<1x1x16xf32>,
        %get3A_868 = vector.shape_cast %get3A_867 : vector<1x1x16xf32> to vector<16xf32>
        %mul3A_869 = arith.mulf %get3A_868, %gather3A_820 : vector<16xf32>
        %swap3A_870 = arith.constant 0 : i32
        %swap3A_871 = arith.index_cast %swap3A_870 : i32 to index
        %swap3A_872 = arith.index_cast %add3A_436 : i32 to index
        %swap3A_873 = arith.constant 48 : index
        %swap3A_874 = tpu.vector_load %arg15[%swap3A_871, %swap3A_872, %swap3A_873] {strides = array<i32>} : memref<2x128x128xf32, #tpu.memory_space<vmem>>, vector<1x1x16xf32>,
        %swap3A_875 = vector.shape_cast %swap3A_874 : vector<1x1x16xf32> to vector<16xf32>
        %swap3A_876 = vector.shape_cast %mul3A_869 : vector<16xf32> to vector<1x1x16xf32>
        tpu.vector_store %arg15[%swap3A_871, %swap3A_872, %swap3A_873], %swap3A_876 {strides = array<i32>} : memref<2x128x128xf32, #tpu.memory_space<vmem>>, vector<1x1x16xf32>,
        %get3A_877 = arith.constant 0 : i32
        %get3A_878 = arith.index_cast %get3A_877 : i32 to index
        %get3A_879 = arith.index_cast %add3A_436 : i32 to index
        %get3A_880 = arith.constant 64 : index
        %get3A_881 = tpu.vector_load %arg15[%get3A_878, %get3A_879, %get3A_880] {strides = array<i32>} : memref<2x128x128xf32, #tpu.memory_space<vmem>>, vector<1x1x16xf32>,
        %get3A_882 = vector.shape_cast %get3A_881 : vector<1x1x16xf32> to vector<16xf32>
        %mul3A_883 = arith.mulf %get3A_882, %gather3A_820 : vector<16xf32>
        %swap3A_884 = arith.constant 0 : i32
        %swap3A_885 = arith.index_cast %swap3A_884 : i32 to index
        %swap3A_886 = arith.index_cast %add3A_436 : i32 to index
        %swap3A_887 = arith.constant 64 : index
        %swap3A_888 = tpu.vector_load %arg15[%swap3A_885, %swap3A_886, %swap3A_887] {strides = array<i32>} : memref<2x128x128xf32, #tpu.memory_space<vmem>>, vector<1x1x16xf32>,
        %swap3A_889 = vector.shape_cast %swap3A_888 : vector<1x1x16xf32> to vector<16xf32>
        %swap3A_890 = vector.shape_cast %mul3A_883 : vector<16xf32> to vector<1x1x16xf32>
        tpu.vector_store %arg15[%swap3A_885, %swap3A_886, %swap3A_887], %swap3A_890 {strides = array<i32>} : memref<2x128x128xf32, #tpu.memory_space<vmem>>, vector<1x1x16xf32>,
        %get3A_891 = arith.constant 0 : i32
        %get3A_892 = arith.index_cast %get3A_891 : i32 to index
        %get3A_893 = arith.index_cast %add3A_436 : i32 to index
        %get3A_894 = arith.constant 80 : index
        %get3A_895 = tpu.vector_load %arg15[%get3A_892, %get3A_893, %get3A_894] {strides = array<i32>} : memref<2x128x128xf32, #tpu.memory_space<vmem>>, vector<1x1x16xf32>,
        %get3A_896 = vector.shape_cast %get3A_895 : vector<1x1x16xf32> to vector<16xf32>
        %mul3A_897 = arith.mulf %get3A_896, %gather3A_820 : vector<16xf32>
        %swap3A_898 = arith.constant 0 : i32
        %swap3A_899 = arith.index_cast %swap3A_898 : i32 to index
        %swap3A_900 = arith.index_cast %add3A_436 : i32 to index
        %swap3A_901 = arith.constant 80 : index
        %swap3A_902 = tpu.vector_load %arg15[%swap3A_899, %swap3A_900, %swap3A_901] {strides = array<i32>} : memref<2x128x128xf32, #tpu.memory_space<vmem>>, vector<1x1x16xf32>,
        %swap3A_903 = vector.shape_cast %swap3A_902 : vector<1x1x16xf32> to vector<16xf32>
        %swap3A_904 = vector.shape_cast %mul3A_897 : vector<16xf32> to vector<1x1x16xf32>
        tpu.vector_store %arg15[%swap3A_899, %swap3A_900, %swap3A_901], %swap3A_904 {strides = array<i32>} : memref<2x128x128xf32, #tpu.memory_space<vmem>>, vector<1x1x16xf32>,
        %get3A_905 = arith.constant 0 : i32
        %get3A_906 = arith.index_cast %get3A_905 : i32 to index
        %get3A_907 = arith.index_cast %add3A_436 : i32 to index
        %get3A_908 = arith.constant 96 : index
        %get3A_909 = tpu.vector_load %arg15[%get3A_906, %get3A_907, %get3A_908] {strides = array<i32>} : memref<2x128x128xf32, #tpu.memory_space<vmem>>, vector<1x1x16xf32>,
        %get3A_910 = vector.shape_cast %get3A_909 : vector<1x1x16xf32> to vector<16xf32>
        %mul3A_911 = arith.mulf %get3A_910, %gather3A_820 : vector<16xf32>
        %swap3A_912 = arith.constant 0 : i32
        %swap3A_913 = arith.index_cast %swap3A_912 : i32 to index
        %swap3A_914 = arith.index_cast %add3A_436 : i32 to index
        %swap3A_915 = arith.constant 96 : index
        %swap3A_916 = tpu.vector_load %arg15[%swap3A_913, %swap3A_914, %swap3A_915] {strides = array<i32>} : memref<2x128x128xf32, #tpu.memory_space<vmem>>, vector<1x1x16xf32>,
        %swap3A_917 = vector.shape_cast %swap3A_916 : vector<1x1x16xf32> to vector<16xf32>
        %swap3A_918 = vector.shape_cast %mul3A_911 : vector<16xf32> to vector<1x1x16xf32>
        tpu.vector_store %arg15[%swap3A_913, %swap3A_914, %swap3A_915], %swap3A_918 {strides = array<i32>} : memref<2x128x128xf32, #tpu.memory_space<vmem>>, vector<1x1x16xf32>,
        %get3A_919 = arith.constant 0 : i32
        %get3A_920 = arith.index_cast %get3A_919 : i32 to index
        %get3A_921 = arith.index_cast %add3A_436 : i32 to index
        %get3A_922 = arith.constant 112 : index
        %get3A_923 = tpu.vector_load %arg15[%get3A_920, %get3A_921, %get3A_922] {strides = array<i32>} : memref<2x128x128xf32, #tpu.memory_space<vmem>>, vector<1x1x16xf32>,
        %get3A_924 = vector.shape_cast %get3A_923 : vector<1x1x16xf32> to vector<16xf32>
        %mul3A_925 = arith.mulf %get3A_924, %gather3A_820 : vector<16xf32>
        %swap3A_926 = arith.constant 0 : i32
        %swap3A_927 = arith.index_cast %swap3A_926 : i32 to index
        %swap3A_928 = arith.index_cast %add3A_436 : i32 to index
        %swap3A_929 = arith.constant 112 : index
        %swap3A_930 = tpu.vector_load %arg15[%swap3A_927, %swap3A_928, %swap3A_929] {strides = array<i32>} : memref<2x128x128xf32, #tpu.memory_space<vmem>>, vector<1x1x16xf32>,
        %swap3A_931 = vector.shape_cast %swap3A_930 : vector<1x1x16xf32> to vector<16xf32>
        %swap3A_932 = vector.shape_cast %mul3A_925 : vector<16xf32> to vector<1x1x16xf32>
        tpu.vector_store %arg15[%swap3A_927, %swap3A_928, %swap3A_929], %swap3A_932 {strides = array<i32>} : memref<2x128x128xf32, #tpu.memory_space<vmem>>, vector<1x1x16xf32>,
        %jit3A_933 = arith.constant 16 : i32
        %div3A_934 = arith.divsi %add3A_440, %jit3A_933 : i32
        %sign3A_935 = arith.constant 0 : i32
        %sign3A_936 = arith.cmpi sgt, %add3A_440, %sign3A_935 : i32
        %sign3A_937 = arith.extui %sign3A_936 : i1 to i32
        %sign3A_938 = arith.constant 0 : i32
        %sign3A_939 = arith.cmpi slt, %add3A_440, %sign3A_938 : i32
        %sign3A_940 = arith.extui %sign3A_939 : i1 to i32
        %sign3A_941 = arith.subi %sign3A_937, %sign3A_940 : i32
        %sign3A_942 = arith.constant 0 : i32
        %sign3A_943 = arith.cmpi sgt, %jit3A_933, %sign3A_942 : i32
        %sign3A_944 = arith.extui %sign3A_943 : i1 to i32
        %sign3A_945 = arith.constant 0 : i32
        %sign3A_946 = arith.cmpi slt, %jit3A_933, %sign3A_945 : i32
        %sign3A_947 = arith.extui %sign3A_946 : i1 to i32
        %sign3A_948 = arith.subi %sign3A_944, %sign3A_947 : i32
        %ne3A_949 = arith.cmpi ne, %sign3A_941, %sign3A_948 : i32
        %rem3A_950 = arith.remsi %add3A_440, %jit3A_933 : i32
        %ne3A_951 = arith.constant 0 : i32
        %ne3A_952 = arith.cmpi ne, %rem3A_950, %ne3A_951 : i32
        %and3A_953 = arith.andi %ne3A_949, %ne3A_952 : i1
        %sub3A_954 = arith.constant 1 : i32
        %sub3A_955 = arith.subi %div3A_934, %sub3A_954 : i32
        %select_n3A_956 = arith.select %and3A_953, %sub3A_955, %div3A_934 : i32
        %mul3A_957 = arith.constant 16 : i32
        %mul3A_958 = arith.muli %select_n3A_956, %mul3A_957 : i32
        %get3A_959 = arith.index_cast %mul3A_958 : i32 to index
        %get3A_960 = tpu.vector_load %arg13[%get3A_959] {strides = array<i32>} : memref<128xf32, #tpu.memory_space<vmem>>, vector<16xf32>,
        %get3A_961 = vector.shape_cast %get3A_960 : vector<16xf32> to vector<16xf32>
        %jit3A_962 = arith.constant 16 : i32
        %eq3A_963 = arith.constant 0 : i32
        %eq3A_964 = arith.cmpi eq, %jit3A_962, %eq3A_963 : i32
        %jit3A_965 = arith.constant 1 : i32
        %select_n3A_966 = arith.select %eq3A_964, %jit3A_965, %jit3A_962 : i32
        %rem3A_967 = arith.remsi %add3A_440, %select_n3A_966 : i32
        %ne3A_968 = arith.constant 0 : i32
        %ne3A_969 = arith.cmpi ne, %rem3A_967, %ne3A_968 : i32
        %lt3A_970 = arith.constant 0 : i32
        %lt3A_971 = arith.cmpi slt, %rem3A_967, %lt3A_970 : i32
        %lt3A_972 = arith.constant 0 : i32
        %lt3A_973 = arith.cmpi slt, %select_n3A_966, %lt3A_972 : i32
        %ne3A_974 = arith.xori %lt3A_971, %lt3A_973 : i1
        %and3A_975 = arith.andi %ne3A_974, %ne3A_969 : i1
        %add3A_976 = arith.addi %rem3A_967, %select_n3A_966 : i32
        %select_n3A_977 = arith.select %and3A_975, %add3A_976, %rem3A_967 : i32
        %broadcast_in_dim3A_978 = vector.broadcast %select_n3A_977 : i32 to vector<16xi32>
        %lt3A_979 = arith.constant 0 : i32
        %lt3A_980 = vector.broadcast %lt3A_979 : i32 to vector<16xi32>
        %lt3A_981 = arith.cmpi slt, %broadcast_in_dim3A_978, %lt3A_980 : vector<16xi32>
        %add3A_982 = arith.constant 16 : i32
        %add3A_983 = vector.broadcast %add3A_982 : i32 to vector<16xi32>
        %add3A_984 = arith.addi %broadcast_in_dim3A_978, %add3A_983 : vector<16xi32>
        %select_n3A_985 = arith.select %lt3A_981, %add3A_984, %broadcast_in_dim3A_978 : vector<16xi1>, vector<16xi32>
        %reshape3A_986 = vector.shape_cast %select_n3A_985 : vector<16xi32> to vector<16x1xi32>
        %gather3A_987 = vector.shape_cast %reshape3A_986 : vector<16x1xi32> to vector<16xi32>
        %gather3A_988 = tpu.dynamic_gather %get3A_961[%gather3A_987] in [0] : vector<16xf32>, vector<16xi32> -> vector<16xf32>
        %get3A_989 = arith.constant 0 : i32
        %get3A_990 = arith.index_cast %get3A_989 : i32 to index
        %get3A_991 = arith.index_cast %add3A_440 : i32 to index
        %get3A_992 = arith.constant 0 : index
        %get3A_993 = tpu.vector_load %arg15[%get3A_990, %get3A_991, %get3A_992] {strides = array<i32>} : memref<2x128x128xf32, #tpu.memory_space<vmem>>, vector<1x1x16xf32>,
        %get3A_994 = vector.shape_cast %get3A_993 : vector<1x1x16xf32> to vector<16xf32>
        %mul3A_995 = arith.mulf %get3A_994, %gather3A_988 : vector<16xf32>
        %swap3A_996 = arith.constant 0 : i32
        %swap3A_997 = arith.index_cast %swap3A_996 : i32 to index
        %swap3A_998 = arith.index_cast %add3A_440 : i32 to index
        %swap3A_999 = arith.constant 0 : index
        %swap3A_1000 = tpu.vector_load %arg15[%swap3A_997, %swap3A_998, %swap3A_999] {strides = array<i32>} : memref<2x128x128xf32, #tpu.memory_space<vmem>>, vector<1x1x16xf32>,
        %swap3A_1001 = vector.shape_cast %swap3A_1000 : vector<1x1x16xf32> to vector<16xf32>
        %swap3A_1002 = vector.shape_cast %mul3A_995 : vector<16xf32> to vector<1x1x16xf32>
        tpu.vector_store %arg15[%swap3A_997, %swap3A_998, %swap3A_999], %swap3A_1002 {strides = array<i32>} : memref<2x128x128xf32, #tpu.memory_space<vmem>>, vector<1x1x16xf32>,
        %get3A_1003 = arith.constant 0 : i32
        %get3A_1004 = arith.index_cast %get3A_1003 : i32 to index
        %get3A_1005 = arith.index_cast %add3A_440 : i32 to index
        %get3A_1006 = arith.constant 16 : index
        %get3A_1007 = tpu.vector_load %arg15[%get3A_1004, %get3A_1005, %get3A_1006] {strides = array<i32>} : memref<2x128x128xf32, #tpu.memory_space<vmem>>, vector<1x1x16xf32>,
        %get3A_1008 = vector.shape_cast %get3A_1007 : vector<1x1x16xf32> to vector<16xf32>
        %mul3A_1009 = arith.mulf %get3A_1008, %gather3A_988 : vector<16xf32>
        %swap3A_1010 = arith.constant 0 : i32
        %swap3A_1011 = arith.index_cast %swap3A_1010 : i32 to index
        %swap3A_1012 = arith.index_cast %add3A_440 : i32 to index
        %swap3A_1013 = arith.constant 16 : index
        %swap3A_1014 = tpu.vector_load %arg15[%swap3A_1011, %swap3A_1012, %swap3A_1013] {strides = array<i32>} : memref<2x128x128xf32, #tpu.memory_space<vmem>>, vector<1x1x16xf32>,
        %swap3A_1015 = vector.shape_cast %swap3A_1014 : vector<1x1x16xf32> to vector<16xf32>
        %swap3A_1016 = vector.shape_cast %mul3A_1009 : vector<16xf32> to vector<1x1x16xf32>
        tpu.vector_store %arg15[%swap3A_1011, %swap3A_1012, %swap3A_1013], %swap3A_1016 {strides = array<i32>} : memref<2x128x128xf32, #tpu.memory_space<vmem>>, vector<1x1x16xf32>,
        %get3A_1017 = arith.constant 0 : i32
        %get3A_1018 = arith.index_cast %get3A_1017 : i32 to index
        %get3A_1019 = arith.index_cast %add3A_440 : i32 to index
        %get3A_1020 = arith.constant 32 : index
        %get3A_1021 = tpu.vector_load %arg15[%get3A_1018, %get3A_1019, %get3A_1020] {strides = array<i32>} : memref<2x128x128xf32, #tpu.memory_space<vmem>>, vector<1x1x16xf32>,
        %get3A_1022 = vector.shape_cast %get3A_1021 : vector<1x1x16xf32> to vector<16xf32>
        %mul3A_1023 = arith.mulf %get3A_1022, %gather3A_988 : vector<16xf32>
        %swap3A_1024 = arith.constant 0 : i32
        %swap3A_1025 = arith.index_cast %swap3A_1024 : i32 to index
        %swap3A_1026 = arith.index_cast %add3A_440 : i32 to index
        %swap3A_1027 = arith.constant 32 : index
        %swap3A_1028 = tpu.vector_load %arg15[%swap3A_1025, %swap3A_1026, %swap3A_1027] {strides = array<i32>} : memref<2x128x128xf32, #tpu.memory_space<vmem>>, vector<1x1x16xf32>,
        %swap3A_1029 = vector.shape_cast %swap3A_1028 : vector<1x1x16xf32> to vector<16xf32>
        %swap3A_1030 = vector.shape_cast %mul3A_1023 : vector<16xf32> to vector<1x1x16xf32>
        tpu.vector_store %arg15[%swap3A_1025, %swap3A_1026, %swap3A_1027], %swap3A_1030 {strides = array<i32>} : memref<2x128x128xf32, #tpu.memory_space<vmem>>, vector<1x1x16xf32>,
        %get3A_1031 = arith.constant 0 : i32
        %get3A_1032 = arith.index_cast %get3A_1031 : i32 to index
        %get3A_1033 = arith.index_cast %add3A_440 : i32 to index
        %get3A_1034 = arith.constant 48 : index
        %get3A_1035 = tpu.vector_load %arg15[%get3A_1032, %get3A_1033, %get3A_1034] {strides = array<i32>} : memref<2x128x128xf32, #tpu.memory_space<vmem>>, vector<1x1x16xf32>,
        %get3A_1036 = vector.shape_cast %get3A_1035 : vector<1x1x16xf32> to vector<16xf32>
        %mul3A_1037 = arith.mulf %get3A_1036, %gather3A_988 : vector<16xf32>
        %swap3A_1038 = arith.constant 0 : i32
        %swap3A_1039 = arith.index_cast %swap3A_1038 : i32 to index
        %swap3A_1040 = arith.index_cast %add3A_440 : i32 to index
        %swap3A_1041 = arith.constant 48 : index
        %swap3A_1042 = tpu.vector_load %arg15[%swap3A_1039, %swap3A_1040, %swap3A_1041] {strides = array<i32>} : memref<2x128x128xf32, #tpu.memory_space<vmem>>, vector<1x1x16xf32>,
        %swap3A_1043 = vector.shape_cast %swap3A_1042 : vector<1x1x16xf32> to vector<16xf32>
        %swap3A_1044 = vector.shape_cast %mul3A_1037 : vector<16xf32> to vector<1x1x16xf32>
        tpu.vector_store %arg15[%swap3A_1039, %swap3A_1040, %swap3A_1041], %swap3A_1044 {strides = array<i32>} : memref<2x128x128xf32, #tpu.memory_space<vmem>>, vector<1x1x16xf32>,
        %get3A_1045 = arith.constant 0 : i32
        %get3A_1046 = arith.index_cast %get3A_1045 : i32 to index
        %get3A_1047 = arith.index_cast %add3A_440 : i32 to index
        %get3A_1048 = arith.constant 64 : index
        %get3A_1049 = tpu.vector_load %arg15[%get3A_1046, %get3A_1047, %get3A_1048] {strides = array<i32>} : memref<2x128x128xf32, #tpu.memory_space<vmem>>, vector<1x1x16xf32>,
        %get3A_1050 = vector.shape_cast %get3A_1049 : vector<1x1x16xf32> to vector<16xf32>
        %mul3A_1051 = arith.mulf %get3A_1050, %gather3A_988 : vector<16xf32>
        %swap3A_1052 = arith.constant 0 : i32
        %swap3A_1053 = arith.index_cast %swap3A_1052 : i32 to index
        %swap3A_1054 = arith.index_cast %add3A_440 : i32 to index
        %swap3A_1055 = arith.constant 64 : index
        %swap3A_1056 = tpu.vector_load %arg15[%swap3A_1053, %swap3A_1054, %swap3A_1055] {strides = array<i32>} : memref<2x128x128xf32, #tpu.memory_space<vmem>>, vector<1x1x16xf32>,
        %swap3A_1057 = vector.shape_cast %swap3A_1056 : vector<1x1x16xf32> to vector<16xf32>
        %swap3A_1058 = vector.shape_cast %mul3A_1051 : vector<16xf32> to vector<1x1x16xf32>
        tpu.vector_store %arg15[%swap3A_1053, %swap3A_1054, %swap3A_1055], %swap3A_1058 {strides = array<i32>} : memref<2x128x128xf32, #tpu.memory_space<vmem>>, vector<1x1x16xf32>,
        %get3A_1059 = arith.constant 0 : i32
        %get3A_1060 = arith.index_cast %get3A_1059 : i32 to index
        %get3A_1061 = arith.index_cast %add3A_440 : i32 to index
        %get3A_1062 = arith.constant 80 : index
        %get3A_1063 = tpu.vector_load %arg15[%get3A_1060, %get3A_1061, %get3A_1062] {strides = array<i32>} : memref<2x128x128xf32, #tpu.memory_space<vmem>>, vector<1x1x16xf32>,
        %get3A_1064 = vector.shape_cast %get3A_1063 : vector<1x1x16xf32> to vector<16xf32>
        %mul3A_1065 = arith.mulf %get3A_1064, %gather3A_988 : vector<16xf32>
        %swap3A_1066 = arith.constant 0 : i32
        %swap3A_1067 = arith.index_cast %swap3A_1066 : i32 to index
        %swap3A_1068 = arith.index_cast %add3A_440 : i32 to index
        %swap3A_1069 = arith.constant 80 : index
        %swap3A_1070 = tpu.vector_load %arg15[%swap3A_1067, %swap3A_1068, %swap3A_1069] {strides = array<i32>} : memref<2x128x128xf32, #tpu.memory_space<vmem>>, vector<1x1x16xf32>,
        %swap3A_1071 = vector.shape_cast %swap3A_1070 : vector<1x1x16xf32> to vector<16xf32>
        %swap3A_1072 = vector.shape_cast %mul3A_1065 : vector<16xf32> to vector<1x1x16xf32>
        tpu.vector_store %arg15[%swap3A_1067, %swap3A_1068, %swap3A_1069], %swap3A_1072 {strides = array<i32>} : memref<2x128x128xf32, #tpu.memory_space<vmem>>, vector<1x1x16xf32>,
        %get3A_1073 = arith.constant 0 : i32
        %get3A_1074 = arith.index_cast %get3A_1073 : i32 to index
        %get3A_1075 = arith.index_cast %add3A_440 : i32 to index
        %get3A_1076 = arith.constant 96 : index
        %get3A_1077 = tpu.vector_load %arg15[%get3A_1074, %get3A_1075, %get3A_1076] {strides = array<i32>} : memref<2x128x128xf32, #tpu.memory_space<vmem>>, vector<1x1x16xf32>,
        %get3A_1078 = vector.shape_cast %get3A_1077 : vector<1x1x16xf32> to vector<16xf32>
        %mul3A_1079 = arith.mulf %get3A_1078, %gather3A_988 : vector<16xf32>
        %swap3A_1080 = arith.constant 0 : i32
        %swap3A_1081 = arith.index_cast %swap3A_1080 : i32 to index
        %swap3A_1082 = arith.index_cast %add3A_440 : i32 to index
        %swap3A_1083 = arith.constant 96 : index
        %swap3A_1084 = tpu.vector_load %arg15[%swap3A_1081, %swap3A_1082, %swap3A_1083] {strides = array<i32>} : memref<2x128x128xf32, #tpu.memory_space<vmem>>, vector<1x1x16xf32>,
        %swap3A_1085 = vector.shape_cast %swap3A_1084 : vector<1x1x16xf32> to vector<16xf32>
        %swap3A_1086 = vector.shape_cast %mul3A_1079 : vector<16xf32> to vector<1x1x16xf32>
        tpu.vector_store %arg15[%swap3A_1081, %swap3A_1082, %swap3A_1083], %swap3A_1086 {strides = array<i32>} : memref<2x128x128xf32, #tpu.memory_space<vmem>>, vector<1x1x16xf32>,
        %get3A_1087 = arith.constant 0 : i32
        %get3A_1088 = arith.index_cast %get3A_1087 : i32 to index
        %get3A_1089 = arith.index_cast %add3A_440 : i32 to index
        %get3A_1090 = arith.constant 112 : index
        %get3A_1091 = tpu.vector_load %arg15[%get3A_1088, %get3A_1089, %get3A_1090] {strides = array<i32>} : memref<2x128x128xf32, #tpu.memory_space<vmem>>, vector<1x1x16xf32>,
        %get3A_1092 = vector.shape_cast %get3A_1091 : vector<1x1x16xf32> to vector<16xf32>
        %mul3A_1093 = arith.mulf %get3A_1092, %gather3A_988 : vector<16xf32>
        %swap3A_1094 = arith.constant 0 : i32
        %swap3A_1095 = arith.index_cast %swap3A_1094 : i32 to index
        %swap3A_1096 = arith.index_cast %add3A_440 : i32 to index
        %swap3A_1097 = arith.constant 112 : index
        %swap3A_1098 = tpu.vector_load %arg15[%swap3A_1095, %swap3A_1096, %swap3A_1097] {strides = array<i32>} : memref<2x128x128xf32, #tpu.memory_space<vmem>>, vector<1x1x16xf32>,
        %swap3A_1099 = vector.shape_cast %swap3A_1098 : vector<1x1x16xf32> to vector<16xf32>
        %swap3A_1100 = vector.shape_cast %mul3A_1093 : vector<16xf32> to vector<1x1x16xf32>
        tpu.vector_store %arg15[%swap3A_1095, %swap3A_1096, %swap3A_1097], %swap3A_1100 {strides = array<i32>} : memref<2x128x128xf32, #tpu.memory_space<vmem>>, vector<1x1x16xf32>,
        %scan3A_1101 = arith.constant 0 : i32
        scf.yield %scan3A_1101 : i32
      }
      %scan3A_295 = arith.constant 32 : i32
      %dma_start3A_296 = arith.constant 0 : i32
      %dma_start3A_297 = arith.constant 0 : i32
      %dma_start3A_298 = arith.constant 0 : i32
      %dma_start3A_299 = tpu.memref_slice %arg15[%dma_start3A_296, %dma_start3A_297, %dma_start3A_298] : memref<2x128x128xf32, #tpu.memory_space<vmem>> -> memref<1x128x128xf32, #tpu.memory_space<vmem>>
      %dma_start3A_300 = tpu.memref_squeeze %dma_start3A_299 : memref<1x128x128xf32, #tpu.memory_space<vmem>> -> memref<128x128xf32, #tpu.memory_space<vmem>>
      %dma_start3A_301 = arith.constant 0 : i32
      %dma_start3A_302 = tpu.memref_slice %arg10[%add3A_190, %dma_start3A_301] : memref<84x128xi32, #tpu.memory_space<vmem>> -> memref<1x128xi32, #tpu.memory_space<vmem>>
      %dma_start3A_303 = tpu.memref_squeeze %dma_start3A_302 : memref<1x128xi32, #tpu.memory_space<vmem>> -> memref<128xi32, #tpu.memory_space<vmem>>
      %dma_start3A_304 = arith.constant 0 : i32
      %dma_start3A_305 = arith.constant 0 : i32
      %dma_start3A_306 = tpu.memref_slice %arg19[%dma_start3A_304, %dma_start3A_305] : memref<5376x128xf32, #tpu.memory_space<vmem_shared>> -> memref<5376x128xf32, #tpu.memory_space<vmem_shared>>
      tpu.enqueue_indirect_dma source(%dma_start3A_300 : memref<128x128xf32, #tpu.memory_space<vmem>>) target(%dma_start3A_306 : memref<5376x128xf32, #tpu.memory_space<vmem_shared>>) offsets(%dma_start3A_303 : memref<128xi32, #tpu.memory_space<vmem>>) semaphore(%arg22 : memref<!tpu.dma_semaphore, #tpu.memory_space<semaphore_mem>>) {add = true}
      %mul3A_307 = arith.constant 2 : i32
      %mul3A_308 = arith.muli %scan3A_185, %mul3A_307 : i32
      %add3A_309 = arith.constant 1 : i32
      %add3A_310 = arith.addi %mul3A_308, %add3A_309 : i32
      %dma_wait3A_311 = arith.constant 0 : i32
      %dma_wait3A_312 = arith.constant 0 : i32
      %dma_wait3A_313 = arith.constant 0 : i32
      %dma_wait3A_314 = tpu.memref_slice %arg15[%dma_wait3A_311, %dma_wait3A_312, %dma_wait3A_313] : memref<2x128x128xf32, #tpu.memory_space<vmem>> -> memref<1x128x128xf32, #tpu.memory_space<vmem>>
      %dma_wait3A_315 = tpu.memref_squeeze %dma_wait3A_314 : memref<1x128x128xf32, #tpu.memory_space<vmem>> -> memref<128x128xf32, #tpu.memory_space<vmem>>
      %dma_wait3A_316 = arith.constant 0 : i32
      %dma_wait3A_317 = tpu.memref_slice %arg10[%add3A_310, %dma_wait3A_316] : memref<84x128xi32, #tpu.memory_space<vmem>> -> memref<1x128xi32, #tpu.memory_space<vmem>>
      %dma_wait3A_318 = tpu.memref_squeeze %dma_wait3A_317 : memref<1x128xi32, #tpu.memory_space<vmem>> -> memref<128xi32, #tpu.memory_space<vmem>>
      %dma_wait3A_319 = arith.constant 0 : i32
      %dma_wait3A_320 = arith.constant 0 : i32
      %dma_wait3A_321 = tpu.memref_slice %arg19[%dma_wait3A_319, %dma_wait3A_320] : memref<5376x128xf32, #tpu.memory_space<vmem_shared>> -> memref<5376x128xf32, #tpu.memory_space<vmem_shared>>
      tpu.wait_indirect_dma semaphore(%arg22 : memref<!tpu.dma_semaphore, #tpu.memory_space<semaphore_mem>>) src(%dma_wait3A_315 : memref<128x128xf32, #tpu.memory_space<vmem>>) dst(%dma_wait3A_321 : memref<5376x128xf32, #tpu.memory_space<vmem_shared>>)
      %lt3A = arith.constant 41 : i32
      %lt3A_322 = arith.cmpi slt, %scan3A_185, %lt3A : i32
      %convert_element_type3A_323 = arith.extui %lt3A_322 : i1 to i32
      %cond3A_324 = arith.constant 0 : i32
      %cond3A_325 = arith.cmpi ne, %convert_element_type3A_323, %cond3A_324 : i32
      scf.if %cond3A_325 {
        %add3A_425 = arith.constant 1 : i32
        %add3A_426 = arith.addi %add3A_310, %add3A_425 : i32
        %dma_start3A_427 = arith.constant 0 : i32
        %dma_start3A_428 = arith.constant 0 : i32
        %dma_start3A_429 = arith.constant 0 : i32
        %dma_start3A_430 = arith.constant 0 : i32
        %dma_start3A_431 = tpu.memref_slice %arg15[%dma_start3A_428, %dma_start3A_429, %dma_start3A_430] : memref<2x128x128xf32, #tpu.memory_space<vmem>> -> memref<1x128x128xf32, #tpu.memory_space<vmem>>
        %dma_start3A_432 = tpu.memref_squeeze %dma_start3A_431 : memref<1x128x128xf32, #tpu.memory_space<vmem>> -> memref<128x128xf32, #tpu.memory_space<vmem>>
        %dma_start3A_433 = arith.constant 0 : i32
        %dma_start3A_434 = tpu.memref_slice %arg9[%add3A_426, %dma_start3A_433] : memref<84x128xi32, #tpu.memory_space<vmem>> -> memref<1x128xi32, #tpu.memory_space<vmem>>
        %dma_start3A_435 = tpu.memref_squeeze %dma_start3A_434 : memref<1x128xi32, #tpu.memory_space<vmem>> -> memref<128xi32, #tpu.memory_space<vmem>>
        %dma_start3A_436 = arith.constant 0 : i32
        %dma_start3A_437 = arith.constant 0 : i32
        %dma_start3A_438 = tpu.memref_slice %arg2[%dma_start3A_427, %dma_start3A_436, %dma_start3A_437] : memref<1x10240x128xf32, #tpu.memory_space<hbm>> -> memref<1x10240x128xf32, #tpu.memory_space<hbm>>
        %dma_start3A_439 = tpu.memref_squeeze %dma_start3A_438 : memref<1x10240x128xf32, #tpu.memory_space<hbm>> -> memref<10240x128xf32, #tpu.memory_space<hbm>>
        %dma_start3A_440 = arith.constant 0 : i32
        %dma_start3A_441 = arith.constant 0 : i32
        %dma_start3A_442 = tpu.memref_slice %dma_start3A_439[%dma_start3A_440, %dma_start3A_441] : memref<10240x128xf32, #tpu.memory_space<hbm>> -> memref<10240x128xf32, #tpu.memory_space<hbm>>
        tpu.enqueue_indirect_dma source(%dma_start3A_442 : memref<10240x128xf32, #tpu.memory_space<hbm>>) target(%dma_start3A_432 : memref<128x128xf32, #tpu.memory_space<vmem>>) offsets(%dma_start3A_435 : memref<128xi32, #tpu.memory_space<vmem>>) semaphore(%arg20 : memref<!tpu.dma_semaphore, #tpu.memory_space<semaphore_mem>>)
      } else {
      }
      %dma_wait3A_326 = arith.constant 0 : i32
      %dma_wait3A_327 = arith.constant 1 : i32
      %dma_wait3A_328 = arith.constant 0 : i32
      %dma_wait3A_329 = arith.constant 0 : i32
      %dma_wait3A_330 = tpu.memref_slice %arg15[%dma_wait3A_327, %dma_wait3A_328, %dma_wait3A_329] : memref<2x128x128xf32, #tpu.memory_space<vmem>> -> memref<1x128x128xf32, #tpu.memory_space<vmem>>
      %dma_wait3A_331 = tpu.memref_squeeze %dma_wait3A_330 : memref<1x128x128xf32, #tpu.memory_space<vmem>> -> memref<128x128xf32, #tpu.memory_space<vmem>>
      %dma_wait3A_332 = arith.constant 0 : i32
      %dma_wait3A_333 = tpu.memref_slice %arg9[%add3A_310, %dma_wait3A_332] : memref<84x128xi32, #tpu.memory_space<vmem>> -> memref<1x128xi32, #tpu.memory_space<vmem>>
      %dma_wait3A_334 = tpu.memref_squeeze %dma_wait3A_333 : memref<1x128xi32, #tpu.memory_space<vmem>> -> memref<128xi32, #tpu.memory_space<vmem>>
      %dma_wait3A_335 = arith.constant 0 : i32
      %dma_wait3A_336 = arith.constant 0 : i32
      %dma_wait3A_337 = tpu.memref_slice %arg2[%dma_wait3A_326, %dma_wait3A_335, %dma_wait3A_336] : memref<1x10240x128xf32, #tpu.memory_space<hbm>> -> memref<1x10240x128xf32, #tpu.memory_space<hbm>>
      %dma_wait3A_338 = tpu.memref_squeeze %dma_wait3A_337 : memref<1x10240x128xf32, #tpu.memory_space<hbm>> -> memref<10240x128xf32, #tpu.memory_space<hbm>>
      %dma_wait3A_339 = arith.constant 0 : i32
      %dma_wait3A_340 = arith.constant 0 : i32
      %dma_wait3A_341 = tpu.memref_slice %dma_wait3A_338[%dma_wait3A_339, %dma_wait3A_340] : memref<10240x128xf32, #tpu.memory_space<hbm>> -> memref<10240x128xf32, #tpu.memory_space<hbm>>
      tpu.wait_indirect_dma semaphore(%arg21 : memref<!tpu.dma_semaphore, #tpu.memory_space<semaphore_mem>>) src(%dma_wait3A_341 : memref<10240x128xf32, #tpu.memory_space<hbm>>) dst(%dma_wait3A_331 : memref<128x128xf32, #tpu.memory_space<vmem>>)
      %get3A_342 = arith.index_cast %add3A_310 : i32 to index
      %get3A_343 = arith.constant 0 : index
      %get3A_344 = tpu.vector_load %arg12[%get3A_342, %get3A_343] {strides = array<i32>} : memref<84x128xf32, #tpu.memory_space<vmem>>, vector<1x16xf32>,
      %get3A_345 = vector.shape_cast %get3A_344 : vector<1x16xf32> to vector<16xf32>
      %swap3A_346 = arith.constant 0 : index
      %swap3A_347 = tpu.vector_load %arg13[%swap3A_346] {strides = array<i32>} : memref<128xf32, #tpu.memory_space<vmem>>, vector<16xf32>,
      %swap3A_348 = vector.shape_cast %swap3A_347 : vector<16xf32> to vector<16xf32>
      %swap3A_349 = vector.shape_cast %get3A_345 : vector<16xf32> to vector<16xf32>
      tpu.vector_store %arg13[%swap3A_346], %swap3A_349 {strides = array<i32>} : memref<128xf32, #tpu.memory_space<vmem>>, vector<16xf32>,
      %get3A_350 = arith.index_cast %add3A_310 : i32 to index
      %get3A_351 = arith.constant 16 : index
      %get3A_352 = tpu.vector_load %arg12[%get3A_350, %get3A_351] {strides = array<i32>} : memref<84x128xf32, #tpu.memory_space<vmem>>, vector<1x16xf32>,
      %get3A_353 = vector.shape_cast %get3A_352 : vector<1x16xf32> to vector<16xf32>
      %swap3A_354 = arith.constant 16 : index
      %swap3A_355 = tpu.vector_load %arg13[%swap3A_354] {strides = array<i32>} : memref<128xf32, #tpu.memory_space<vmem>>, vector<16xf32>,
      %swap3A_356 = vector.shape_cast %swap3A_355 : vector<16xf32> to vector<16xf32>
      %swap3A_357 = vector.shape_cast %get3A_353 : vector<16xf32> to vector<16xf32>
      tpu.vector_store %arg13[%swap3A_354], %swap3A_357 {strides = array<i32>} : memref<128xf32, #tpu.memory_space<vmem>>, vector<16xf32>,
      %get3A_358 = arith.index_cast %add3A_310 : i32 to index
      %get3A_359 = arith.constant 32 : index
      %get3A_360 = tpu.vector_load %arg12[%get3A_358, %get3A_359] {strides = array<i32>} : memref<84x128xf32, #tpu.memory_space<vmem>>, vector<1x16xf32>,
      %get3A_361 = vector.shape_cast %get3A_360 : vector<1x16xf32> to vector<16xf32>
      %swap3A_362 = arith.constant 32 : index
      %swap3A_363 = tpu.vector_load %arg13[%swap3A_362] {strides = array<i32>} : memref<128xf32, #tpu.memory_space<vmem>>, vector<16xf32>,
      %swap3A_364 = vector.shape_cast %swap3A_363 : vector<16xf32> to vector<16xf32>
      %swap3A_365 = vector.shape_cast %get3A_361 : vector<16xf32> to vector<16xf32>
      tpu.vector_store %arg13[%swap3A_362], %swap3A_365 {strides = array<i32>} : memref<128xf32, #tpu.memory_space<vmem>>, vector<16xf32>,
      %get3A_366 = arith.index_cast %add3A_310 : i32 to index
      %get3A_367 = arith.constant 48 : index
      %get3A_368 = tpu.vector_load %arg12[%get3A_366, %get3A_367] {strides = array<i32>} : memref<84x128xf32, #tpu.memory_space<vmem>>, vector<1x16xf32>,
      %get3A_369 = vector.shape_cast %get3A_368 : vector<1x16xf32> to vector<16xf32>
      %swap3A_370 = arith.constant 48 : index
      %swap3A_371 = tpu.vector_load %arg13[%swap3A_370] {strides = array<i32>} : memref<128xf32, #tpu.memory_space<vmem>>, vector<16xf32>,
      %swap3A_372 = vector.shape_cast %swap3A_371 : vector<16xf32> to vector<16xf32>
      %swap3A_373 = vector.shape_cast %get3A_369 : vector<16xf32> to vector<16xf32>
      tpu.vector_store %arg13[%swap3A_370], %swap3A_373 {strides = array<i32>} : memref<128xf32, #tpu.memory_space<vmem>>, vector<16xf32>,
      %get3A_374 = arith.index_cast %add3A_310 : i32 to index
      %get3A_375 = arith.constant 64 : index
      %get3A_376 = tpu.vector_load %arg12[%get3A_374, %get3A_375] {strides = array<i32>} : memref<84x128xf32, #tpu.memory_space<vmem>>, vector<1x16xf32>,
      %get3A_377 = vector.shape_cast %get3A_376 : vector<1x16xf32> to vector<16xf32>
      %swap3A_378 = arith.constant 64 : index
      %swap3A_379 = tpu.vector_load %arg13[%swap3A_378] {strides = array<i32>} : memref<128xf32, #tpu.memory_space<vmem>>, vector<16xf32>,
      %swap3A_380 = vector.shape_cast %swap3A_379 : vector<16xf32> to vector<16xf32>
      %swap3A_381 = vector.shape_cast %get3A_377 : vector<16xf32> to vector<16xf32>
      tpu.vector_store %arg13[%swap3A_378], %swap3A_381 {strides = array<i32>} : memref<128xf32, #tpu.memory_space<vmem>>, vector<16xf32>,
      %get3A_382 = arith.index_cast %add3A_310 : i32 to index
      %get3A_383 = arith.constant 80 : index
      %get3A_384 = tpu.vector_load %arg12[%get3A_382, %get3A_383] {strides = array<i32>} : memref<84x128xf32, #tpu.memory_space<vmem>>, vector<1x16xf32>,
      %get3A_385 = vector.shape_cast %get3A_384 : vector<1x16xf32> to vector<16xf32>
      %swap3A_386 = arith.constant 80 : index
      %swap3A_387 = tpu.vector_load %arg13[%swap3A_386] {strides = array<i32>} : memref<128xf32, #tpu.memory_space<vmem>>, vector<16xf32>,
      %swap3A_388 = vector.shape_cast %swap3A_387 : vector<16xf32> to vector<16xf32>
      %swap3A_389 = vector.shape_cast %get3A_385 : vector<16xf32> to vector<16xf32>
      tpu.vector_store %arg13[%swap3A_386], %swap3A_389 {strides = array<i32>} : memref<128xf32, #tpu.memory_space<vmem>>, vector<16xf32>,
      %get3A_390 = arith.index_cast %add3A_310 : i32 to index
      %get3A_391 = arith.constant 96 : index
      %get3A_392 = tpu.vector_load %arg12[%get3A_390, %get3A_391] {strides = array<i32>} : memref<84x128xf32, #tpu.memory_space<vmem>>, vector<1x16xf32>,
      %get3A_393 = vector.shape_cast %get3A_392 : vector<1x16xf32> to vector<16xf32>
      %swap3A_394 = arith.constant 96 : index
      %swap3A_395 = tpu.vector_load %arg13[%swap3A_394] {strides = array<i32>} : memref<128xf32, #tpu.memory_space<vmem>>, vector<16xf32>,
      %swap3A_396 = vector.shape_cast %swap3A_395 : vector<16xf32> to vector<16xf32>
      %swap3A_397 = vector.shape_cast %get3A_393 : vector<16xf32> to vector<16xf32>
      tpu.vector_store %arg13[%swap3A_394], %swap3A_397 {strides = array<i32>} : memref<128xf32, #tpu.memory_space<vmem>>, vector<16xf32>,
      %get3A_398 = arith.index_cast %add3A_310 : i32 to index
      %get3A_399 = arith.constant 112 : index
      %get3A_400 = tpu.vector_load %arg12[%get3A_398, %get3A_399] {strides = array<i32>} : memref<84x128xf32, #tpu.memory_space<vmem>>, vector<1x16xf32>,
      %get3A_401 = vector.shape_cast %get3A_400 : vector<1x16xf32> to vector<16xf32>
      %swap3A_402 = arith.constant 112 : index
      %swap3A_403 = tpu.vector_load %arg13[%swap3A_402] {strides = array<i32>} : memref<128xf32, #tpu.memory_space<vmem>>, vector<16xf32>,
      %swap3A_404 = vector.shape_cast %swap3A_403 : vector<16xf32> to vector<16xf32>
      %swap3A_405 = vector.shape_cast %get3A_401 : vector<16xf32> to vector<16xf32>
      tpu.vector_store %arg13[%swap3A_402], %swap3A_405 {strides = array<i32>} : memref<128xf32, #tpu.memory_space<vmem>>, vector<16xf32>,
      %scan3A_406 = arith.constant 0 : i32
      %scan3A_407 = arith.constant 0 : i32
      %scan3A_408 = arith.constant 32 : i32
      %scan3A_409 = arith.addi %scan3A_407, %scan3A_408 : i32
      %scan3A_410 = arith.constant 1 : i32
      %scan3A_411 = scf.for %scan3A_425 = %scan3A_407 to %scan3A_409 step %scan3A_410 iter_args(%scan3A_426 = %scan3A_406) -> (i32)  : i32 {
        %mul3A_427 = arith.constant 4 : i32
        %mul3A_428 = arith.muli %scan3A_425, %mul3A_427 : i32
        %mul3A_429 = arith.constant 4 : i32
        %mul3A_430 = arith.muli %scan3A_425, %mul3A_429 : i32
        %add3A_431 = arith.constant 1 : i32
        %add3A_432 = arith.addi %mul3A_430, %add3A_431 : i32
        %mul3A_433 = arith.constant 4 : i32
        %mul3A_434 = arith.muli %scan3A_425, %mul3A_433 : i32
        %add3A_435 = arith.constant 2 : i32
        %add3A_436 = arith.addi %mul3A_434, %add3A_435 : i32
        %mul3A_437 = arith.constant 4 : i32
        %mul3A_438 = arith.muli %scan3A_425, %mul3A_437 : i32
        %add3A_439 = arith.constant 3 : i32
        %add3A_440 = arith.addi %mul3A_438, %add3A_439 : i32
        %jit3A = arith.constant 16 : i32
        %div3A = arith.divsi %mul3A_428, %jit3A : i32
        %sign3A = arith.constant 0 : i32
        %sign3A_441 = arith.cmpi sgt, %mul3A_428, %sign3A : i32
        %sign3A_442 = arith.extui %sign3A_441 : i1 to i32
        %sign3A_443 = arith.constant 0 : i32
        %sign3A_444 = arith.cmpi slt, %mul3A_428, %sign3A_443 : i32
        %sign3A_445 = arith.extui %sign3A_444 : i1 to i32
        %sign3A_446 = arith.subi %sign3A_442, %sign3A_445 : i32
        %sign3A_447 = arith.constant 0 : i32
        %sign3A_448 = arith.cmpi sgt, %jit3A, %sign3A_447 : i32
        %sign3A_449 = arith.extui %sign3A_448 : i1 to i32
        %sign3A_450 = arith.constant 0 : i32
        %sign3A_451 = arith.cmpi slt, %jit3A, %sign3A_450 : i32
        %sign3A_452 = arith.extui %sign3A_451 : i1 to i32
        %sign3A_453 = arith.subi %sign3A_449, %sign3A_452 : i32
        %ne3A = arith.cmpi ne, %sign3A_446, %sign3A_453 : i32
        %rem3A = arith.remsi %mul3A_428, %jit3A : i32
        %ne3A_454 = arith.constant 0 : i32
        %ne3A_455 = arith.cmpi ne, %rem3A, %ne3A_454 : i32
        %and3A = arith.andi %ne3A, %ne3A_455 : i1
        %sub3A = arith.constant 1 : i32
        %sub3A_456 = arith.subi %div3A, %sub3A : i32
        %select_n3A = arith.select %and3A, %sub3A_456, %div3A : i32
        %mul3A_457 = arith.constant 16 : i32
        %mul3A_458 = arith.muli %select_n3A, %mul3A_457 : i32
        %get3A_459 = arith.index_cast %mul3A_458 : i32 to index
        %get3A_460 = tpu.vector_load %arg13[%get3A_459] {strides = array<i32>} : memref<128xf32, #tpu.memory_space<vmem>>, vector<16xf32>,
        %get3A_461 = vector.shape_cast %get3A_460 : vector<16xf32> to vector<16xf32>
        %jit3A_462 = arith.constant 16 : i32
        %eq3A = arith.constant 0 : i32
        %eq3A_463 = arith.cmpi eq, %jit3A_462, %eq3A : i32
        %jit3A_464 = arith.constant 1 : i32
        %select_n3A_465 = arith.select %eq3A_463, %jit3A_464, %jit3A_462 : i32
        %rem3A_466 = arith.remsi %mul3A_428, %select_n3A_465 : i32
        %ne3A_467 = arith.constant 0 : i32
        %ne3A_468 = arith.cmpi ne, %rem3A_466, %ne3A_467 : i32
        %lt3A_469 = arith.constant 0 : i32
        %lt3A_470 = arith.cmpi slt, %rem3A_466, %lt3A_469 : i32
        %lt3A_471 = arith.constant 0 : i32
        %lt3A_472 = arith.cmpi slt, %select_n3A_465, %lt3A_471 : i32
        %ne3A_473 = arith.xori %lt3A_470, %lt3A_472 : i1
        %and3A_474 = arith.andi %ne3A_473, %ne3A_468 : i1
        %add3A_475 = arith.addi %rem3A_466, %select_n3A_465 : i32
        %select_n3A_476 = arith.select %and3A_474, %add3A_475, %rem3A_466 : i32
        %broadcast_in_dim3A = vector.broadcast %select_n3A_476 : i32 to vector<16xi32>
        %lt3A_477 = arith.constant 0 : i32
        %lt3A_478 = vector.broadcast %lt3A_477 : i32 to vector<16xi32>
        %lt3A_479 = arith.cmpi slt, %broadcast_in_dim3A, %lt3A_478 : vector<16xi32>
        %add3A_480 = arith.constant 16 : i32
        %add3A_481 = vector.broadcast %add3A_480 : i32 to vector<16xi32>
        %add3A_482 = arith.addi %broadcast_in_dim3A, %add3A_481 : vector<16xi32>
        %select_n3A_483 = arith.select %lt3A_479, %add3A_482, %broadcast_in_dim3A : vector<16xi1>, vector<16xi32>
        %reshape3A = vector.shape_cast %select_n3A_483 : vector<16xi32> to vector<16x1xi32>
        %gather3A = vector.shape_cast %reshape3A : vector<16x1xi32> to vector<16xi32>
        %gather3A_484 = tpu.dynamic_gather %get3A_461[%gather3A] in [0] : vector<16xf32>, vector<16xi32> -> vector<16xf32>
        %get3A_485 = arith.constant 1 : i32
        %get3A_486 = arith.index_cast %get3A_485 : i32 to index
        %get3A_487 = arith.index_cast %mul3A_428 : i32 to index
        %get3A_488 = arith.constant 0 : index
        %get3A_489 = tpu.vector_load %arg15[%get3A_486, %get3A_487, %get3A_488] {strides = array<i32>} : memref<2x128x128xf32, #tpu.memory_space<vmem>>, vector<1x1x16xf32>,
        %get3A_490 = vector.shape_cast %get3A_489 : vector<1x1x16xf32> to vector<16xf32>
        %mul3A_491 = arith.mulf %get3A_490, %gather3A_484 : vector<16xf32>
        %swap3A_492 = arith.constant 1 : i32
        %swap3A_493 = arith.index_cast %swap3A_492 : i32 to index
        %swap3A_494 = arith.index_cast %mul3A_428 : i32 to index
        %swap3A_495 = arith.constant 0 : index
        %swap3A_496 = tpu.vector_load %arg15[%swap3A_493, %swap3A_494, %swap3A_495] {strides = array<i32>} : memref<2x128x128xf32, #tpu.memory_space<vmem>>, vector<1x1x16xf32>,
        %swap3A_497 = vector.shape_cast %swap3A_496 : vector<1x1x16xf32> to vector<16xf32>
        %swap3A_498 = vector.shape_cast %mul3A_491 : vector<16xf32> to vector<1x1x16xf32>
        tpu.vector_store %arg15[%swap3A_493, %swap3A_494, %swap3A_495], %swap3A_498 {strides = array<i32>} : memref<2x128x128xf32, #tpu.memory_space<vmem>>, vector<1x1x16xf32>,
        %get3A_499 = arith.constant 1 : i32
        %get3A_500 = arith.index_cast %get3A_499 : i32 to index
        %get3A_501 = arith.index_cast %mul3A_428 : i32 to index
        %get3A_502 = arith.constant 16 : index
        %get3A_503 = tpu.vector_load %arg15[%get3A_500, %get3A_501, %get3A_502] {strides = array<i32>} : memref<2x128x128xf32, #tpu.memory_space<vmem>>, vector<1x1x16xf32>,
        %get3A_504 = vector.shape_cast %get3A_503 : vector<1x1x16xf32> to vector<16xf32>
        %mul3A_505 = arith.mulf %get3A_504, %gather3A_484 : vector<16xf32>
        %swap3A_506 = arith.constant 1 : i32
        %swap3A_507 = arith.index_cast %swap3A_506 : i32 to index
        %swap3A_508 = arith.index_cast %mul3A_428 : i32 to index
        %swap3A_509 = arith.constant 16 : index
        %swap3A_510 = tpu.vector_load %arg15[%swap3A_507, %swap3A_508, %swap3A_509] {strides = array<i32>} : memref<2x128x128xf32, #tpu.memory_space<vmem>>, vector<1x1x16xf32>,
        %swap3A_511 = vector.shape_cast %swap3A_510 : vector<1x1x16xf32> to vector<16xf32>
        %swap3A_512 = vector.shape_cast %mul3A_505 : vector<16xf32> to vector<1x1x16xf32>
        tpu.vector_store %arg15[%swap3A_507, %swap3A_508, %swap3A_509], %swap3A_512 {strides = array<i32>} : memref<2x128x128xf32, #tpu.memory_space<vmem>>, vector<1x1x16xf32>,
        %get3A_513 = arith.constant 1 : i32
        %get3A_514 = arith.index_cast %get3A_513 : i32 to index
        %get3A_515 = arith.index_cast %mul3A_428 : i32 to index
        %get3A_516 = arith.constant 32 : index
        %get3A_517 = tpu.vector_load %arg15[%get3A_514, %get3A_515, %get3A_516] {strides = array<i32>} : memref<2x128x128xf32, #tpu.memory_space<vmem>>, vector<1x1x16xf32>,
        %get3A_518 = vector.shape_cast %get3A_517 : vector<1x1x16xf32> to vector<16xf32>
        %mul3A_519 = arith.mulf %get3A_518, %gather3A_484 : vector<16xf32>
        %swap3A_520 = arith.constant 1 : i32
        %swap3A_521 = arith.index_cast %swap3A_520 : i32 to index
        %swap3A_522 = arith.index_cast %mul3A_428 : i32 to index
        %swap3A_523 = arith.constant 32 : index
        %swap3A_524 = tpu.vector_load %arg15[%swap3A_521, %swap3A_522, %swap3A_523] {strides = array<i32>} : memref<2x128x128xf32, #tpu.memory_space<vmem>>, vector<1x1x16xf32>,
        %swap3A_525 = vector.shape_cast %swap3A_524 : vector<1x1x16xf32> to vector<16xf32>
        %swap3A_526 = vector.shape_cast %mul3A_519 : vector<16xf32> to vector<1x1x16xf32>
        tpu.vector_store %arg15[%swap3A_521, %swap3A_522, %swap3A_523], %swap3A_526 {strides = array<i32>} : memref<2x128x128xf32, #tpu.memory_space<vmem>>, vector<1x1x16xf32>,
        %get3A_527 = arith.constant 1 : i32
        %get3A_528 = arith.index_cast %get3A_527 : i32 to index
        %get3A_529 = arith.index_cast %mul3A_428 : i32 to index
        %get3A_530 = arith.constant 48 : index
        %get3A_531 = tpu.vector_load %arg15[%get3A_528, %get3A_529, %get3A_530] {strides = array<i32>} : memref<2x128x128xf32, #tpu.memory_space<vmem>>, vector<1x1x16xf32>,
        %get3A_532 = vector.shape_cast %get3A_531 : vector<1x1x16xf32> to vector<16xf32>
        %mul3A_533 = arith.mulf %get3A_532, %gather3A_484 : vector<16xf32>
        %swap3A_534 = arith.constant 1 : i32
        %swap3A_535 = arith.index_cast %swap3A_534 : i32 to index
        %swap3A_536 = arith.index_cast %mul3A_428 : i32 to index
        %swap3A_537 = arith.constant 48 : index
        %swap3A_538 = tpu.vector_load %arg15[%swap3A_535, %swap3A_536, %swap3A_537] {strides = array<i32>} : memref<2x128x128xf32, #tpu.memory_space<vmem>>, vector<1x1x16xf32>,
        %swap3A_539 = vector.shape_cast %swap3A_538 : vector<1x1x16xf32> to vector<16xf32>
        %swap3A_540 = vector.shape_cast %mul3A_533 : vector<16xf32> to vector<1x1x16xf32>
        tpu.vector_store %arg15[%swap3A_535, %swap3A_536, %swap3A_537], %swap3A_540 {strides = array<i32>} : memref<2x128x128xf32, #tpu.memory_space<vmem>>, vector<1x1x16xf32>,
        %get3A_541 = arith.constant 1 : i32
        %get3A_542 = arith.index_cast %get3A_541 : i32 to index
        %get3A_543 = arith.index_cast %mul3A_428 : i32 to index
        %get3A_544 = arith.constant 64 : index
        %get3A_545 = tpu.vector_load %arg15[%get3A_542, %get3A_543, %get3A_544] {strides = array<i32>} : memref<2x128x128xf32, #tpu.memory_space<vmem>>, vector<1x1x16xf32>,
        %get3A_546 = vector.shape_cast %get3A_545 : vector<1x1x16xf32> to vector<16xf32>
        %mul3A_547 = arith.mulf %get3A_546, %gather3A_484 : vector<16xf32>
        %swap3A_548 = arith.constant 1 : i32
        %swap3A_549 = arith.index_cast %swap3A_548 : i32 to index
        %swap3A_550 = arith.index_cast %mul3A_428 : i32 to index
        %swap3A_551 = arith.constant 64 : index
        %swap3A_552 = tpu.vector_load %arg15[%swap3A_549, %swap3A_550, %swap3A_551] {strides = array<i32>} : memref<2x128x128xf32, #tpu.memory_space<vmem>>, vector<1x1x16xf32>,
        %swap3A_553 = vector.shape_cast %swap3A_552 : vector<1x1x16xf32> to vector<16xf32>
        %swap3A_554 = vector.shape_cast %mul3A_547 : vector<16xf32> to vector<1x1x16xf32>
        tpu.vector_store %arg15[%swap3A_549, %swap3A_550, %swap3A_551], %swap3A_554 {strides = array<i32>} : memref<2x128x128xf32, #tpu.memory_space<vmem>>, vector<1x1x16xf32>,
        %get3A_555 = arith.constant 1 : i32
        %get3A_556 = arith.index_cast %get3A_555 : i32 to index
        %get3A_557 = arith.index_cast %mul3A_428 : i32 to index
        %get3A_558 = arith.constant 80 : index
        %get3A_559 = tpu.vector_load %arg15[%get3A_556, %get3A_557, %get3A_558] {strides = array<i32>} : memref<2x128x128xf32, #tpu.memory_space<vmem>>, vector<1x1x16xf32>,
        %get3A_560 = vector.shape_cast %get3A_559 : vector<1x1x16xf32> to vector<16xf32>
        %mul3A_561 = arith.mulf %get3A_560, %gather3A_484 : vector<16xf32>
        %swap3A_562 = arith.constant 1 : i32
        %swap3A_563 = arith.index_cast %swap3A_562 : i32 to index
        %swap3A_564 = arith.index_cast %mul3A_428 : i32 to index
        %swap3A_565 = arith.constant 80 : index
        %swap3A_566 = tpu.vector_load %arg15[%swap3A_563, %swap3A_564, %swap3A_565] {strides = array<i32>} : memref<2x128x128xf32, #tpu.memory_space<vmem>>, vector<1x1x16xf32>,
        %swap3A_567 = vector.shape_cast %swap3A_566 : vector<1x1x16xf32> to vector<16xf32>
        %swap3A_568 = vector.shape_cast %mul3A_561 : vector<16xf32> to vector<1x1x16xf32>
        tpu.vector_store %arg15[%swap3A_563, %swap3A_564, %swap3A_565], %swap3A_568 {strides = array<i32>} : memref<2x128x128xf32, #tpu.memory_space<vmem>>, vector<1x1x16xf32>,
        %get3A_569 = arith.constant 1 : i32
        %get3A_570 = arith.index_cast %get3A_569 : i32 to index
        %get3A_571 = arith.index_cast %mul3A_428 : i32 to index
        %get3A_572 = arith.constant 96 : index
        %get3A_573 = tpu.vector_load %arg15[%get3A_570, %get3A_571, %get3A_572] {strides = array<i32>} : memref<2x128x128xf32, #tpu.memory_space<vmem>>, vector<1x1x16xf32>,
        %get3A_574 = vector.shape_cast %get3A_573 : vector<1x1x16xf32> to vector<16xf32>
        %mul3A_575 = arith.mulf %get3A_574, %gather3A_484 : vector<16xf32>
        %swap3A_576 = arith.constant 1 : i32
        %swap3A_577 = arith.index_cast %swap3A_576 : i32 to index
        %swap3A_578 = arith.index_cast %mul3A_428 : i32 to index
        %swap3A_579 = arith.constant 96 : index
        %swap3A_580 = tpu.vector_load %arg15[%swap3A_577, %swap3A_578, %swap3A_579] {strides = array<i32>} : memref<2x128x128xf32, #tpu.memory_space<vmem>>, vector<1x1x16xf32>,
        %swap3A_581 = vector.shape_cast %swap3A_580 : vector<1x1x16xf32> to vector<16xf32>
        %swap3A_582 = vector.shape_cast %mul3A_575 : vector<16xf32> to vector<1x1x16xf32>
        tpu.vector_store %arg15[%swap3A_577, %swap3A_578, %swap3A_579], %swap3A_582 {strides = array<i32>} : memref<2x128x128xf32, #tpu.memory_space<vmem>>, vector<1x1x16xf32>,
        %get3A_583 = arith.constant 1 : i32
        %get3A_584 = arith.index_cast %get3A_583 : i32 to index
        %get3A_585 = arith.index_cast %mul3A_428 : i32 to index
        %get3A_586 = arith.constant 112 : index
        %get3A_587 = tpu.vector_load %arg15[%get3A_584, %get3A_585, %get3A_586] {strides = array<i32>} : memref<2x128x128xf32, #tpu.memory_space<vmem>>, vector<1x1x16xf32>,
        %get3A_588 = vector.shape_cast %get3A_587 : vector<1x1x16xf32> to vector<16xf32>
        %mul3A_589 = arith.mulf %get3A_588, %gather3A_484 : vector<16xf32>
        %swap3A_590 = arith.constant 1 : i32
        %swap3A_591 = arith.index_cast %swap3A_590 : i32 to index
        %swap3A_592 = arith.index_cast %mul3A_428 : i32 to index
        %swap3A_593 = arith.constant 112 : index
        %swap3A_594 = tpu.vector_load %arg15[%swap3A_591, %swap3A_592, %swap3A_593] {strides = array<i32>} : memref<2x128x128xf32, #tpu.memory_space<vmem>>, vector<1x1x16xf32>,
        %swap3A_595 = vector.shape_cast %swap3A_594 : vector<1x1x16xf32> to vector<16xf32>
        %swap3A_596 = vector.shape_cast %mul3A_589 : vector<16xf32> to vector<1x1x16xf32>
        tpu.vector_store %arg15[%swap3A_591, %swap3A_592, %swap3A_593], %swap3A_596 {strides = array<i32>} : memref<2x128x128xf32, #tpu.memory_space<vmem>>, vector<1x1x16xf32>,
        %jit3A_597 = arith.constant 16 : i32
        %div3A_598 = arith.divsi %add3A_432, %jit3A_597 : i32
        %sign3A_599 = arith.constant 0 : i32
        %sign3A_600 = arith.cmpi sgt, %add3A_432, %sign3A_599 : i32
        %sign3A_601 = arith.extui %sign3A_600 : i1 to i32
        %sign3A_602 = arith.constant 0 : i32
        %sign3A_603 = arith.cmpi slt, %add3A_432, %sign3A_602 : i32
        %sign3A_604 = arith.extui %sign3A_603 : i1 to i32
        %sign3A_605 = arith.subi %sign3A_601, %sign3A_604 : i32
        %sign3A_606 = arith.constant 0 : i32
        %sign3A_607 = arith.cmpi sgt, %jit3A_597, %sign3A_606 : i32
        %sign3A_608 = arith.extui %sign3A_607 : i1 to i32
        %sign3A_609 = arith.constant 0 : i32
        %sign3A_610 = arith.cmpi slt, %jit3A_597, %sign3A_609 : i32
        %sign3A_611 = arith.extui %sign3A_610 : i1 to i32
        %sign3A_612 = arith.subi %sign3A_608, %sign3A_611 : i32
        %ne3A_613 = arith.cmpi ne, %sign3A_605, %sign3A_612 : i32
        %rem3A_614 = arith.remsi %add3A_432, %jit3A_597 : i32
        %ne3A_615 = arith.constant 0 : i32
        %ne3A_616 = arith.cmpi ne, %rem3A_614, %ne3A_615 : i32
        %and3A_617 = arith.andi %ne3A_613, %ne3A_616 : i1
        %sub3A_618 = arith.constant 1 : i32
        %sub3A_619 = arith.subi %div3A_598, %sub3A_618 : i32
        %select_n3A_620 = arith.select %and3A_617, %sub3A_619, %div3A_598 : i32
        %mul3A_621 = arith.constant 16 : i32
        %mul3A_622 = arith.muli %select_n3A_620, %mul3A_621 : i32
        %get3A_623 = arith.index_cast %mul3A_622 : i32 to index
        %get3A_624 = tpu.vector_load %arg13[%get3A_623] {strides = array<i32>} : memref<128xf32, #tpu.memory_space<vmem>>, vector<16xf32>,
        %get3A_625 = vector.shape_cast %get3A_624 : vector<16xf32> to vector<16xf32>
        %jit3A_626 = arith.constant 16 : i32
        %eq3A_627 = arith.constant 0 : i32
        %eq3A_628 = arith.cmpi eq, %jit3A_626, %eq3A_627 : i32
        %jit3A_629 = arith.constant 1 : i32
        %select_n3A_630 = arith.select %eq3A_628, %jit3A_629, %jit3A_626 : i32
        %rem3A_631 = arith.remsi %add3A_432, %select_n3A_630 : i32
        %ne3A_632 = arith.constant 0 : i32
        %ne3A_633 = arith.cmpi ne, %rem3A_631, %ne3A_632 : i32
        %lt3A_634 = arith.constant 0 : i32
        %lt3A_635 = arith.cmpi slt, %rem3A_631, %lt3A_634 : i32
        %lt3A_636 = arith.constant 0 : i32
        %lt3A_637 = arith.cmpi slt, %select_n3A_630, %lt3A_636 : i32
        %ne3A_638 = arith.xori %lt3A_635, %lt3A_637 : i1
        %and3A_639 = arith.andi %ne3A_638, %ne3A_633 : i1
        %add3A_640 = arith.addi %rem3A_631, %select_n3A_630 : i32
        %select_n3A_641 = arith.select %and3A_639, %add3A_640, %rem3A_631 : i32
        %broadcast_in_dim3A_642 = vector.broadcast %select_n3A_641 : i32 to vector<16xi32>
        %lt3A_643 = arith.constant 0 : i32
        %lt3A_644 = vector.broadcast %lt3A_643 : i32 to vector<16xi32>
        %lt3A_645 = arith.cmpi slt, %broadcast_in_dim3A_642, %lt3A_644 : vector<16xi32>
        %add3A_646 = arith.constant 16 : i32
        %add3A_647 = vector.broadcast %add3A_646 : i32 to vector<16xi32>
        %add3A_648 = arith.addi %broadcast_in_dim3A_642, %add3A_647 : vector<16xi32>
        %select_n3A_649 = arith.select %lt3A_645, %add3A_648, %broadcast_in_dim3A_642 : vector<16xi1>, vector<16xi32>
        %reshape3A_650 = vector.shape_cast %select_n3A_649 : vector<16xi32> to vector<16x1xi32>
        %gather3A_651 = vector.shape_cast %reshape3A_650 : vector<16x1xi32> to vector<16xi32>
        %gather3A_652 = tpu.dynamic_gather %get3A_625[%gather3A_651] in [0] : vector<16xf32>, vector<16xi32> -> vector<16xf32>
        %get3A_653 = arith.constant 1 : i32
        %get3A_654 = arith.index_cast %get3A_653 : i32 to index
        %get3A_655 = arith.index_cast %add3A_432 : i32 to index
        %get3A_656 = arith.constant 0 : index
        %get3A_657 = tpu.vector_load %arg15[%get3A_654, %get3A_655, %get3A_656] {strides = array<i32>} : memref<2x128x128xf32, #tpu.memory_space<vmem>>, vector<1x1x16xf32>,
        %get3A_658 = vector.shape_cast %get3A_657 : vector<1x1x16xf32> to vector<16xf32>
        %mul3A_659 = arith.mulf %get3A_658, %gather3A_652 : vector<16xf32>
        %swap3A_660 = arith.constant 1 : i32
        %swap3A_661 = arith.index_cast %swap3A_660 : i32 to index
        %swap3A_662 = arith.index_cast %add3A_432 : i32 to index
        %swap3A_663 = arith.constant 0 : index
        %swap3A_664 = tpu.vector_load %arg15[%swap3A_661, %swap3A_662, %swap3A_663] {strides = array<i32>} : memref<2x128x128xf32, #tpu.memory_space<vmem>>, vector<1x1x16xf32>,
        %swap3A_665 = vector.shape_cast %swap3A_664 : vector<1x1x16xf32> to vector<16xf32>
        %swap3A_666 = vector.shape_cast %mul3A_659 : vector<16xf32> to vector<1x1x16xf32>
        tpu.vector_store %arg15[%swap3A_661, %swap3A_662, %swap3A_663], %swap3A_666 {strides = array<i32>} : memref<2x128x128xf32, #tpu.memory_space<vmem>>, vector<1x1x16xf32>,
        %get3A_667 = arith.constant 1 : i32
        %get3A_668 = arith.index_cast %get3A_667 : i32 to index
        %get3A_669 = arith.index_cast %add3A_432 : i32 to index
        %get3A_670 = arith.constant 16 : index
        %get3A_671 = tpu.vector_load %arg15[%get3A_668, %get3A_669, %get3A_670] {strides = array<i32>} : memref<2x128x128xf32, #tpu.memory_space<vmem>>, vector<1x1x16xf32>,
        %get3A_672 = vector.shape_cast %get3A_671 : vector<1x1x16xf32> to vector<16xf32>
        %mul3A_673 = arith.mulf %get3A_672, %gather3A_652 : vector<16xf32>
        %swap3A_674 = arith.constant 1 : i32
        %swap3A_675 = arith.index_cast %swap3A_674 : i32 to index
        %swap3A_676 = arith.index_cast %add3A_432 : i32 to index
        %swap3A_677 = arith.constant 16 : index
        %swap3A_678 = tpu.vector_load %arg15[%swap3A_675, %swap3A_676, %swap3A_677] {strides = array<i32>} : memref<2x128x128xf32, #tpu.memory_space<vmem>>, vector<1x1x16xf32>,
        %swap3A_679 = vector.shape_cast %swap3A_678 : vector<1x1x16xf32> to vector<16xf32>
        %swap3A_680 = vector.shape_cast %mul3A_673 : vector<16xf32> to vector<1x1x16xf32>
        tpu.vector_store %arg15[%swap3A_675, %swap3A_676, %swap3A_677], %swap3A_680 {strides = array<i32>} : memref<2x128x128xf32, #tpu.memory_space<vmem>>, vector<1x1x16xf32>,
        %get3A_681 = arith.constant 1 : i32
        %get3A_682 = arith.index_cast %get3A_681 : i32 to index
        %get3A_683 = arith.index_cast %add3A_432 : i32 to index
        %get3A_684 = arith.constant 32 : index
        %get3A_685 = tpu.vector_load %arg15[%get3A_682, %get3A_683, %get3A_684] {strides = array<i32>} : memref<2x128x128xf32, #tpu.memory_space<vmem>>, vector<1x1x16xf32>,
        %get3A_686 = vector.shape_cast %get3A_685 : vector<1x1x16xf32> to vector<16xf32>
        %mul3A_687 = arith.mulf %get3A_686, %gather3A_652 : vector<16xf32>
        %swap3A_688 = arith.constant 1 : i32
        %swap3A_689 = arith.index_cast %swap3A_688 : i32 to index
        %swap3A_690 = arith.index_cast %add3A_432 : i32 to index
        %swap3A_691 = arith.constant 32 : index
        %swap3A_692 = tpu.vector_load %arg15[%swap3A_689, %swap3A_690, %swap3A_691] {strides = array<i32>} : memref<2x128x128xf32, #tpu.memory_space<vmem>>, vector<1x1x16xf32>,
        %swap3A_693 = vector.shape_cast %swap3A_692 : vector<1x1x16xf32> to vector<16xf32>
        %swap3A_694 = vector.shape_cast %mul3A_687 : vector<16xf32> to vector<1x1x16xf32>
        tpu.vector_store %arg15[%swap3A_689, %swap3A_690, %swap3A_691], %swap3A_694 {strides = array<i32>} : memref<2x128x128xf32, #tpu.memory_space<vmem>>, vector<1x1x16xf32>,
        %get3A_695 = arith.constant 1 : i32
        %get3A_696 = arith.index_cast %get3A_695 : i32 to index
        %get3A_697 = arith.index_cast %add3A_432 : i32 to index
        %get3A_698 = arith.constant 48 : index
        %get3A_699 = tpu.vector_load %arg15[%get3A_696, %get3A_697, %get3A_698] {strides = array<i32>} : memref<2x128x128xf32, #tpu.memory_space<vmem>>, vector<1x1x16xf32>,
        %get3A_700 = vector.shape_cast %get3A_699 : vector<1x1x16xf32> to vector<16xf32>
        %mul3A_701 = arith.mulf %get3A_700, %gather3A_652 : vector<16xf32>
        %swap3A_702 = arith.constant 1 : i32
        %swap3A_703 = arith.index_cast %swap3A_702 : i32 to index
        %swap3A_704 = arith.index_cast %add3A_432 : i32 to index
        %swap3A_705 = arith.constant 48 : index
        %swap3A_706 = tpu.vector_load %arg15[%swap3A_703, %swap3A_704, %swap3A_705] {strides = array<i32>} : memref<2x128x128xf32, #tpu.memory_space<vmem>>, vector<1x1x16xf32>,
        %swap3A_707 = vector.shape_cast %swap3A_706 : vector<1x1x16xf32> to vector<16xf32>
        %swap3A_708 = vector.shape_cast %mul3A_701 : vector<16xf32> to vector<1x1x16xf32>
        tpu.vector_store %arg15[%swap3A_703, %swap3A_704, %swap3A_705], %swap3A_708 {strides = array<i32>} : memref<2x128x128xf32, #tpu.memory_space<vmem>>, vector<1x1x16xf32>,
        %get3A_709 = arith.constant 1 : i32
        %get3A_710 = arith.index_cast %get3A_709 : i32 to index
        %get3A_711 = arith.index_cast %add3A_432 : i32 to index
        %get3A_712 = arith.constant 64 : index
        %get3A_713 = tpu.vector_load %arg15[%get3A_710, %get3A_711, %get3A_712] {strides = array<i32>} : memref<2x128x128xf32, #tpu.memory_space<vmem>>, vector<1x1x16xf32>,
        %get3A_714 = vector.shape_cast %get3A_713 : vector<1x1x16xf32> to vector<16xf32>
        %mul3A_715 = arith.mulf %get3A_714, %gather3A_652 : vector<16xf32>
        %swap3A_716 = arith.constant 1 : i32
        %swap3A_717 = arith.index_cast %swap3A_716 : i32 to index
        %swap3A_718 = arith.index_cast %add3A_432 : i32 to index
        %swap3A_719 = arith.constant 64 : index
        %swap3A_720 = tpu.vector_load %arg15[%swap3A_717, %swap3A_718, %swap3A_719] {strides = array<i32>} : memref<2x128x128xf32, #tpu.memory_space<vmem>>, vector<1x1x16xf32>,
        %swap3A_721 = vector.shape_cast %swap3A_720 : vector<1x1x16xf32> to vector<16xf32>
        %swap3A_722 = vector.shape_cast %mul3A_715 : vector<16xf32> to vector<1x1x16xf32>
        tpu.vector_store %arg15[%swap3A_717, %swap3A_718, %swap3A_719], %swap3A_722 {strides = array<i32>} : memref<2x128x128xf32, #tpu.memory_space<vmem>>, vector<1x1x16xf32>,
        %get3A_723 = arith.constant 1 : i32
        %get3A_724 = arith.index_cast %get3A_723 : i32 to index
        %get3A_725 = arith.index_cast %add3A_432 : i32 to index
        %get3A_726 = arith.constant 80 : index
        %get3A_727 = tpu.vector_load %arg15[%get3A_724, %get3A_725, %get3A_726] {strides = array<i32>} : memref<2x128x128xf32, #tpu.memory_space<vmem>>, vector<1x1x16xf32>,
        %get3A_728 = vector.shape_cast %get3A_727 : vector<1x1x16xf32> to vector<16xf32>
        %mul3A_729 = arith.mulf %get3A_728, %gather3A_652 : vector<16xf32>
        %swap3A_730 = arith.constant 1 : i32
        %swap3A_731 = arith.index_cast %swap3A_730 : i32 to index
        %swap3A_732 = arith.index_cast %add3A_432 : i32 to index
        %swap3A_733 = arith.constant 80 : index
        %swap3A_734 = tpu.vector_load %arg15[%swap3A_731, %swap3A_732, %swap3A_733] {strides = array<i32>} : memref<2x128x128xf32, #tpu.memory_space<vmem>>, vector<1x1x16xf32>,
        %swap3A_735 = vector.shape_cast %swap3A_734 : vector<1x1x16xf32> to vector<16xf32>
        %swap3A_736 = vector.shape_cast %mul3A_729 : vector<16xf32> to vector<1x1x16xf32>
        tpu.vector_store %arg15[%swap3A_731, %swap3A_732, %swap3A_733], %swap3A_736 {strides = array<i32>} : memref<2x128x128xf32, #tpu.memory_space<vmem>>, vector<1x1x16xf32>,
        %get3A_737 = arith.constant 1 : i32
        %get3A_738 = arith.index_cast %get3A_737 : i32 to index
        %get3A_739 = arith.index_cast %add3A_432 : i32 to index
        %get3A_740 = arith.constant 96 : index
        %get3A_741 = tpu.vector_load %arg15[%get3A_738, %get3A_739, %get3A_740] {strides = array<i32>} : memref<2x128x128xf32, #tpu.memory_space<vmem>>, vector<1x1x16xf32>,
        %get3A_742 = vector.shape_cast %get3A_741 : vector<1x1x16xf32> to vector<16xf32>
        %mul3A_743 = arith.mulf %get3A_742, %gather3A_652 : vector<16xf32>
        %swap3A_744 = arith.constant 1 : i32
        %swap3A_745 = arith.index_cast %swap3A_744 : i32 to index
        %swap3A_746 = arith.index_cast %add3A_432 : i32 to index
        %swap3A_747 = arith.constant 96 : index
        %swap3A_748 = tpu.vector_load %arg15[%swap3A_745, %swap3A_746, %swap3A_747] {strides = array<i32>} : memref<2x128x128xf32, #tpu.memory_space<vmem>>, vector<1x1x16xf32>,
        %swap3A_749 = vector.shape_cast %swap3A_748 : vector<1x1x16xf32> to vector<16xf32>
        %swap3A_750 = vector.shape_cast %mul3A_743 : vector<16xf32> to vector<1x1x16xf32>
        tpu.vector_store %arg15[%swap3A_745, %swap3A_746, %swap3A_747], %swap3A_750 {strides = array<i32>} : memref<2x128x128xf32, #tpu.memory_space<vmem>>, vector<1x1x16xf32>,
        %get3A_751 = arith.constant 1 : i32
        %get3A_752 = arith.index_cast %get3A_751 : i32 to index
        %get3A_753 = arith.index_cast %add3A_432 : i32 to index
        %get3A_754 = arith.constant 112 : index
        %get3A_755 = tpu.vector_load %arg15[%get3A_752, %get3A_753, %get3A_754] {strides = array<i32>} : memref<2x128x128xf32, #tpu.memory_space<vmem>>, vector<1x1x16xf32>,
        %get3A_756 = vector.shape_cast %get3A_755 : vector<1x1x16xf32> to vector<16xf32>
        %mul3A_757 = arith.mulf %get3A_756, %gather3A_652 : vector<16xf32>
        %swap3A_758 = arith.constant 1 : i32
        %swap3A_759 = arith.index_cast %swap3A_758 : i32 to index
        %swap3A_760 = arith.index_cast %add3A_432 : i32 to index
        %swap3A_761 = arith.constant 112 : index
        %swap3A_762 = tpu.vector_load %arg15[%swap3A_759, %swap3A_760, %swap3A_761] {strides = array<i32>} : memref<2x128x128xf32, #tpu.memory_space<vmem>>, vector<1x1x16xf32>,
        %swap3A_763 = vector.shape_cast %swap3A_762 : vector<1x1x16xf32> to vector<16xf32>
        %swap3A_764 = vector.shape_cast %mul3A_757 : vector<16xf32> to vector<1x1x16xf32>
        tpu.vector_store %arg15[%swap3A_759, %swap3A_760, %swap3A_761], %swap3A_764 {strides = array<i32>} : memref<2x128x128xf32, #tpu.memory_space<vmem>>, vector<1x1x16xf32>,
        %jit3A_765 = arith.constant 16 : i32
        %div3A_766 = arith.divsi %add3A_436, %jit3A_765 : i32
        %sign3A_767 = arith.constant 0 : i32
        %sign3A_768 = arith.cmpi sgt, %add3A_436, %sign3A_767 : i32
        %sign3A_769 = arith.extui %sign3A_768 : i1 to i32
        %sign3A_770 = arith.constant 0 : i32
        %sign3A_771 = arith.cmpi slt, %add3A_436, %sign3A_770 : i32
        %sign3A_772 = arith.extui %sign3A_771 : i1 to i32
        %sign3A_773 = arith.subi %sign3A_769, %sign3A_772 : i32
        %sign3A_774 = arith.constant 0 : i32
        %sign3A_775 = arith.cmpi sgt, %jit3A_765, %sign3A_774 : i32
        %sign3A_776 = arith.extui %sign3A_775 : i1 to i32
        %sign3A_777 = arith.constant 0 : i32
        %sign3A_778 = arith.cmpi slt, %jit3A_765, %sign3A_777 : i32
        %sign3A_779 = arith.extui %sign3A_778 : i1 to i32
        %sign3A_780 = arith.subi %sign3A_776, %sign3A_779 : i32
        %ne3A_781 = arith.cmpi ne, %sign3A_773, %sign3A_780 : i32
        %rem3A_782 = arith.remsi %add3A_436, %jit3A_765 : i32
        %ne3A_783 = arith.constant 0 : i32
        %ne3A_784 = arith.cmpi ne, %rem3A_782, %ne3A_783 : i32
        %and3A_785 = arith.andi %ne3A_781, %ne3A_784 : i1
        %sub3A_786 = arith.constant 1 : i32
        %sub3A_787 = arith.subi %div3A_766, %sub3A_786 : i32
        %select_n3A_788 = arith.select %and3A_785, %sub3A_787, %div3A_766 : i32
        %mul3A_789 = arith.constant 16 : i32
        %mul3A_790 = arith.muli %select_n3A_788, %mul3A_789 : i32
        %get3A_791 = arith.index_cast %mul3A_790 : i32 to index
        %get3A_792 = tpu.vector_load %arg13[%get3A_791] {strides = array<i32>} : memref<128xf32, #tpu.memory_space<vmem>>, vector<16xf32>,
        %get3A_793 = vector.shape_cast %get3A_792 : vector<16xf32> to vector<16xf32>
        %jit3A_794 = arith.constant 16 : i32
        %eq3A_795 = arith.constant 0 : i32
        %eq3A_796 = arith.cmpi eq, %jit3A_794, %eq3A_795 : i32
        %jit3A_797 = arith.constant 1 : i32
        %select_n3A_798 = arith.select %eq3A_796, %jit3A_797, %jit3A_794 : i32
        %rem3A_799 = arith.remsi %add3A_436, %select_n3A_798 : i32
        %ne3A_800 = arith.constant 0 : i32
        %ne3A_801 = arith.cmpi ne, %rem3A_799, %ne3A_800 : i32
        %lt3A_802 = arith.constant 0 : i32
        %lt3A_803 = arith.cmpi slt, %rem3A_799, %lt3A_802 : i32
        %lt3A_804 = arith.constant 0 : i32
        %lt3A_805 = arith.cmpi slt, %select_n3A_798, %lt3A_804 : i32
        %ne3A_806 = arith.xori %lt3A_803, %lt3A_805 : i1
        %and3A_807 = arith.andi %ne3A_806, %ne3A_801 : i1
        %add3A_808 = arith.addi %rem3A_799, %select_n3A_798 : i32
        %select_n3A_809 = arith.select %and3A_807, %add3A_808, %rem3A_799 : i32
        %broadcast_in_dim3A_810 = vector.broadcast %select_n3A_809 : i32 to vector<16xi32>
        %lt3A_811 = arith.constant 0 : i32
        %lt3A_812 = vector.broadcast %lt3A_811 : i32 to vector<16xi32>
        %lt3A_813 = arith.cmpi slt, %broadcast_in_dim3A_810, %lt3A_812 : vector<16xi32>
        %add3A_814 = arith.constant 16 : i32
        %add3A_815 = vector.broadcast %add3A_814 : i32 to vector<16xi32>
        %add3A_816 = arith.addi %broadcast_in_dim3A_810, %add3A_815 : vector<16xi32>
        %select_n3A_817 = arith.select %lt3A_813, %add3A_816, %broadcast_in_dim3A_810 : vector<16xi1>, vector<16xi32>
        %reshape3A_818 = vector.shape_cast %select_n3A_817 : vector<16xi32> to vector<16x1xi32>
        %gather3A_819 = vector.shape_cast %reshape3A_818 : vector<16x1xi32> to vector<16xi32>
        %gather3A_820 = tpu.dynamic_gather %get3A_793[%gather3A_819] in [0] : vector<16xf32>, vector<16xi32> -> vector<16xf32>
        %get3A_821 = arith.constant 1 : i32
        %get3A_822 = arith.index_cast %get3A_821 : i32 to index
        %get3A_823 = arith.index_cast %add3A_436 : i32 to index
        %get3A_824 = arith.constant 0 : index
        %get3A_825 = tpu.vector_load %arg15[%get3A_822, %get3A_823, %get3A_824] {strides = array<i32>} : memref<2x128x128xf32, #tpu.memory_space<vmem>>, vector<1x1x16xf32>,
        %get3A_826 = vector.shape_cast %get3A_825 : vector<1x1x16xf32> to vector<16xf32>
        %mul3A_827 = arith.mulf %get3A_826, %gather3A_820 : vector<16xf32>
        %swap3A_828 = arith.constant 1 : i32
        %swap3A_829 = arith.index_cast %swap3A_828 : i32 to index
        %swap3A_830 = arith.index_cast %add3A_436 : i32 to index
        %swap3A_831 = arith.constant 0 : index
        %swap3A_832 = tpu.vector_load %arg15[%swap3A_829, %swap3A_830, %swap3A_831] {strides = array<i32>} : memref<2x128x128xf32, #tpu.memory_space<vmem>>, vector<1x1x16xf32>,
        %swap3A_833 = vector.shape_cast %swap3A_832 : vector<1x1x16xf32> to vector<16xf32>
        %swap3A_834 = vector.shape_cast %mul3A_827 : vector<16xf32> to vector<1x1x16xf32>
        tpu.vector_store %arg15[%swap3A_829, %swap3A_830, %swap3A_831], %swap3A_834 {strides = array<i32>} : memref<2x128x128xf32, #tpu.memory_space<vmem>>, vector<1x1x16xf32>,
        %get3A_835 = arith.constant 1 : i32
        %get3A_836 = arith.index_cast %get3A_835 : i32 to index
        %get3A_837 = arith.index_cast %add3A_436 : i32 to index
        %get3A_838 = arith.constant 16 : index
        %get3A_839 = tpu.vector_load %arg15[%get3A_836, %get3A_837, %get3A_838] {strides = array<i32>} : memref<2x128x128xf32, #tpu.memory_space<vmem>>, vector<1x1x16xf32>,
        %get3A_840 = vector.shape_cast %get3A_839 : vector<1x1x16xf32> to vector<16xf32>
        %mul3A_841 = arith.mulf %get3A_840, %gather3A_820 : vector<16xf32>
        %swap3A_842 = arith.constant 1 : i32
        %swap3A_843 = arith.index_cast %swap3A_842 : i32 to index
        %swap3A_844 = arith.index_cast %add3A_436 : i32 to index
        %swap3A_845 = arith.constant 16 : index
        %swap3A_846 = tpu.vector_load %arg15[%swap3A_843, %swap3A_844, %swap3A_845] {strides = array<i32>} : memref<2x128x128xf32, #tpu.memory_space<vmem>>, vector<1x1x16xf32>,
        %swap3A_847 = vector.shape_cast %swap3A_846 : vector<1x1x16xf32> to vector<16xf32>
        %swap3A_848 = vector.shape_cast %mul3A_841 : vector<16xf32> to vector<1x1x16xf32>
        tpu.vector_store %arg15[%swap3A_843, %swap3A_844, %swap3A_845], %swap3A_848 {strides = array<i32>} : memref<2x128x128xf32, #tpu.memory_space<vmem>>, vector<1x1x16xf32>,
        %get3A_849 = arith.constant 1 : i32
        %get3A_850 = arith.index_cast %get3A_849 : i32 to index
        %get3A_851 = arith.index_cast %add3A_436 : i32 to index
        %get3A_852 = arith.constant 32 : index
        %get3A_853 = tpu.vector_load %arg15[%get3A_850, %get3A_851, %get3A_852] {strides = array<i32>} : memref<2x128x128xf32, #tpu.memory_space<vmem>>, vector<1x1x16xf32>,
        %get3A_854 = vector.shape_cast %get3A_853 : vector<1x1x16xf32> to vector<16xf32>
        %mul3A_855 = arith.mulf %get3A_854, %gather3A_820 : vector<16xf32>
        %swap3A_856 = arith.constant 1 : i32
        %swap3A_857 = arith.index_cast %swap3A_856 : i32 to index
        %swap3A_858 = arith.index_cast %add3A_436 : i32 to index
        %swap3A_859 = arith.constant 32 : index
        %swap3A_860 = tpu.vector_load %arg15[%swap3A_857, %swap3A_858, %swap3A_859] {strides = array<i32>} : memref<2x128x128xf32, #tpu.memory_space<vmem>>, vector<1x1x16xf32>,
        %swap3A_861 = vector.shape_cast %swap3A_860 : vector<1x1x16xf32> to vector<16xf32>
        %swap3A_862 = vector.shape_cast %mul3A_855 : vector<16xf32> to vector<1x1x16xf32>
        tpu.vector_store %arg15[%swap3A_857, %swap3A_858, %swap3A_859], %swap3A_862 {strides = array<i32>} : memref<2x128x128xf32, #tpu.memory_space<vmem>>, vector<1x1x16xf32>,
        %get3A_863 = arith.constant 1 : i32
        %get3A_864 = arith.index_cast %get3A_863 : i32 to index
        %get3A_865 = arith.index_cast %add3A_436 : i32 to index
        %get3A_866 = arith.constant 48 : index
        %get3A_867 = tpu.vector_load %arg15[%get3A_864, %get3A_865, %get3A_866] {strides = array<i32>} : memref<2x128x128xf32, #tpu.memory_space<vmem>>, vector<1x1x16xf32>,
        %get3A_868 = vector.shape_cast %get3A_867 : vector<1x1x16xf32> to vector<16xf32>
        %mul3A_869 = arith.mulf %get3A_868, %gather3A_820 : vector<16xf32>
        %swap3A_870 = arith.constant 1 : i32
        %swap3A_871 = arith.index_cast %swap3A_870 : i32 to index
        %swap3A_872 = arith.index_cast %add3A_436 : i32 to index
        %swap3A_873 = arith.constant 48 : index
        %swap3A_874 = tpu.vector_load %arg15[%swap3A_871, %swap3A_872, %swap3A_873] {strides = array<i32>} : memref<2x128x128xf32, #tpu.memory_space<vmem>>, vector<1x1x16xf32>,
        %swap3A_875 = vector.shape_cast %swap3A_874 : vector<1x1x16xf32> to vector<16xf32>
        %swap3A_876 = vector.shape_cast %mul3A_869 : vector<16xf32> to vector<1x1x16xf32>
        tpu.vector_store %arg15[%swap3A_871, %swap3A_872, %swap3A_873], %swap3A_876 {strides = array<i32>} : memref<2x128x128xf32, #tpu.memory_space<vmem>>, vector<1x1x16xf32>,
        %get3A_877 = arith.constant 1 : i32
        %get3A_878 = arith.index_cast %get3A_877 : i32 to index
        %get3A_879 = arith.index_cast %add3A_436 : i32 to index
        %get3A_880 = arith.constant 64 : index
        %get3A_881 = tpu.vector_load %arg15[%get3A_878, %get3A_879, %get3A_880] {strides = array<i32>} : memref<2x128x128xf32, #tpu.memory_space<vmem>>, vector<1x1x16xf32>,
        %get3A_882 = vector.shape_cast %get3A_881 : vector<1x1x16xf32> to vector<16xf32>
        %mul3A_883 = arith.mulf %get3A_882, %gather3A_820 : vector<16xf32>
        %swap3A_884 = arith.constant 1 : i32
        %swap3A_885 = arith.index_cast %swap3A_884 : i32 to index
        %swap3A_886 = arith.index_cast %add3A_436 : i32 to index
        %swap3A_887 = arith.constant 64 : index
        %swap3A_888 = tpu.vector_load %arg15[%swap3A_885, %swap3A_886, %swap3A_887] {strides = array<i32>} : memref<2x128x128xf32, #tpu.memory_space<vmem>>, vector<1x1x16xf32>,
        %swap3A_889 = vector.shape_cast %swap3A_888 : vector<1x1x16xf32> to vector<16xf32>
        %swap3A_890 = vector.shape_cast %mul3A_883 : vector<16xf32> to vector<1x1x16xf32>
        tpu.vector_store %arg15[%swap3A_885, %swap3A_886, %swap3A_887], %swap3A_890 {strides = array<i32>} : memref<2x128x128xf32, #tpu.memory_space<vmem>>, vector<1x1x16xf32>,
        %get3A_891 = arith.constant 1 : i32
        %get3A_892 = arith.index_cast %get3A_891 : i32 to index
        %get3A_893 = arith.index_cast %add3A_436 : i32 to index
        %get3A_894 = arith.constant 80 : index
        %get3A_895 = tpu.vector_load %arg15[%get3A_892, %get3A_893, %get3A_894] {strides = array<i32>} : memref<2x128x128xf32, #tpu.memory_space<vmem>>, vector<1x1x16xf32>,
        %get3A_896 = vector.shape_cast %get3A_895 : vector<1x1x16xf32> to vector<16xf32>
        %mul3A_897 = arith.mulf %get3A_896, %gather3A_820 : vector<16xf32>
        %swap3A_898 = arith.constant 1 : i32
        %swap3A_899 = arith.index_cast %swap3A_898 : i32 to index
        %swap3A_900 = arith.index_cast %add3A_436 : i32 to index
        %swap3A_901 = arith.constant 80 : index
        %swap3A_902 = tpu.vector_load %arg15[%swap3A_899, %swap3A_900, %swap3A_901] {strides = array<i32>} : memref<2x128x128xf32, #tpu.memory_space<vmem>>, vector<1x1x16xf32>,
        %swap3A_903 = vector.shape_cast %swap3A_902 : vector<1x1x16xf32> to vector<16xf32>
        %swap3A_904 = vector.shape_cast %mul3A_897 : vector<16xf32> to vector<1x1x16xf32>
        tpu.vector_store %arg15[%swap3A_899, %swap3A_900, %swap3A_901], %swap3A_904 {strides = array<i32>} : memref<2x128x128xf32, #tpu.memory_space<vmem>>, vector<1x1x16xf32>,
        %get3A_905 = arith.constant 1 : i32
        %get3A_906 = arith.index_cast %get3A_905 : i32 to index
        %get3A_907 = arith.index_cast %add3A_436 : i32 to index
        %get3A_908 = arith.constant 96 : index
        %get3A_909 = tpu.vector_load %arg15[%get3A_906, %get3A_907, %get3A_908] {strides = array<i32>} : memref<2x128x128xf32, #tpu.memory_space<vmem>>, vector<1x1x16xf32>,
        %get3A_910 = vector.shape_cast %get3A_909 : vector<1x1x16xf32> to vector<16xf32>
        %mul3A_911 = arith.mulf %get3A_910, %gather3A_820 : vector<16xf32>
        %swap3A_912 = arith.constant 1 : i32
        %swap3A_913 = arith.index_cast %swap3A_912 : i32 to index
        %swap3A_914 = arith.index_cast %add3A_436 : i32 to index
        %swap3A_915 = arith.constant 96 : index
        %swap3A_916 = tpu.vector_load %arg15[%swap3A_913, %swap3A_914, %swap3A_915] {strides = array<i32>} : memref<2x128x128xf32, #tpu.memory_space<vmem>>, vector<1x1x16xf32>,
        %swap3A_917 = vector.shape_cast %swap3A_916 : vector<1x1x16xf32> to vector<16xf32>
        %swap3A_918 = vector.shape_cast %mul3A_911 : vector<16xf32> to vector<1x1x16xf32>
        tpu.vector_store %arg15[%swap3A_913, %swap3A_914, %swap3A_915], %swap3A_918 {strides = array<i32>} : memref<2x128x128xf32, #tpu.memory_space<vmem>>, vector<1x1x16xf32>,
        %get3A_919 = arith.constant 1 : i32
        %get3A_920 = arith.index_cast %get3A_919 : i32 to index
        %get3A_921 = arith.index_cast %add3A_436 : i32 to index
        %get3A_922 = arith.constant 112 : index
        %get3A_923 = tpu.vector_load %arg15[%get3A_920, %get3A_921, %get3A_922] {strides = array<i32>} : memref<2x128x128xf32, #tpu.memory_space<vmem>>, vector<1x1x16xf32>,
        %get3A_924 = vector.shape_cast %get3A_923 : vector<1x1x16xf32> to vector<16xf32>
        %mul3A_925 = arith.mulf %get3A_924, %gather3A_820 : vector<16xf32>
        %swap3A_926 = arith.constant 1 : i32
        %swap3A_927 = arith.index_cast %swap3A_926 : i32 to index
        %swap3A_928 = arith.index_cast %add3A_436 : i32 to index
        %swap3A_929 = arith.constant 112 : index
        %swap3A_930 = tpu.vector_load %arg15[%swap3A_927, %swap3A_928, %swap3A_929] {strides = array<i32>} : memref<2x128x128xf32, #tpu.memory_space<vmem>>, vector<1x1x16xf32>,
        %swap3A_931 = vector.shape_cast %swap3A_930 : vector<1x1x16xf32> to vector<16xf32>
        %swap3A_932 = vector.shape_cast %mul3A_925 : vector<16xf32> to vector<1x1x16xf32>
        tpu.vector_store %arg15[%swap3A_927, %swap3A_928, %swap3A_929], %swap3A_932 {strides = array<i32>} : memref<2x128x128xf32, #tpu.memory_space<vmem>>, vector<1x1x16xf32>,
        %jit3A_933 = arith.constant 16 : i32
        %div3A_934 = arith.divsi %add3A_440, %jit3A_933 : i32
        %sign3A_935 = arith.constant 0 : i32
        %sign3A_936 = arith.cmpi sgt, %add3A_440, %sign3A_935 : i32
        %sign3A_937 = arith.extui %sign3A_936 : i1 to i32
        %sign3A_938 = arith.constant 0 : i32
        %sign3A_939 = arith.cmpi slt, %add3A_440, %sign3A_938 : i32
        %sign3A_940 = arith.extui %sign3A_939 : i1 to i32
        %sign3A_941 = arith.subi %sign3A_937, %sign3A_940 : i32
        %sign3A_942 = arith.constant 0 : i32
        %sign3A_943 = arith.cmpi sgt, %jit3A_933, %sign3A_942 : i32
        %sign3A_944 = arith.extui %sign3A_943 : i1 to i32
        %sign3A_945 = arith.constant 0 : i32
        %sign3A_946 = arith.cmpi slt, %jit3A_933, %sign3A_945 : i32
        %sign3A_947 = arith.extui %sign3A_946 : i1 to i32
        %sign3A_948 = arith.subi %sign3A_944, %sign3A_947 : i32
        %ne3A_949 = arith.cmpi ne, %sign3A_941, %sign3A_948 : i32
        %rem3A_950 = arith.remsi %add3A_440, %jit3A_933 : i32
        %ne3A_951 = arith.constant 0 : i32
        %ne3A_952 = arith.cmpi ne, %rem3A_950, %ne3A_951 : i32
        %and3A_953 = arith.andi %ne3A_949, %ne3A_952 : i1
        %sub3A_954 = arith.constant 1 : i32
        %sub3A_955 = arith.subi %div3A_934, %sub3A_954 : i32
        %select_n3A_956 = arith.select %and3A_953, %sub3A_955, %div3A_934 : i32
        %mul3A_957 = arith.constant 16 : i32
        %mul3A_958 = arith.muli %select_n3A_956, %mul3A_957 : i32
        %get3A_959 = arith.index_cast %mul3A_958 : i32 to index
        %get3A_960 = tpu.vector_load %arg13[%get3A_959] {strides = array<i32>} : memref<128xf32, #tpu.memory_space<vmem>>, vector<16xf32>,
        %get3A_961 = vector.shape_cast %get3A_960 : vector<16xf32> to vector<16xf32>
        %jit3A_962 = arith.constant 16 : i32
        %eq3A_963 = arith.constant 0 : i32
        %eq3A_964 = arith.cmpi eq, %jit3A_962, %eq3A_963 : i32
        %jit3A_965 = arith.constant 1 : i32
        %select_n3A_966 = arith.select %eq3A_964, %jit3A_965, %jit3A_962 : i32
        %rem3A_967 = arith.remsi %add3A_440, %select_n3A_966 : i32
        %ne3A_968 = arith.constant 0 : i32
        %ne3A_969 = arith.cmpi ne, %rem3A_967, %ne3A_968 : i32
        %lt3A_970 = arith.constant 0 : i32
        %lt3A_971 = arith.cmpi slt, %rem3A_967, %lt3A_970 : i32
        %lt3A_972 = arith.constant 0 : i32
        %lt3A_973 = arith.cmpi slt, %select_n3A_966, %lt3A_972 : i32
        %ne3A_974 = arith.xori %lt3A_971, %lt3A_973 : i1
        %and3A_975 = arith.andi %ne3A_974, %ne3A_969 : i1
        %add3A_976 = arith.addi %rem3A_967, %select_n3A_966 : i32
        %select_n3A_977 = arith.select %and3A_975, %add3A_976, %rem3A_967 : i32
        %broadcast_in_dim3A_978 = vector.broadcast %select_n3A_977 : i32 to vector<16xi32>
        %lt3A_979 = arith.constant 0 : i32
        %lt3A_980 = vector.broadcast %lt3A_979 : i32 to vector<16xi32>
        %lt3A_981 = arith.cmpi slt, %broadcast_in_dim3A_978, %lt3A_980 : vector<16xi32>
        %add3A_982 = arith.constant 16 : i32
        %add3A_983 = vector.broadcast %add3A_982 : i32 to vector<16xi32>
        %add3A_984 = arith.addi %broadcast_in_dim3A_978, %add3A_983 : vector<16xi32>
        %select_n3A_985 = arith.select %lt3A_981, %add3A_984, %broadcast_in_dim3A_978 : vector<16xi1>, vector<16xi32>
        %reshape3A_986 = vector.shape_cast %select_n3A_985 : vector<16xi32> to vector<16x1xi32>
        %gather3A_987 = vector.shape_cast %reshape3A_986 : vector<16x1xi32> to vector<16xi32>
        %gather3A_988 = tpu.dynamic_gather %get3A_961[%gather3A_987] in [0] : vector<16xf32>, vector<16xi32> -> vector<16xf32>
        %get3A_989 = arith.constant 1 : i32
        %get3A_990 = arith.index_cast %get3A_989 : i32 to index
        %get3A_991 = arith.index_cast %add3A_440 : i32 to index
        %get3A_992 = arith.constant 0 : index
        %get3A_993 = tpu.vector_load %arg15[%get3A_990, %get3A_991, %get3A_992] {strides = array<i32>} : memref<2x128x128xf32, #tpu.memory_space<vmem>>, vector<1x1x16xf32>,
        %get3A_994 = vector.shape_cast %get3A_993 : vector<1x1x16xf32> to vector<16xf32>
        %mul3A_995 = arith.mulf %get3A_994, %gather3A_988 : vector<16xf32>
        %swap3A_996 = arith.constant 1 : i32
        %swap3A_997 = arith.index_cast %swap3A_996 : i32 to index
        %swap3A_998 = arith.index_cast %add3A_440 : i32 to index
        %swap3A_999 = arith.constant 0 : index
        %swap3A_1000 = tpu.vector_load %arg15[%swap3A_997, %swap3A_998, %swap3A_999] {strides = array<i32>} : memref<2x128x128xf32, #tpu.memory_space<vmem>>, vector<1x1x16xf32>,
        %swap3A_1001 = vector.shape_cast %swap3A_1000 : vector<1x1x16xf32> to vector<16xf32>
        %swap3A_1002 = vector.shape_cast %mul3A_995 : vector<16xf32> to vector<1x1x16xf32>
        tpu.vector_store %arg15[%swap3A_997, %swap3A_998, %swap3A_999], %swap3A_1002 {strides = array<i32>} : memref<2x128x128xf32, #tpu.memory_space<vmem>>, vector<1x1x16xf32>,
        %get3A_1003 = arith.constant 1 : i32
        %get3A_1004 = arith.index_cast %get3A_1003 : i32 to index
        %get3A_1005 = arith.index_cast %add3A_440 : i32 to index
        %get3A_1006 = arith.constant 16 : index
        %get3A_1007 = tpu.vector_load %arg15[%get3A_1004, %get3A_1005, %get3A_1006] {strides = array<i32>} : memref<2x128x128xf32, #tpu.memory_space<vmem>>, vector<1x1x16xf32>,
        %get3A_1008 = vector.shape_cast %get3A_1007 : vector<1x1x16xf32> to vector<16xf32>
        %mul3A_1009 = arith.mulf %get3A_1008, %gather3A_988 : vector<16xf32>
        %swap3A_1010 = arith.constant 1 : i32
        %swap3A_1011 = arith.index_cast %swap3A_1010 : i32 to index
        %swap3A_1012 = arith.index_cast %add3A_440 : i32 to index
        %swap3A_1013 = arith.constant 16 : index
        %swap3A_1014 = tpu.vector_load %arg15[%swap3A_1011, %swap3A_1012, %swap3A_1013] {strides = array<i32>} : memref<2x128x128xf32, #tpu.memory_space<vmem>>, vector<1x1x16xf32>,
        %swap3A_1015 = vector.shape_cast %swap3A_1014 : vector<1x1x16xf32> to vector<16xf32>
        %swap3A_1016 = vector.shape_cast %mul3A_1009 : vector<16xf32> to vector<1x1x16xf32>
        tpu.vector_store %arg15[%swap3A_1011, %swap3A_1012, %swap3A_1013], %swap3A_1016 {strides = array<i32>} : memref<2x128x128xf32, #tpu.memory_space<vmem>>, vector<1x1x16xf32>,
        %get3A_1017 = arith.constant 1 : i32
        %get3A_1018 = arith.index_cast %get3A_1017 : i32 to index
        %get3A_1019 = arith.index_cast %add3A_440 : i32 to index
        %get3A_1020 = arith.constant 32 : index
        %get3A_1021 = tpu.vector_load %arg15[%get3A_1018, %get3A_1019, %get3A_1020] {strides = array<i32>} : memref<2x128x128xf32, #tpu.memory_space<vmem>>, vector<1x1x16xf32>,
        %get3A_1022 = vector.shape_cast %get3A_1021 : vector<1x1x16xf32> to vector<16xf32>
        %mul3A_1023 = arith.mulf %get3A_1022, %gather3A_988 : vector<16xf32>
        %swap3A_1024 = arith.constant 1 : i32
        %swap3A_1025 = arith.index_cast %swap3A_1024 : i32 to index
        %swap3A_1026 = arith.index_cast %add3A_440 : i32 to index
        %swap3A_1027 = arith.constant 32 : index
        %swap3A_1028 = tpu.vector_load %arg15[%swap3A_1025, %swap3A_1026, %swap3A_1027] {strides = array<i32>} : memref<2x128x128xf32, #tpu.memory_space<vmem>>, vector<1x1x16xf32>,
        %swap3A_1029 = vector.shape_cast %swap3A_1028 : vector<1x1x16xf32> to vector<16xf32>
        %swap3A_1030 = vector.shape_cast %mul3A_1023 : vector<16xf32> to vector<1x1x16xf32>
        tpu.vector_store %arg15[%swap3A_1025, %swap3A_1026, %swap3A_1027], %swap3A_1030 {strides = array<i32>} : memref<2x128x128xf32, #tpu.memory_space<vmem>>, vector<1x1x16xf32>,
        %get3A_1031 = arith.constant 1 : i32
        %get3A_1032 = arith.index_cast %get3A_1031 : i32 to index
        %get3A_1033 = arith.index_cast %add3A_440 : i32 to index
        %get3A_1034 = arith.constant 48 : index
        %get3A_1035 = tpu.vector_load %arg15[%get3A_1032, %get3A_1033, %get3A_1034] {strides = array<i32>} : memref<2x128x128xf32, #tpu.memory_space<vmem>>, vector<1x1x16xf32>,
        %get3A_1036 = vector.shape_cast %get3A_1035 : vector<1x1x16xf32> to vector<16xf32>
        %mul3A_1037 = arith.mulf %get3A_1036, %gather3A_988 : vector<16xf32>
        %swap3A_1038 = arith.constant 1 : i32
        %swap3A_1039 = arith.index_cast %swap3A_1038 : i32 to index
        %swap3A_1040 = arith.index_cast %add3A_440 : i32 to index
        %swap3A_1041 = arith.constant 48 : index
        %swap3A_1042 = tpu.vector_load %arg15[%swap3A_1039, %swap3A_1040, %swap3A_1041] {strides = array<i32>} : memref<2x128x128xf32, #tpu.memory_space<vmem>>, vector<1x1x16xf32>,
        %swap3A_1043 = vector.shape_cast %swap3A_1042 : vector<1x1x16xf32> to vector<16xf32>
        %swap3A_1044 = vector.shape_cast %mul3A_1037 : vector<16xf32> to vector<1x1x16xf32>
        tpu.vector_store %arg15[%swap3A_1039, %swap3A_1040, %swap3A_1041], %swap3A_1044 {strides = array<i32>} : memref<2x128x128xf32, #tpu.memory_space<vmem>>, vector<1x1x16xf32>,
        %get3A_1045 = arith.constant 1 : i32
        %get3A_1046 = arith.index_cast %get3A_1045 : i32 to index
        %get3A_1047 = arith.index_cast %add3A_440 : i32 to index
        %get3A_1048 = arith.constant 64 : index
        %get3A_1049 = tpu.vector_load %arg15[%get3A_1046, %get3A_1047, %get3A_1048] {strides = array<i32>} : memref<2x128x128xf32, #tpu.memory_space<vmem>>, vector<1x1x16xf32>,
        %get3A_1050 = vector.shape_cast %get3A_1049 : vector<1x1x16xf32> to vector<16xf32>
        %mul3A_1051 = arith.mulf %get3A_1050, %gather3A_988 : vector<16xf32>
        %swap3A_1052 = arith.constant 1 : i32
        %swap3A_1053 = arith.index_cast %swap3A_1052 : i32 to index
        %swap3A_1054 = arith.index_cast %add3A_440 : i32 to index
        %swap3A_1055 = arith.constant 64 : index
        %swap3A_1056 = tpu.vector_load %arg15[%swap3A_1053, %swap3A_1054, %swap3A_1055] {strides = array<i32>} : memref<2x128x128xf32, #tpu.memory_space<vmem>>, vector<1x1x16xf32>,
        %swap3A_1057 = vector.shape_cast %swap3A_1056 : vector<1x1x16xf32> to vector<16xf32>
        %swap3A_1058 = vector.shape_cast %mul3A_1051 : vector<16xf32> to vector<1x1x16xf32>
        tpu.vector_store %arg15[%swap3A_1053, %swap3A_1054, %swap3A_1055], %swap3A_1058 {strides = array<i32>} : memref<2x128x128xf32, #tpu.memory_space<vmem>>, vector<1x1x16xf32>,
        %get3A_1059 = arith.constant 1 : i32
        %get3A_1060 = arith.index_cast %get3A_1059 : i32 to index
        %get3A_1061 = arith.index_cast %add3A_440 : i32 to index
        %get3A_1062 = arith.constant 80 : index
        %get3A_1063 = tpu.vector_load %arg15[%get3A_1060, %get3A_1061, %get3A_1062] {strides = array<i32>} : memref<2x128x128xf32, #tpu.memory_space<vmem>>, vector<1x1x16xf32>,
        %get3A_1064 = vector.shape_cast %get3A_1063 : vector<1x1x16xf32> to vector<16xf32>
        %mul3A_1065 = arith.mulf %get3A_1064, %gather3A_988 : vector<16xf32>
        %swap3A_1066 = arith.constant 1 : i32
        %swap3A_1067 = arith.index_cast %swap3A_1066 : i32 to index
        %swap3A_1068 = arith.index_cast %add3A_440 : i32 to index
        %swap3A_1069 = arith.constant 80 : index
        %swap3A_1070 = tpu.vector_load %arg15[%swap3A_1067, %swap3A_1068, %swap3A_1069] {strides = array<i32>} : memref<2x128x128xf32, #tpu.memory_space<vmem>>, vector<1x1x16xf32>,
        %swap3A_1071 = vector.shape_cast %swap3A_1070 : vector<1x1x16xf32> to vector<16xf32>
        %swap3A_1072 = vector.shape_cast %mul3A_1065 : vector<16xf32> to vector<1x1x16xf32>
        tpu.vector_store %arg15[%swap3A_1067, %swap3A_1068, %swap3A_1069], %swap3A_1072 {strides = array<i32>} : memref<2x128x128xf32, #tpu.memory_space<vmem>>, vector<1x1x16xf32>,
        %get3A_1073 = arith.constant 1 : i32
        %get3A_1074 = arith.index_cast %get3A_1073 : i32 to index
        %get3A_1075 = arith.index_cast %add3A_440 : i32 to index
        %get3A_1076 = arith.constant 96 : index
        %get3A_1077 = tpu.vector_load %arg15[%get3A_1074, %get3A_1075, %get3A_1076] {strides = array<i32>} : memref<2x128x128xf32, #tpu.memory_space<vmem>>, vector<1x1x16xf32>,
        %get3A_1078 = vector.shape_cast %get3A_1077 : vector<1x1x16xf32> to vector<16xf32>
        %mul3A_1079 = arith.mulf %get3A_1078, %gather3A_988 : vector<16xf32>
        %swap3A_1080 = arith.constant 1 : i32
        %swap3A_1081 = arith.index_cast %swap3A_1080 : i32 to index
        %swap3A_1082 = arith.index_cast %add3A_440 : i32 to index
        %swap3A_1083 = arith.constant 96 : index
        %swap3A_1084 = tpu.vector_load %arg15[%swap3A_1081, %swap3A_1082, %swap3A_1083] {strides = array<i32>} : memref<2x128x128xf32, #tpu.memory_space<vmem>>, vector<1x1x16xf32>,
        %swap3A_1085 = vector.shape_cast %swap3A_1084 : vector<1x1x16xf32> to vector<16xf32>
        %swap3A_1086 = vector.shape_cast %mul3A_1079 : vector<16xf32> to vector<1x1x16xf32>
        tpu.vector_store %arg15[%swap3A_1081, %swap3A_1082, %swap3A_1083], %swap3A_1086 {strides = array<i32>} : memref<2x128x128xf32, #tpu.memory_space<vmem>>, vector<1x1x16xf32>,
        %get3A_1087 = arith.constant 1 : i32
        %get3A_1088 = arith.index_cast %get3A_1087 : i32 to index
        %get3A_1089 = arith.index_cast %add3A_440 : i32 to index
        %get3A_1090 = arith.constant 112 : index
        %get3A_1091 = tpu.vector_load %arg15[%get3A_1088, %get3A_1089, %get3A_1090] {strides = array<i32>} : memref<2x128x128xf32, #tpu.memory_space<vmem>>, vector<1x1x16xf32>,
        %get3A_1092 = vector.shape_cast %get3A_1091 : vector<1x1x16xf32> to vector<16xf32>
        %mul3A_1093 = arith.mulf %get3A_1092, %gather3A_988 : vector<16xf32>
        %swap3A_1094 = arith.constant 1 : i32
        %swap3A_1095 = arith.index_cast %swap3A_1094 : i32 to index
        %swap3A_1096 = arith.index_cast %add3A_440 : i32 to index
        %swap3A_1097 = arith.constant 112 : index
        %swap3A_1098 = tpu.vector_load %arg15[%swap3A_1095, %swap3A_1096, %swap3A_1097] {strides = array<i32>} : memref<2x128x128xf32, #tpu.memory_space<vmem>>, vector<1x1x16xf32>,
        %swap3A_1099 = vector.shape_cast %swap3A_1098 : vector<1x1x16xf32> to vector<16xf32>
        %swap3A_1100 = vector.shape_cast %mul3A_1093 : vector<16xf32> to vector<1x1x16xf32>
        tpu.vector_store %arg15[%swap3A_1095, %swap3A_1096, %swap3A_1097], %swap3A_1100 {strides = array<i32>} : memref<2x128x128xf32, #tpu.memory_space<vmem>>, vector<1x1x16xf32>,
        %scan3A_1101 = arith.constant 0 : i32
        scf.yield %scan3A_1101 : i32
      }
      %scan3A_412 = arith.constant 32 : i32
      %dma_start3A_413 = arith.constant 1 : i32
      %dma_start3A_414 = arith.constant 0 : i32
      %dma_start3A_415 = arith.constant 0 : i32
      %dma_start3A_416 = tpu.memref_slice %arg15[%dma_start3A_413, %dma_start3A_414, %dma_start3A_415] : memref<2x128x128xf32, #tpu.memory_space<vmem>> -> memref<1x128x128xf32, #tpu.memory_space<vmem>>
      %dma_start3A_417 = tpu.memref_squeeze %dma_start3A_416 : memref<1x128x128xf32, #tpu.memory_space<vmem>> -> memref<128x128xf32, #tpu.memory_space<vmem>>
      %dma_start3A_418 = arith.constant 0 : i32
      %dma_start3A_419 = tpu.memref_slice %arg10[%add3A_310, %dma_start3A_418] : memref<84x128xi32, #tpu.memory_space<vmem>> -> memref<1x128xi32, #tpu.memory_space<vmem>>
      %dma_start3A_420 = tpu.memref_squeeze %dma_start3A_419 : memref<1x128xi32, #tpu.memory_space<vmem>> -> memref<128xi32, #tpu.memory_space<vmem>>
      %dma_start3A_421 = arith.constant 0 : i32
      %dma_start3A_422 = arith.constant 0 : i32
      %dma_start3A_423 = tpu.memref_slice %arg19[%dma_start3A_421, %dma_start3A_422] : memref<5376x128xf32, #tpu.memory_space<vmem_shared>> -> memref<5376x128xf32, #tpu.memory_space<vmem_shared>>
      tpu.enqueue_indirect_dma source(%dma_start3A_417 : memref<128x128xf32, #tpu.memory_space<vmem>>) target(%dma_start3A_423 : memref<5376x128xf32, #tpu.memory_space<vmem_shared>>) offsets(%dma_start3A_420 : memref<128xi32, #tpu.memory_space<vmem>>) semaphore(%arg22 : memref<!tpu.dma_semaphore, #tpu.memory_space<semaphore_mem>>) {add = true}
      %scan3A_424 = arith.constant 0 : i32
      scf.yield %scan3A_424 : i32
    }
    %scan3A_122 = arith.constant 42 : i32
    %dma_wait3A_123 = arith.constant 1 : i32
    %dma_wait3A_124 = arith.constant 0 : i32
    %dma_wait3A_125 = arith.constant 0 : i32
    %dma_wait3A_126 = arith.constant 0 : i32
    %dma_wait3A_127 = tpu.memref_slice %arg15[%dma_wait3A_123, %dma_wait3A_125, %dma_wait3A_126] : memref<2x128x128xf32, #tpu.memory_space<vmem>> -> memref<1x128x128xf32, #tpu.memory_space<vmem>>
    %dma_wait3A_128 = tpu.memref_squeeze %dma_wait3A_127 : memref<1x128x128xf32, #tpu.memory_space<vmem>> -> memref<128x128xf32, #tpu.memory_space<vmem>>
    %dma_wait3A_129 = arith.constant 0 : i32
    %dma_wait3A_130 = tpu.memref_slice %arg10[%dma_wait3A_124, %dma_wait3A_129] : memref<84x128xi32, #tpu.memory_space<vmem>> -> memref<1x128xi32, #tpu.memory_space<vmem>>
    %dma_wait3A_131 = tpu.memref_squeeze %dma_wait3A_130 : memref<1x128xi32, #tpu.memory_space<vmem>> -> memref<128xi32, #tpu.memory_space<vmem>>
    %dma_wait3A_132 = arith.constant 0 : i32
    %dma_wait3A_133 = arith.constant 0 : i32
    %dma_wait3A_134 = tpu.memref_slice %arg19[%dma_wait3A_132, %dma_wait3A_133] : memref<5376x128xf32, #tpu.memory_space<vmem_shared>> -> memref<5376x128xf32, #tpu.memory_space<vmem_shared>>
    tpu.wait_indirect_dma semaphore(%arg22 : memref<!tpu.dma_semaphore, #tpu.memory_space<semaphore_mem>>) src(%dma_wait3A_128 : memref<128x128xf32, #tpu.memory_space<vmem>>) dst(%dma_wait3A_134 : memref<5376x128xf32, #tpu.memory_space<vmem_shared>>)
    %barrier3A_135 = arith.constant 0 : index
    tpu.barrier barrier_id(%barrier3A_135)
    %mul3A_136 = arith.constant 336 : i32
    %mul3A_137 = arith.muli %arg1, %mul3A_136 : i32
    %add3A_138 = arith.constant 0 : i32
    %add3A_139 = arith.addi %mul3A_137, %add3A_138 : i32
    %run_scoped3A = arith.constant 0 : i32
    "tpu.region"() ({
      %run_scoped3A_185 = tpu.sem_alloc : memref<!tpu.dma_semaphore, #tpu.memory_space<semaphore_mem>>
      %dma_start3A_186 = arith.constant 0 : i32
      %dma_start3A_187 = arith.constant 0 : i32
      %dma_start3A_188 = tpu.memref_slice %arg15[%run_scoped3A, %dma_start3A_186, %dma_start3A_187] : memref<2x128x128xf32, #tpu.memory_space<vmem>> -> memref<1x128x128xf32, #tpu.memory_space<vmem>>
      %dma_start3A_189 = tpu.memref_squeeze %dma_start3A_188 : memref<1x128x128xf32, #tpu.memory_space<vmem>> -> memref<128x128xf32, #tpu.memory_space<vmem>>
      %dma_start3A_190 = arith.constant 0 : i32
      %dma_start3A_191 = arith.constant 0 : i32
      %dma_start3A_192 = tpu.memref_slice %dma_start3A_189[%dma_start3A_190, %dma_start3A_191] : memref<128x128xf32, #tpu.memory_space<vmem>> -> memref<48x128xf32, #tpu.memory_space<vmem>>
      %dma_start3A_193 = arith.constant 0 : i32
      %dma_start3A_194 = tpu.memref_slice %arg19[%add3A_139, %dma_start3A_193] : memref<5376x128xf32, #tpu.memory_space<vmem_shared>> -> memref<48x128xf32, #tpu.memory_space<vmem_shared>>
      %dma_start3A_195 = arith.constant 0 : i32
      %dma_start3A_196 = arith.constant 0 : i32
      %dma_start3A_197 = tpu.memref_slice %arg15[%run_scoped3A, %dma_start3A_195, %dma_start3A_196] : memref<2x128x128xf32, #tpu.memory_space<vmem>> -> memref<1x128x128xf32, #tpu.memory_space<vmem>>
      %dma_start3A_198 = tpu.memref_squeeze %dma_start3A_197 : memref<1x128x128xf32, #tpu.memory_space<vmem>> -> memref<128x128xf32, #tpu.memory_space<vmem>>
      %dma_start3A_199 = arith.constant 0 : i32
      %dma_start3A_200 = arith.constant 0 : i32
      %dma_start3A_201 = tpu.memref_slice %dma_start3A_198[%dma_start3A_199, %dma_start3A_200] : memref<128x128xf32, #tpu.memory_space<vmem>> -> memref<48x128xf32, #tpu.memory_space<vmem>>
      %dma_start3A_202 = arith.constant 0 : i32
      %dma_start3A_203 = tpu.memref_slice %arg19[%add3A_139, %dma_start3A_202] : memref<5376x128xf32, #tpu.memory_space<vmem_shared>> -> memref<48x128xf32, #tpu.memory_space<vmem_shared>>
      tpu.enqueue_dma source(%dma_start3A_203 : memref<48x128xf32, #tpu.memory_space<vmem_shared>>) target(%dma_start3A_201 : memref<48x128xf32, #tpu.memory_space<vmem>>) target_semaphore(%run_scoped3A_185 : memref<!tpu.dma_semaphore, #tpu.memory_space<semaphore_mem>>)
      %dma_wait3A_204 = arith.constant 0 : i32
      %dma_wait3A_205 = arith.constant 0 : i32
      %dma_wait3A_206 = tpu.memref_slice %arg15[%run_scoped3A, %dma_wait3A_204, %dma_wait3A_205] : memref<2x128x128xf32, #tpu.memory_space<vmem>> -> memref<1x128x128xf32, #tpu.memory_space<vmem>>
      %dma_wait3A_207 = tpu.memref_squeeze %dma_wait3A_206 : memref<1x128x128xf32, #tpu.memory_space<vmem>> -> memref<128x128xf32, #tpu.memory_space<vmem>>
      %dma_wait3A_208 = arith.constant 0 : i32
      %dma_wait3A_209 = arith.constant 0 : i32
      %dma_wait3A_210 = tpu.memref_slice %dma_wait3A_207[%dma_wait3A_208, %dma_wait3A_209] : memref<128x128xf32, #tpu.memory_space<vmem>> -> memref<48x128xf32, #tpu.memory_space<vmem>>
      %dma_wait3A_211 = arith.constant 0 : i32
      %dma_wait3A_212 = tpu.memref_slice %arg19[%add3A_139, %dma_wait3A_211] : memref<5376x128xf32, #tpu.memory_space<vmem_shared>> -> memref<48x128xf32, #tpu.memory_space<vmem_shared>>
      %dma_wait3A_213 = arith.constant 0 : i32
      %dma_wait3A_214 = arith.constant 0 : i32
      %dma_wait3A_215 = tpu.memref_slice %arg15[%run_scoped3A, %dma_wait3A_213, %dma_wait3A_214] : memref<2x128x128xf32, #tpu.memory_space<vmem>> -> memref<1x128x128xf32, #tpu.memory_space<vmem>>
      %dma_wait3A_216 = tpu.memref_squeeze %dma_wait3A_215 : memref<1x128x128xf32, #tpu.memory_space<vmem>> -> memref<128x128xf32, #tpu.memory_space<vmem>>
      %dma_wait3A_217 = arith.constant 0 : i32
      %dma_wait3A_218 = arith.constant 0 : i32
      %dma_wait3A_219 = tpu.memref_slice %dma_wait3A_216[%dma_wait3A_217, %dma_wait3A_218] : memref<128x128xf32, #tpu.memory_space<vmem>> -> memref<48x128xf32, #tpu.memory_space<vmem>>
      %dma_wait3A_220 = arith.constant 0 : i32
      %dma_wait3A_221 = tpu.memref_slice %arg19[%add3A_139, %dma_wait3A_220] : memref<5376x128xf32, #tpu.memory_space<vmem_shared>> -> memref<48x128xf32, #tpu.memory_space<vmem_shared>>
      tpu.wait_dma2 semaphore(%run_scoped3A_185 : memref<!tpu.dma_semaphore, #tpu.memory_space<semaphore_mem>>) src(%dma_wait3A_221 : memref<48x128xf32, #tpu.memory_space<vmem_shared>>) dst(%dma_wait3A_219 : memref<48x128xf32, #tpu.memory_space<vmem>>)
      tpu.yield
    }) : () -> ()
    %run_scoped3A_140 = arith.constant 0 : i32
    %run_scoped3A_141 = arith.constant 0 : i32
    "tpu.region"() ({
      %run_scoped3A_185 = tpu.sem_alloc : memref<!tpu.dma_semaphore, #tpu.memory_space<semaphore_mem>>
      %dma_start3A_186 = arith.constant 0 : i32
      %dma_start3A_187 = arith.constant 0 : i32
      %dma_start3A_188 = tpu.memref_slice %arg15[%run_scoped3A_140, %dma_start3A_186, %dma_start3A_187] : memref<2x128x128xf32, #tpu.memory_space<vmem>> -> memref<1x128x128xf32, #tpu.memory_space<vmem>>
      %dma_start3A_189 = tpu.memref_squeeze %dma_start3A_188 : memref<1x128x128xf32, #tpu.memory_space<vmem>> -> memref<128x128xf32, #tpu.memory_space<vmem>>
      %dma_start3A_190 = arith.constant 0 : i32
      %dma_start3A_191 = arith.constant 0 : i32
      %dma_start3A_192 = tpu.memref_slice %dma_start3A_189[%dma_start3A_190, %dma_start3A_191] : memref<128x128xf32, #tpu.memory_space<vmem>> -> memref<48x128xf32, #tpu.memory_space<vmem>>
      %dma_start3A_193 = arith.constant 0 : i32
      %dma_start3A_194 = arith.constant 0 : i32
      %dma_start3A_195 = arith.constant 0 : i32
      %dma_start3A_196 = tpu.memref_slice %arg7[%arg0, %dma_start3A_193, %dma_start3A_194, %dma_start3A_195] : memref<2x1x5376x128xf32, #tpu.memory_space<hbm>> -> memref<1x1x5376x128xf32, #tpu.memory_space<hbm>>
      %dma_start3A_197 = tpu.memref_squeeze %dma_start3A_196 : memref<1x1x5376x128xf32, #tpu.memory_space<hbm>> -> memref<1x5376x128xf32, #tpu.memory_space<hbm>>
      %dma_start3A_198 = arith.constant 0 : i32
      %dma_start3A_199 = arith.constant 0 : i32
      %dma_start3A_200 = tpu.memref_slice %dma_start3A_197[%run_scoped3A_141, %dma_start3A_198, %dma_start3A_199] : memref<1x5376x128xf32, #tpu.memory_space<hbm>> -> memref<1x5376x128xf32, #tpu.memory_space<hbm>>
      %dma_start3A_201 = tpu.memref_squeeze %dma_start3A_200 : memref<1x5376x128xf32, #tpu.memory_space<hbm>> -> memref<5376x128xf32, #tpu.memory_space<hbm>>
      %dma_start3A_202 = arith.constant 0 : i32
      %dma_start3A_203 = tpu.memref_slice %dma_start3A_201[%add3A_139, %dma_start3A_202] : memref<5376x128xf32, #tpu.memory_space<hbm>> -> memref<48x128xf32, #tpu.memory_space<hbm>>
      %dma_start3A_204 = arith.constant 0 : i32
      %dma_start3A_205 = arith.constant 0 : i32
      %dma_start3A_206 = arith.constant 0 : i32
      %dma_start3A_207 = tpu.memref_slice %arg7[%arg0, %dma_start3A_204, %dma_start3A_205, %dma_start3A_206] : memref<2x1x5376x128xf32, #tpu.memory_space<hbm>> -> memref<1x1x5376x128xf32, #tpu.memory_space<hbm>>
      %dma_start3A_208 = tpu.memref_squeeze %dma_start3A_207 : memref<1x1x5376x128xf32, #tpu.memory_space<hbm>> -> memref<1x5376x128xf32, #tpu.memory_space<hbm>>
      %dma_start3A_209 = arith.constant 0 : i32
      %dma_start3A_210 = arith.constant 0 : i32
      %dma_start3A_211 = tpu.memref_slice %dma_start3A_208[%run_scoped3A_141, %dma_start3A_209, %dma_start3A_210] : memref<1x5376x128xf32, #tpu.memory_space<hbm>> -> memref<1x5376x128xf32, #tpu.memory_space<hbm>>
      %dma_start3A_212 = tpu.memref_squeeze %dma_start3A_211 : memref<1x5376x128xf32, #tpu.memory_space<hbm>> -> memref<5376x128xf32, #tpu.memory_space<hbm>>
      %dma_start3A_213 = arith.constant 0 : i32
      %dma_start3A_214 = tpu.memref_slice %dma_start3A_212[%add3A_139, %dma_start3A_213] : memref<5376x128xf32, #tpu.memory_space<hbm>> -> memref<48x128xf32, #tpu.memory_space<hbm>>
      %dma_start3A_215 = arith.constant 0 : i32
      %dma_start3A_216 = arith.constant 0 : i32
      %dma_start3A_217 = tpu.memref_slice %arg15[%run_scoped3A_140, %dma_start3A_215, %dma_start3A_216] : memref<2x128x128xf32, #tpu.memory_space<vmem>> -> memref<1x128x128xf32, #tpu.memory_space<vmem>>
      %dma_start3A_218 = tpu.memref_squeeze %dma_start3A_217 : memref<1x128x128xf32, #tpu.memory_space<vmem>> -> memref<128x128xf32, #tpu.memory_space<vmem>>
      %dma_start3A_219 = arith.constant 0 : i32
      %dma_start3A_220 = arith.constant 0 : i32
      %dma_start3A_221 = tpu.memref_slice %dma_start3A_218[%dma_start3A_219, %dma_start3A_220] : memref<128x128xf32, #tpu.memory_space<vmem>> -> memref<48x128xf32, #tpu.memory_space<vmem>>
      tpu.enqueue_dma source(%dma_start3A_221 : memref<48x128xf32, #tpu.memory_space<vmem>>) target(%dma_start3A_214 : memref<48x128xf32, #tpu.memory_space<hbm>>) target_semaphore(%run_scoped3A_185 : memref<!tpu.dma_semaphore, #tpu.memory_space<semaphore_mem>>)
      %dma_wait3A_222 = arith.constant 0 : i32
      %dma_wait3A_223 = arith.constant 0 : i32
      %dma_wait3A_224 = tpu.memref_slice %arg15[%run_scoped3A_140, %dma_wait3A_222, %dma_wait3A_223] : memref<2x128x128xf32, #tpu.memory_space<vmem>> -> memref<1x128x128xf32, #tpu.memory_space<vmem>>
      %dma_wait3A_225 = tpu.memref_squeeze %dma_wait3A_224 : memref<1x128x128xf32, #tpu.memory_space<vmem>> -> memref<128x128xf32, #tpu.memory_space<vmem>>
      %dma_wait3A_226 = arith.constant 0 : i32
      %dma_wait3A_227 = arith.constant 0 : i32
      %dma_wait3A_228 = tpu.memref_slice %dma_wait3A_225[%dma_wait3A_226, %dma_wait3A_227] : memref<128x128xf32, #tpu.memory_space<vmem>> -> memref<48x128xf32, #tpu.memory_space<vmem>>
      %dma_wait3A_229 = arith.constant 0 : i32
      %dma_wait3A_230 = arith.constant 0 : i32
      %dma_wait3A_231 = arith.constant 0 : i32
      %dma_wait3A_232 = tpu.memref_slice %arg7[%arg0, %dma_wait3A_229, %dma_wait3A_230, %dma_wait3A_231] : memref<2x1x5376x128xf32, #tpu.memory_space<hbm>> -> memref<1x1x5376x128xf32, #tpu.memory_space<hbm>>
      %dma_wait3A_233 = tpu.memref_squeeze %dma_wait3A_232 : memref<1x1x5376x128xf32, #tpu.memory_space<hbm>> -> memref<1x5376x128xf32, #tpu.memory_space<hbm>>
      %dma_wait3A_234 = arith.constant 0 : i32
      %dma_wait3A_235 = arith.constant 0 : i32
      %dma_wait3A_236 = tpu.memref_slice %dma_wait3A_233[%run_scoped3A_141, %dma_wait3A_234, %dma_wait3A_235] : memref<1x5376x128xf32, #tpu.memory_space<hbm>> -> memref<1x5376x128xf32, #tpu.memory_space<hbm>>
      %dma_wait3A_237 = tpu.memref_squeeze %dma_wait3A_236 : memref<1x5376x128xf32, #tpu.memory_space<hbm>> -> memref<5376x128xf32, #tpu.memory_space<hbm>>
      %dma_wait3A_238 = arith.constant 0 : i32
      %dma_wait3A_239 = tpu.memref_slice %dma_wait3A_237[%add3A_139, %dma_wait3A_238] : memref<5376x128xf32, #tpu.memory_space<hbm>> -> memref<48x128xf32, #tpu.memory_space<hbm>>
      %dma_wait3A_240 = arith.constant 0 : i32
      %dma_wait3A_241 = arith.constant 0 : i32
      %dma_wait3A_242 = arith.constant 0 : i32
      %dma_wait3A_243 = tpu.memref_slice %arg7[%arg0, %dma_wait3A_240, %dma_wait3A_241, %dma_wait3A_242] : memref<2x1x5376x128xf32, #tpu.memory_space<hbm>> -> memref<1x1x5376x128xf32, #tpu.memory_space<hbm>>
      %dma_wait3A_244 = tpu.memref_squeeze %dma_wait3A_243 : memref<1x1x5376x128xf32, #tpu.memory_space<hbm>> -> memref<1x5376x128xf32, #tpu.memory_space<hbm>>
      %dma_wait3A_245 = arith.constant 0 : i32
      %dma_wait3A_246 = arith.constant 0 : i32
      %dma_wait3A_247 = tpu.memref_slice %dma_wait3A_244[%run_scoped3A_141, %dma_wait3A_245, %dma_wait3A_246] : memref<1x5376x128xf32, #tpu.memory_space<hbm>> -> memref<1x5376x128xf32, #tpu.memory_space<hbm>>
      %dma_wait3A_248 = tpu.memref_squeeze %dma_wait3A_247 : memref<1x5376x128xf32, #tpu.memory_space<hbm>> -> memref<5376x128xf32, #tpu.memory_space<hbm>>
      %dma_wait3A_249 = arith.constant 0 : i32
      %dma_wait3A_250 = tpu.memref_slice %dma_wait3A_248[%add3A_139, %dma_wait3A_249] : memref<5376x128xf32, #tpu.memory_space<hbm>> -> memref<48x128xf32, #tpu.memory_space<hbm>>
      %dma_wait3A_251 = arith.constant 0 : i32
      %dma_wait3A_252 = arith.constant 0 : i32
      %dma_wait3A_253 = tpu.memref_slice %arg15[%run_scoped3A_140, %dma_wait3A_251, %dma_wait3A_252] : memref<2x128x128xf32, #tpu.memory_space<vmem>> -> memref<1x128x128xf32, #tpu.memory_space<vmem>>
      %dma_wait3A_254 = tpu.memref_squeeze %dma_wait3A_253 : memref<1x128x128xf32, #tpu.memory_space<vmem>> -> memref<128x128xf32, #tpu.memory_space<vmem>>
      %dma_wait3A_255 = arith.constant 0 : i32
      %dma_wait3A_256 = arith.constant 0 : i32
      %dma_wait3A_257 = tpu.memref_slice %dma_wait3A_254[%dma_wait3A_255, %dma_wait3A_256] : memref<128x128xf32, #tpu.memory_space<vmem>> -> memref<48x128xf32, #tpu.memory_space<vmem>>
      tpu.wait_dma2 semaphore(%run_scoped3A_185 : memref<!tpu.dma_semaphore, #tpu.memory_space<semaphore_mem>>) src(%dma_wait3A_257 : memref<48x128xf32, #tpu.memory_space<vmem>>) dst(%dma_wait3A_250 : memref<48x128xf32, #tpu.memory_space<hbm>>)
      tpu.yield
    }) : () -> ()
    %mul3A_142 = arith.constant 336 : i32
    %mul3A_143 = arith.muli %arg1, %mul3A_142 : i32
    %add3A_144 = arith.constant 48 : i32
    %add3A_145 = arith.addi %mul3A_143, %add3A_144 : i32
    %run_scoped3A_146 = arith.constant 0 : i32
    "tpu.region"() ({
      %run_scoped3A_185 = tpu.sem_alloc : memref<!tpu.dma_semaphore, #tpu.memory_space<semaphore_mem>>
      %dma_start3A_186 = arith.constant 0 : i32
      %dma_start3A_187 = arith.constant 0 : i32
      %dma_start3A_188 = tpu.memref_slice %arg15[%run_scoped3A_146, %dma_start3A_186, %dma_start3A_187] : memref<2x128x128xf32, #tpu.memory_space<vmem>> -> memref<1x128x128xf32, #tpu.memory_space<vmem>>
      %dma_start3A_189 = tpu.memref_squeeze %dma_start3A_188 : memref<1x128x128xf32, #tpu.memory_space<vmem>> -> memref<128x128xf32, #tpu.memory_space<vmem>>
      %dma_start3A_190 = arith.constant 0 : i32
      %dma_start3A_191 = arith.constant 0 : i32
      %dma_start3A_192 = tpu.memref_slice %dma_start3A_189[%dma_start3A_190, %dma_start3A_191] : memref<128x128xf32, #tpu.memory_space<vmem>> -> memref<48x128xf32, #tpu.memory_space<vmem>>
      %dma_start3A_193 = arith.constant 0 : i32
      %dma_start3A_194 = tpu.memref_slice %arg19[%add3A_145, %dma_start3A_193] : memref<5376x128xf32, #tpu.memory_space<vmem_shared>> -> memref<48x128xf32, #tpu.memory_space<vmem_shared>>
      %dma_start3A_195 = arith.constant 0 : i32
      %dma_start3A_196 = arith.constant 0 : i32
      %dma_start3A_197 = tpu.memref_slice %arg15[%run_scoped3A_146, %dma_start3A_195, %dma_start3A_196] : memref<2x128x128xf32, #tpu.memory_space<vmem>> -> memref<1x128x128xf32, #tpu.memory_space<vmem>>
      %dma_start3A_198 = tpu.memref_squeeze %dma_start3A_197 : memref<1x128x128xf32, #tpu.memory_space<vmem>> -> memref<128x128xf32, #tpu.memory_space<vmem>>
      %dma_start3A_199 = arith.constant 0 : i32
      %dma_start3A_200 = arith.constant 0 : i32
      %dma_start3A_201 = tpu.memref_slice %dma_start3A_198[%dma_start3A_199, %dma_start3A_200] : memref<128x128xf32, #tpu.memory_space<vmem>> -> memref<48x128xf32, #tpu.memory_space<vmem>>
      %dma_start3A_202 = arith.constant 0 : i32
      %dma_start3A_203 = tpu.memref_slice %arg19[%add3A_145, %dma_start3A_202] : memref<5376x128xf32, #tpu.memory_space<vmem_shared>> -> memref<48x128xf32, #tpu.memory_space<vmem_shared>>
      tpu.enqueue_dma source(%dma_start3A_203 : memref<48x128xf32, #tpu.memory_space<vmem_shared>>) target(%dma_start3A_201 : memref<48x128xf32, #tpu.memory_space<vmem>>) target_semaphore(%run_scoped3A_185 : memref<!tpu.dma_semaphore, #tpu.memory_space<semaphore_mem>>)
      %dma_wait3A_204 = arith.constant 0 : i32
      %dma_wait3A_205 = arith.constant 0 : i32
      %dma_wait3A_206 = tpu.memref_slice %arg15[%run_scoped3A_146, %dma_wait3A_204, %dma_wait3A_205] : memref<2x128x128xf32, #tpu.memory_space<vmem>> -> memref<1x128x128xf32, #tpu.memory_space<vmem>>
      %dma_wait3A_207 = tpu.memref_squeeze %dma_wait3A_206 : memref<1x128x128xf32, #tpu.memory_space<vmem>> -> memref<128x128xf32, #tpu.memory_space<vmem>>
      %dma_wait3A_208 = arith.constant 0 : i32
      %dma_wait3A_209 = arith.constant 0 : i32
      %dma_wait3A_210 = tpu.memref_slice %dma_wait3A_207[%dma_wait3A_208, %dma_wait3A_209] : memref<128x128xf32, #tpu.memory_space<vmem>> -> memref<48x128xf32, #tpu.memory_space<vmem>>
      %dma_wait3A_211 = arith.constant 0 : i32
      %dma_wait3A_212 = tpu.memref_slice %arg19[%add3A_145, %dma_wait3A_211] : memref<5376x128xf32, #tpu.memory_space<vmem_shared>> -> memref<48x128xf32, #tpu.memory_space<vmem_shared>>
      %dma_wait3A_213 = arith.constant 0 : i32
      %dma_wait3A_214 = arith.constant 0 : i32
      %dma_wait3A_215 = tpu.memref_slice %arg15[%run_scoped3A_146, %dma_wait3A_213, %dma_wait3A_214] : memref<2x128x128xf32, #tpu.memory_space<vmem>> -> memref<1x128x128xf32, #tpu.memory_space<vmem>>
      %dma_wait3A_216 = tpu.memref_squeeze %dma_wait3A_215 : memref<1x128x128xf32, #tpu.memory_space<vmem>> -> memref<128x128xf32, #tpu.memory_space<vmem>>
      %dma_wait3A_217 = arith.constant 0 : i32
      %dma_wait3A_218 = arith.constant 0 : i32
      %dma_wait3A_219 = tpu.memref_slice %dma_wait3A_216[%dma_wait3A_217, %dma_wait3A_218] : memref<128x128xf32, #tpu.memory_space<vmem>> -> memref<48x128xf32, #tpu.memory_space<vmem>>
      %dma_wait3A_220 = arith.constant 0 : i32
      %dma_wait3A_221 = tpu.memref_slice %arg19[%add3A_145, %dma_wait3A_220] : memref<5376x128xf32, #tpu.memory_space<vmem_shared>> -> memref<48x128xf32, #tpu.memory_space<vmem_shared>>
      tpu.wait_dma2 semaphore(%run_scoped3A_185 : memref<!tpu.dma_semaphore, #tpu.memory_space<semaphore_mem>>) src(%dma_wait3A_221 : memref<48x128xf32, #tpu.memory_space<vmem_shared>>) dst(%dma_wait3A_219 : memref<48x128xf32, #tpu.memory_space<vmem>>)
      tpu.yield
    }) : () -> ()
    %run_scoped3A_147 = arith.constant 0 : i32
    %run_scoped3A_148 = arith.constant 0 : i32
    "tpu.region"() ({
      %run_scoped3A_185 = tpu.sem_alloc : memref<!tpu.dma_semaphore, #tpu.memory_space<semaphore_mem>>
      %dma_start3A_186 = arith.constant 0 : i32
      %dma_start3A_187 = arith.constant 0 : i32
      %dma_start3A_188 = tpu.memref_slice %arg15[%run_scoped3A_147, %dma_start3A_186, %dma_start3A_187] : memref<2x128x128xf32, #tpu.memory_space<vmem>> -> memref<1x128x128xf32, #tpu.memory_space<vmem>>
      %dma_start3A_189 = tpu.memref_squeeze %dma_start3A_188 : memref<1x128x128xf32, #tpu.memory_space<vmem>> -> memref<128x128xf32, #tpu.memory_space<vmem>>
      %dma_start3A_190 = arith.constant 0 : i32
      %dma_start3A_191 = arith.constant 0 : i32
      %dma_start3A_192 = tpu.memref_slice %dma_start3A_189[%dma_start3A_190, %dma_start3A_191] : memref<128x128xf32, #tpu.memory_space<vmem>> -> memref<48x128xf32, #tpu.memory_space<vmem>>
      %dma_start3A_193 = arith.constant 0 : i32
      %dma_start3A_194 = arith.constant 0 : i32
      %dma_start3A_195 = arith.constant 0 : i32
      %dma_start3A_196 = tpu.memref_slice %arg7[%arg0, %dma_start3A_193, %dma_start3A_194, %dma_start3A_195] : memref<2x1x5376x128xf32, #tpu.memory_space<hbm>> -> memref<1x1x5376x128xf32, #tpu.memory_space<hbm>>
      %dma_start3A_197 = tpu.memref_squeeze %dma_start3A_196 : memref<1x1x5376x128xf32, #tpu.memory_space<hbm>> -> memref<1x5376x128xf32, #tpu.memory_space<hbm>>
      %dma_start3A_198 = arith.constant 0 : i32
      %dma_start3A_199 = arith.constant 0 : i32
      %dma_start3A_200 = tpu.memref_slice %dma_start3A_197[%run_scoped3A_148, %dma_start3A_198, %dma_start3A_199] : memref<1x5376x128xf32, #tpu.memory_space<hbm>> -> memref<1x5376x128xf32, #tpu.memory_space<hbm>>
      %dma_start3A_201 = tpu.memref_squeeze %dma_start3A_200 : memref<1x5376x128xf32, #tpu.memory_space<hbm>> -> memref<5376x128xf32, #tpu.memory_space<hbm>>
      %dma_start3A_202 = arith.constant 0 : i32
      %dma_start3A_203 = tpu.memref_slice %dma_start3A_201[%add3A_145, %dma_start3A_202] : memref<5376x128xf32, #tpu.memory_space<hbm>> -> memref<48x128xf32, #tpu.memory_space<hbm>>
      %dma_start3A_204 = arith.constant 0 : i32
      %dma_start3A_205 = arith.constant 0 : i32
      %dma_start3A_206 = arith.constant 0 : i32
      %dma_start3A_207 = tpu.memref_slice %arg7[%arg0, %dma_start3A_204, %dma_start3A_205, %dma_start3A_206] : memref<2x1x5376x128xf32, #tpu.memory_space<hbm>> -> memref<1x1x5376x128xf32, #tpu.memory_space<hbm>>
      %dma_start3A_208 = tpu.memref_squeeze %dma_start3A_207 : memref<1x1x5376x128xf32, #tpu.memory_space<hbm>> -> memref<1x5376x128xf32, #tpu.memory_space<hbm>>
      %dma_start3A_209 = arith.constant 0 : i32
      %dma_start3A_210 = arith.constant 0 : i32
      %dma_start3A_211 = tpu.memref_slice %dma_start3A_208[%run_scoped3A_148, %dma_start3A_209, %dma_start3A_210] : memref<1x5376x128xf32, #tpu.memory_space<hbm>> -> memref<1x5376x128xf32, #tpu.memory_space<hbm>>
      %dma_start3A_212 = tpu.memref_squeeze %dma_start3A_211 : memref<1x5376x128xf32, #tpu.memory_space<hbm>> -> memref<5376x128xf32, #tpu.memory_space<hbm>>
      %dma_start3A_213 = arith.constant 0 : i32
      %dma_start3A_214 = tpu.memref_slice %dma_start3A_212[%add3A_145, %dma_start3A_213] : memref<5376x128xf32, #tpu.memory_space<hbm>> -> memref<48x128xf32, #tpu.memory_space<hbm>>
      %dma_start3A_215 = arith.constant 0 : i32
      %dma_start3A_216 = arith.constant 0 : i32
      %dma_start3A_217 = tpu.memref_slice %arg15[%run_scoped3A_147, %dma_start3A_215, %dma_start3A_216] : memref<2x128x128xf32, #tpu.memory_space<vmem>> -> memref<1x128x128xf32, #tpu.memory_space<vmem>>
      %dma_start3A_218 = tpu.memref_squeeze %dma_start3A_217 : memref<1x128x128xf32, #tpu.memory_space<vmem>> -> memref<128x128xf32, #tpu.memory_space<vmem>>
      %dma_start3A_219 = arith.constant 0 : i32
      %dma_start3A_220 = arith.constant 0 : i32
      %dma_start3A_221 = tpu.memref_slice %dma_start3A_218[%dma_start3A_219, %dma_start3A_220] : memref<128x128xf32, #tpu.memory_space<vmem>> -> memref<48x128xf32, #tpu.memory_space<vmem>>
      tpu.enqueue_dma source(%dma_start3A_221 : memref<48x128xf32, #tpu.memory_space<vmem>>) target(%dma_start3A_214 : memref<48x128xf32, #tpu.memory_space<hbm>>) target_semaphore(%run_scoped3A_185 : memref<!tpu.dma_semaphore, #tpu.memory_space<semaphore_mem>>)
      %dma_wait3A_222 = arith.constant 0 : i32
      %dma_wait3A_223 = arith.constant 0 : i32
      %dma_wait3A_224 = tpu.memref_slice %arg15[%run_scoped3A_147, %dma_wait3A_222, %dma_wait3A_223] : memref<2x128x128xf32, #tpu.memory_space<vmem>> -> memref<1x128x128xf32, #tpu.memory_space<vmem>>
      %dma_wait3A_225 = tpu.memref_squeeze %dma_wait3A_224 : memref<1x128x128xf32, #tpu.memory_space<vmem>> -> memref<128x128xf32, #tpu.memory_space<vmem>>
      %dma_wait3A_226 = arith.constant 0 : i32
      %dma_wait3A_227 = arith.constant 0 : i32
      %dma_wait3A_228 = tpu.memref_slice %dma_wait3A_225[%dma_wait3A_226, %dma_wait3A_227] : memref<128x128xf32, #tpu.memory_space<vmem>> -> memref<48x128xf32, #tpu.memory_space<vmem>>
      %dma_wait3A_229 = arith.constant 0 : i32
      %dma_wait3A_230 = arith.constant 0 : i32
      %dma_wait3A_231 = arith.constant 0 : i32
      %dma_wait3A_232 = tpu.memref_slice %arg7[%arg0, %dma_wait3A_229, %dma_wait3A_230, %dma_wait3A_231] : memref<2x1x5376x128xf32, #tpu.memory_space<hbm>> -> memref<1x1x5376x128xf32, #tpu.memory_space<hbm>>
      %dma_wait3A_233 = tpu.memref_squeeze %dma_wait3A_232 : memref<1x1x5376x128xf32, #tpu.memory_space<hbm>> -> memref<1x5376x128xf32, #tpu.memory_space<hbm>>
      %dma_wait3A_234 = arith.constant 0 : i32
      %dma_wait3A_235 = arith.constant 0 : i32
      %dma_wait3A_236 = tpu.memref_slice %dma_wait3A_233[%run_scoped3A_148, %dma_wait3A_234, %dma_wait3A_235] : memref<1x5376x128xf32, #tpu.memory_space<hbm>> -> memref<1x5376x128xf32, #tpu.memory_space<hbm>>
      %dma_wait3A_237 = tpu.memref_squeeze %dma_wait3A_236 : memref<1x5376x128xf32, #tpu.memory_space<hbm>> -> memref<5376x128xf32, #tpu.memory_space<hbm>>
      %dma_wait3A_238 = arith.constant 0 : i32
      %dma_wait3A_239 = tpu.memref_slice %dma_wait3A_237[%add3A_145, %dma_wait3A_238] : memref<5376x128xf32, #tpu.memory_space<hbm>> -> memref<48x128xf32, #tpu.memory_space<hbm>>
      %dma_wait3A_240 = arith.constant 0 : i32
      %dma_wait3A_241 = arith.constant 0 : i32
      %dma_wait3A_242 = arith.constant 0 : i32
      %dma_wait3A_243 = tpu.memref_slice %arg7[%arg0, %dma_wait3A_240, %dma_wait3A_241, %dma_wait3A_242] : memref<2x1x5376x128xf32, #tpu.memory_space<hbm>> -> memref<1x1x5376x128xf32, #tpu.memory_space<hbm>>
      %dma_wait3A_244 = tpu.memref_squeeze %dma_wait3A_243 : memref<1x1x5376x128xf32, #tpu.memory_space<hbm>> -> memref<1x5376x128xf32, #tpu.memory_space<hbm>>
      %dma_wait3A_245 = arith.constant 0 : i32
      %dma_wait3A_246 = arith.constant 0 : i32
      %dma_wait3A_247 = tpu.memref_slice %dma_wait3A_244[%run_scoped3A_148, %dma_wait3A_245, %dma_wait3A_246] : memref<1x5376x128xf32, #tpu.memory_space<hbm>> -> memref<1x5376x128xf32, #tpu.memory_space<hbm>>
      %dma_wait3A_248 = tpu.memref_squeeze %dma_wait3A_247 : memref<1x5376x128xf32, #tpu.memory_space<hbm>> -> memref<5376x128xf32, #tpu.memory_space<hbm>>
      %dma_wait3A_249 = arith.constant 0 : i32
      %dma_wait3A_250 = tpu.memref_slice %dma_wait3A_248[%add3A_145, %dma_wait3A_249] : memref<5376x128xf32, #tpu.memory_space<hbm>> -> memref<48x128xf32, #tpu.memory_space<hbm>>
      %dma_wait3A_251 = arith.constant 0 : i32
      %dma_wait3A_252 = arith.constant 0 : i32
      %dma_wait3A_253 = tpu.memref_slice %arg15[%run_scoped3A_147, %dma_wait3A_251, %dma_wait3A_252] : memref<2x128x128xf32, #tpu.memory_space<vmem>> -> memref<1x128x128xf32, #tpu.memory_space<vmem>>
      %dma_wait3A_254 = tpu.memref_squeeze %dma_wait3A_253 : memref<1x128x128xf32, #tpu.memory_space<vmem>> -> memref<128x128xf32, #tpu.memory_space<vmem>>
      %dma_wait3A_255 = arith.constant 0 : i32
      %dma_wait3A_256 = arith.constant 0 : i32
      %dma_wait3A_257 = tpu.memref_slice %dma_wait3A_254[%dma_wait3A_255, %dma_wait3A_256] : memref<128x128xf32, #tpu.memory_space<vmem>> -> memref<48x128xf32, #tpu.memory_space<vmem>>
      tpu.wait_dma2 semaphore(%run_scoped3A_185 : memref<!tpu.dma_semaphore, #tpu.memory_space<semaphore_mem>>) src(%dma_wait3A_257 : memref<48x128xf32, #tpu.memory_space<vmem>>) dst(%dma_wait3A_250 : memref<48x128xf32, #tpu.memory_space<hbm>>)
      tpu.yield
    }) : () -> ()
    %mul3A_149 = arith.constant 336 : i32
    %mul3A_150 = arith.muli %arg1, %mul3A_149 : i32
    %add3A_151 = arith.constant 96 : i32
    %add3A_152 = arith.addi %mul3A_150, %add3A_151 : i32
    %run_scoped3A_153 = arith.constant 0 : i32
    "tpu.region"() ({
      %run_scoped3A_185 = tpu.sem_alloc : memref<!tpu.dma_semaphore, #tpu.memory_space<semaphore_mem>>
      %dma_start3A_186 = arith.constant 0 : i32
      %dma_start3A_187 = arith.constant 0 : i32
      %dma_start3A_188 = tpu.memref_slice %arg15[%run_scoped3A_153, %dma_start3A_186, %dma_start3A_187] : memref<2x128x128xf32, #tpu.memory_space<vmem>> -> memref<1x128x128xf32, #tpu.memory_space<vmem>>
      %dma_start3A_189 = tpu.memref_squeeze %dma_start3A_188 : memref<1x128x128xf32, #tpu.memory_space<vmem>> -> memref<128x128xf32, #tpu.memory_space<vmem>>
      %dma_start3A_190 = arith.constant 0 : i32
      %dma_start3A_191 = arith.constant 0 : i32
      %dma_start3A_192 = tpu.memref_slice %dma_start3A_189[%dma_start3A_190, %dma_start3A_191] : memref<128x128xf32, #tpu.memory_space<vmem>> -> memref<48x128xf32, #tpu.memory_space<vmem>>
      %dma_start3A_193 = arith.constant 0 : i32
      %dma_start3A_194 = tpu.memref_slice %arg19[%add3A_152, %dma_start3A_193] : memref<5376x128xf32, #tpu.memory_space<vmem_shared>> -> memref<48x128xf32, #tpu.memory_space<vmem_shared>>
      %dma_start3A_195 = arith.constant 0 : i32
      %dma_start3A_196 = arith.constant 0 : i32
      %dma_start3A_197 = tpu.memref_slice %arg15[%run_scoped3A_153, %dma_start3A_195, %dma_start3A_196] : memref<2x128x128xf32, #tpu.memory_space<vmem>> -> memref<1x128x128xf32, #tpu.memory_space<vmem>>
      %dma_start3A_198 = tpu.memref_squeeze %dma_start3A_197 : memref<1x128x128xf32, #tpu.memory_space<vmem>> -> memref<128x128xf32, #tpu.memory_space<vmem>>
      %dma_start3A_199 = arith.constant 0 : i32
      %dma_start3A_200 = arith.constant 0 : i32
      %dma_start3A_201 = tpu.memref_slice %dma_start3A_198[%dma_start3A_199, %dma_start3A_200] : memref<128x128xf32, #tpu.memory_space<vmem>> -> memref<48x128xf32, #tpu.memory_space<vmem>>
      %dma_start3A_202 = arith.constant 0 : i32
      %dma_start3A_203 = tpu.memref_slice %arg19[%add3A_152, %dma_start3A_202] : memref<5376x128xf32, #tpu.memory_space<vmem_shared>> -> memref<48x128xf32, #tpu.memory_space<vmem_shared>>
      tpu.enqueue_dma source(%dma_start3A_203 : memref<48x128xf32, #tpu.memory_space<vmem_shared>>) target(%dma_start3A_201 : memref<48x128xf32, #tpu.memory_space<vmem>>) target_semaphore(%run_scoped3A_185 : memref<!tpu.dma_semaphore, #tpu.memory_space<semaphore_mem>>)
      %dma_wait3A_204 = arith.constant 0 : i32
      %dma_wait3A_205 = arith.constant 0 : i32
      %dma_wait3A_206 = tpu.memref_slice %arg15[%run_scoped3A_153, %dma_wait3A_204, %dma_wait3A_205] : memref<2x128x128xf32, #tpu.memory_space<vmem>> -> memref<1x128x128xf32, #tpu.memory_space<vmem>>
      %dma_wait3A_207 = tpu.memref_squeeze %dma_wait3A_206 : memref<1x128x128xf32, #tpu.memory_space<vmem>> -> memref<128x128xf32, #tpu.memory_space<vmem>>
      %dma_wait3A_208 = arith.constant 0 : i32
      %dma_wait3A_209 = arith.constant 0 : i32
      %dma_wait3A_210 = tpu.memref_slice %dma_wait3A_207[%dma_wait3A_208, %dma_wait3A_209] : memref<128x128xf32, #tpu.memory_space<vmem>> -> memref<48x128xf32, #tpu.memory_space<vmem>>
      %dma_wait3A_211 = arith.constant 0 : i32
      %dma_wait3A_212 = tpu.memref_slice %arg19[%add3A_152, %dma_wait3A_211] : memref<5376x128xf32, #tpu.memory_space<vmem_shared>> -> memref<48x128xf32, #tpu.memory_space<vmem_shared>>
      %dma_wait3A_213 = arith.constant 0 : i32
      %dma_wait3A_214 = arith.constant 0 : i32
      %dma_wait3A_215 = tpu.memref_slice %arg15[%run_scoped3A_153, %dma_wait3A_213, %dma_wait3A_214] : memref<2x128x128xf32, #tpu.memory_space<vmem>> -> memref<1x128x128xf32, #tpu.memory_space<vmem>>
      %dma_wait3A_216 = tpu.memref_squeeze %dma_wait3A_215 : memref<1x128x128xf32, #tpu.memory_space<vmem>> -> memref<128x128xf32, #tpu.memory_space<vmem>>
      %dma_wait3A_217 = arith.constant 0 : i32
      %dma_wait3A_218 = arith.constant 0 : i32
      %dma_wait3A_219 = tpu.memref_slice %dma_wait3A_216[%dma_wait3A_217, %dma_wait3A_218] : memref<128x128xf32, #tpu.memory_space<vmem>> -> memref<48x128xf32, #tpu.memory_space<vmem>>
      %dma_wait3A_220 = arith.constant 0 : i32
      %dma_wait3A_221 = tpu.memref_slice %arg19[%add3A_152, %dma_wait3A_220] : memref<5376x128xf32, #tpu.memory_space<vmem_shared>> -> memref<48x128xf32, #tpu.memory_space<vmem_shared>>
      tpu.wait_dma2 semaphore(%run_scoped3A_185 : memref<!tpu.dma_semaphore, #tpu.memory_space<semaphore_mem>>) src(%dma_wait3A_221 : memref<48x128xf32, #tpu.memory_space<vmem_shared>>) dst(%dma_wait3A_219 : memref<48x128xf32, #tpu.memory_space<vmem>>)
      tpu.yield
    }) : () -> ()
    %run_scoped3A_154 = arith.constant 0 : i32
    %run_scoped3A_155 = arith.constant 0 : i32
    "tpu.region"() ({
      %run_scoped3A_185 = tpu.sem_alloc : memref<!tpu.dma_semaphore, #tpu.memory_space<semaphore_mem>>
      %dma_start3A_186 = arith.constant 0 : i32
      %dma_start3A_187 = arith.constant 0 : i32
      %dma_start3A_188 = tpu.memref_slice %arg15[%run_scoped3A_154, %dma_start3A_186, %dma_start3A_187] : memref<2x128x128xf32, #tpu.memory_space<vmem>> -> memref<1x128x128xf32, #tpu.memory_space<vmem>>
      %dma_start3A_189 = tpu.memref_squeeze %dma_start3A_188 : memref<1x128x128xf32, #tpu.memory_space<vmem>> -> memref<128x128xf32, #tpu.memory_space<vmem>>
      %dma_start3A_190 = arith.constant 0 : i32
      %dma_start3A_191 = arith.constant 0 : i32
      %dma_start3A_192 = tpu.memref_slice %dma_start3A_189[%dma_start3A_190, %dma_start3A_191] : memref<128x128xf32, #tpu.memory_space<vmem>> -> memref<48x128xf32, #tpu.memory_space<vmem>>
      %dma_start3A_193 = arith.constant 0 : i32
      %dma_start3A_194 = arith.constant 0 : i32
      %dma_start3A_195 = arith.constant 0 : i32
      %dma_start3A_196 = tpu.memref_slice %arg7[%arg0, %dma_start3A_193, %dma_start3A_194, %dma_start3A_195] : memref<2x1x5376x128xf32, #tpu.memory_space<hbm>> -> memref<1x1x5376x128xf32, #tpu.memory_space<hbm>>
      %dma_start3A_197 = tpu.memref_squeeze %dma_start3A_196 : memref<1x1x5376x128xf32, #tpu.memory_space<hbm>> -> memref<1x5376x128xf32, #tpu.memory_space<hbm>>
      %dma_start3A_198 = arith.constant 0 : i32
      %dma_start3A_199 = arith.constant 0 : i32
      %dma_start3A_200 = tpu.memref_slice %dma_start3A_197[%run_scoped3A_155, %dma_start3A_198, %dma_start3A_199] : memref<1x5376x128xf32, #tpu.memory_space<hbm>> -> memref<1x5376x128xf32, #tpu.memory_space<hbm>>
      %dma_start3A_201 = tpu.memref_squeeze %dma_start3A_200 : memref<1x5376x128xf32, #tpu.memory_space<hbm>> -> memref<5376x128xf32, #tpu.memory_space<hbm>>
      %dma_start3A_202 = arith.constant 0 : i32
      %dma_start3A_203 = tpu.memref_slice %dma_start3A_201[%add3A_152, %dma_start3A_202] : memref<5376x128xf32, #tpu.memory_space<hbm>> -> memref<48x128xf32, #tpu.memory_space<hbm>>
      %dma_start3A_204 = arith.constant 0 : i32
      %dma_start3A_205 = arith.constant 0 : i32
      %dma_start3A_206 = arith.constant 0 : i32
      %dma_start3A_207 = tpu.memref_slice %arg7[%arg0, %dma_start3A_204, %dma_start3A_205, %dma_start3A_206] : memref<2x1x5376x128xf32, #tpu.memory_space<hbm>> -> memref<1x1x5376x128xf32, #tpu.memory_space<hbm>>
      %dma_start3A_208 = tpu.memref_squeeze %dma_start3A_207 : memref<1x1x5376x128xf32, #tpu.memory_space<hbm>> -> memref<1x5376x128xf32, #tpu.memory_space<hbm>>
      %dma_start3A_209 = arith.constant 0 : i32
      %dma_start3A_210 = arith.constant 0 : i32
      %dma_start3A_211 = tpu.memref_slice %dma_start3A_208[%run_scoped3A_155, %dma_start3A_209, %dma_start3A_210] : memref<1x5376x128xf32, #tpu.memory_space<hbm>> -> memref<1x5376x128xf32, #tpu.memory_space<hbm>>
      %dma_start3A_212 = tpu.memref_squeeze %dma_start3A_211 : memref<1x5376x128xf32, #tpu.memory_space<hbm>> -> memref<5376x128xf32, #tpu.memory_space<hbm>>
      %dma_start3A_213 = arith.constant 0 : i32
      %dma_start3A_214 = tpu.memref_slice %dma_start3A_212[%add3A_152, %dma_start3A_213] : memref<5376x128xf32, #tpu.memory_space<hbm>> -> memref<48x128xf32, #tpu.memory_space<hbm>>
      %dma_start3A_215 = arith.constant 0 : i32
      %dma_start3A_216 = arith.constant 0 : i32
      %dma_start3A_217 = tpu.memref_slice %arg15[%run_scoped3A_154, %dma_start3A_215, %dma_start3A_216] : memref<2x128x128xf32, #tpu.memory_space<vmem>> -> memref<1x128x128xf32, #tpu.memory_space<vmem>>
      %dma_start3A_218 = tpu.memref_squeeze %dma_start3A_217 : memref<1x128x128xf32, #tpu.memory_space<vmem>> -> memref<128x128xf32, #tpu.memory_space<vmem>>
      %dma_start3A_219 = arith.constant 0 : i32
      %dma_start3A_220 = arith.constant 0 : i32
      %dma_start3A_221 = tpu.memref_slice %dma_start3A_218[%dma_start3A_219, %dma_start3A_220] : memref<128x128xf32, #tpu.memory_space<vmem>> -> memref<48x128xf32, #tpu.memory_space<vmem>>
      tpu.enqueue_dma source(%dma_start3A_221 : memref<48x128xf32, #tpu.memory_space<vmem>>) target(%dma_start3A_214 : memref<48x128xf32, #tpu.memory_space<hbm>>) target_semaphore(%run_scoped3A_185 : memref<!tpu.dma_semaphore, #tpu.memory_space<semaphore_mem>>)
      %dma_wait3A_222 = arith.constant 0 : i32
      %dma_wait3A_223 = arith.constant 0 : i32
      %dma_wait3A_224 = tpu.memref_slice %arg15[%run_scoped3A_154, %dma_wait3A_222, %dma_wait3A_223] : memref<2x128x128xf32, #tpu.memory_space<vmem>> -> memref<1x128x128xf32, #tpu.memory_space<vmem>>
      %dma_wait3A_225 = tpu.memref_squeeze %dma_wait3A_224 : memref<1x128x128xf32, #tpu.memory_space<vmem>> -> memref<128x128xf32, #tpu.memory_space<vmem>>
      %dma_wait3A_226 = arith.constant 0 : i32
      %dma_wait3A_227 = arith.constant 0 : i32
      %dma_wait3A_228 = tpu.memref_slice %dma_wait3A_225[%dma_wait3A_226, %dma_wait3A_227] : memref<128x128xf32, #tpu.memory_space<vmem>> -> memref<48x128xf32, #tpu.memory_space<vmem>>
      %dma_wait3A_229 = arith.constant 0 : i32
      %dma_wait3A_230 = arith.constant 0 : i32
      %dma_wait3A_231 = arith.constant 0 : i32
      %dma_wait3A_232 = tpu.memref_slice %arg7[%arg0, %dma_wait3A_229, %dma_wait3A_230, %dma_wait3A_231] : memref<2x1x5376x128xf32, #tpu.memory_space<hbm>> -> memref<1x1x5376x128xf32, #tpu.memory_space<hbm>>
      %dma_wait3A_233 = tpu.memref_squeeze %dma_wait3A_232 : memref<1x1x5376x128xf32, #tpu.memory_space<hbm>> -> memref<1x5376x128xf32, #tpu.memory_space<hbm>>
      %dma_wait3A_234 = arith.constant 0 : i32
      %dma_wait3A_235 = arith.constant 0 : i32
      %dma_wait3A_236 = tpu.memref_slice %dma_wait3A_233[%run_scoped3A_155, %dma_wait3A_234, %dma_wait3A_235] : memref<1x5376x128xf32, #tpu.memory_space<hbm>> -> memref<1x5376x128xf32, #tpu.memory_space<hbm>>
      %dma_wait3A_237 = tpu.memref_squeeze %dma_wait3A_236 : memref<1x5376x128xf32, #tpu.memory_space<hbm>> -> memref<5376x128xf32, #tpu.memory_space<hbm>>
      %dma_wait3A_238 = arith.constant 0 : i32
      %dma_wait3A_239 = tpu.memref_slice %dma_wait3A_237[%add3A_152, %dma_wait3A_238] : memref<5376x128xf32, #tpu.memory_space<hbm>> -> memref<48x128xf32, #tpu.memory_space<hbm>>
      %dma_wait3A_240 = arith.constant 0 : i32
      %dma_wait3A_241 = arith.constant 0 : i32
      %dma_wait3A_242 = arith.constant 0 : i32
      %dma_wait3A_243 = tpu.memref_slice %arg7[%arg0, %dma_wait3A_240, %dma_wait3A_241, %dma_wait3A_242] : memref<2x1x5376x128xf32, #tpu.memory_space<hbm>> -> memref<1x1x5376x128xf32, #tpu.memory_space<hbm>>
      %dma_wait3A_244 = tpu.memref_squeeze %dma_wait3A_243 : memref<1x1x5376x128xf32, #tpu.memory_space<hbm>> -> memref<1x5376x128xf32, #tpu.memory_space<hbm>>
      %dma_wait3A_245 = arith.constant 0 : i32
      %dma_wait3A_246 = arith.constant 0 : i32
      %dma_wait3A_247 = tpu.memref_slice %dma_wait3A_244[%run_scoped3A_155, %dma_wait3A_245, %dma_wait3A_246] : memref<1x5376x128xf32, #tpu.memory_space<hbm>> -> memref<1x5376x128xf32, #tpu.memory_space<hbm>>
      %dma_wait3A_248 = tpu.memref_squeeze %dma_wait3A_247 : memref<1x5376x128xf32, #tpu.memory_space<hbm>> -> memref<5376x128xf32, #tpu.memory_space<hbm>>
      %dma_wait3A_249 = arith.constant 0 : i32
      %dma_wait3A_250 = tpu.memref_slice %dma_wait3A_248[%add3A_152, %dma_wait3A_249] : memref<5376x128xf32, #tpu.memory_space<hbm>> -> memref<48x128xf32, #tpu.memory_space<hbm>>
      %dma_wait3A_251 = arith.constant 0 : i32
      %dma_wait3A_252 = arith.constant 0 : i32
      %dma_wait3A_253 = tpu.memref_slice %arg15[%run_scoped3A_154, %dma_wait3A_251, %dma_wait3A_252] : memref<2x128x128xf32, #tpu.memory_space<vmem>> -> memref<1x128x128xf32, #tpu.memory_space<vmem>>
      %dma_wait3A_254 = tpu.memref_squeeze %dma_wait3A_253 : memref<1x128x128xf32, #tpu.memory_space<vmem>> -> memref<128x128xf32, #tpu.memory_space<vmem>>
      %dma_wait3A_255 = arith.constant 0 : i32
      %dma_wait3A_256 = arith.constant 0 : i32
      %dma_wait3A_257 = tpu.memref_slice %dma_wait3A_254[%dma_wait3A_255, %dma_wait3A_256] : memref<128x128xf32, #tpu.memory_space<vmem>> -> memref<48x128xf32, #tpu.memory_space<vmem>>
      tpu.wait_dma2 semaphore(%run_scoped3A_185 : memref<!tpu.dma_semaphore, #tpu.memory_space<semaphore_mem>>) src(%dma_wait3A_257 : memref<48x128xf32, #tpu.memory_space<vmem>>) dst(%dma_wait3A_250 : memref<48x128xf32, #tpu.memory_space<hbm>>)
      tpu.yield
    }) : () -> ()
    %mul3A_156 = arith.constant 336 : i32
    %mul3A_157 = arith.muli %arg1, %mul3A_156 : i32
    %add3A_158 = arith.constant 144 : i32
    %add3A_159 = arith.addi %mul3A_157, %add3A_158 : i32
    %run_scoped3A_160 = arith.constant 0 : i32
    "tpu.region"() ({
      %run_scoped3A_185 = tpu.sem_alloc : memref<!tpu.dma_semaphore, #tpu.memory_space<semaphore_mem>>
      %dma_start3A_186 = arith.constant 0 : i32
      %dma_start3A_187 = arith.constant 0 : i32
      %dma_start3A_188 = tpu.memref_slice %arg15[%run_scoped3A_160, %dma_start3A_186, %dma_start3A_187] : memref<2x128x128xf32, #tpu.memory_space<vmem>> -> memref<1x128x128xf32, #tpu.memory_space<vmem>>
      %dma_start3A_189 = tpu.memref_squeeze %dma_start3A_188 : memref<1x128x128xf32, #tpu.memory_space<vmem>> -> memref<128x128xf32, #tpu.memory_space<vmem>>
      %dma_start3A_190 = arith.constant 0 : i32
      %dma_start3A_191 = arith.constant 0 : i32
      %dma_start3A_192 = tpu.memref_slice %dma_start3A_189[%dma_start3A_190, %dma_start3A_191] : memref<128x128xf32, #tpu.memory_space<vmem>> -> memref<48x128xf32, #tpu.memory_space<vmem>>
      %dma_start3A_193 = arith.constant 0 : i32
      %dma_start3A_194 = tpu.memref_slice %arg19[%add3A_159, %dma_start3A_193] : memref<5376x128xf32, #tpu.memory_space<vmem_shared>> -> memref<48x128xf32, #tpu.memory_space<vmem_shared>>
      %dma_start3A_195 = arith.constant 0 : i32
      %dma_start3A_196 = arith.constant 0 : i32
      %dma_start3A_197 = tpu.memref_slice %arg15[%run_scoped3A_160, %dma_start3A_195, %dma_start3A_196] : memref<2x128x128xf32, #tpu.memory_space<vmem>> -> memref<1x128x128xf32, #tpu.memory_space<vmem>>
      %dma_start3A_198 = tpu.memref_squeeze %dma_start3A_197 : memref<1x128x128xf32, #tpu.memory_space<vmem>> -> memref<128x128xf32, #tpu.memory_space<vmem>>
      %dma_start3A_199 = arith.constant 0 : i32
      %dma_start3A_200 = arith.constant 0 : i32
      %dma_start3A_201 = tpu.memref_slice %dma_start3A_198[%dma_start3A_199, %dma_start3A_200] : memref<128x128xf32, #tpu.memory_space<vmem>> -> memref<48x128xf32, #tpu.memory_space<vmem>>
      %dma_start3A_202 = arith.constant 0 : i32
      %dma_start3A_203 = tpu.memref_slice %arg19[%add3A_159, %dma_start3A_202] : memref<5376x128xf32, #tpu.memory_space<vmem_shared>> -> memref<48x128xf32, #tpu.memory_space<vmem_shared>>
      tpu.enqueue_dma source(%dma_start3A_203 : memref<48x128xf32, #tpu.memory_space<vmem_shared>>) target(%dma_start3A_201 : memref<48x128xf32, #tpu.memory_space<vmem>>) target_semaphore(%run_scoped3A_185 : memref<!tpu.dma_semaphore, #tpu.memory_space<semaphore_mem>>)
      %dma_wait3A_204 = arith.constant 0 : i32
      %dma_wait3A_205 = arith.constant 0 : i32
      %dma_wait3A_206 = tpu.memref_slice %arg15[%run_scoped3A_160, %dma_wait3A_204, %dma_wait3A_205] : memref<2x128x128xf32, #tpu.memory_space<vmem>> -> memref<1x128x128xf32, #tpu.memory_space<vmem>>
      %dma_wait3A_207 = tpu.memref_squeeze %dma_wait3A_206 : memref<1x128x128xf32, #tpu.memory_space<vmem>> -> memref<128x128xf32, #tpu.memory_space<vmem>>
      %dma_wait3A_208 = arith.constant 0 : i32
      %dma_wait3A_209 = arith.constant 0 : i32
      %dma_wait3A_210 = tpu.memref_slice %dma_wait3A_207[%dma_wait3A_208, %dma_wait3A_209] : memref<128x128xf32, #tpu.memory_space<vmem>> -> memref<48x128xf32, #tpu.memory_space<vmem>>
      %dma_wait3A_211 = arith.constant 0 : i32
      %dma_wait3A_212 = tpu.memref_slice %arg19[%add3A_159, %dma_wait3A_211] : memref<5376x128xf32, #tpu.memory_space<vmem_shared>> -> memref<48x128xf32, #tpu.memory_space<vmem_shared>>
      %dma_wait3A_213 = arith.constant 0 : i32
      %dma_wait3A_214 = arith.constant 0 : i32
      %dma_wait3A_215 = tpu.memref_slice %arg15[%run_scoped3A_160, %dma_wait3A_213, %dma_wait3A_214] : memref<2x128x128xf32, #tpu.memory_space<vmem>> -> memref<1x128x128xf32, #tpu.memory_space<vmem>>
      %dma_wait3A_216 = tpu.memref_squeeze %dma_wait3A_215 : memref<1x128x128xf32, #tpu.memory_space<vmem>> -> memref<128x128xf32, #tpu.memory_space<vmem>>
      %dma_wait3A_217 = arith.constant 0 : i32
      %dma_wait3A_218 = arith.constant 0 : i32
      %dma_wait3A_219 = tpu.memref_slice %dma_wait3A_216[%dma_wait3A_217, %dma_wait3A_218] : memref<128x128xf32, #tpu.memory_space<vmem>> -> memref<48x128xf32, #tpu.memory_space<vmem>>
      %dma_wait3A_220 = arith.constant 0 : i32
      %dma_wait3A_221 = tpu.memref_slice %arg19[%add3A_159, %dma_wait3A_220] : memref<5376x128xf32, #tpu.memory_space<vmem_shared>> -> memref<48x128xf32, #tpu.memory_space<vmem_shared>>
      tpu.wait_dma2 semaphore(%run_scoped3A_185 : memref<!tpu.dma_semaphore, #tpu.memory_space<semaphore_mem>>) src(%dma_wait3A_221 : memref<48x128xf32, #tpu.memory_space<vmem_shared>>) dst(%dma_wait3A_219 : memref<48x128xf32, #tpu.memory_space<vmem>>)
      tpu.yield
    }) : () -> ()
    %run_scoped3A_161 = arith.constant 0 : i32
    %run_scoped3A_162 = arith.constant 0 : i32
    "tpu.region"() ({
      %run_scoped3A_185 = tpu.sem_alloc : memref<!tpu.dma_semaphore, #tpu.memory_space<semaphore_mem>>
      %dma_start3A_186 = arith.constant 0 : i32
      %dma_start3A_187 = arith.constant 0 : i32
      %dma_start3A_188 = tpu.memref_slice %arg15[%run_scoped3A_161, %dma_start3A_186, %dma_start3A_187] : memref<2x128x128xf32, #tpu.memory_space<vmem>> -> memref<1x128x128xf32, #tpu.memory_space<vmem>>
      %dma_start3A_189 = tpu.memref_squeeze %dma_start3A_188 : memref<1x128x128xf32, #tpu.memory_space<vmem>> -> memref<128x128xf32, #tpu.memory_space<vmem>>
      %dma_start3A_190 = arith.constant 0 : i32
      %dma_start3A_191 = arith.constant 0 : i32
      %dma_start3A_192 = tpu.memref_slice %dma_start3A_189[%dma_start3A_190, %dma_start3A_191] : memref<128x128xf32, #tpu.memory_space<vmem>> -> memref<48x128xf32, #tpu.memory_space<vmem>>
      %dma_start3A_193 = arith.constant 0 : i32
      %dma_start3A_194 = arith.constant 0 : i32
      %dma_start3A_195 = arith.constant 0 : i32
      %dma_start3A_196 = tpu.memref_slice %arg7[%arg0, %dma_start3A_193, %dma_start3A_194, %dma_start3A_195] : memref<2x1x5376x128xf32, #tpu.memory_space<hbm>> -> memref<1x1x5376x128xf32, #tpu.memory_space<hbm>>
      %dma_start3A_197 = tpu.memref_squeeze %dma_start3A_196 : memref<1x1x5376x128xf32, #tpu.memory_space<hbm>> -> memref<1x5376x128xf32, #tpu.memory_space<hbm>>
      %dma_start3A_198 = arith.constant 0 : i32
      %dma_start3A_199 = arith.constant 0 : i32
      %dma_start3A_200 = tpu.memref_slice %dma_start3A_197[%run_scoped3A_162, %dma_start3A_198, %dma_start3A_199] : memref<1x5376x128xf32, #tpu.memory_space<hbm>> -> memref<1x5376x128xf32, #tpu.memory_space<hbm>>
      %dma_start3A_201 = tpu.memref_squeeze %dma_start3A_200 : memref<1x5376x128xf32, #tpu.memory_space<hbm>> -> memref<5376x128xf32, #tpu.memory_space<hbm>>
      %dma_start3A_202 = arith.constant 0 : i32
      %dma_start3A_203 = tpu.memref_slice %dma_start3A_201[%add3A_159, %dma_start3A_202] : memref<5376x128xf32, #tpu.memory_space<hbm>> -> memref<48x128xf32, #tpu.memory_space<hbm>>
      %dma_start3A_204 = arith.constant 0 : i32
      %dma_start3A_205 = arith.constant 0 : i32
      %dma_start3A_206 = arith.constant 0 : i32
      %dma_start3A_207 = tpu.memref_slice %arg7[%arg0, %dma_start3A_204, %dma_start3A_205, %dma_start3A_206] : memref<2x1x5376x128xf32, #tpu.memory_space<hbm>> -> memref<1x1x5376x128xf32, #tpu.memory_space<hbm>>
      %dma_start3A_208 = tpu.memref_squeeze %dma_start3A_207 : memref<1x1x5376x128xf32, #tpu.memory_space<hbm>> -> memref<1x5376x128xf32, #tpu.memory_space<hbm>>
      %dma_start3A_209 = arith.constant 0 : i32
      %dma_start3A_210 = arith.constant 0 : i32
      %dma_start3A_211 = tpu.memref_slice %dma_start3A_208[%run_scoped3A_162, %dma_start3A_209, %dma_start3A_210] : memref<1x5376x128xf32, #tpu.memory_space<hbm>> -> memref<1x5376x128xf32, #tpu.memory_space<hbm>>
      %dma_start3A_212 = tpu.memref_squeeze %dma_start3A_211 : memref<1x5376x128xf32, #tpu.memory_space<hbm>> -> memref<5376x128xf32, #tpu.memory_space<hbm>>
      %dma_start3A_213 = arith.constant 0 : i32
      %dma_start3A_214 = tpu.memref_slice %dma_start3A_212[%add3A_159, %dma_start3A_213] : memref<5376x128xf32, #tpu.memory_space<hbm>> -> memref<48x128xf32, #tpu.memory_space<hbm>>
      %dma_start3A_215 = arith.constant 0 : i32
      %dma_start3A_216 = arith.constant 0 : i32
      %dma_start3A_217 = tpu.memref_slice %arg15[%run_scoped3A_161, %dma_start3A_215, %dma_start3A_216] : memref<2x128x128xf32, #tpu.memory_space<vmem>> -> memref<1x128x128xf32, #tpu.memory_space<vmem>>
      %dma_start3A_218 = tpu.memref_squeeze %dma_start3A_217 : memref<1x128x128xf32, #tpu.memory_space<vmem>> -> memref<128x128xf32, #tpu.memory_space<vmem>>
      %dma_start3A_219 = arith.constant 0 : i32
      %dma_start3A_220 = arith.constant 0 : i32
      %dma_start3A_221 = tpu.memref_slice %dma_start3A_218[%dma_start3A_219, %dma_start3A_220] : memref<128x128xf32, #tpu.memory_space<vmem>> -> memref<48x128xf32, #tpu.memory_space<vmem>>
      tpu.enqueue_dma source(%dma_start3A_221 : memref<48x128xf32, #tpu.memory_space<vmem>>) target(%dma_start3A_214 : memref<48x128xf32, #tpu.memory_space<hbm>>) target_semaphore(%run_scoped3A_185 : memref<!tpu.dma_semaphore, #tpu.memory_space<semaphore_mem>>)
      %dma_wait3A_222 = arith.constant 0 : i32
      %dma_wait3A_223 = arith.constant 0 : i32
      %dma_wait3A_224 = tpu.memref_slice %arg15[%run_scoped3A_161, %dma_wait3A_222, %dma_wait3A_223] : memref<2x128x128xf32, #tpu.memory_space<vmem>> -> memref<1x128x128xf32, #tpu.memory_space<vmem>>
      %dma_wait3A_225 = tpu.memref_squeeze %dma_wait3A_224 : memref<1x128x128xf32, #tpu.memory_space<vmem>> -> memref<128x128xf32, #tpu.memory_space<vmem>>
      %dma_wait3A_226 = arith.constant 0 : i32
      %dma_wait3A_227 = arith.constant 0 : i32
      %dma_wait3A_228 = tpu.memref_slice %dma_wait3A_225[%dma_wait3A_226, %dma_wait3A_227] : memref<128x128xf32, #tpu.memory_space<vmem>> -> memref<48x128xf32, #tpu.memory_space<vmem>>
      %dma_wait3A_229 = arith.constant 0 : i32
      %dma_wait3A_230 = arith.constant 0 : i32
      %dma_wait3A_231 = arith.constant 0 : i32
      %dma_wait3A_232 = tpu.memref_slice %arg7[%arg0, %dma_wait3A_229, %dma_wait3A_230, %dma_wait3A_231] : memref<2x1x5376x128xf32, #tpu.memory_space<hbm>> -> memref<1x1x5376x128xf32, #tpu.memory_space<hbm>>
      %dma_wait3A_233 = tpu.memref_squeeze %dma_wait3A_232 : memref<1x1x5376x128xf32, #tpu.memory_space<hbm>> -> memref<1x5376x128xf32, #tpu.memory_space<hbm>>
      %dma_wait3A_234 = arith.constant 0 : i32
      %dma_wait3A_235 = arith.constant 0 : i32
      %dma_wait3A_236 = tpu.memref_slice %dma_wait3A_233[%run_scoped3A_162, %dma_wait3A_234, %dma_wait3A_235] : memref<1x5376x128xf32, #tpu.memory_space<hbm>> -> memref<1x5376x128xf32, #tpu.memory_space<hbm>>
      %dma_wait3A_237 = tpu.memref_squeeze %dma_wait3A_236 : memref<1x5376x128xf32, #tpu.memory_space<hbm>> -> memref<5376x128xf32, #tpu.memory_space<hbm>>
      %dma_wait3A_238 = arith.constant 0 : i32
      %dma_wait3A_239 = tpu.memref_slice %dma_wait3A_237[%add3A_159, %dma_wait3A_238] : memref<5376x128xf32, #tpu.memory_space<hbm>> -> memref<48x128xf32, #tpu.memory_space<hbm>>
      %dma_wait3A_240 = arith.constant 0 : i32
      %dma_wait3A_241 = arith.constant 0 : i32
      %dma_wait3A_242 = arith.constant 0 : i32
      %dma_wait3A_243 = tpu.memref_slice %arg7[%arg0, %dma_wait3A_240, %dma_wait3A_241, %dma_wait3A_242] : memref<2x1x5376x128xf32, #tpu.memory_space<hbm>> -> memref<1x1x5376x128xf32, #tpu.memory_space<hbm>>
      %dma_wait3A_244 = tpu.memref_squeeze %dma_wait3A_243 : memref<1x1x5376x128xf32, #tpu.memory_space<hbm>> -> memref<1x5376x128xf32, #tpu.memory_space<hbm>>
      %dma_wait3A_245 = arith.constant 0 : i32
      %dma_wait3A_246 = arith.constant 0 : i32
      %dma_wait3A_247 = tpu.memref_slice %dma_wait3A_244[%run_scoped3A_162, %dma_wait3A_245, %dma_wait3A_246] : memref<1x5376x128xf32, #tpu.memory_space<hbm>> -> memref<1x5376x128xf32, #tpu.memory_space<hbm>>
      %dma_wait3A_248 = tpu.memref_squeeze %dma_wait3A_247 : memref<1x5376x128xf32, #tpu.memory_space<hbm>> -> memref<5376x128xf32, #tpu.memory_space<hbm>>
      %dma_wait3A_249 = arith.constant 0 : i32
      %dma_wait3A_250 = tpu.memref_slice %dma_wait3A_248[%add3A_159, %dma_wait3A_249] : memref<5376x128xf32, #tpu.memory_space<hbm>> -> memref<48x128xf32, #tpu.memory_space<hbm>>
      %dma_wait3A_251 = arith.constant 0 : i32
      %dma_wait3A_252 = arith.constant 0 : i32
      %dma_wait3A_253 = tpu.memref_slice %arg15[%run_scoped3A_161, %dma_wait3A_251, %dma_wait3A_252] : memref<2x128x128xf32, #tpu.memory_space<vmem>> -> memref<1x128x128xf32, #tpu.memory_space<vmem>>
      %dma_wait3A_254 = tpu.memref_squeeze %dma_wait3A_253 : memref<1x128x128xf32, #tpu.memory_space<vmem>> -> memref<128x128xf32, #tpu.memory_space<vmem>>
      %dma_wait3A_255 = arith.constant 0 : i32
      %dma_wait3A_256 = arith.constant 0 : i32
      %dma_wait3A_257 = tpu.memref_slice %dma_wait3A_254[%dma_wait3A_255, %dma_wait3A_256] : memref<128x128xf32, #tpu.memory_space<vmem>> -> memref<48x128xf32, #tpu.memory_space<vmem>>
      tpu.wait_dma2 semaphore(%run_scoped3A_185 : memref<!tpu.dma_semaphore, #tpu.memory_space<semaphore_mem>>) src(%dma_wait3A_257 : memref<48x128xf32, #tpu.memory_space<vmem>>) dst(%dma_wait3A_250 : memref<48x128xf32, #tpu.memory_space<hbm>>)
      tpu.yield
    }) : () -> ()
    %mul3A_163 = arith.constant 336 : i32
    %mul3A_164 = arith.muli %arg1, %mul3A_163 : i32
    %add3A_165 = arith.constant 192 : i32
    %add3A_166 = arith.addi %mul3A_164, %add3A_165 : i32
    %run_scoped3A_167 = arith.constant 0 : i32
    "tpu.region"() ({
      %run_scoped3A_185 = tpu.sem_alloc : memref<!tpu.dma_semaphore, #tpu.memory_space<semaphore_mem>>
      %dma_start3A_186 = arith.constant 0 : i32
      %dma_start3A_187 = arith.constant 0 : i32
      %dma_start3A_188 = tpu.memref_slice %arg15[%run_scoped3A_167, %dma_start3A_186, %dma_start3A_187] : memref<2x128x128xf32, #tpu.memory_space<vmem>> -> memref<1x128x128xf32, #tpu.memory_space<vmem>>
      %dma_start3A_189 = tpu.memref_squeeze %dma_start3A_188 : memref<1x128x128xf32, #tpu.memory_space<vmem>> -> memref<128x128xf32, #tpu.memory_space<vmem>>
      %dma_start3A_190 = arith.constant 0 : i32
      %dma_start3A_191 = arith.constant 0 : i32
      %dma_start3A_192 = tpu.memref_slice %dma_start3A_189[%dma_start3A_190, %dma_start3A_191] : memref<128x128xf32, #tpu.memory_space<vmem>> -> memref<48x128xf32, #tpu.memory_space<vmem>>
      %dma_start3A_193 = arith.constant 0 : i32
      %dma_start3A_194 = tpu.memref_slice %arg19[%add3A_166, %dma_start3A_193] : memref<5376x128xf32, #tpu.memory_space<vmem_shared>> -> memref<48x128xf32, #tpu.memory_space<vmem_shared>>
      %dma_start3A_195 = arith.constant 0 : i32
      %dma_start3A_196 = arith.constant 0 : i32
      %dma_start3A_197 = tpu.memref_slice %arg15[%run_scoped3A_167, %dma_start3A_195, %dma_start3A_196] : memref<2x128x128xf32, #tpu.memory_space<vmem>> -> memref<1x128x128xf32, #tpu.memory_space<vmem>>
      %dma_start3A_198 = tpu.memref_squeeze %dma_start3A_197 : memref<1x128x128xf32, #tpu.memory_space<vmem>> -> memref<128x128xf32, #tpu.memory_space<vmem>>
      %dma_start3A_199 = arith.constant 0 : i32
      %dma_start3A_200 = arith.constant 0 : i32
      %dma_start3A_201 = tpu.memref_slice %dma_start3A_198[%dma_start3A_199, %dma_start3A_200] : memref<128x128xf32, #tpu.memory_space<vmem>> -> memref<48x128xf32, #tpu.memory_space<vmem>>
      %dma_start3A_202 = arith.constant 0 : i32
      %dma_start3A_203 = tpu.memref_slice %arg19[%add3A_166, %dma_start3A_202] : memref<5376x128xf32, #tpu.memory_space<vmem_shared>> -> memref<48x128xf32, #tpu.memory_space<vmem_shared>>
      tpu.enqueue_dma source(%dma_start3A_203 : memref<48x128xf32, #tpu.memory_space<vmem_shared>>) target(%dma_start3A_201 : memref<48x128xf32, #tpu.memory_space<vmem>>) target_semaphore(%run_scoped3A_185 : memref<!tpu.dma_semaphore, #tpu.memory_space<semaphore_mem>>)
      %dma_wait3A_204 = arith.constant 0 : i32
      %dma_wait3A_205 = arith.constant 0 : i32
      %dma_wait3A_206 = tpu.memref_slice %arg15[%run_scoped3A_167, %dma_wait3A_204, %dma_wait3A_205] : memref<2x128x128xf32, #tpu.memory_space<vmem>> -> memref<1x128x128xf32, #tpu.memory_space<vmem>>
      %dma_wait3A_207 = tpu.memref_squeeze %dma_wait3A_206 : memref<1x128x128xf32, #tpu.memory_space<vmem>> -> memref<128x128xf32, #tpu.memory_space<vmem>>
      %dma_wait3A_208 = arith.constant 0 : i32
      %dma_wait3A_209 = arith.constant 0 : i32
      %dma_wait3A_210 = tpu.memref_slice %dma_wait3A_207[%dma_wait3A_208, %dma_wait3A_209] : memref<128x128xf32, #tpu.memory_space<vmem>> -> memref<48x128xf32, #tpu.memory_space<vmem>>
      %dma_wait3A_211 = arith.constant 0 : i32
      %dma_wait3A_212 = tpu.memref_slice %arg19[%add3A_166, %dma_wait3A_211] : memref<5376x128xf32, #tpu.memory_space<vmem_shared>> -> memref<48x128xf32, #tpu.memory_space<vmem_shared>>
      %dma_wait3A_213 = arith.constant 0 : i32
      %dma_wait3A_214 = arith.constant 0 : i32
      %dma_wait3A_215 = tpu.memref_slice %arg15[%run_scoped3A_167, %dma_wait3A_213, %dma_wait3A_214] : memref<2x128x128xf32, #tpu.memory_space<vmem>> -> memref<1x128x128xf32, #tpu.memory_space<vmem>>
      %dma_wait3A_216 = tpu.memref_squeeze %dma_wait3A_215 : memref<1x128x128xf32, #tpu.memory_space<vmem>> -> memref<128x128xf32, #tpu.memory_space<vmem>>
      %dma_wait3A_217 = arith.constant 0 : i32
      %dma_wait3A_218 = arith.constant 0 : i32
      %dma_wait3A_219 = tpu.memref_slice %dma_wait3A_216[%dma_wait3A_217, %dma_wait3A_218] : memref<128x128xf32, #tpu.memory_space<vmem>> -> memref<48x128xf32, #tpu.memory_space<vmem>>
      %dma_wait3A_220 = arith.constant 0 : i32
      %dma_wait3A_221 = tpu.memref_slice %arg19[%add3A_166, %dma_wait3A_220] : memref<5376x128xf32, #tpu.memory_space<vmem_shared>> -> memref<48x128xf32, #tpu.memory_space<vmem_shared>>
      tpu.wait_dma2 semaphore(%run_scoped3A_185 : memref<!tpu.dma_semaphore, #tpu.memory_space<semaphore_mem>>) src(%dma_wait3A_221 : memref<48x128xf32, #tpu.memory_space<vmem_shared>>) dst(%dma_wait3A_219 : memref<48x128xf32, #tpu.memory_space<vmem>>)
      tpu.yield
    }) : () -> ()
    %run_scoped3A_168 = arith.constant 0 : i32
    %run_scoped3A_169 = arith.constant 0 : i32
    "tpu.region"() ({
      %run_scoped3A_185 = tpu.sem_alloc : memref<!tpu.dma_semaphore, #tpu.memory_space<semaphore_mem>>
      %dma_start3A_186 = arith.constant 0 : i32
      %dma_start3A_187 = arith.constant 0 : i32
      %dma_start3A_188 = tpu.memref_slice %arg15[%run_scoped3A_168, %dma_start3A_186, %dma_start3A_187] : memref<2x128x128xf32, #tpu.memory_space<vmem>> -> memref<1x128x128xf32, #tpu.memory_space<vmem>>
      %dma_start3A_189 = tpu.memref_squeeze %dma_start3A_188 : memref<1x128x128xf32, #tpu.memory_space<vmem>> -> memref<128x128xf32, #tpu.memory_space<vmem>>
      %dma_start3A_190 = arith.constant 0 : i32
      %dma_start3A_191 = arith.constant 0 : i32
      %dma_start3A_192 = tpu.memref_slice %dma_start3A_189[%dma_start3A_190, %dma_start3A_191] : memref<128x128xf32, #tpu.memory_space<vmem>> -> memref<48x128xf32, #tpu.memory_space<vmem>>
      %dma_start3A_193 = arith.constant 0 : i32
      %dma_start3A_194 = arith.constant 0 : i32
      %dma_start3A_195 = arith.constant 0 : i32
      %dma_start3A_196 = tpu.memref_slice %arg7[%arg0, %dma_start3A_193, %dma_start3A_194, %dma_start3A_195] : memref<2x1x5376x128xf32, #tpu.memory_space<hbm>> -> memref<1x1x5376x128xf32, #tpu.memory_space<hbm>>
      %dma_start3A_197 = tpu.memref_squeeze %dma_start3A_196 : memref<1x1x5376x128xf32, #tpu.memory_space<hbm>> -> memref<1x5376x128xf32, #tpu.memory_space<hbm>>
      %dma_start3A_198 = arith.constant 0 : i32
      %dma_start3A_199 = arith.constant 0 : i32
      %dma_start3A_200 = tpu.memref_slice %dma_start3A_197[%run_scoped3A_169, %dma_start3A_198, %dma_start3A_199] : memref<1x5376x128xf32, #tpu.memory_space<hbm>> -> memref<1x5376x128xf32, #tpu.memory_space<hbm>>
      %dma_start3A_201 = tpu.memref_squeeze %dma_start3A_200 : memref<1x5376x128xf32, #tpu.memory_space<hbm>> -> memref<5376x128xf32, #tpu.memory_space<hbm>>
      %dma_start3A_202 = arith.constant 0 : i32
      %dma_start3A_203 = tpu.memref_slice %dma_start3A_201[%add3A_166, %dma_start3A_202] : memref<5376x128xf32, #tpu.memory_space<hbm>> -> memref<48x128xf32, #tpu.memory_space<hbm>>
      %dma_start3A_204 = arith.constant 0 : i32
      %dma_start3A_205 = arith.constant 0 : i32
      %dma_start3A_206 = arith.constant 0 : i32
      %dma_start3A_207 = tpu.memref_slice %arg7[%arg0, %dma_start3A_204, %dma_start3A_205, %dma_start3A_206] : memref<2x1x5376x128xf32, #tpu.memory_space<hbm>> -> memref<1x1x5376x128xf32, #tpu.memory_space<hbm>>
      %dma_start3A_208 = tpu.memref_squeeze %dma_start3A_207 : memref<1x1x5376x128xf32, #tpu.memory_space<hbm>> -> memref<1x5376x128xf32, #tpu.memory_space<hbm>>
      %dma_start3A_209 = arith.constant 0 : i32
      %dma_start3A_210 = arith.constant 0 : i32
      %dma_start3A_211 = tpu.memref_slice %dma_start3A_208[%run_scoped3A_169, %dma_start3A_209, %dma_start3A_210] : memref<1x5376x128xf32, #tpu.memory_space<hbm>> -> memref<1x5376x128xf32, #tpu.memory_space<hbm>>
      %dma_start3A_212 = tpu.memref_squeeze %dma_start3A_211 : memref<1x5376x128xf32, #tpu.memory_space<hbm>> -> memref<5376x128xf32, #tpu.memory_space<hbm>>
      %dma_start3A_213 = arith.constant 0 : i32
      %dma_start3A_214 = tpu.memref_slice %dma_start3A_212[%add3A_166, %dma_start3A_213] : memref<5376x128xf32, #tpu.memory_space<hbm>> -> memref<48x128xf32, #tpu.memory_space<hbm>>
      %dma_start3A_215 = arith.constant 0 : i32
      %dma_start3A_216 = arith.constant 0 : i32
      %dma_start3A_217 = tpu.memref_slice %arg15[%run_scoped3A_168, %dma_start3A_215, %dma_start3A_216] : memref<2x128x128xf32, #tpu.memory_space<vmem>> -> memref<1x128x128xf32, #tpu.memory_space<vmem>>
      %dma_start3A_218 = tpu.memref_squeeze %dma_start3A_217 : memref<1x128x128xf32, #tpu.memory_space<vmem>> -> memref<128x128xf32, #tpu.memory_space<vmem>>
      %dma_start3A_219 = arith.constant 0 : i32
      %dma_start3A_220 = arith.constant 0 : i32
      %dma_start3A_221 = tpu.memref_slice %dma_start3A_218[%dma_start3A_219, %dma_start3A_220] : memref<128x128xf32, #tpu.memory_space<vmem>> -> memref<48x128xf32, #tpu.memory_space<vmem>>
      tpu.enqueue_dma source(%dma_start3A_221 : memref<48x128xf32, #tpu.memory_space<vmem>>) target(%dma_start3A_214 : memref<48x128xf32, #tpu.memory_space<hbm>>) target_semaphore(%run_scoped3A_185 : memref<!tpu.dma_semaphore, #tpu.memory_space<semaphore_mem>>)
      %dma_wait3A_222 = arith.constant 0 : i32
      %dma_wait3A_223 = arith.constant 0 : i32
      %dma_wait3A_224 = tpu.memref_slice %arg15[%run_scoped3A_168, %dma_wait3A_222, %dma_wait3A_223] : memref<2x128x128xf32, #tpu.memory_space<vmem>> -> memref<1x128x128xf32, #tpu.memory_space<vmem>>
      %dma_wait3A_225 = tpu.memref_squeeze %dma_wait3A_224 : memref<1x128x128xf32, #tpu.memory_space<vmem>> -> memref<128x128xf32, #tpu.memory_space<vmem>>
      %dma_wait3A_226 = arith.constant 0 : i32
      %dma_wait3A_227 = arith.constant 0 : i32
      %dma_wait3A_228 = tpu.memref_slice %dma_wait3A_225[%dma_wait3A_226, %dma_wait3A_227] : memref<128x128xf32, #tpu.memory_space<vmem>> -> memref<48x128xf32, #tpu.memory_space<vmem>>
      %dma_wait3A_229 = arith.constant 0 : i32
      %dma_wait3A_230 = arith.constant 0 : i32
      %dma_wait3A_231 = arith.constant 0 : i32
      %dma_wait3A_232 = tpu.memref_slice %arg7[%arg0, %dma_wait3A_229, %dma_wait3A_230, %dma_wait3A_231] : memref<2x1x5376x128xf32, #tpu.memory_space<hbm>> -> memref<1x1x5376x128xf32, #tpu.memory_space<hbm>>
      %dma_wait3A_233 = tpu.memref_squeeze %dma_wait3A_232 : memref<1x1x5376x128xf32, #tpu.memory_space<hbm>> -> memref<1x5376x128xf32, #tpu.memory_space<hbm>>
      %dma_wait3A_234 = arith.constant 0 : i32
      %dma_wait3A_235 = arith.constant 0 : i32
      %dma_wait3A_236 = tpu.memref_slice %dma_wait3A_233[%run_scoped3A_169, %dma_wait3A_234, %dma_wait3A_235] : memref<1x5376x128xf32, #tpu.memory_space<hbm>> -> memref<1x5376x128xf32, #tpu.memory_space<hbm>>
      %dma_wait3A_237 = tpu.memref_squeeze %dma_wait3A_236 : memref<1x5376x128xf32, #tpu.memory_space<hbm>> -> memref<5376x128xf32, #tpu.memory_space<hbm>>
      %dma_wait3A_238 = arith.constant 0 : i32
      %dma_wait3A_239 = tpu.memref_slice %dma_wait3A_237[%add3A_166, %dma_wait3A_238] : memref<5376x128xf32, #tpu.memory_space<hbm>> -> memref<48x128xf32, #tpu.memory_space<hbm>>
      %dma_wait3A_240 = arith.constant 0 : i32
      %dma_wait3A_241 = arith.constant 0 : i32
      %dma_wait3A_242 = arith.constant 0 : i32
      %dma_wait3A_243 = tpu.memref_slice %arg7[%arg0, %dma_wait3A_240, %dma_wait3A_241, %dma_wait3A_242] : memref<2x1x5376x128xf32, #tpu.memory_space<hbm>> -> memref<1x1x5376x128xf32, #tpu.memory_space<hbm>>
      %dma_wait3A_244 = tpu.memref_squeeze %dma_wait3A_243 : memref<1x1x5376x128xf32, #tpu.memory_space<hbm>> -> memref<1x5376x128xf32, #tpu.memory_space<hbm>>
      %dma_wait3A_245 = arith.constant 0 : i32
      %dma_wait3A_246 = arith.constant 0 : i32
      %dma_wait3A_247 = tpu.memref_slice %dma_wait3A_244[%run_scoped3A_169, %dma_wait3A_245, %dma_wait3A_246] : memref<1x5376x128xf32, #tpu.memory_space<hbm>> -> memref<1x5376x128xf32, #tpu.memory_space<hbm>>
      %dma_wait3A_248 = tpu.memref_squeeze %dma_wait3A_247 : memref<1x5376x128xf32, #tpu.memory_space<hbm>> -> memref<5376x128xf32, #tpu.memory_space<hbm>>
      %dma_wait3A_249 = arith.constant 0 : i32
      %dma_wait3A_250 = tpu.memref_slice %dma_wait3A_248[%add3A_166, %dma_wait3A_249] : memref<5376x128xf32, #tpu.memory_space<hbm>> -> memref<48x128xf32, #tpu.memory_space<hbm>>
      %dma_wait3A_251 = arith.constant 0 : i32
      %dma_wait3A_252 = arith.constant 0 : i32
      %dma_wait3A_253 = tpu.memref_slice %arg15[%run_scoped3A_168, %dma_wait3A_251, %dma_wait3A_252] : memref<2x128x128xf32, #tpu.memory_space<vmem>> -> memref<1x128x128xf32, #tpu.memory_space<vmem>>
      %dma_wait3A_254 = tpu.memref_squeeze %dma_wait3A_253 : memref<1x128x128xf32, #tpu.memory_space<vmem>> -> memref<128x128xf32, #tpu.memory_space<vmem>>
      %dma_wait3A_255 = arith.constant 0 : i32
      %dma_wait3A_256 = arith.constant 0 : i32
      %dma_wait3A_257 = tpu.memref_slice %dma_wait3A_254[%dma_wait3A_255, %dma_wait3A_256] : memref<128x128xf32, #tpu.memory_space<vmem>> -> memref<48x128xf32, #tpu.memory_space<vmem>>
      tpu.wait_dma2 semaphore(%run_scoped3A_185 : memref<!tpu.dma_semaphore, #tpu.memory_space<semaphore_mem>>) src(%dma_wait3A_257 : memref<48x128xf32, #tpu.memory_space<vmem>>) dst(%dma_wait3A_250 : memref<48x128xf32, #tpu.memory_space<hbm>>)
      tpu.yield
    }) : () -> ()
    %mul3A_170 = arith.constant 336 : i32
    %mul3A_171 = arith.muli %arg1, %mul3A_170 : i32
    %add3A_172 = arith.constant 240 : i32
    %add3A_173 = arith.addi %mul3A_171, %add3A_172 : i32
    %run_scoped3A_174 = arith.constant 0 : i32
    "tpu.region"() ({
      %run_scoped3A_185 = tpu.sem_alloc : memref<!tpu.dma_semaphore, #tpu.memory_space<semaphore_mem>>
      %dma_start3A_186 = arith.constant 0 : i32
      %dma_start3A_187 = arith.constant 0 : i32
      %dma_start3A_188 = tpu.memref_slice %arg15[%run_scoped3A_174, %dma_start3A_186, %dma_start3A_187] : memref<2x128x128xf32, #tpu.memory_space<vmem>> -> memref<1x128x128xf32, #tpu.memory_space<vmem>>
      %dma_start3A_189 = tpu.memref_squeeze %dma_start3A_188 : memref<1x128x128xf32, #tpu.memory_space<vmem>> -> memref<128x128xf32, #tpu.memory_space<vmem>>
      %dma_start3A_190 = arith.constant 0 : i32
      %dma_start3A_191 = arith.constant 0 : i32
      %dma_start3A_192 = tpu.memref_slice %dma_start3A_189[%dma_start3A_190, %dma_start3A_191] : memref<128x128xf32, #tpu.memory_space<vmem>> -> memref<48x128xf32, #tpu.memory_space<vmem>>
      %dma_start3A_193 = arith.constant 0 : i32
      %dma_start3A_194 = tpu.memref_slice %arg19[%add3A_173, %dma_start3A_193] : memref<5376x128xf32, #tpu.memory_space<vmem_shared>> -> memref<48x128xf32, #tpu.memory_space<vmem_shared>>
      %dma_start3A_195 = arith.constant 0 : i32
      %dma_start3A_196 = arith.constant 0 : i32
      %dma_start3A_197 = tpu.memref_slice %arg15[%run_scoped3A_174, %dma_start3A_195, %dma_start3A_196] : memref<2x128x128xf32, #tpu.memory_space<vmem>> -> memref<1x128x128xf32, #tpu.memory_space<vmem>>
      %dma_start3A_198 = tpu.memref_squeeze %dma_start3A_197 : memref<1x128x128xf32, #tpu.memory_space<vmem>> -> memref<128x128xf32, #tpu.memory_space<vmem>>
      %dma_start3A_199 = arith.constant 0 : i32
      %dma_start3A_200 = arith.constant 0 : i32
      %dma_start3A_201 = tpu.memref_slice %dma_start3A_198[%dma_start3A_199, %dma_start3A_200] : memref<128x128xf32, #tpu.memory_space<vmem>> -> memref<48x128xf32, #tpu.memory_space<vmem>>
      %dma_start3A_202 = arith.constant 0 : i32
      %dma_start3A_203 = tpu.memref_slice %arg19[%add3A_173, %dma_start3A_202] : memref<5376x128xf32, #tpu.memory_space<vmem_shared>> -> memref<48x128xf32, #tpu.memory_space<vmem_shared>>
      tpu.enqueue_dma source(%dma_start3A_203 : memref<48x128xf32, #tpu.memory_space<vmem_shared>>) target(%dma_start3A_201 : memref<48x128xf32, #tpu.memory_space<vmem>>) target_semaphore(%run_scoped3A_185 : memref<!tpu.dma_semaphore, #tpu.memory_space<semaphore_mem>>)
      %dma_wait3A_204 = arith.constant 0 : i32
      %dma_wait3A_205 = arith.constant 0 : i32
      %dma_wait3A_206 = tpu.memref_slice %arg15[%run_scoped3A_174, %dma_wait3A_204, %dma_wait3A_205] : memref<2x128x128xf32, #tpu.memory_space<vmem>> -> memref<1x128x128xf32, #tpu.memory_space<vmem>>
      %dma_wait3A_207 = tpu.memref_squeeze %dma_wait3A_206 : memref<1x128x128xf32, #tpu.memory_space<vmem>> -> memref<128x128xf32, #tpu.memory_space<vmem>>
      %dma_wait3A_208 = arith.constant 0 : i32
      %dma_wait3A_209 = arith.constant 0 : i32
      %dma_wait3A_210 = tpu.memref_slice %dma_wait3A_207[%dma_wait3A_208, %dma_wait3A_209] : memref<128x128xf32, #tpu.memory_space<vmem>> -> memref<48x128xf32, #tpu.memory_space<vmem>>
      %dma_wait3A_211 = arith.constant 0 : i32
      %dma_wait3A_212 = tpu.memref_slice %arg19[%add3A_173, %dma_wait3A_211] : memref<5376x128xf32, #tpu.memory_space<vmem_shared>> -> memref<48x128xf32, #tpu.memory_space<vmem_shared>>
      %dma_wait3A_213 = arith.constant 0 : i32
      %dma_wait3A_214 = arith.constant 0 : i32
      %dma_wait3A_215 = tpu.memref_slice %arg15[%run_scoped3A_174, %dma_wait3A_213, %dma_wait3A_214] : memref<2x128x128xf32, #tpu.memory_space<vmem>> -> memref<1x128x128xf32, #tpu.memory_space<vmem>>
      %dma_wait3A_216 = tpu.memref_squeeze %dma_wait3A_215 : memref<1x128x128xf32, #tpu.memory_space<vmem>> -> memref<128x128xf32, #tpu.memory_space<vmem>>
      %dma_wait3A_217 = arith.constant 0 : i32
      %dma_wait3A_218 = arith.constant 0 : i32
      %dma_wait3A_219 = tpu.memref_slice %dma_wait3A_216[%dma_wait3A_217, %dma_wait3A_218] : memref<128x128xf32, #tpu.memory_space<vmem>> -> memref<48x128xf32, #tpu.memory_space<vmem>>
      %dma_wait3A_220 = arith.constant 0 : i32
      %dma_wait3A_221 = tpu.memref_slice %arg19[%add3A_173, %dma_wait3A_220] : memref<5376x128xf32, #tpu.memory_space<vmem_shared>> -> memref<48x128xf32, #tpu.memory_space<vmem_shared>>
      tpu.wait_dma2 semaphore(%run_scoped3A_185 : memref<!tpu.dma_semaphore, #tpu.memory_space<semaphore_mem>>) src(%dma_wait3A_221 : memref<48x128xf32, #tpu.memory_space<vmem_shared>>) dst(%dma_wait3A_219 : memref<48x128xf32, #tpu.memory_space<vmem>>)
      tpu.yield
    }) : () -> ()
    %run_scoped3A_175 = arith.constant 0 : i32
    %run_scoped3A_176 = arith.constant 0 : i32
    "tpu.region"() ({
      %run_scoped3A_185 = tpu.sem_alloc : memref<!tpu.dma_semaphore, #tpu.memory_space<semaphore_mem>>
      %dma_start3A_186 = arith.constant 0 : i32
      %dma_start3A_187 = arith.constant 0 : i32
      %dma_start3A_188 = tpu.memref_slice %arg15[%run_scoped3A_175, %dma_start3A_186, %dma_start3A_187] : memref<2x128x128xf32, #tpu.memory_space<vmem>> -> memref<1x128x128xf32, #tpu.memory_space<vmem>>
      %dma_start3A_189 = tpu.memref_squeeze %dma_start3A_188 : memref<1x128x128xf32, #tpu.memory_space<vmem>> -> memref<128x128xf32, #tpu.memory_space<vmem>>
      %dma_start3A_190 = arith.constant 0 : i32
      %dma_start3A_191 = arith.constant 0 : i32
      %dma_start3A_192 = tpu.memref_slice %dma_start3A_189[%dma_start3A_190, %dma_start3A_191] : memref<128x128xf32, #tpu.memory_space<vmem>> -> memref<48x128xf32, #tpu.memory_space<vmem>>
      %dma_start3A_193 = arith.constant 0 : i32
      %dma_start3A_194 = arith.constant 0 : i32
      %dma_start3A_195 = arith.constant 0 : i32
      %dma_start3A_196 = tpu.memref_slice %arg7[%arg0, %dma_start3A_193, %dma_start3A_194, %dma_start3A_195] : memref<2x1x5376x128xf32, #tpu.memory_space<hbm>> -> memref<1x1x5376x128xf32, #tpu.memory_space<hbm>>
      %dma_start3A_197 = tpu.memref_squeeze %dma_start3A_196 : memref<1x1x5376x128xf32, #tpu.memory_space<hbm>> -> memref<1x5376x128xf32, #tpu.memory_space<hbm>>
      %dma_start3A_198 = arith.constant 0 : i32
      %dma_start3A_199 = arith.constant 0 : i32
      %dma_start3A_200 = tpu.memref_slice %dma_start3A_197[%run_scoped3A_176, %dma_start3A_198, %dma_start3A_199] : memref<1x5376x128xf32, #tpu.memory_space<hbm>> -> memref<1x5376x128xf32, #tpu.memory_space<hbm>>
      %dma_start3A_201 = tpu.memref_squeeze %dma_start3A_200 : memref<1x5376x128xf32, #tpu.memory_space<hbm>> -> memref<5376x128xf32, #tpu.memory_space<hbm>>
      %dma_start3A_202 = arith.constant 0 : i32
      %dma_start3A_203 = tpu.memref_slice %dma_start3A_201[%add3A_173, %dma_start3A_202] : memref<5376x128xf32, #tpu.memory_space<hbm>> -> memref<48x128xf32, #tpu.memory_space<hbm>>
      %dma_start3A_204 = arith.constant 0 : i32
      %dma_start3A_205 = arith.constant 0 : i32
      %dma_start3A_206 = arith.constant 0 : i32
      %dma_start3A_207 = tpu.memref_slice %arg7[%arg0, %dma_start3A_204, %dma_start3A_205, %dma_start3A_206] : memref<2x1x5376x128xf32, #tpu.memory_space<hbm>> -> memref<1x1x5376x128xf32, #tpu.memory_space<hbm>>
      %dma_start3A_208 = tpu.memref_squeeze %dma_start3A_207 : memref<1x1x5376x128xf32, #tpu.memory_space<hbm>> -> memref<1x5376x128xf32, #tpu.memory_space<hbm>>
      %dma_start3A_209 = arith.constant 0 : i32
      %dma_start3A_210 = arith.constant 0 : i32
      %dma_start3A_211 = tpu.memref_slice %dma_start3A_208[%run_scoped3A_176, %dma_start3A_209, %dma_start3A_210] : memref<1x5376x128xf32, #tpu.memory_space<hbm>> -> memref<1x5376x128xf32, #tpu.memory_space<hbm>>
      %dma_start3A_212 = tpu.memref_squeeze %dma_start3A_211 : memref<1x5376x128xf32, #tpu.memory_space<hbm>> -> memref<5376x128xf32, #tpu.memory_space<hbm>>
      %dma_start3A_213 = arith.constant 0 : i32
      %dma_start3A_214 = tpu.memref_slice %dma_start3A_212[%add3A_173, %dma_start3A_213] : memref<5376x128xf32, #tpu.memory_space<hbm>> -> memref<48x128xf32, #tpu.memory_space<hbm>>
      %dma_start3A_215 = arith.constant 0 : i32
      %dma_start3A_216 = arith.constant 0 : i32
      %dma_start3A_217 = tpu.memref_slice %arg15[%run_scoped3A_175, %dma_start3A_215, %dma_start3A_216] : memref<2x128x128xf32, #tpu.memory_space<vmem>> -> memref<1x128x128xf32, #tpu.memory_space<vmem>>
      %dma_start3A_218 = tpu.memref_squeeze %dma_start3A_217 : memref<1x128x128xf32, #tpu.memory_space<vmem>> -> memref<128x128xf32, #tpu.memory_space<vmem>>
      %dma_start3A_219 = arith.constant 0 : i32
      %dma_start3A_220 = arith.constant 0 : i32
      %dma_start3A_221 = tpu.memref_slice %dma_start3A_218[%dma_start3A_219, %dma_start3A_220] : memref<128x128xf32, #tpu.memory_space<vmem>> -> memref<48x128xf32, #tpu.memory_space<vmem>>
      tpu.enqueue_dma source(%dma_start3A_221 : memref<48x128xf32, #tpu.memory_space<vmem>>) target(%dma_start3A_214 : memref<48x128xf32, #tpu.memory_space<hbm>>) target_semaphore(%run_scoped3A_185 : memref<!tpu.dma_semaphore, #tpu.memory_space<semaphore_mem>>)
      %dma_wait3A_222 = arith.constant 0 : i32
      %dma_wait3A_223 = arith.constant 0 : i32
      %dma_wait3A_224 = tpu.memref_slice %arg15[%run_scoped3A_175, %dma_wait3A_222, %dma_wait3A_223] : memref<2x128x128xf32, #tpu.memory_space<vmem>> -> memref<1x128x128xf32, #tpu.memory_space<vmem>>
      %dma_wait3A_225 = tpu.memref_squeeze %dma_wait3A_224 : memref<1x128x128xf32, #tpu.memory_space<vmem>> -> memref<128x128xf32, #tpu.memory_space<vmem>>
      %dma_wait3A_226 = arith.constant 0 : i32
      %dma_wait3A_227 = arith.constant 0 : i32
      %dma_wait3A_228 = tpu.memref_slice %dma_wait3A_225[%dma_wait3A_226, %dma_wait3A_227] : memref<128x128xf32, #tpu.memory_space<vmem>> -> memref<48x128xf32, #tpu.memory_space<vmem>>
      %dma_wait3A_229 = arith.constant 0 : i32
      %dma_wait3A_230 = arith.constant 0 : i32
      %dma_wait3A_231 = arith.constant 0 : i32
      %dma_wait3A_232 = tpu.memref_slice %arg7[%arg0, %dma_wait3A_229, %dma_wait3A_230, %dma_wait3A_231] : memref<2x1x5376x128xf32, #tpu.memory_space<hbm>> -> memref<1x1x5376x128xf32, #tpu.memory_space<hbm>>
      %dma_wait3A_233 = tpu.memref_squeeze %dma_wait3A_232 : memref<1x1x5376x128xf32, #tpu.memory_space<hbm>> -> memref<1x5376x128xf32, #tpu.memory_space<hbm>>
      %dma_wait3A_234 = arith.constant 0 : i32
      %dma_wait3A_235 = arith.constant 0 : i32
      %dma_wait3A_236 = tpu.memref_slice %dma_wait3A_233[%run_scoped3A_176, %dma_wait3A_234, %dma_wait3A_235] : memref<1x5376x128xf32, #tpu.memory_space<hbm>> -> memref<1x5376x128xf32, #tpu.memory_space<hbm>>
      %dma_wait3A_237 = tpu.memref_squeeze %dma_wait3A_236 : memref<1x5376x128xf32, #tpu.memory_space<hbm>> -> memref<5376x128xf32, #tpu.memory_space<hbm>>
      %dma_wait3A_238 = arith.constant 0 : i32
      %dma_wait3A_239 = tpu.memref_slice %dma_wait3A_237[%add3A_173, %dma_wait3A_238] : memref<5376x128xf32, #tpu.memory_space<hbm>> -> memref<48x128xf32, #tpu.memory_space<hbm>>
      %dma_wait3A_240 = arith.constant 0 : i32
      %dma_wait3A_241 = arith.constant 0 : i32
      %dma_wait3A_242 = arith.constant 0 : i32
      %dma_wait3A_243 = tpu.memref_slice %arg7[%arg0, %dma_wait3A_240, %dma_wait3A_241, %dma_wait3A_242] : memref<2x1x5376x128xf32, #tpu.memory_space<hbm>> -> memref<1x1x5376x128xf32, #tpu.memory_space<hbm>>
      %dma_wait3A_244 = tpu.memref_squeeze %dma_wait3A_243 : memref<1x1x5376x128xf32, #tpu.memory_space<hbm>> -> memref<1x5376x128xf32, #tpu.memory_space<hbm>>
      %dma_wait3A_245 = arith.constant 0 : i32
      %dma_wait3A_246 = arith.constant 0 : i32
      %dma_wait3A_247 = tpu.memref_slice %dma_wait3A_244[%run_scoped3A_176, %dma_wait3A_245, %dma_wait3A_246] : memref<1x5376x128xf32, #tpu.memory_space<hbm>> -> memref<1x5376x128xf32, #tpu.memory_space<hbm>>
      %dma_wait3A_248 = tpu.memref_squeeze %dma_wait3A_247 : memref<1x5376x128xf32, #tpu.memory_space<hbm>> -> memref<5376x128xf32, #tpu.memory_space<hbm>>
      %dma_wait3A_249 = arith.constant 0 : i32
      %dma_wait3A_250 = tpu.memref_slice %dma_wait3A_248[%add3A_173, %dma_wait3A_249] : memref<5376x128xf32, #tpu.memory_space<hbm>> -> memref<48x128xf32, #tpu.memory_space<hbm>>
      %dma_wait3A_251 = arith.constant 0 : i32
      %dma_wait3A_252 = arith.constant 0 : i32
      %dma_wait3A_253 = tpu.memref_slice %arg15[%run_scoped3A_175, %dma_wait3A_251, %dma_wait3A_252] : memref<2x128x128xf32, #tpu.memory_space<vmem>> -> memref<1x128x128xf32, #tpu.memory_space<vmem>>
      %dma_wait3A_254 = tpu.memref_squeeze %dma_wait3A_253 : memref<1x128x128xf32, #tpu.memory_space<vmem>> -> memref<128x128xf32, #tpu.memory_space<vmem>>
      %dma_wait3A_255 = arith.constant 0 : i32
      %dma_wait3A_256 = arith.constant 0 : i32
      %dma_wait3A_257 = tpu.memref_slice %dma_wait3A_254[%dma_wait3A_255, %dma_wait3A_256] : memref<128x128xf32, #tpu.memory_space<vmem>> -> memref<48x128xf32, #tpu.memory_space<vmem>>
      tpu.wait_dma2 semaphore(%run_scoped3A_185 : memref<!tpu.dma_semaphore, #tpu.memory_space<semaphore_mem>>) src(%dma_wait3A_257 : memref<48x128xf32, #tpu.memory_space<vmem>>) dst(%dma_wait3A_250 : memref<48x128xf32, #tpu.memory_space<hbm>>)
      tpu.yield
    }) : () -> ()
    %mul3A_177 = arith.constant 336 : i32
    %mul3A_178 = arith.muli %arg1, %mul3A_177 : i32
    %add3A_179 = arith.constant 288 : i32
    %add3A_180 = arith.addi %mul3A_178, %add3A_179 : i32
    %run_scoped3A_181 = arith.constant 0 : i32
    "tpu.region"() ({
      %run_scoped3A_185 = tpu.sem_alloc : memref<!tpu.dma_semaphore, #tpu.memory_space<semaphore_mem>>
      %dma_start3A_186 = arith.constant 0 : i32
      %dma_start3A_187 = arith.constant 0 : i32
      %dma_start3A_188 = tpu.memref_slice %arg15[%run_scoped3A_181, %dma_start3A_186, %dma_start3A_187] : memref<2x128x128xf32, #tpu.memory_space<vmem>> -> memref<1x128x128xf32, #tpu.memory_space<vmem>>
      %dma_start3A_189 = tpu.memref_squeeze %dma_start3A_188 : memref<1x128x128xf32, #tpu.memory_space<vmem>> -> memref<128x128xf32, #tpu.memory_space<vmem>>
      %dma_start3A_190 = arith.constant 0 : i32
      %dma_start3A_191 = arith.constant 0 : i32
      %dma_start3A_192 = tpu.memref_slice %dma_start3A_189[%dma_start3A_190, %dma_start3A_191] : memref<128x128xf32, #tpu.memory_space<vmem>> -> memref<48x128xf32, #tpu.memory_space<vmem>>
      %dma_start3A_193 = arith.constant 0 : i32
      %dma_start3A_194 = tpu.memref_slice %arg19[%add3A_180, %dma_start3A_193] : memref<5376x128xf32, #tpu.memory_space<vmem_shared>> -> memref<48x128xf32, #tpu.memory_space<vmem_shared>>
      %dma_start3A_195 = arith.constant 0 : i32
      %dma_start3A_196 = arith.constant 0 : i32
      %dma_start3A_197 = tpu.memref_slice %arg15[%run_scoped3A_181, %dma_start3A_195, %dma_start3A_196] : memref<2x128x128xf32, #tpu.memory_space<vmem>> -> memref<1x128x128xf32, #tpu.memory_space<vmem>>
      %dma_start3A_198 = tpu.memref_squeeze %dma_start3A_197 : memref<1x128x128xf32, #tpu.memory_space<vmem>> -> memref<128x128xf32, #tpu.memory_space<vmem>>
      %dma_start3A_199 = arith.constant 0 : i32
      %dma_start3A_200 = arith.constant 0 : i32
      %dma_start3A_201 = tpu.memref_slice %dma_start3A_198[%dma_start3A_199, %dma_start3A_200] : memref<128x128xf32, #tpu.memory_space<vmem>> -> memref<48x128xf32, #tpu.memory_space<vmem>>
      %dma_start3A_202 = arith.constant 0 : i32
      %dma_start3A_203 = tpu.memref_slice %arg19[%add3A_180, %dma_start3A_202] : memref<5376x128xf32, #tpu.memory_space<vmem_shared>> -> memref<48x128xf32, #tpu.memory_space<vmem_shared>>
      tpu.enqueue_dma source(%dma_start3A_203 : memref<48x128xf32, #tpu.memory_space<vmem_shared>>) target(%dma_start3A_201 : memref<48x128xf32, #tpu.memory_space<vmem>>) target_semaphore(%run_scoped3A_185 : memref<!tpu.dma_semaphore, #tpu.memory_space<semaphore_mem>>)
      %dma_wait3A_204 = arith.constant 0 : i32
      %dma_wait3A_205 = arith.constant 0 : i32
      %dma_wait3A_206 = tpu.memref_slice %arg15[%run_scoped3A_181, %dma_wait3A_204, %dma_wait3A_205] : memref<2x128x128xf32, #tpu.memory_space<vmem>> -> memref<1x128x128xf32, #tpu.memory_space<vmem>>
      %dma_wait3A_207 = tpu.memref_squeeze %dma_wait3A_206 : memref<1x128x128xf32, #tpu.memory_space<vmem>> -> memref<128x128xf32, #tpu.memory_space<vmem>>
      %dma_wait3A_208 = arith.constant 0 : i32
      %dma_wait3A_209 = arith.constant 0 : i32
      %dma_wait3A_210 = tpu.memref_slice %dma_wait3A_207[%dma_wait3A_208, %dma_wait3A_209] : memref<128x128xf32, #tpu.memory_space<vmem>> -> memref<48x128xf32, #tpu.memory_space<vmem>>
      %dma_wait3A_211 = arith.constant 0 : i32
      %dma_wait3A_212 = tpu.memref_slice %arg19[%add3A_180, %dma_wait3A_211] : memref<5376x128xf32, #tpu.memory_space<vmem_shared>> -> memref<48x128xf32, #tpu.memory_space<vmem_shared>>
      %dma_wait3A_213 = arith.constant 0 : i32
      %dma_wait3A_214 = arith.constant 0 : i32
      %dma_wait3A_215 = tpu.memref_slice %arg15[%run_scoped3A_181, %dma_wait3A_213, %dma_wait3A_214] : memref<2x128x128xf32, #tpu.memory_space<vmem>> -> memref<1x128x128xf32, #tpu.memory_space<vmem>>
      %dma_wait3A_216 = tpu.memref_squeeze %dma_wait3A_215 : memref<1x128x128xf32, #tpu.memory_space<vmem>> -> memref<128x128xf32, #tpu.memory_space<vmem>>
      %dma_wait3A_217 = arith.constant 0 : i32
      %dma_wait3A_218 = arith.constant 0 : i32
      %dma_wait3A_219 = tpu.memref_slice %dma_wait3A_216[%dma_wait3A_217, %dma_wait3A_218] : memref<128x128xf32, #tpu.memory_space<vmem>> -> memref<48x128xf32, #tpu.memory_space<vmem>>
      %dma_wait3A_220 = arith.constant 0 : i32
      %dma_wait3A_221 = tpu.memref_slice %arg19[%add3A_180, %dma_wait3A_220] : memref<5376x128xf32, #tpu.memory_space<vmem_shared>> -> memref<48x128xf32, #tpu.memory_space<vmem_shared>>
      tpu.wait_dma2 semaphore(%run_scoped3A_185 : memref<!tpu.dma_semaphore, #tpu.memory_space<semaphore_mem>>) src(%dma_wait3A_221 : memref<48x128xf32, #tpu.memory_space<vmem_shared>>) dst(%dma_wait3A_219 : memref<48x128xf32, #tpu.memory_space<vmem>>)
      tpu.yield
    }) : () -> ()
    %run_scoped3A_182 = arith.constant 0 : i32
    %run_scoped3A_183 = arith.constant 0 : i32
    "tpu.region"() ({
      %run_scoped3A_185 = tpu.sem_alloc : memref<!tpu.dma_semaphore, #tpu.memory_space<semaphore_mem>>
      %dma_start3A_186 = arith.constant 0 : i32
      %dma_start3A_187 = arith.constant 0 : i32
      %dma_start3A_188 = tpu.memref_slice %arg15[%run_scoped3A_182, %dma_start3A_186, %dma_start3A_187] : memref<2x128x128xf32, #tpu.memory_space<vmem>> -> memref<1x128x128xf32, #tpu.memory_space<vmem>>
      %dma_start3A_189 = tpu.memref_squeeze %dma_start3A_188 : memref<1x128x128xf32, #tpu.memory_space<vmem>> -> memref<128x128xf32, #tpu.memory_space<vmem>>
      %dma_start3A_190 = arith.constant 0 : i32
      %dma_start3A_191 = arith.constant 0 : i32
      %dma_start3A_192 = tpu.memref_slice %dma_start3A_189[%dma_start3A_190, %dma_start3A_191] : memref<128x128xf32, #tpu.memory_space<vmem>> -> memref<48x128xf32, #tpu.memory_space<vmem>>
      %dma_start3A_193 = arith.constant 0 : i32
      %dma_start3A_194 = arith.constant 0 : i32
      %dma_start3A_195 = arith.constant 0 : i32
      %dma_start3A_196 = tpu.memref_slice %arg7[%arg0, %dma_start3A_193, %dma_start3A_194, %dma_start3A_195] : memref<2x1x5376x128xf32, #tpu.memory_space<hbm>> -> memref<1x1x5376x128xf32, #tpu.memory_space<hbm>>
      %dma_start3A_197 = tpu.memref_squeeze %dma_start3A_196 : memref<1x1x5376x128xf32, #tpu.memory_space<hbm>> -> memref<1x5376x128xf32, #tpu.memory_space<hbm>>
      %dma_start3A_198 = arith.constant 0 : i32
      %dma_start3A_199 = arith.constant 0 : i32
      %dma_start3A_200 = tpu.memref_slice %dma_start3A_197[%run_scoped3A_183, %dma_start3A_198, %dma_start3A_199] : memref<1x5376x128xf32, #tpu.memory_space<hbm>> -> memref<1x5376x128xf32, #tpu.memory_space<hbm>>
      %dma_start3A_201 = tpu.memref_squeeze %dma_start3A_200 : memref<1x5376x128xf32, #tpu.memory_space<hbm>> -> memref<5376x128xf32, #tpu.memory_space<hbm>>
      %dma_start3A_202 = arith.constant 0 : i32
      %dma_start3A_203 = tpu.memref_slice %dma_start3A_201[%add3A_180, %dma_start3A_202] : memref<5376x128xf32, #tpu.memory_space<hbm>> -> memref<48x128xf32, #tpu.memory_space<hbm>>
      %dma_start3A_204 = arith.constant 0 : i32
      %dma_start3A_205 = arith.constant 0 : i32
      %dma_start3A_206 = arith.constant 0 : i32
      %dma_start3A_207 = tpu.memref_slice %arg7[%arg0, %dma_start3A_204, %dma_start3A_205, %dma_start3A_206] : memref<2x1x5376x128xf32, #tpu.memory_space<hbm>> -> memref<1x1x5376x128xf32, #tpu.memory_space<hbm>>
      %dma_start3A_208 = tpu.memref_squeeze %dma_start3A_207 : memref<1x1x5376x128xf32, #tpu.memory_space<hbm>> -> memref<1x5376x128xf32, #tpu.memory_space<hbm>>
      %dma_start3A_209 = arith.constant 0 : i32
      %dma_start3A_210 = arith.constant 0 : i32
      %dma_start3A_211 = tpu.memref_slice %dma_start3A_208[%run_scoped3A_183, %dma_start3A_209, %dma_start3A_210] : memref<1x5376x128xf32, #tpu.memory_space<hbm>> -> memref<1x5376x128xf32, #tpu.memory_space<hbm>>
      %dma_start3A_212 = tpu.memref_squeeze %dma_start3A_211 : memref<1x5376x128xf32, #tpu.memory_space<hbm>> -> memref<5376x128xf32, #tpu.memory_space<hbm>>
      %dma_start3A_213 = arith.constant 0 : i32
      %dma_start3A_214 = tpu.memref_slice %dma_start3A_212[%add3A_180, %dma_start3A_213] : memref<5376x128xf32, #tpu.memory_space<hbm>> -> memref<48x128xf32, #tpu.memory_space<hbm>>
      %dma_start3A_215 = arith.constant 0 : i32
      %dma_start3A_216 = arith.constant 0 : i32
      %dma_start3A_217 = tpu.memref_slice %arg15[%run_scoped3A_182, %dma_start3A_215, %dma_start3A_216] : memref<2x128x128xf32, #tpu.memory_space<vmem>> -> memref<1x128x128xf32, #tpu.memory_space<vmem>>
      %dma_start3A_218 = tpu.memref_squeeze %dma_start3A_217 : memref<1x128x128xf32, #tpu.memory_space<vmem>> -> memref<128x128xf32, #tpu.memory_space<vmem>>
      %dma_start3A_219 = arith.constant 0 : i32
      %dma_start3A_220 = arith.constant 0 : i32
      %dma_start3A_221 = tpu.memref_slice %dma_start3A_218[%dma_start3A_219, %dma_start3A_220] : memref<128x128xf32, #tpu.memory_space<vmem>> -> memref<48x128xf32, #tpu.memory_space<vmem>>
      tpu.enqueue_dma source(%dma_start3A_221 : memref<48x128xf32, #tpu.memory_space<vmem>>) target(%dma_start3A_214 : memref<48x128xf32, #tpu.memory_space<hbm>>) target_semaphore(%run_scoped3A_185 : memref<!tpu.dma_semaphore, #tpu.memory_space<semaphore_mem>>)
      %dma_wait3A_222 = arith.constant 0 : i32
      %dma_wait3A_223 = arith.constant 0 : i32
      %dma_wait3A_224 = tpu.memref_slice %arg15[%run_scoped3A_182, %dma_wait3A_222, %dma_wait3A_223] : memref<2x128x128xf32, #tpu.memory_space<vmem>> -> memref<1x128x128xf32, #tpu.memory_space<vmem>>
      %dma_wait3A_225 = tpu.memref_squeeze %dma_wait3A_224 : memref<1x128x128xf32, #tpu.memory_space<vmem>> -> memref<128x128xf32, #tpu.memory_space<vmem>>
      %dma_wait3A_226 = arith.constant 0 : i32
      %dma_wait3A_227 = arith.constant 0 : i32
      %dma_wait3A_228 = tpu.memref_slice %dma_wait3A_225[%dma_wait3A_226, %dma_wait3A_227] : memref<128x128xf32, #tpu.memory_space<vmem>> -> memref<48x128xf32, #tpu.memory_space<vmem>>
      %dma_wait3A_229 = arith.constant 0 : i32
      %dma_wait3A_230 = arith.constant 0 : i32
      %dma_wait3A_231 = arith.constant 0 : i32
      %dma_wait3A_232 = tpu.memref_slice %arg7[%arg0, %dma_wait3A_229, %dma_wait3A_230, %dma_wait3A_231] : memref<2x1x5376x128xf32, #tpu.memory_space<hbm>> -> memref<1x1x5376x128xf32, #tpu.memory_space<hbm>>
      %dma_wait3A_233 = tpu.memref_squeeze %dma_wait3A_232 : memref<1x1x5376x128xf32, #tpu.memory_space<hbm>> -> memref<1x5376x128xf32, #tpu.memory_space<hbm>>
      %dma_wait3A_234 = arith.constant 0 : i32
      %dma_wait3A_235 = arith.constant 0 : i32
      %dma_wait3A_236 = tpu.memref_slice %dma_wait3A_233[%run_scoped3A_183, %dma_wait3A_234, %dma_wait3A_235] : memref<1x5376x128xf32, #tpu.memory_space<hbm>> -> memref<1x5376x128xf32, #tpu.memory_space<hbm>>
      %dma_wait3A_237 = tpu.memref_squeeze %dma_wait3A_236 : memref<1x5376x128xf32, #tpu.memory_space<hbm>> -> memref<5376x128xf32, #tpu.memory_space<hbm>>
      %dma_wait3A_238 = arith.constant 0 : i32
      %dma_wait3A_239 = tpu.memref_slice %dma_wait3A_237[%add3A_180, %dma_wait3A_238] : memref<5376x128xf32, #tpu.memory_space<hbm>> -> memref<48x128xf32, #tpu.memory_space<hbm>>
      %dma_wait3A_240 = arith.constant 0 : i32
      %dma_wait3A_241 = arith.constant 0 : i32
      %dma_wait3A_242 = arith.constant 0 : i32
      %dma_wait3A_243 = tpu.memref_slice %arg7[%arg0, %dma_wait3A_240, %dma_wait3A_241, %dma_wait3A_242] : memref<2x1x5376x128xf32, #tpu.memory_space<hbm>> -> memref<1x1x5376x128xf32, #tpu.memory_space<hbm>>
      %dma_wait3A_244 = tpu.memref_squeeze %dma_wait3A_243 : memref<1x1x5376x128xf32, #tpu.memory_space<hbm>> -> memref<1x5376x128xf32, #tpu.memory_space<hbm>>
      %dma_wait3A_245 = arith.constant 0 : i32
      %dma_wait3A_246 = arith.constant 0 : i32
      %dma_wait3A_247 = tpu.memref_slice %dma_wait3A_244[%run_scoped3A_183, %dma_wait3A_245, %dma_wait3A_246] : memref<1x5376x128xf32, #tpu.memory_space<hbm>> -> memref<1x5376x128xf32, #tpu.memory_space<hbm>>
      %dma_wait3A_248 = tpu.memref_squeeze %dma_wait3A_247 : memref<1x5376x128xf32, #tpu.memory_space<hbm>> -> memref<5376x128xf32, #tpu.memory_space<hbm>>
      %dma_wait3A_249 = arith.constant 0 : i32
      %dma_wait3A_250 = tpu.memref_slice %dma_wait3A_248[%add3A_180, %dma_wait3A_249] : memref<5376x128xf32, #tpu.memory_space<hbm>> -> memref<48x128xf32, #tpu.memory_space<hbm>>
      %dma_wait3A_251 = arith.constant 0 : i32
      %dma_wait3A_252 = arith.constant 0 : i32
      %dma_wait3A_253 = tpu.memref_slice %arg15[%run_scoped3A_182, %dma_wait3A_251, %dma_wait3A_252] : memref<2x128x128xf32, #tpu.memory_space<vmem>> -> memref<1x128x128xf32, #tpu.memory_space<vmem>>
      %dma_wait3A_254 = tpu.memref_squeeze %dma_wait3A_253 : memref<1x128x128xf32, #tpu.memory_space<vmem>> -> memref<128x128xf32, #tpu.memory_space<vmem>>
      %dma_wait3A_255 = arith.constant 0 : i32
      %dma_wait3A_256 = arith.constant 0 : i32
      %dma_wait3A_257 = tpu.memref_slice %dma_wait3A_254[%dma_wait3A_255, %dma_wait3A_256] : memref<128x128xf32, #tpu.memory_space<vmem>> -> memref<48x128xf32, #tpu.memory_space<vmem>>
      tpu.wait_dma2 semaphore(%run_scoped3A_185 : memref<!tpu.dma_semaphore, #tpu.memory_space<semaphore_mem>>) src(%dma_wait3A_257 : memref<48x128xf32, #tpu.memory_space<vmem>>) dst(%dma_wait3A_250 : memref<48x128xf32, #tpu.memory_space<hbm>>)
      tpu.yield
    }) : () -> ()
    %barrier3A_184 = arith.constant 0 : index
    tpu.barrier barrier_id(%barrier3A_184)
    return
  }
}

</mosaic_0001>

<sc_bundles>
// kernel: sc_gat_1.3.cloned.1.call-start
scs
__scs_entry_jumppad:
0x0: {  	(pc) =	sbr.rel $0x88, $3  }
0x1: {  	(tag) =	ssettag $0x0;
	lr =	simm.s32 $0x1  }
0x2: {  	[smem:$0x3F9C] =	sst lr;
	_ =	strace $0xD0000000  }
0x3: {  	_ = 	snop  }
0x4: {  	_ = 	snop  }
0x5: {  	_ = 	snop  }
0x6: {  	_ = 	snop  }
0x7: {  	_ = 	snop  }
__scs_overlays_trampoline_lowered:
0x8: {  	[smem:$0x3FAB] =	sst s0  }
0x9: {  	[smem:$0x3FAC] =	sst s1  }
0xa: {  	[smem:$0x3FAD] =	sst s2  }
0xb: {  	[smem:$0x3FAE] =	sst s3  }
0xc: {  	[smem:$0x3FAF] =	sst s4  }
0xd: {  	[smem:$0x3FB0] =	sst s5  }
0xe: {  	[smem:$0x3FB1] =	sst s6  }
0xf: {  	[smem:$0x3FB2] =	sst s7  }
0x10: {  	[smem:$0x3FB3] =	sst s8  }
0x11: {  	[smem:$0x3FB4] =	sst s9;
	s0 =	simm.s32 @!p0 $0x0  }
0x12: {  	s1 =	sld [smem:$0x3F9A];
	s0 =	simm.s32 @p0 $0x1  }
0x13: {  	[smem:$0x3FB5] =	sst s0;
	s0 =	simm.s32 @!p1 $0x0  }
0x14: {  	s2 =	sld [smem:$0x3F99];
	s0 =	simm.s32 @p1 $0x1  }
0x15: {  	[smem:$0x3FB6] =	sst s0;
	s0 =	simm.s32 @!p2 $0x0  }
0x16: {  	s3 =	sld [smem:$0x3FDB];
	s0 =	simm.s32 @p2 $0x1  }
0x17: {  	s4 =	simm.s32 $0x1BF5;
	[smem:$0x3FB8] =	sst s0  }
0x18: {  	s0 =	sld [smem:$0x3F9B];
	_ =	swait.ge [sflag:s4], $0x0  }
0x19: {  	s7 =	sld [smem:$0x3F9C]  }
0x1a: {  	s8 =	sadd.s32 $0xFFFFE003, lr  }
0x1b: {  	s9 =	sadd.s32 $0xFFFFFEF7, lr;
	s5 =	simm.s32 $0xFFFFFFFF;
	p2 =	slt.u32 s8, $0xFFFFF086  }
0x1c: {  	p1 =	slt.u32 s9, $0xF7A;
	s5 =	simm.s32 @!p2 $0x0  }
0x1d: {  	s5 =	simm.s32 @p1 $0x1;
	p0 =	seq.s32 s7, s2  }
0x1e: {  	s7 =	smul.u32 @!p0 $0xF7A, s2;
	p2 =	seq.s32 @!p0 s5, $0x0  }
0x1f: {  	s9 =	smul.u32 $0xF7A, s1;
	s8 =	simm.s32 @!p0 $0x1BF5;
	p2 =	por !p2, p0  }
0x20: {  	[sflag:s8] =	ssyncset.s32 @!p0 $0xFFFFF086;
	s6 =	sadd.s32 @!p0 s3, s7;
	s7 =	simm.s32 @!p0 $0x108  }
0x21: {  	s3 =	sadd.s32 s3, s9;
	s6 =	sadd.s32 @!p0 $0x88, s6;
	s7 =	simm.s32 @p2 $0x1082  }
0x22: {  	[simem:s7], [sflag:s8] =	dma.local @!p0 [hbm:s6], $0xF7A  }
0x23: {  	s9 =	sor.u32 $0xD0000000, s2;
	s6 =	simm.s32 $0x108;
	_ =	swait.ge @!p0 [sflag:s8], $0x0  }
0x24: {  	s3 =	sadd.s32 $0x88, s3;
	s6 =	simm.s32 @!p1 $0x1082;
	[sflag:s4] =	ssyncset.s32 $0xFFFFF086  }
0x25: {  	[simem:s6], [sflag:s4] =	dma.local [hbm:s3], $0xF7A  }
0x26: {  	[smem:$0x3F9C] =	sst s1;
	(tag) =	ssettag s2;
	_ =	strace s9  }
0x27: {  	s1 =	sld [smem:$0x3FAC]  }
0x28: {  	s2 =	sld [smem:$0x3FAD]  }
0x29: {  	s4 =	sld [smem:$0x3FAF]  }
0x2a: {  	p0 =	seq.s32 s5, $0x0;
	s5 =	sld [smem:$0x3FB0]  }
0x2b: {  	s6 =	sld [smem:$0x3FB1]  }
0x2c: {  	s7 =	sld [smem:$0x3FB2]  }
0x2d: {  	s3 =	simm.s32 $0x108;
	s8 =	sld [smem:$0x3FB3]  }
0x2e: {  	s3 =	simm.s32 @!p0 $0x1082;
	s9 =	sld [smem:$0x3FB4]  }
0x2f: {  	lr =	sadd.s32 s0, s3;
	s0 =	sld [smem:$0x3FAB]  }
0x30: {  	s3 =	sld [smem:$0x3FAE]  }
0x31: {  	[smem:$0x3FB7] =	sst s10  }
0x32: {  	s10 =	sld [smem:$0x3FB5];
	_ =	sdelay $0x3  }
0x33: {  	p0 =	seq.s32 s10, $0x1;
	s10 =	sld [smem:$0x3FB7];
	_ =	sdelay $0x3  }
0x34: {  	[smem:$0x3FB7] =	sst s10  }
0x35: {  	s10 =	sld [smem:$0x3FB6];
	_ =	sdelay $0x3  }
0x36: {  	p1 =	seq.s32 s10, $0x1;
	s10 =	sld [smem:$0x3FB7];
	_ =	sdelay $0x3  }
0x37: {  	[smem:$0x3FB7] =	sst s10  }
0x38: {  	s10 =	sld [smem:$0x3FB8]  }
0x39: {  	_ = 	snop;
	(pc) =	sbr.ind lr, $3  }
0x3a: {  	_ = 	snop  }
0x3b: {  	_ = 	snop  }
0x3c: {  	p2 =	seq.s32 s10, $0x1;
	s10 =	sld [smem:$0x3FB7]  }
0x3d: {  	_ =	shalt  }
0x3e: {  	_ =	shalt  }
0x3f: {  	_ =	shalt  }
0x40: {  	_ =	shalt  }
0x41: {  	_ =	shalt  }
0x42: {  	_ =	shalt  }
0x43: {  	_ =	shalt  }
0x44: {  	_ =	shalt  }
0x45: {  	_ =	shalt  }
0x46: {  	_ =	shalt  }
0x47: {  	_ =	shalt  }
0x48: {  	_ =	shalt  }
0x49: {  	_ =	shalt  }
0x4a: {  	_ =	shalt  }
0x4b: {  	_ =	shalt  }
0x4c: {  	_ =	shalt  }
0x4d: {  	_ =	shalt  }
0x4e: {  	_ =	shalt  }
0x4f: {  	_ =	shalt  }
0x50: {  	_ =	shalt  }
0x51: {  	_ =	shalt  }
0x52: {  	_ =	shalt  }
0x53: {  	_ =	shalt  }
0x54: {  	_ =	shalt  }
0x55: {  	_ =	shalt  }
0x56: {  	_ =	shalt  }
0x57: {  	_ =	shalt  }
0x58: {  	_ =	shalt  }
0x59: {  	_ =	shalt  }
0x5a: {  	_ =	shalt  }
0x5b: {  	_ =	shalt  }
0x5c: {  	_ =	shalt  }
0x5d: {  	_ =	shalt  }
0x5e: {  	_ =	shalt  }
0x5f: {  	_ =	shalt  }
0x60: {  	_ =	shalt  }
0x61: {  	_ =	shalt  }
0x62: {  	_ =	shalt  }
0x63: {  	_ =	shalt  }
0x64: {  	_ =	shalt  }
0x65: {  	_ =	shalt  }
0x66: {  	_ =	shalt  }
0x67: {  	_ =	shalt  }
0x68: {  	_ =	shalt  }
0x69: {  	_ =	shalt  }
0x6a: {  	_ =	shalt  }
0x6b: {  	_ =	shalt  }
0x6c: {  	_ =	shalt  }
0x6d: {  	_ =	shalt  }
0x6e: {  	_ =	shalt  }
0x6f: {  	_ =	shalt  }
0x70: {  	_ =	shalt  }
0x71: {  	_ =	shalt  }
0x72: {  	_ =	shalt  }
0x73: {  	_ =	shalt  }
0x74: {  	_ =	shalt  }
0x75: {  	_ =	shalt  }
0x76: {  	_ =	shalt  }
0x77: {  	_ =	shalt  }
0x78: {  	_ =	shalt  }
0x79: {  	_ =	shalt  }
0x7a: {  	_ =	shalt  }
0x7b: {  	_ =	shalt  }
0x7c: {  	_ =	shalt  }
0x7d: {  	_ =	shalt  }
0x7e: {  	_ =	shalt  }
0x7f: {  	_ =	shalt  }
0x80: {  	_ =	shalt  }
0x81: {  	_ =	shalt  }
0x82: {  	_ =	shalt  }
0x83: {  	_ =	shalt  }
0x84: {  	_ =	shalt  }
0x85: {  	_ =	shalt  }
0x86: {  	_ =	shalt  }
0x87: {  	_ =	shalt  }
.Lfunc_end0:
.L_simem_size_0:
called_computation_lowered:
.L_overlay_start_0:
0x88: {  	s2 =	sld [smem:$0x3FD9]  }
0x89: {  	s3 =	sld [smem:$0x3FFE];
	_ =	sdelay $0x1  }
0x8a: {  	s1 =	srdreg.scid  }
0x8b: {  	s0 =	sand.u32 $0x1, s1  }
0x8c: {  	s17 =	sshll.u32 s0, $0xA;
	s2 =	sadd.s32 s3, s2  }
0x8d: {  	s2 =	sadd.s32 s2, s17  }
0x8e: {  	[smem:$0x3FC3] =	sst s2  }
0x8f: {  	_ = 	snop  }
0x90: {  	s2 =	sld [smem:$0x3FC9]  }
0x91: {  	s18 =	sld [smem:$0x3FC8]  }
0x92: {  	s4 =	sld [smem:$0x3FC7]  }
0x93: {  	s5 =	sld [smem:$0x3FD0];
	(tm) =	ssettm $0x1  }
0x94: {  	s6 =	sld [smem:$0x3FFB];
	_ =	sdelay $0x3  }
0x95: {  	_ =	strace s6  }
0x96: {  	s6 =	sld [smem:$0x3FFC];
	_ =	sdelay $0x3  }
0x97: {  	_ =	strace s6  }
0x98: {  	s6 =	sld [smem:$0x3FFD];
	_ =	sdelay $0x3  }
0x99: {  	_ =	strace s6  }
0x9a: {  	_ =	strace $0x8FFFFFFF  }
0x9b: {  	s19 =	sld [smem:$0x3FDB];
	_ =	sdelay $0x1  }
0x9c: {  	s7 =	simm.s32 $_scs_section_size  }
0x9d: {  	s8 =	simm.s32 $_size__tile_overlayer_lowered;
	s9 =	simm.s32 $_tile_overlayer_lowered  }
0x9e: {  	s22 =	simm.s32 $0x1BFF;
	s21 =	sshll.u32 s9, $0x1;
	s6 =	sadd.s32 s7, s19  }
0x9f: {  	s10 =	simm.s32 $0x0;
	s20 =	sshll.u32 s8, $0x1;
	s8 =	sadd.s32 s21, s6  }
0xa0: {  	[timem:s10], [sflag:s22] =	dma.local [hbm:s8], s20  }
0xa1: {  	_ =	swait.ge [sflag:s22], s20  }
0xa2: {  	s7 =	ssub.s32 $0x0, s20;
	[sflag:s22] =	ssyncset.done $0x0  }
0xa3: {  	[sflag:s22] =	ssyncadd.s32 s7;
	_ =	sdelay $0x1  }
0xa4: {  	s23 =	simm.s32 $0x1B8B  }
0xa5: {  	_ =	swait.ge [sflag:s23], $0x1  }
0xa6: {  	[sflag:s23] =	ssyncset.done $0x0  }
0xa7: {  	s25 =	simm.s32 $0x1B8E;
	s24 =	sld [smem:$0x3FFE];
	[sflag:s23] =	ssyncadd.s32 $0xFFFFFFFF  }
0xa8: {  	s26 =	simm.s32 $execute0_lowered;
	[smem:$0x3FD2] =	sst s25  }
0xa9: {  	s8 =	sshll.u32 s26, $0x1;
	_ =	strace $0x80000046;
	[dreg:$0x1] =	wrdreg $0xFFFFFFFF  }
0xaa: {  	s28 =	simm.s32 $_size_execute0_lowered;
	s6 =	sadd.s32 s6, s8;
	[dreg:$0x0] =	wrdreg $0x0  }
0xab: {  	s8 =	sshll.u32 s28, $0x1;
	[dreg:$0x2] =	wrdreg s6  }
0xac: {  	[dreg:$0x3] =	wrdreg s8  }
0xad: {  	[dreg:$0x4] =	wrdreg $0xC0  }
0xae: {  	_ =	task [dreg:s10], $0x5FFFF  }
0xaf: {  	[dreg:$0x1] =	wrdreg $0xFFFFFFFF  }
0xb0: {  	[dreg:$0x0] =	wrdreg $0x60  }
0xb1: {  	[dreg:$0x2] =	wrdreg s2  }
0xb2: {  	[dreg:$0x3] =	wrdreg s18  }
0xb3: {  	[dreg:$0x4] =	wrdreg s4  }
0xb4: {  	[dreg:$0x5] =	wrdreg s24  }
0xb5: {  	[dreg:$0x6] =	wrdreg s5  }
0xb6: {  	[dreg:$0x7] =	wrdreg $0x14E500  }
0xb7: {  	[dreg:$0x8] =	wrdreg $0x14D000  }
0xb8: {  	[dreg:$0x9] =	wrdreg $0x9  }
0xb9: {  	_ =	task.clear_ibuf [dreg:s10], $0xAFFFF;
	_ =	strace $0x90000046  }
0xba: {  	s29 =	simm.s32 $0x9;
	_ =	strace $0x80000048  }
0xbb: {  	_ =	swait.ge [sflag:s29], $0x1  }
0xbc: {  	[sflag:s29] =	ssyncadd.s32 $0xFFFFFFFF  }
0xbd: {  	_ =	strace $0x90000048  }
0xbe: {  	_ =	sfence  }
0xbf: {  	s30 =	sld [smem:$0x0];
	_ =	sdelay $0x2  }
0xc0: {  	s31 =	sshll.u32 s1, $0xD;
	s1 =	sshrl.u32 s1, $0x2  }
0xc1: {  	s3 =	sand.u32 $0x4000, s31;
	s1 =	sadd.s32 s1, s30  }
0xc2: {  	s0 =	sor.u32 s3, s0;
	s1 =	sshll.u32 s1, $0x11  }
0xc3: {  	s0 =	sor.u32 s1, s0  }
0xc4: {  	s0 =	sadd.s32 $0x8F2B, s0  }
0xc5: {  	[sflag:s0] =	ssyncadd.remote.s32 $0x1  }
0xc6: {  	_ =	sfence.sel $0xFFFF  }
0xc7: {  	[dreg:$0x0] =	wrdreg $0xFFFFFFFF;
	(pc) =	sbr.abs _section_cstart, $3  }
0xc8: {  	[dreg:$0x1] =	wrdreg $0xFFFFFFFF  }
0xc9: {  	_ =	task.clear_ibuf [dreg:s10], $0x2FFFF;
	_ =	strace $0x9FFFFFFF  }
0xca: {  	(tm) =	ssettm $0x7FFFFFFF  }
0xcb: {  	_ =	shalt  }
tec
execute0_lowered:
.L_overlay_start_1:
0x0: {  	(tag) =	ssettag $0x1  }
0x1: {  	s0 =	rddreg [dreg:$0x0]  }
0x2: {  	s1 =	rddreg [dreg:$0x1]  }
0x3: {  	s3 =	rddreg [dreg:$0x2]  }
0x4: {  	s2 =	rddreg [dreg:$0x3]  }
0x5: {  	s4 =	rddreg [dreg:$0x4]  }
0x6: {  	s5 =	rddreg [dreg:$0x5]  }
0x7: {  	s6 =	rddreg [dreg:$0x6]  }
0x8: {  	s7 =	srdreg.scid;
	s19 =	stileid.u32  }
0x9: {  	s29 =	simm.s32 $0x200;
	s28 =	simm.s32 $0x4;
	s9 =	smul.u32 $0x580, s19  }
0xa: {  	s31 =	simm.s32 $0x80;
	s30 =	simm.s32 $0x1;
	s12 =	smul.u32 $0x150, s19  }
0xb: {  	s8 =	sand.u32 $0x1, s7;
	s7 =	simm.s32 $0x0;
	s25 =	smul.u32 $0x1500, s19  }
0xc: {  	s10 =	ssub.s32 $0x2, s8;
	[smem:$0x7FF] =	sst s7;
	s14 =	smul.u32 $0x15000, s8  }
0xd: {  	s11 =	sshrl.u32 s10, $0x1;
	s2 =	sadd.s32 s9, s2;
	s13 =	sadd.s32 $0x60, s12  }
0xe: {  	s15 =	sadd.s32 $0x90, s12;
	s16 =	sadd.s32 $0xC0, s12;
	s17 =	sadd.s32 $0xF0, s12  }
0xf: {  	s18 =	sadd.s32 $0x120, s12;
	s9 =	ssub.s32 s10, s11;
	s10 =	smul.u32 $0x2A000, s19  }
0x10: {  	s11 =	sadd.s32 $0x30, s12;
	s4 =	sadd.s32 s4, s14;
	s20 =	sshll.u32 s13, $0x4  }
0x11: {  	s21 =	sshll.u32 s15, $0x4;
	s22 =	sshll.u32 s16, $0x4;
	s14 =	sadd.s32 s25, s4  }
0x12: {  	s23 =	sshll.u32 s17, $0x4;
	s20 =	sadd.s32 s20, s4;
	[dreg:$0x8] =	wrdreg s14  }
0x13: {  	s26 =	sshll.u32 s11, $0x4;
	s21 =	sadd.s32 s21, s4;
	[dreg:$0xa] =	wrdreg s20  }
0x14: {  	s22 =	sadd.s32 s22, s4;
	s24 =	sadd.s32 s23, s4;
	[dreg:$0xb] =	wrdreg s21  }
0x15: {  	s25 =	sshll.u32 s18, $0x4;
	s11 =	sshll.u32 s11, $0x7;
	[dreg:$0xc] =	wrdreg s22  }
0x16: {  	s19 =	sadd.s32 s26, s4;
	[dreg:$0xd] =	wrdreg s24;
	s4 =	sadd.s32 s25, s4  }
0x17: {  	s14 =	smul.u32 $0x1400, s8;
	s26 =	sadd.s32 $0x400, s2;
	s2 =	sadd.s32 $0x5C00, s2  }
0x18: {  	s8 =	sshrl.u32 s10, $0x2;
	s10 =	sadd.s32 s12, s6;
	[dreg:$0x9] =	wrdreg s19  }
0x19: {  	s21 =	sadd.s32 s11, s5;
	s12 =	sshll.u32 s13, $0x7;
	[dreg:$0xe] =	wrdreg s4  }
0x1a: {  	s13 =	sshll.u32 s15, $0x7;
	_ =	strace $0x80000047;
	[dreg:$0xf] =	wrdreg s26  }
0x1b: {  	s15 =	sshll.u32 s16, $0x7;
	s16 =	sshll.u32 s17, $0x7;
	[dreg:$0x10] =	wrdreg s2  }
0x1c: {  	s17 =	sshll.u32 s18, $0x7;
	s18 =	smax.u32 s9, $0x1;
	[dreg:$0x11] =	wrdreg s10  }
0x1d: {  	s9 =	simm.s32 $0x3;
	s20 =	sadd.s32 s8, s5;
	[dreg:$0x19] =	wrdreg s18  }
0x1e: {  	s22 =	sadd.s32 s12, s5;
	s23 =	sadd.s32 s13, s5;
	[dreg:$0x12] =	wrdreg s20  }
0x1f: {  	s24 =	sadd.s32 s15, s5;
	s25 =	sadd.s32 s16, s5;
	[dreg:$0x13] =	wrdreg s21  }
0x20: {  	s4 =	simm.s32 $0x180;
	s8 =	simm.s32 $0x2;
	[dreg:$0x14] =	wrdreg s22  }
0x21: {  	s12 =	simm.s32 $0xB380;
	s13 =	simm.s32 $0xF380;
	[dreg:$0x15] =	wrdreg s23  }
0x22: {  	s26 =	sadd.s32 s17, s5;
	s19 =	sadd.s32 $0x1400, s14;
	[dreg:$0x16] =	wrdreg s24  }
0x23: {  	s17 =	simm.s32 $0x5A00;
	s2 =	simm.s32 $0x100;
	[dreg:$0x17] =	wrdreg s25  }
0x24: {  	v2 =	vimm.f32 $0.0e+00;
	s10 =	simm.s32 $0xB300;
	v0 =	vmov s14;
	s14 =	simm.s32 $0x0;
	v1 =	vmov s19;
	[dreg:$0x18] =	wrdreg s26  }
.LBB2_1:
0x25: {  	[dreg:$0x1a] =	wrdreg s14  }
0x26: {  	s11 =	rddreg [dreg:$0xf]  }
0x27: {  	[tilespmem:s29], [sflag:$0x4] =	stream.linear.gather [hbm4b:s11+s7], $0x2A00, $0x38;
	[tilespmem:$0x1F650] =	vst v63  }
0x28: {  	_ =	swait.ge [sflag:s28], $0x2A00  }
0x29: {  	[sflag:s28] =	ssyncset.done $0x0  }
0x2a: {  	s19 =	rddreg [dreg:$0x10];
	[sflag:s28] =	ssyncadd.s32 $0xFFFFD600  }
0x2b: {  	[tilespmem:s17], [sflag:$0x4] =	stream.linear.gather [hbm4b:s19+s7], $0x2A00, $0x38;
	[tilespmem:$0x1F650] =	vst v63  }
0x2c: {  	_ =	swait.ge [sflag:s28], $0x2A00  }
0x2d: {  	[sflag:s28] =	ssyncset.done $0x0  }
0x2e: {  	s15 =	simm.s32 $0x0;
	s16 =	simm.s32 $0x200;
	[sflag:s28] =	ssyncadd.s32 $0xFFFFD600  }
.LBB2_2:
0x2f: {  	p0 =	sne.s32 s16, $0x5E00;
	[tilespmem:s15+$0x133F0] =	vst v2  }
0x30: {  	[tilespmem:s15+$0x13380] =	vst v2  }
0x31: {  	[tilespmem:s15+$0x13390] =	vst v2  }
.Ltmp0:
0x32: {  	[tilespmem:s15+$0x133A0] =	vst v2;
	(pc) =	sbr.rel @p0 .LBB2_2-.Ltmp0, $4  }
0x33: {  	[tilespmem:s15+$0x133B0] =	vst v2  }
0x34: {  	[tilespmem:s15+$0x133C0] =	vst v2  }
0x35: {  	[tilespmem:s15+$0x133D0] =	vst v2  }
0x36: {  	[tilespmem:s15+$0x133E0] =	vst v2;
	s15 =	sshra.s32 s16, $0x2;
	s16 =	sadd.s32 $0x200, s16  }
0x37: {  	[tilespmem:s15+$0x133F0] =	vst v2  }
0x38: {  	[tilespmem:s15+$0x13380] =	vst v2  }
0x39: {  	[tilespmem:s15+$0x13390] =	vst v2  }
0x3a: {  	[tilespmem:s15+$0x133A0] =	vst v2  }
0x3b: {  	[tilespmem:s15+$0x133B0] =	vst v2  }
0x3c: {  	[tilespmem:s15+$0x133C0] =	vst v2  }
0x3d: {  	[tilespmem:s15+$0x133D0] =	vst v2  }
0x3e: {  	[tilespmem:s15+$0x133E0] =	vst v2  }
0x3f: {  	[tilespmem:$0x14B80] =	vst v2  }
0x40: {  	[tilespmem:$0x14B90] =	vst v2  }
0x41: {  	[tilespmem:$0x14BA0] =	vst v2  }
0x42: {  	[tilespmem:$0x14BB0] =	vst v2  }
0x43: {  	[tilespmem:$0x14BC0] =	vst v2  }
0x44: {  	[tilespmem:$0x14BD0] =	vst v2  }
0x45: {  	[tilespmem:$0x14BE0] =	vst v2  }
0x46: {  	[tilespmem:$0x14BF0] =	vst v2  }
0x47: {  	[tilespmem:$0x14C00] =	vst v2  }
0x48: {  	[tilespmem:$0x14C10] =	vst v2  }
0x49: {  	[tilespmem:$0x14C20] =	vst v2  }
0x4a: {  	[tilespmem:$0x14C30] =	vst v2  }
0x4b: {  	[tilespmem:$0x14C40] =	vst v2  }
0x4c: {  	[tilespmem:$0x14C50] =	vst v2  }
0x4d: {  	[tilespmem:$0x14C60] =	vst v2  }
0x4e: {  	[tilespmem:$0x14C70] =	vst v2  }
0x4f: {  	[tilespmem:$0x14C80] =	vst v2  }
0x50: {  	[tilespmem:$0x14C90] =	vst v2  }
0x51: {  	[tilespmem:$0x14CA0] =	vst v2  }
0x52: {  	[tilespmem:$0x14CB0] =	vst v2  }
0x53: {  	s11 =	rddreg [dreg:$0x11];
	s14 =	simm.s32 $0x14B80;
	[tilespmem:$0x14CC0] =	vst v2  }
0x54: {  	[spmem:s11] =	stream.linear.scatter [tilespmem:s14], [sflag:$0x4], $0x150, $0x38;
	[tilespmem:$0x1F650] =	vst v63  }
0x55: {  	_ =	swait.ge [sflag:s28], $0x150  }
0x56: {  	[sflag:s28] =	ssyncset.done $0x0  }
.Ltmp1:
0x57: {  	[sflag:s28] =	ssyncadd.s32 $0xFFFFFEB0;
	(pc) =	sbr.rel .LBB2_4-.Ltmp1, $4  }
0x58: {  	s15 =	simm.s32 $0x0;
	[bflag:$0x0] =	sbarrier.arrive $0xFFFF  }
0x59: {  	[tilespmem:s15], [sflag:$0x1] =	stream.indirect.gather [hbm4b:s1+s31], $0x1, s29, s31, $0xb8;
	[tilespmem:$0x1F650] =	vst v63  }
0x5a: {  	_ = 	snop  }
0x5b: {  	[tilespmem:s31], [sflag:$0x1] =	stream.indirect.gather [hbm4b:s3+s31], $0x1, s17, s31, $0xb8;
	[tilespmem:$0x1F650] =	vst v63  }
.LBB2_5:
0x5c: {  	[spmem:s6] =	stream.indirect.scatter.add.f32 [tilespmem:s18], [sflag:$0x3], $0x1, s17, s31, $0xb8;
	[tilespmem:$0x1F650] =	vst v63  }
.LBB2_7:
0x5d: {  	s17 =	sadd.s32 $0x300, s16  }
0x5e: {  	[tilespmem:s7], [sflag:$0x1] =	stream.indirect.gather [hbm4b:s1+s31], $0x1, s17, s31, $0xb8;
	[tilespmem:$0x1F650] =	vst v63  }
0x5f: {  	s19 =	sadd.s32 $0x5B00, s16  }
0x60: {  	[tilespmem:s31], [sflag:$0x1] =	stream.indirect.gather [hbm4b:s3+s31], $0x1, s19, s31, $0xb8;
	[tilespmem:$0x1F650] =	vst v63  }
.LBB2_8:
0x61: {  	_ =	swait.ge [sflag:s8], $0x80  }
0x62: {  	[sflag:s8] =	ssyncset.done $0x0  }
0x63: {  	[sflag:s8] =	ssyncadd.s32 $0xFFFFFF80  }
0x64: {  	_ =	swait.ge [sflag:s8], $0x80  }
0x65: {  	[sflag:s8] =	ssyncset.done $0x0  }
0x66: {  	[sflag:s8] =	ssyncadd.s32 $0xFFFFFF80  }
0x67: {  	v3 =	vld [tilespmem:s16+$0x5A80];
	_ =	sdelay $0x4  }
0x68: {  	vm0 =	vge.s32 v3, v0;
	vm1 =	vlt.s32 v3, v1;
	v4 =	vand.u32 $0xFF, v3  }
0x69: {  	v3 =	vsub.s32 v3, v0;
	vm0 =	vmand vm0, vm1;
	v4 =	vor.u32 $0x1400, v4  }
0x6a: {  	v3 =	vsel vm0, v3, v4  }
0x6b: {  	[tilespmem:s16+$0x2E80] =	vst v3  }
0x6c: {  	v3 =	vld [tilespmem:$0x100]  }
0x6d: {  	v43 =	vld [tilespmem:$0x180];
	_ =	sdelay $0x4  }
0x6e: {  	v3 =	vadd.f32 v43, v3;
	_ =	sdelay $0x1  }
0x6f: {  	v4 =	vmul.f32 $2.000000030e-01, v3  }
0x70: {  	vm6 =	vge.f32 v3, $0.0e+00  }
0x71: {  	v3 =	vsel vm6, v3, v4  }
0x72: {  	v3 =	vmul.f32 $1.442695020e+00, v3;
	_ =	sdelay $0x1  }
0x73: {  	(erf) = vpow2.f32 v3  }
0x74: {  	v3 =	vld [tilespmem:s16+$0x5A90];
	_ =	sdelay $0x4  }
0x75: {  	vm7 =	vge.s32 v3, v0;
	vm8 =	vlt.s32 v3, v1;
	v44 =	vand.u32 $0xFF, v3  }
0x76: {  	v3 =	vsub.s32 v3, v0;
	vm0 =	vmand vm7, vm8;
	v4 =	vor.u32 $0x1400, v44  }
0x77: {  	v3 =	vsel vm0, v3, v4  }
0x78: {  	[tilespmem:s16+$0x2E90] =	vst v3;
	v5 =	vpop (erf)  }
0x79: {  	[tilespmem:s16+$0x8680] =	vst v5  }
0x7a: {  	v3 =	vld [tilespmem:$0x110]  }
0x7b: {  	v45 =	vld [tilespmem:$0x190];
	_ =	sdelay $0x4  }
0x7c: {  	v3 =	vadd.f32 v45, v3;
	_ =	sdelay $0x1  }
0x7d: {  	v4 =	vmul.f32 $2.000000030e-01, v3  }
0x7e: {  	vm9 =	vge.f32 v3, $0.0e+00  }
0x7f: {  	v3 =	vsel vm9, v3, v4  }
0x80: {  	v3 =	vmul.f32 $1.442695020e+00, v3;
	_ =	sdelay $0x1  }
0x81: {  	(erf) = vpow2.f32 v3  }
0x82: {  	v3 =	vld [tilespmem:s16+$0x5AA0];
	_ =	sdelay $0x4  }
0x83: {  	vm10 =	vge.s32 v3, v0;
	vm11 =	vlt.s32 v3, v1;
	v46 =	vand.u32 $0xFF, v3  }
0x84: {  	v3 =	vsub.s32 v3, v0;
	vm0 =	vmand vm10, vm11;
	v4 =	vor.u32 $0x1400, v46  }
0x85: {  	v3 =	vsel vm0, v3, v4  }
0x86: {  	[tilespmem:s16+$0x2EA0] =	vst v3;
	v47 =	vpop (erf)  }
0x87: {  	[tilespmem:s16+$0x8690] =	vst v47  }
0x88: {  	v3 =	vld [tilespmem:$0x120]  }
0x89: {  	v48 =	vld [tilespmem:$0x1A0];
	_ =	sdelay $0x4  }
0x8a: {  	v3 =	vadd.f32 v48, v3;
	_ =	sdelay $0x1  }
0x8b: {  	v4 =	vmul.f32 $2.000000030e-01, v3  }
0x8c: {  	vm12 =	vge.f32 v3, $0.0e+00  }
0x8d: {  	v3 =	vsel vm12, v3, v4  }
0x8e: {  	v3 =	vmul.f32 $1.442695020e+00, v3;
	_ =	sdelay $0x1  }
0x8f: {  	(erf) = vpow2.f32 v3  }
0x90: {  	v3 =	vld [tilespmem:s16+$0x5AB0];
	_ =	sdelay $0x4  }
0x91: {  	vm13 =	vge.s32 v3, v0;
	vm14 =	vlt.s32 v3, v1;
	v49 =	vand.u32 $0xFF, v3  }
0x92: {  	v3 =	vsub.s32 v3, v0;
	vm0 =	vmand vm13, vm14;
	v4 =	vor.u32 $0x1400, v49  }
0x93: {  	v3 =	vsel vm0, v3, v4  }
0x94: {  	[tilespmem:s16+$0x2EB0] =	vst v3;
	v50 =	vpop (erf)  }
0x95: {  	[tilespmem:s16+$0x86A0] =	vst v50  }
0x96: {  	v3 =	vld [tilespmem:$0x130]  }
0x97: {  	v51 =	vld [tilespmem:$0x1B0];
	_ =	sdelay $0x4  }
0x98: {  	v3 =	vadd.f32 v51, v3;
	_ =	sdelay $0x1  }
0x99: {  	v4 =	vmul.f32 $2.000000030e-01, v3  }
0x9a: {  	vm15 =	vge.f32 v3, $0.0e+00  }
0x9b: {  	v3 =	vsel vm15, v3, v4  }
0x9c: {  	v3 =	vmul.f32 $1.442695020e+00, v3;
	_ =	sdelay $0x1  }
0x9d: {  	(erf) = vpow2.f32 v3  }
0x9e: {  	v3 =	vld [tilespmem:s16+$0x5AC0];
	_ =	sdelay $0x4  }
0x9f: {  	vm4 =	vge.s32 v3, v0;
	vm5 =	vlt.s32 v3, v1;
	v52 =	vand.u32 $0xFF, v3  }
0xa0: {  	v3 =	vsub.s32 v3, v0;
	vm0 =	vmand vm4, vm5;
	v4 =	vor.u32 $0x1400, v52  }
0xa1: {  	v3 =	vsel vm0, v3, v4  }
0xa2: {  	[tilespmem:s16+$0x2EC0] =	vst v3;
	v53 =	vpop (erf)  }
0xa3: {  	[tilespmem:s16+$0x86B0] =	vst v53  }
0xa4: {  	v3 =	vld [tilespmem:$0x140]  }
0xa5: {  	v54 =	vld [tilespmem:$0x1C0];
	_ =	sdelay $0x4  }
0xa6: {  	v3 =	vadd.f32 v54, v3;
	_ =	sdelay $0x1  }
0xa7: {  	v4 =	vmul.f32 $2.000000030e-01, v3  }
0xa8: {  	vm6 =	vge.f32 v3, $0.0e+00  }
0xa9: {  	v3 =	vsel vm6, v3, v4  }
0xaa: {  	v3 =	vmul.f32 $1.442695020e+00, v3;
	_ =	sdelay $0x1  }
0xab: {  	(erf) = vpow2.f32 v3  }
0xac: {  	v3 =	vld [tilespmem:s16+$0x5AD0];
	_ =	sdelay $0x4  }
0xad: {  	vm7 =	vge.s32 v3, v0;
	vm8 =	vlt.s32 v3, v1;
	v55 =	vand.u32 $0xFF, v3  }
0xae: {  	v3 =	vsub.s32 v3, v0;
	vm0 =	vmand vm7, vm8;
	v4 =	vor.u32 $0x1400, v55  }
0xaf: {  	v3 =	vsel vm0, v3, v4  }
0xb0: {  	[tilespmem:s16+$0x2ED0] =	vst v3;
	v56 =	vpop (erf)  }
0xb1: {  	[tilespmem:s16+$0x86C0] =	vst v56  }
0xb2: {  	v3 =	vld [tilespmem:$0x150]  }
0xb3: {  	v57 =	vld [tilespmem:$0x1D0];
	_ =	sdelay $0x4  }
0xb4: {  	v3 =	vadd.f32 v57, v3;
	_ =	sdelay $0x1  }
0xb5: {  	v4 =	vmul.f32 $2.000000030e-01, v3  }
0xb6: {  	vm9 =	vge.f32 v3, $0.0e+00  }
0xb7: {  	v3 =	vsel vm9, v3, v4  }
0xb8: {  	v3 =	vmul.f32 $1.442695020e+00, v3;
	_ =	sdelay $0x1  }
0xb9: {  	(erf) = vpow2.f32 v3  }
0xba: {  	v3 =	vld [tilespmem:s16+$0x5AE0];
	_ =	sdelay $0x4  }
0xbb: {  	vm10 =	vge.s32 v3, v0;
	vm11 =	vlt.s32 v3, v1;
	v58 =	vand.u32 $0xFF, v3  }
0xbc: {  	v3 =	vsub.s32 v3, v0;
	vm0 =	vmand vm10, vm11;
	v4 =	vor.u32 $0x1400, v58  }
0xbd: {  	v3 =	vsel vm0, v3, v4  }
0xbe: {  	[tilespmem:s16+$0x2EE0] =	vst v3;
	v59 =	vpop (erf)  }
0xbf: {  	[tilespmem:s16+$0x86D0] =	vst v59  }
0xc0: {  	v3 =	vld [tilespmem:$0x160]  }
0xc1: {  	v60 =	vld [tilespmem:$0x1E0];
	_ =	sdelay $0x4  }
0xc2: {  	v3 =	vadd.f32 v60, v3;
	_ =	sdelay $0x1  }
0xc3: {  	v4 =	vmul.f32 $2.000000030e-01, v3  }
0xc4: {  	vm12 =	vge.f32 v3, $0.0e+00  }
0xc5: {  	v3 =	vsel vm12, v3, v4  }
0xc6: {  	v3 =	vmul.f32 $1.442695020e+00, v3;
	_ =	sdelay $0x1  }
0xc7: {  	(erf) = vpow2.f32 v3  }
0xc8: {  	v3 =	vld [tilespmem:s16+$0x5AF0];
	_ =	sdelay $0x4  }
0xc9: {  	vm13 =	vge.s32 v3, v0;
	vm14 =	vlt.s32 v3, v1;
	v61 =	vand.u32 $0xFF, v3  }
0xca: {  	v3 =	vsub.s32 v3, v0;
	vm0 =	vmand vm13, vm14;
	v4 =	vor.u32 $0x1400, v61  }
0xcb: {  	v3 =	vsel vm0, v3, v4  }
0xcc: {  	[tilespmem:s16+$0x2EF0] =	vst v3;
	v62 =	vpop (erf)  }
0xcd: {  	[tilespmem:s16+$0x86E0] =	vst v62  }
0xce: {  	v3 =	vld [tilespmem:$0x170]  }
0xcf: {  	v63 =	vld [tilespmem:$0x1F0];
	_ =	sdelay $0x4  }
0xd0: {  	v3 =	vadd.f32 v63, v3;
	_ =	sdelay $0x1  }
0xd1: {  	v4 =	vmul.f32 $2.000000030e-01, v3  }
0xd2: {  	vm15 =	vge.f32 v3, $0.0e+00  }
0xd3: {  	v3 =	vsel vm15, v3, v4  }
0xd4: {  	v3 =	vmul.f32 $1.442695020e+00, v3;
	_ =	sdelay $0x1  }
0xd5: {  	(erf) = vpow2.f32 v3;
	_ =	sdelay $0x7  }
0xd6: {  	s15 =	sadd.s32 $0x400, s15  }
0xd7: {  	p0 =	sne.s32 s15, $0xA800;
	v3 =	vpop (erf)  }
.Ltmp2:
0xd8: {  	[tilespmem:s16+$0x86F0] =	vst v3;
	(pc) =	sbr.rel @!p0 .LBB2_9-.Ltmp2, $4  }
0xd9: {  	_ =	swait.ge [sflag:s9], $0x80  }
0xda: {  	[sflag:s9] =	ssyncset.done $0x0  }
0xdb: {  	s17 =	sadd.s32 $0x2E80, s16;
	s19 =	sadd.s32 $0x8680, s16;
	[sflag:s9] =	ssyncadd.s32 $0xFFFFFF80  }
0xdc: {  	[spmem:s6] =	stream.indirect.scatter.add.f32 [tilespmem:s19], [sflag:$0x3], $0x1, s17, s31, $0xb8;
	[tilespmem:$0x1F650] =	vst v63  }
.LBB2_4:
0xdd: {  	s16 =	sshra.s32 s15, $0x2  }
0xde: {  	s17 =	sadd.s32 $0x280, s16  }
0xdf: {  	[tilespmem:s2], [sflag:$0x2] =	stream.indirect.gather [hbm4b:s1+s31], $0x1, s17, s31, $0xb8;
	[tilespmem:$0x1F650] =	vst v63  }
0xe0: {  	s19 =	sadd.s32 $0x5A80, s16  }
0xe1: {  	[tilespmem:s4], [sflag:$0x2] =	stream.indirect.gather [hbm4b:s3+s31], $0x1, s19, s31, $0xb8;
	[tilespmem:$0x1F650] =	vst v63  }
0xe2: {  	_ =	swait.ge [sflag:s30], $0x80  }
0xe3: {  	[sflag:s30] =	ssyncset.done $0x0  }
0xe4: {  	[sflag:s30] =	ssyncadd.s32 $0xFFFFFF80  }
0xe5: {  	_ =	swait.ge [sflag:s30], $0x80  }
0xe6: {  	[sflag:s30] =	ssyncset.done $0x0  }
0xe7: {  	[sflag:s30] =	ssyncadd.s32 $0xFFFFFF80  }
0xe8: {  	v3 =	vld [tilespmem:s16+$0x5A00];
	_ =	sdelay $0x4  }
0xe9: {  	vm0 =	vge.s32 v3, v0;
	vm1 =	vlt.s32 v3, v1;
	v4 =	vand.u32 $0xFF, v3  }
0xea: {  	v3 =	vsub.s32 v3, v0;
	vm0 =	vmand vm0, vm1;
	v4 =	vor.u32 $0x1400, v4  }
0xeb: {  	v3 =	vsel vm0, v3, v4  }
0xec: {  	[tilespmem:s16+$0x2E00] =	vst v3  }
0xed: {  	v3 =	vld [tilespmem:$0x0]  }
0xee: {  	v43 =	vld [tilespmem:$0x80];
	_ =	sdelay $0x4  }
0xef: {  	v3 =	vadd.f32 v43, v3;
	_ =	sdelay $0x1  }
0xf0: {  	v4 =	vmul.f32 $2.000000030e-01, v3  }
0xf1: {  	vm6 =	vge.f32 v3, $0.0e+00  }
0xf2: {  	v3 =	vsel vm6, v3, v4  }
0xf3: {  	v3 =	vmul.f32 $1.442695020e+00, v3;
	_ =	sdelay $0x1  }
0xf4: {  	(erf) = vpow2.f32 v3  }
0xf5: {  	v3 =	vld [tilespmem:s16+$0x5A10];
	_ =	sdelay $0x4  }
0xf6: {  	vm7 =	vge.s32 v3, v0;
	vm8 =	vlt.s32 v3, v1;
	v44 =	vand.u32 $0xFF, v3  }
0xf7: {  	v3 =	vsub.s32 v3, v0;
	vm0 =	vmand vm7, vm8;
	v4 =	vor.u32 $0x1400, v44  }
0xf8: {  	v3 =	vsel vm0, v3, v4  }
0xf9: {  	[tilespmem:s16+$0x2E10] =	vst v3;
	v5 =	vpop (erf)  }
0xfa: {  	[tilespmem:s16+$0x8600] =	vst v5  }
0xfb: {  	v3 =	vld [tilespmem:$0x10]  }
0xfc: {  	v45 =	vld [tilespmem:$0x90];
	_ =	sdelay $0x4  }
0xfd: {  	v3 =	vadd.f32 v45, v3;
	_ =	sdelay $0x1  }
0xfe: {  	v4 =	vmul.f32 $2.000000030e-01, v3  }
0xff: {  	vm9 =	vge.f32 v3, $0.0e+00  }
0x100: {  	v3 =	vsel vm9, v3, v4  }
0x101: {  	v3 =	vmul.f32 $1.442695020e+00, v3;
	_ =	sdelay $0x1  }
0x102: {  	(erf) = vpow2.f32 v3  }
0x103: {  	v3 =	vld [tilespmem:s16+$0x5A20];
	_ =	sdelay $0x4  }
0x104: {  	vm10 =	vge.s32 v3, v0;
	vm11 =	vlt.s32 v3, v1;
	v46 =	vand.u32 $0xFF, v3  }
0x105: {  	v3 =	vsub.s32 v3, v0;
	vm0 =	vmand vm10, vm11;
	v4 =	vor.u32 $0x1400, v46  }
0x106: {  	v3 =	vsel vm0, v3, v4  }
0x107: {  	[tilespmem:s16+$0x2E20] =	vst v3;
	v47 =	vpop (erf)  }
0x108: {  	[tilespmem:s16+$0x8610] =	vst v47  }
0x109: {  	v3 =	vld [tilespmem:$0x20]  }
0x10a: {  	v48 =	vld [tilespmem:$0xA0];
	_ =	sdelay $0x4  }
0x10b: {  	v3 =	vadd.f32 v48, v3;
	_ =	sdelay $0x1  }
0x10c: {  	v4 =	vmul.f32 $2.000000030e-01, v3  }
0x10d: {  	vm12 =	vge.f32 v3, $0.0e+00  }
0x10e: {  	v3 =	vsel vm12, v3, v4  }
0x10f: {  	v3 =	vmul.f32 $1.442695020e+00, v3;
	_ =	sdelay $0x1  }
0x110: {  	(erf) = vpow2.f32 v3  }
0x111: {  	v3 =	vld [tilespmem:s16+$0x5A30];
	_ =	sdelay $0x4  }
0x112: {  	vm13 =	vge.s32 v3, v0;
	vm14 =	vlt.s32 v3, v1;
	v49 =	vand.u32 $0xFF, v3  }
0x113: {  	v3 =	vsub.s32 v3, v0;
	vm0 =	vmand vm13, vm14;
	v4 =	vor.u32 $0x1400, v49  }
0x114: {  	v3 =	vsel vm0, v3, v4  }
0x115: {  	[tilespmem:s16+$0x2E30] =	vst v3;
	v50 =	vpop (erf)  }
0x116: {  	[tilespmem:s16+$0x8620] =	vst v50  }
0x117: {  	v3 =	vld [tilespmem:$0x30]  }
0x118: {  	v51 =	vld [tilespmem:$0xB0];
	_ =	sdelay $0x4  }
0x119: {  	v3 =	vadd.f32 v51, v3;
	_ =	sdelay $0x1  }
0x11a: {  	v4 =	vmul.f32 $2.000000030e-01, v3  }
0x11b: {  	vm15 =	vge.f32 v3, $0.0e+00  }
0x11c: {  	v3 =	vsel vm15, v3, v4  }
0x11d: {  	v3 =	vmul.f32 $1.442695020e+00, v3;
	_ =	sdelay $0x1  }
0x11e: {  	(erf) = vpow2.f32 v3  }
0x11f: {  	v3 =	vld [tilespmem:s16+$0x5A40];
	_ =	sdelay $0x4  }
0x120: {  	vm4 =	vge.s32 v3, v0;
	vm5 =	vlt.s32 v3, v1;
	v52 =	vand.u32 $0xFF, v3  }
0x121: {  	v3 =	vsub.s32 v3, v0;
	vm0 =	vmand vm4, vm5;
	v4 =	vor.u32 $0x1400, v52  }
0x122: {  	v3 =	vsel vm0, v3, v4  }
0x123: {  	[tilespmem:s16+$0x2E40] =	vst v3;
	v53 =	vpop (erf)  }
0x124: {  	[tilespmem:s16+$0x8630] =	vst v53  }
0x125: {  	v3 =	vld [tilespmem:$0x40]  }
0x126: {  	v54 =	vld [tilespmem:$0xC0];
	_ =	sdelay $0x4  }
0x127: {  	v3 =	vadd.f32 v54, v3;
	_ =	sdelay $0x1  }
0x128: {  	v4 =	vmul.f32 $2.000000030e-01, v3  }
0x129: {  	vm6 =	vge.f32 v3, $0.0e+00  }
0x12a: {  	v3 =	vsel vm6, v3, v4  }
0x12b: {  	v3 =	vmul.f32 $1.442695020e+00, v3;
	_ =	sdelay $0x1  }
0x12c: {  	(erf) = vpow2.f32 v3  }
0x12d: {  	v3 =	vld [tilespmem:s16+$0x5A50];
	_ =	sdelay $0x4  }
0x12e: {  	vm7 =	vge.s32 v3, v0;
	vm8 =	vlt.s32 v3, v1;
	v55 =	vand.u32 $0xFF, v3  }
0x12f: {  	v3 =	vsub.s32 v3, v0;
	vm0 =	vmand vm7, vm8;
	v4 =	vor.u32 $0x1400, v55  }
0x130: {  	v3 =	vsel vm0, v3, v4  }
0x131: {  	[tilespmem:s16+$0x2E50] =	vst v3;
	v56 =	vpop (erf)  }
0x132: {  	[tilespmem:s16+$0x8640] =	vst v56  }
0x133: {  	v3 =	vld [tilespmem:$0x50]  }
0x134: {  	v57 =	vld [tilespmem:$0xD0];
	_ =	sdelay $0x4  }
0x135: {  	v3 =	vadd.f32 v57, v3;
	_ =	sdelay $0x1  }
0x136: {  	v4 =	vmul.f32 $2.000000030e-01, v3  }
0x137: {  	vm9 =	vge.f32 v3, $0.0e+00  }
0x138: {  	v3 =	vsel vm9, v3, v4  }
0x139: {  	v3 =	vmul.f32 $1.442695020e+00, v3;
	_ =	sdelay $0x1  }
0x13a: {  	(erf) = vpow2.f32 v3  }
0x13b: {  	v3 =	vld [tilespmem:s16+$0x5A60];
	_ =	sdelay $0x4  }
0x13c: {  	vm10 =	vge.s32 v3, v0;
	vm11 =	vlt.s32 v3, v1;
	v58 =	vand.u32 $0xFF, v3  }
0x13d: {  	v3 =	vsub.s32 v3, v0;
	vm0 =	vmand vm10, vm11;
	v4 =	vor.u32 $0x1400, v58  }
0x13e: {  	v3 =	vsel vm0, v3, v4  }
0x13f: {  	[tilespmem:s16+$0x2E60] =	vst v3;
	v59 =	vpop (erf)  }
0x140: {  	[tilespmem:s16+$0x8650] =	vst v59  }
0x141: {  	v3 =	vld [tilespmem:$0x60]  }
0x142: {  	v60 =	vld [tilespmem:$0xE0];
	_ =	sdelay $0x4  }
0x143: {  	v3 =	vadd.f32 v60, v3;
	_ =	sdelay $0x1  }
0x144: {  	v4 =	vmul.f32 $2.000000030e-01, v3  }
0x145: {  	vm12 =	vge.f32 v3, $0.0e+00  }
0x146: {  	v3 =	vsel vm12, v3, v4  }
0x147: {  	v3 =	vmul.f32 $1.442695020e+00, v3;
	_ =	sdelay $0x1  }
0x148: {  	(erf) = vpow2.f32 v3  }
0x149: {  	v3 =	vld [tilespmem:s16+$0x5A70];
	_ =	sdelay $0x4  }
0x14a: {  	vm13 =	vge.s32 v3, v0;
	vm14 =	vlt.s32 v3, v1;
	v61 =	vand.u32 $0xFF, v3  }
0x14b: {  	v3 =	vsub.s32 v3, v0;
	vm0 =	vmand vm13, vm14;
	v4 =	vor.u32 $0x1400, v61  }
0x14c: {  	v3 =	vsel vm0, v3, v4  }
0x14d: {  	[tilespmem:s16+$0x2E70] =	vst v3;
	v62 =	vpop (erf)  }
0x14e: {  	[tilespmem:s16+$0x8660] =	vst v62  }
0x14f: {  	v3 =	vld [tilespmem:$0x70]  }
0x150: {  	v63 =	vld [tilespmem:$0xF0];
	_ =	sdelay $0x4  }
0x151: {  	v3 =	vadd.f32 v63, v3;
	_ =	sdelay $0x1  }
0x152: {  	v4 =	vmul.f32 $2.000000030e-01, v3  }
0x153: {  	vm15 =	vge.f32 v3, $0.0e+00  }
0x154: {  	v3 =	vsel vm15, v3, v4  }
0x155: {  	v3 =	vmul.f32 $1.442695020e+00, v3;
	_ =	sdelay $0x1  }
0x156: {  	(erf) = vpow2.f32 v3;
	_ =	sdelay $0x4  }
0x157: {  	p0 =	sne.s32 s15, $0x0  }
.Ltmp3:
0x158: {  	_ = 	snop;
	(pc) =	sbr.rel @!p0 .LBB2_5-.Ltmp3, $3  }
0x159: {  	_ =	sdelay $0x1  }
0x15a: {  	v3 =	vpop (erf)  }
0x15b: {  	s18 =	sadd.s32 $0x8600, s16;
	s17 =	sadd.s32 $0x2E00, s16;
	[tilespmem:s16+$0x8670] =	vst v3  }
0x15c: {  	p0 =	seq.s32 s15, $0xA400  }
.Ltmp4:
0x15d: {  	_ = 	snop;
	(pc) =	sbr.rel @p0 .LBB2_8-.Ltmp4, $4  }
.Ltmp5:
0x15e: {  	_ =	swait.ge [sflag:s9], $0x80;
	(pc) =	sbr.rel @!p0 .LBB2_7-.Ltmp5, $4  }
0x15f: {  	[sflag:s9] =	ssyncset.done $0x0  }
0x160: {  	[sflag:s9] =	ssyncadd.s32 $0xFFFFFF80  }
0x161: {  	[spmem:s6] =	stream.indirect.scatter.add.f32 [tilespmem:s18], [sflag:$0x3], $0x1, s17, s31, $0xb8;
	[tilespmem:$0x1F650] =	vst v63  }
0x162: {  	_ = 	snop  }
.LBB2_9:
0x163: {  	_ =	swait.ge [sflag:s9], $0x80  }
0x164: {  	[sflag:s9] =	ssyncset.done $0x0  }
0x165: {  	s11 =	simm.s32 $0x2E00;
	[sflag:s9] =	ssyncadd.s32 $0xFFFFFF80  }
0x166: {  	s14 =	simm.s32 $0xB280;
	s15 =	simm.s32 $0x0;
	[bflag:$0x0] =	sbarrier.arrive $0xFFFF  }
0x167: {  	[tilespmem:s14], [sflag:$0x1] =	stream.indirect.gather [spmem:s6], $0x1, s11, s31, $0xb8;
	[tilespmem:$0x1F650] =	vst v63  }
.LBB2_10:
0x168: {  	s16 =	sshra.s32 s15, $0x2  }
0x169: {  	s17 =	sadd.s32 $0x2E80, s16  }
0x16a: {  	[tilespmem:s10], [sflag:$0x2] =	stream.indirect.gather [spmem:s6], $0x1, s17, s31, $0xb8;
	[tilespmem:$0x1F650] =	vst v63  }
0x16b: {  	_ =	swait.ge [sflag:s30], $0x80  }
0x16c: {  	[sflag:s30] =	ssyncset.done $0x0  }
0x16d: {  	[sflag:s30] =	ssyncadd.s32 $0xFFFFFF80  }
0x16e: {  	v3 =	vld [tilespmem:$0xB280];
	_ =	sdelay $0x4  }
0x16f: {  	v3 =	vadd.f32 $1.000000020e-16, v3;
	_ =	sdelay $0x1  }
0x170: {  	(erf) = vrcp.f32 v3;
	_ =	sdelay $0x4  }
0x171: {  	v3 =	vld [tilespmem:s16+$0x8600];
	_ =	sdelay $0x3  }
0x172: {  	v4 =	vpop (erf)  }
0x173: {  	v3 =	vmul.f32 v4, v3;
	_ =	sdelay $0x1  }
0x174: {  	[tilespmem:s16+$0x8600] =	vst v3  }
0x175: {  	v3 =	vld [tilespmem:$0xB290];
	_ =	sdelay $0x4  }
0x176: {  	v3 =	vadd.f32 $1.000000020e-16, v3;
	_ =	sdelay $0x1  }
0x177: {  	(erf) = vrcp.f32 v3;
	_ =	sdelay $0x4  }
0x178: {  	v3 =	vld [tilespmem:s16+$0x8610];
	_ =	sdelay $0x3  }
0x179: {  	v49 =	vpop (erf)  }
0x17a: {  	v3 =	vmul.f32 v49, v3;
	_ =	sdelay $0x1  }
0x17b: {  	[tilespmem:s16+$0x8610] =	vst v3  }
0x17c: {  	v3 =	vld [tilespmem:$0xB2A0];
	_ =	sdelay $0x4  }
0x17d: {  	v3 =	vadd.f32 $1.000000020e-16, v3;
	_ =	sdelay $0x1  }
0x17e: {  	(erf) = vrcp.f32 v3;
	_ =	sdelay $0x4  }
0x17f: {  	v3 =	vld [tilespmem:s16+$0x8620];
	_ =	sdelay $0x3  }
0x180: {  	v50 =	vpop (erf)  }
0x181: {  	v3 =	vmul.f32 v50, v3;
	_ =	sdelay $0x1  }
0x182: {  	[tilespmem:s16+$0x8620] =	vst v3  }
0x183: {  	v3 =	vld [tilespmem:$0xB2B0];
	_ =	sdelay $0x4  }
0x184: {  	v3 =	vadd.f32 $1.000000020e-16, v3;
	_ =	sdelay $0x1  }
0x185: {  	(erf) = vrcp.f32 v3;
	_ =	sdelay $0x4  }
0x186: {  	v3 =	vld [tilespmem:s16+$0x8630];
	_ =	sdelay $0x3  }
0x187: {  	v51 =	vpop (erf)  }
0x188: {  	v3 =	vmul.f32 v51, v3;
	_ =	sdelay $0x1  }
0x189: {  	[tilespmem:s16+$0x8630] =	vst v3  }
0x18a: {  	v3 =	vld [tilespmem:$0xB2C0];
	_ =	sdelay $0x4  }
0x18b: {  	v3 =	vadd.f32 $1.000000020e-16, v3;
	_ =	sdelay $0x1  }
0x18c: {  	(erf) = vrcp.f32 v3;
	_ =	sdelay $0x4  }
0x18d: {  	v3 =	vld [tilespmem:s16+$0x8640];
	_ =	sdelay $0x3  }
0x18e: {  	v52 =	vpop (erf)  }
0x18f: {  	v3 =	vmul.f32 v52, v3;
	_ =	sdelay $0x1  }
0x190: {  	[tilespmem:s16+$0x8640] =	vst v3  }
0x191: {  	v3 =	vld [tilespmem:$0xB2D0];
	_ =	sdelay $0x4  }
0x192: {  	v3 =	vadd.f32 $1.000000020e-16, v3;
	_ =	sdelay $0x1  }
0x193: {  	(erf) = vrcp.f32 v3;
	_ =	sdelay $0x4  }
0x194: {  	v3 =	vld [tilespmem:s16+$0x8650];
	_ =	sdelay $0x3  }
0x195: {  	v53 =	vpop (erf)  }
0x196: {  	v3 =	vmul.f32 v53, v3;
	_ =	sdelay $0x1  }
0x197: {  	[tilespmem:s16+$0x8650] =	vst v3  }
0x198: {  	v3 =	vld [tilespmem:$0xB2E0];
	_ =	sdelay $0x4  }
0x199: {  	v3 =	vadd.f32 $1.000000020e-16, v3;
	_ =	sdelay $0x1  }
0x19a: {  	(erf) = vrcp.f32 v3;
	_ =	sdelay $0x4  }
0x19b: {  	v3 =	vld [tilespmem:s16+$0x8660];
	_ =	sdelay $0x3  }
0x19c: {  	v54 =	vpop (erf)  }
0x19d: {  	v3 =	vmul.f32 v54, v3;
	_ =	sdelay $0x1  }
0x19e: {  	[tilespmem:s16+$0x8660] =	vst v3  }
0x19f: {  	v3 =	vld [tilespmem:$0xB2F0];
	_ =	sdelay $0x4  }
0x1a0: {  	v3 =	vadd.f32 $1.000000020e-16, v3;
	_ =	sdelay $0x1  }
0x1a1: {  	(erf) = vrcp.f32 v3;
	_ =	sdelay $0x4  }
0x1a2: {  	v3 =	vld [tilespmem:s16+$0x8670];
	_ =	sdelay $0x3  }
0x1a3: {  	v55 =	vpop (erf)  }
0x1a4: {  	p0 =	seq.s32 s15, $0xA400;
	v3 =	vmul.f32 v55, v3  }
0x1a5: {  	s17 =	sshra.s32 @!p0 s15, $0x2  }
0x1a6: {  	s18 =	simm.s32 @!p0 $0x80;
	s19 =	simm.s32 @!p0 $0xB280;
	s17 =	sadd.s32 @!p0 $0x2F00, s17;
	[tilespmem:s16+$0x8670] =	vst v3  }
0x1a7: {  	[tilespmem:s19], [sflag:$0x1] =	stream.indirect.gather @!p0 [spmem:s6], $0x1, s17, s18, $0xb8;
	[tilespmem:$0x1F650] =	vst v63  }
0x1a8: {  	_ =	swait.ge [sflag:s8], $0x80  }
0x1a9: {  	[sflag:s8] =	ssyncset.done $0x0  }
0x1aa: {  	[sflag:s8] =	ssyncadd.s32 $0xFFFFFF80  }
0x1ab: {  	v3 =	vld [tilespmem:$0xB300];
	_ =	sdelay $0x4  }
0x1ac: {  	v3 =	vadd.f32 $1.000000020e-16, v3;
	_ =	sdelay $0x1  }
0x1ad: {  	(erf) = vrcp.f32 v3;
	_ =	sdelay $0x4  }
0x1ae: {  	v3 =	vld [tilespmem:s16+$0x8680];
	_ =	sdelay $0x3  }
0x1af: {  	v56 =	vpop (erf)  }
0x1b0: {  	v3 =	vmul.f32 v56, v3;
	_ =	sdelay $0x1  }
0x1b1: {  	[tilespmem:s16+$0x8680] =	vst v3  }
0x1b2: {  	v3 =	vld [tilespmem:$0xB310];
	_ =	sdelay $0x4  }
0x1b3: {  	v3 =	vadd.f32 $1.000000020e-16, v3;
	_ =	sdelay $0x1  }
0x1b4: {  	(erf) = vrcp.f32 v3;
	_ =	sdelay $0x4  }
0x1b5: {  	v3 =	vld [tilespmem:s16+$0x8690];
	_ =	sdelay $0x3  }
0x1b6: {  	v57 =	vpop (erf)  }
0x1b7: {  	v3 =	vmul.f32 v57, v3;
	_ =	sdelay $0x1  }
0x1b8: {  	[tilespmem:s16+$0x8690] =	vst v3  }
0x1b9: {  	v3 =	vld [tilespmem:$0xB320];
	_ =	sdelay $0x4  }
0x1ba: {  	v3 =	vadd.f32 $1.000000020e-16, v3;
	_ =	sdelay $0x1  }
0x1bb: {  	(erf) = vrcp.f32 v3;
	_ =	sdelay $0x4  }
0x1bc: {  	v3 =	vld [tilespmem:s16+$0x86A0];
	_ =	sdelay $0x3  }
0x1bd: {  	v58 =	vpop (erf)  }
0x1be: {  	v3 =	vmul.f32 v58, v3;
	_ =	sdelay $0x1  }
0x1bf: {  	[tilespmem:s16+$0x86A0] =	vst v3  }
0x1c0: {  	v3 =	vld [tilespmem:$0xB330];
	_ =	sdelay $0x4  }
0x1c1: {  	v3 =	vadd.f32 $1.000000020e-16, v3;
	_ =	sdelay $0x1  }
0x1c2: {  	(erf) = vrcp.f32 v3;
	_ =	sdelay $0x4  }
0x1c3: {  	v3 =	vld [tilespmem:s16+$0x86B0];
	_ =	sdelay $0x3  }
0x1c4: {  	v59 =	vpop (erf)  }
0x1c5: {  	v3 =	vmul.f32 v59, v3;
	_ =	sdelay $0x1  }
0x1c6: {  	[tilespmem:s16+$0x86B0] =	vst v3  }
0x1c7: {  	v3 =	vld [tilespmem:$0xB340];
	_ =	sdelay $0x4  }
0x1c8: {  	v3 =	vadd.f32 $1.000000020e-16, v3;
	_ =	sdelay $0x1  }
0x1c9: {  	(erf) = vrcp.f32 v3;
	_ =	sdelay $0x4  }
0x1ca: {  	v3 =	vld [tilespmem:s16+$0x86C0];
	_ =	sdelay $0x3  }
0x1cb: {  	v60 =	vpop (erf)  }
0x1cc: {  	v3 =	vmul.f32 v60, v3;
	_ =	sdelay $0x1  }
0x1cd: {  	[tilespmem:s16+$0x86C0] =	vst v3  }
0x1ce: {  	v3 =	vld [tilespmem:$0xB350];
	_ =	sdelay $0x4  }
0x1cf: {  	v3 =	vadd.f32 $1.000000020e-16, v3;
	_ =	sdelay $0x1  }
0x1d0: {  	(erf) = vrcp.f32 v3;
	_ =	sdelay $0x4  }
0x1d1: {  	v3 =	vld [tilespmem:s16+$0x86D0];
	_ =	sdelay $0x3  }
0x1d2: {  	v61 =	vpop (erf)  }
0x1d3: {  	v3 =	vmul.f32 v61, v3;
	_ =	sdelay $0x1  }
0x1d4: {  	[tilespmem:s16+$0x86D0] =	vst v3  }
0x1d5: {  	v3 =	vld [tilespmem:$0xB360];
	_ =	sdelay $0x4  }
0x1d6: {  	v3 =	vadd.f32 $1.000000020e-16, v3;
	_ =	sdelay $0x1  }
0x1d7: {  	(erf) = vrcp.f32 v3;
	_ =	sdelay $0x4  }
0x1d8: {  	v3 =	vld [tilespmem:s16+$0x86E0];
	_ =	sdelay $0x3  }
0x1d9: {  	v62 =	vpop (erf)  }
0x1da: {  	v3 =	vmul.f32 v62, v3;
	_ =	sdelay $0x1  }
0x1db: {  	[tilespmem:s16+$0x86E0] =	vst v3  }
0x1dc: {  	v3 =	vld [tilespmem:$0xB370];
	_ =	sdelay $0x4  }
0x1dd: {  	v3 =	vadd.f32 $1.000000020e-16, v3;
	_ =	sdelay $0x1  }
0x1de: {  	(erf) = vrcp.f32 v3;
	_ =	sdelay $0x4  }
0x1df: {  	v3 =	vld [tilespmem:s16+$0x86F0]  }
0x1e0: {  	s15 =	sadd.s32 $0x400, s15  }
0x1e1: {  	p0 =	sne.s32 s15, $0xA800  }
.Ltmp6:
0x1e2: {  	_ = 	snop;
	(pc) =	sbr.rel @p0 .LBB2_10-.Ltmp6, $3  }
0x1e3: {  	v63 =	vpop (erf)  }
0x1e4: {  	v3 =	vmul.f32 v63, v3;
	_ =	sdelay $0x1  }
0x1e5: {  	[tilespmem:s16+$0x86F0] =	vst v3  }
0x1e6: {  	s11 =	simm.s32 $0x13380  }
0x1e7: {  	[spmem:s20] =	stream.linear.scatter [tilespmem:s11], [sflag:$0x4], $0x1800, $0x38;
	[tilespmem:$0x1F650] =	vst v63  }
0x1e8: {  	_ =	swait.ge [sflag:s28], $0x1800  }
0x1e9: {  	[sflag:s28] =	ssyncset.done $0x0  }
0x1ea: {  	[sflag:s28] =	ssyncadd.s32 $0xFFFFE800  }
0x1eb: {  	[spmem:s21] =	stream.linear.scatter [tilespmem:s11], [sflag:$0x4], $0x1800, $0x38;
	[tilespmem:$0x1F650] =	vst v63  }
0x1ec: {  	_ =	swait.ge [sflag:s28], $0x1800  }
0x1ed: {  	[sflag:s28] =	ssyncset.done $0x0  }
0x1ee: {  	[sflag:s28] =	ssyncadd.s32 $0xFFFFE800  }
0x1ef: {  	[spmem:s22] =	stream.linear.scatter [tilespmem:s11], [sflag:$0x4], $0x1800, $0x38;
	[tilespmem:$0x1F650] =	vst v63  }
0x1f0: {  	_ =	swait.ge [sflag:s28], $0x1800  }
0x1f1: {  	[sflag:s28] =	ssyncset.done $0x0  }
0x1f2: {  	[sflag:s28] =	ssyncadd.s32 $0xFFFFE800  }
0x1f3: {  	[spmem:s23] =	stream.linear.scatter [tilespmem:s11], [sflag:$0x4], $0x1800, $0x38;
	[tilespmem:$0x1F650] =	vst v63  }
0x1f4: {  	_ =	swait.ge [sflag:s28], $0x1800  }
0x1f5: {  	[sflag:s28] =	ssyncset.done $0x0  }
0x1f6: {  	[sflag:s28] =	ssyncadd.s32 $0xFFFFE800  }
0x1f7: {  	[spmem:s24] =	stream.linear.scatter [tilespmem:s11], [sflag:$0x4], $0x1800, $0x38;
	[tilespmem:$0x1F650] =	vst v63  }
0x1f8: {  	_ =	swait.ge [sflag:s28], $0x1800  }
0x1f9: {  	[sflag:s28] =	ssyncset.done $0x0  }
0x1fa: {  	[sflag:s28] =	ssyncadd.s32 $0xFFFFE800  }
0x1fb: {  	[spmem:s25] =	stream.linear.scatter [tilespmem:s11], [sflag:$0x4], $0x1800, $0x38;
	[tilespmem:$0x1F650] =	vst v63  }
0x1fc: {  	_ =	swait.ge [sflag:s28], $0x1800  }
0x1fd: {  	[sflag:s28] =	ssyncset.done $0x0  }
0x1fe: {  	[sflag:s28] =	ssyncadd.s32 $0xFFFFE800  }
0x1ff: {  	[spmem:s26] =	stream.linear.scatter [tilespmem:s11], [sflag:$0x4], $0x1800, $0x38;
	[tilespmem:$0x1F650] =	vst v63  }
0x200: {  	_ =	swait.ge [sflag:s28], $0x1800  }
0x201: {  	[sflag:s28] =	ssyncset.done $0x0  }
0x202: {  	[sflag:s28] =	ssyncadd.s32 $0xFFFFE800  }
0x203: {  	[bflag:$0x0] =	sbarrier.arrive $0xFFFF  }
0x204: {  	[tilespmem:s12], [sflag:$0x1] =	stream.indirect.gather [hbm4b:s0+s31], $0x80, s29, s31, $0xb8;
	[tilespmem:$0x1F650] =	vst v63  }
0x205: {  	s15 =	simm.s32 $0x0;
	s29 =	simm.s32 $0x0  }
.LBB2_12:
0x206: {  	p0 =	seq.s32 s15, $0x0  }
0x207: {  	s16 =	simm.s32 @!p0 $0x3  }
0x208: {  	_ =	swait.ge @!p0 [sflag:s16], $0x4000  }
0x209: {  	s17 =	sshll.u32 s15, $0x8;
	[sflag:s16] =	ssyncset.done @!p0 $0x0  }
0x20a: {  	s22 =	sadd.s32 $0x280, s17;
	[sflag:s16] =	ssyncadd.s32 @!p0 $0xFFFFC000  }
0x20b: {  	[tilespmem:s13], [sflag:$0x2] =	stream.indirect.gather [hbm4b:s0+s31], $0x80, s22, s31, $0xb8;
	[tilespmem:$0x1F650] =	vst v63  }
0x20c: {  	_ =	swait.ge [sflag:s30], $0x4000  }
0x20d: {  	[sflag:s30] =	ssyncset.done $0x0  }
0x20e: {  	[sflag:s30] =	ssyncadd.s32 $0xFFFFC000  }
0x20f: {  	v3 =	vld [tilespmem:s17+$0x8600];
	_ =	sdelay $0x4  }
0x210: {  	[tilespmem:$0xB200] =	vst v3  }
0x211: {  	v3 =	vld [tilespmem:s17+$0x8610];
	_ =	sdelay $0x4  }
0x212: {  	[tilespmem:$0xB210] =	vst v3  }
0x213: {  	v3 =	vld [tilespmem:s17+$0x8620];
	_ =	sdelay $0x4  }
0x214: {  	[tilespmem:$0xB220] =	vst v3  }
0x215: {  	v3 =	vld [tilespmem:s17+$0x8630];
	_ =	sdelay $0x4  }
0x216: {  	[tilespmem:$0xB230] =	vst v3  }
0x217: {  	v3 =	vld [tilespmem:s17+$0x8640];
	_ =	sdelay $0x4  }
0x218: {  	[tilespmem:$0xB240] =	vst v3  }
0x219: {  	v3 =	vld [tilespmem:s17+$0x8650];
	_ =	sdelay $0x4  }
0x21a: {  	[tilespmem:$0xB250] =	vst v3  }
0x21b: {  	v3 =	vld [tilespmem:s17+$0x8660];
	_ =	sdelay $0x4  }
0x21c: {  	[tilespmem:$0xB260] =	vst v3  }
0x21d: {  	v3 =	vld [tilespmem:s17+$0x8670];
	_ =	sdelay $0x4  }
0x21e: {  	s25 =	simm.s32 $0xB480;
	s23 =	sand.u32 $0x1C0, s29;
	[tilespmem:$0xB270] =	vst v3  }
0x21f: {  	s26 =	sshrl.u32 s23, $0x2;
	v6 =	vld [tilespmem:s25+$0xFFFFFF60]  }
0x220: {  	v3 =	vld [tilespmem:s26+$0xB200]  }
0x221: {  	v4 =	vld [tilespmem:s25+$0xFFFFFF70]  }
0x222: {  	s24 =	simm.s32 $0x0;
	v5 =	vld [tilespmem:s25+$0xFFFFFF30]  }
0x223: {  	s16 =	sand.u32 $0xC, s24;
	v7 =	vld [tilespmem:s25+$0xFFFFFF00]  }
0x224: {  	v9 =	vmov s16;
	v8 =	vld [tilespmem:s25+$0xFFFFFF20]  }
0x225: {  	v10 =	vld [tilespmem:s25+$0xFFFFFF40];
	v9 =	vperm.xlane v3, v9  }
0x226: {  	v11 =	vld [tilespmem:s25+$0xFFFFFF50]  }
0x227: {  	v3 =	vld [tilespmem:s25+$0xFFFFFF10];
	v5 =	vmul.f32 v5, v9  }
0x228: {  	v7 =	vmul.f32 v7, v9  }
0x229: {  	v8 =	vmul.f32 v8, v9;
	[tilespmem:s25+$0xFFFFFF30] =	vst v5  }
0x22a: {  	v12 =	vmul.f32 v4, v9;
	[tilespmem:s25+$0xFFFFFF00] =	vst v7  }
0x22b: {  	s18 =	simm.s32 $0x3;
	s19 =	simm.s32 $0x7;
	v4 =	vmul.f32 v10, v9;
	v6 =	vmul.f32 v6, v9;
	[tilespmem:s25+$0xFFFFFF20] =	vst v8  }
0x22c: {  	s20 =	simm.s32 $0x0;
	s21 =	simm.s32 $0xB480;
	s16 =	sor.u32 $0x80, s17;
	v5 =	vmul.f32 v11, v9;
	[tilespmem:s25+$0xFFFFFF70] =	vst v12;
	v3 =	vmul.f32 v3, v9  }
.LBB2_13:
0x22d: {  	p0 =	sne.s32 s19, $0x7F;
	[tilespmem:s25+$0xFFFFFF60] =	vst v6;
	s20 =	sadd.s32 $0x10, s20;
	s21 =	sadd.s32 $0x200, s21  }
0x22e: {  	s22 =	smov.u32 s19;
	s19 =	sadd.s32 $0x4, s19;
	[tilespmem:s25+$0xFFFFFF40] =	vst v4;
	v4 =	vld [tilespmem:s25+$0xFFFFFFF0]  }
0x22f: {  	[tilespmem:s25+$0xFFFFFF50] =	vst v5;
	v5 =	vld [tilespmem:s25+$0xFFFFFF80]  }
0x230: {  	[tilespmem:s25+$0xFFFFFF10] =	vst v3;
	v3 =	vld [tilespmem:s25+$0xFFFFFFB0]  }
0x231: {  	v6 =	vld [tilespmem:s26+$0xB200]  }
0x232: {  	v7 =	vld [tilespmem:s25+$0xFFFFFFD0]  }
0x233: {  	s23 =	sadd.s32 $0xFFFFFFFE, s18;
	v8 =	vld [tilespmem:s25+$0xFFFFFFE0]  }
0x234: {  	s23 =	sand.u32 $0xD, s23;
	v9 =	vld [tilespmem:s25+$0xFFFFFFA0]  }
0x235: {  	v10 =	vmov s23;
	v11 =	vld [tilespmem:s25+$0xFFFFFFC0]  }
0x236: {  	v6 =	vperm.xlane v6, v10;
	v10 =	vld [tilespmem:s25+$0xFFFFFF90];
	_ =	sdelay $0x1  }
0x237: {  	v5 =	vmul.f32 v5, v6;
	v7 =	vmul.f32 v7, v6  }
0x238: {  	v3 =	vmul.f32 v3, v6;
	v9 =	vmul.f32 v9, v6  }
0x239: {  	v8 =	vmul.f32 v8, v6;
	[tilespmem:s25+$0xFFFFFF80] =	vst v5;
	v5 =	vmul.f32 v11, v6  }
0x23a: {  	v10 =	vmul.f32 v10, v6;
	[tilespmem:s25+$0xFFFFFFB0] =	vst v3;
	v3 =	vmul.f32 v4, v6  }
0x23b: {  	[tilespmem:s25+$0xFFFFFFD0] =	vst v7  }
0x23c: {  	[tilespmem:s25+$0xFFFFFFE0] =	vst v8  }
0x23d: {  	[tilespmem:s25+$0xFFFFFF90] =	vst v10  }
0x23e: {  	[tilespmem:s25+$0xFFFFFFA0] =	vst v9;
	v4 =	vld [tilespmem:s25+$0x70]  }
0x23f: {  	[tilespmem:s25+$0xFFFFFFF0] =	vst v3;
	v3 =	vld [tilespmem:s25+$0x40]  }
0x240: {  	[tilespmem:s25+$0xFFFFFFC0] =	vst v5;
	v5 =	vld [tilespmem:s25+$0x30]  }
0x241: {  	v6 =	vld [tilespmem:s26+$0xB200]  }
0x242: {  	v7 =	vld [tilespmem:s25+$0x10]  }
0x243: {  	s23 =	sadd.s32 $0xFFFFFFFF, s18;
	v8 =	vld [tilespmem:s25+$0x0]  }
0x244: {  	s23 =	sand.u32 $0xE, s23;
	v9 =	vld [tilespmem:s25+$0x20]  }
0x245: {  	v10 =	vmov s23;
	v11 =	vld [tilespmem:s25+$0x50]  }
0x246: {  	v6 =	vperm.xlane v6, v10;
	v10 =	vld [tilespmem:s25+$0x60];
	_ =	sdelay $0x1  }
0x247: {  	s23 =	sand.u32 $0x1C0, s20;
	v8 =	vmul.f32 v8, v6;
	v7 =	vmul.f32 v7, v6  }
0x248: {  	s23 =	sshrl.u32 s23, $0x2;
	v5 =	vmul.f32 v5, v6;
	v9 =	vmul.f32 v9, v6  }
0x249: {  	v3 =	vmul.f32 v3, v6;
	[tilespmem:s25+$0x10] =	vst v7;
	v7 =	vmul.f32 v11, v6  }
0x24a: {  	v4 =	vmul.f32 v4, v6;
	[tilespmem:s25+$0x30] =	vst v5;
	v5 =	vmul.f32 v10, v6  }
0x24b: {  	[tilespmem:s25+$0x40] =	vst v3  }
0x24c: {  	[tilespmem:s25+$0x70] =	vst v4  }
0x24d: {  	[tilespmem:s25+$0x60] =	vst v5  }
0x24e: {  	[tilespmem:s25+$0x0] =	vst v8;
	v3 =	vld [tilespmem:s25+$0xF0]  }
0x24f: {  	[tilespmem:s25+$0x20] =	vst v9;
	v4 =	vld [tilespmem:s25+$0x80]  }
0x250: {  	[tilespmem:s25+$0x50] =	vst v7;
	v5 =	vld [tilespmem:s25+$0xB0]  }
0x251: {  	v6 =	vld [tilespmem:s26+$0xB200];
	s26 =	smov.u32 s23  }
0x252: {  	v7 =	vld [tilespmem:s25+$0x90]  }
0x253: {  	v8 =	vld [tilespmem:s25+$0xC0]  }
0x254: {  	v9 =	vld [tilespmem:s25+$0xA0]  }
0x255: {  	v10 =	vmov s18;
	s18 =	smov.u32 s22;
	v11 =	vld [tilespmem:s25+$0xD0]  }
0x256: {  	v6 =	vperm.xlane v6, v10;
	v10 =	vld [tilespmem:s25+$0xE0];
	_ =	sdelay $0x1  }
0x257: {  	v4 =	vmul.f32 v4, v6;
	v7 =	vmul.f32 v7, v6  }
0x258: {  	v5 =	vmul.f32 v5, v6;
	v9 =	vmul.f32 v9, v6  }
0x259: {  	[tilespmem:s25+$0x80] =	vst v4;
	v4 =	vmul.f32 v8, v6;
	v8 =	vmul.f32 v11, v6  }
0x25a: {  	v3 =	vmul.f32 v3, v6;
	[tilespmem:s25+$0xB0] =	vst v5;
	v5 =	vmul.f32 v10, v6  }
0x25b: {  	[tilespmem:s25+$0xC0] =	vst v4  }
0x25c: {  	[tilespmem:s25+$0xD0] =	vst v8  }
0x25d: {  	[tilespmem:s25+$0xE0] =	vst v5  }
0x25e: {  	[tilespmem:s25+$0xF0] =	vst v3  }
0x25f: {  	v6 =	vld [tilespmem:s21+$0xFFFFFF60];
	[tilespmem:s25+$0x90] =	vst v7  }
0x260: {  	v3 =	vld [tilespmem:s21+$0xFFFFFF70];
	[tilespmem:s25+$0xA0] =	vst v9;
	s25 =	smov.u32 s21  }
0x261: {  	v4 =	vld [tilespmem:s21+$0xFFFFFF20]  }
0x262: {  	v5 =	vld [tilespmem:s26+$0xB200]  }
0x263: {  	v7 =	vld [tilespmem:s21+$0xFFFFFF30]  }
0x264: {  	s22 =	sadd.s32 $0xFFFFFFFD, s18;
	v8 =	vld [tilespmem:s21+$0xFFFFFF00]  }
0x265: {  	s22 =	sand.u32 $0xC, s22;
	v9 =	vld [tilespmem:s21+$0xFFFFFF40]  }
0x266: {  	v10 =	vmov s22;
	v11 =	vld [tilespmem:s21+$0xFFFFFF10]  }
0x267: {  	v10 =	vperm.xlane v5, v10;
	v5 =	vld [tilespmem:s21+$0xFFFFFF50];
	_ =	sdelay $0x1  }
0x268: {  	v8 =	vmul.f32 v8, v10;
	v7 =	vmul.f32 v7, v10  }
.Ltmp7:
0x269: {  	v12 =	vmul.f32 v4, v10;
	v13 =	vmul.f32 v3, v10;
	(pc) =	sbr.rel @p0 .LBB2_13-.Ltmp7, $4  }
0x26a: {  	v4 =	vmul.f32 v9, v10;
	v3 =	vmul.f32 v11, v10;
	[tilespmem:s21+$0xFFFFFF30] =	vst v7  }
0x26b: {  	v6 =	vmul.f32 v6, v10;
	[tilespmem:s21+$0xFFFFFF00] =	vst v8;
	v5 =	vmul.f32 v5, v10  }
0x26c: {  	[tilespmem:s21+$0xFFFFFF20] =	vst v12  }
0x26d: {  	[tilespmem:s21+$0xFFFFFF70] =	vst v13  }
0x26e: {  	[tilespmem:s25+$0xFFFFFF60] =	vst v6  }
0x26f: {  	[tilespmem:s25+$0xFFFFFF40] =	vst v4  }
0x270: {  	[tilespmem:s25+$0xFFFFFF50] =	vst v5  }
0x271: {  	[tilespmem:s25+$0xFFFFFF10] =	vst v3  }
0x272: {  	v3 =	vld [tilespmem:s26+$0xB200];
	_ =	sdelay $0x1  }
0x273: {  	v4 =	vld [tilespmem:s25+$0xFFFFFF80];
	s19 =	sadd.s32 $0xFFFFFFFE, s18  }
0x274: {  	v5 =	vld [tilespmem:s25+$0xFFFFFFB0];
	s19 =	sand.u32 $0xD, s19  }
0x275: {  	v6 =	vld [tilespmem:s25+$0xFFFFFFD0];
	v7 =	vmov s19  }
0x276: {  	v8 =	vld [tilespmem:s25+$0xFFFFFFE0];
	v3 =	vperm.xlane v3, v7  }
0x277: {  	v9 =	vld [tilespmem:s25+$0xFFFFFFA0]  }
0x278: {  	v7 =	vld [tilespmem:s25+$0xFFFFFF90];
	v4 =	vmul.f32 v4, v3  }
0x279: {  	v10 =	vld [tilespmem:s25+$0xFFFFFFF0];
	v5 =	vmul.f32 v5, v3  }
0x27a: {  	v11 =	vld [tilespmem:s25+$0xFFFFFFC0];
	v6 =	vmul.f32 v6, v3;
	[tilespmem:s25+$0xFFFFFF80] =	vst v4  }
0x27b: {  	v4 =	vmul.f32 v8, v3;
	[tilespmem:s25+$0xFFFFFFB0] =	vst v5  }
0x27c: {  	[tilespmem:s25+$0xFFFFFFD0] =	vst v6;
	v6 =	vmul.f32 v9, v3  }
0x27d: {  	v5 =	vmul.f32 v7, v3;
	[tilespmem:s25+$0xFFFFFFE0] =	vst v4  }
0x27e: {  	v4 =	vmul.f32 v10, v3;
	[tilespmem:s25+$0xFFFFFFA0] =	vst v6  }
0x27f: {  	v3 =	vmul.f32 v11, v3;
	[tilespmem:s25+$0xFFFFFF90] =	vst v5  }
0x280: {  	[tilespmem:s25+$0xFFFFFFF0] =	vst v4  }
0x281: {  	[tilespmem:s25+$0xFFFFFFC0] =	vst v3  }
0x282: {  	v3 =	vld [tilespmem:s26+$0xB200];
	_ =	sdelay $0x1  }
0x283: {  	s20 =	sadd.s32 $0xFFFFFFFF, s18;
	v4 =	vld [tilespmem:s25+$0x10]  }
0x284: {  	s19 =	sand.u32 $0xE, s20;
	v5 =	vld [tilespmem:s25+$0x30]  }
0x285: {  	v7 =	vmov s19;
	v6 =	vld [tilespmem:s25+$0x40]  }
0x286: {  	v8 =	vld [tilespmem:s25+$0x70];
	v3 =	vperm.xlane v3, v7  }
0x287: {  	v7 =	vld [tilespmem:s25+$0x60]  }
0x288: {  	v54 =	vld [tilespmem:s25+$0x0];
	v4 =	vmul.f32 v4, v3  }
0x289: {  	v55 =	vld [tilespmem:s25+$0x20];
	v5 =	vmul.f32 v5, v3  }
0x28a: {  	v56 =	vld [tilespmem:s25+$0x50];
	[tilespmem:s25+$0x10] =	vst v4;
	v4 =	vmul.f32 v6, v3  }
0x28b: {  	[tilespmem:s25+$0x30] =	vst v5;
	v5 =	vmul.f32 v8, v3  }
0x28c: {  	v6 =	vmul.f32 v7, v3;
	[tilespmem:s25+$0x40] =	vst v4  }
0x28d: {  	v4 =	vmul.f32 v54, v3;
	[tilespmem:s25+$0x70] =	vst v5  }
0x28e: {  	v5 =	vmul.f32 v55, v3;
	[tilespmem:s25+$0x60] =	vst v6  }
0x28f: {  	v3 =	vmul.f32 v56, v3;
	[tilespmem:s25+$0x0] =	vst v4  }
0x290: {  	[tilespmem:s25+$0x20] =	vst v5  }
0x291: {  	[tilespmem:s25+$0x50] =	vst v3  }
0x292: {  	v3 =	vld [tilespmem:s26+$0xB200];
	_ =	sdelay $0x1  }
0x293: {  	v4 =	vld [tilespmem:s25+$0x80]  }
0x294: {  	v6 =	vld [tilespmem:s25+$0xB0]  }
0x295: {  	v8 =	vmov s18;
	v7 =	vld [tilespmem:s25+$0xC0]  }
0x296: {  	v57 =	vld [tilespmem:s25+$0xD0];
	v3 =	vperm.xlane v3, v8  }
0x297: {  	v8 =	vld [tilespmem:s25+$0xE0]  }
0x298: {  	v5 =	vld [tilespmem:s25+$0xF0];
	v4 =	vmul.f32 v4, v3  }
0x299: {  	v58 =	vld [tilespmem:s25+$0x90];
	v6 =	vmul.f32 v6, v3  }
0x29a: {  	v59 =	vld [tilespmem:s25+$0xA0];
	[tilespmem:s25+$0x80] =	vst v4;
	v4 =	vmul.f32 v7, v3  }
0x29b: {  	v7 =	vmul.f32 v57, v3;
	[tilespmem:s25+$0xB0] =	vst v6  }
0x29c: {  	v6 =	vmul.f32 v8, v3;
	[tilespmem:s25+$0xC0] =	vst v4  }
0x29d: {  	v4 =	vmul.f32 v5, v3;
	[tilespmem:s25+$0xD0] =	vst v7  }
0x29e: {  	v5 =	vmul.f32 v58, v3;
	[tilespmem:s25+$0xE0] =	vst v6  }
0x29f: {  	v3 =	vmul.f32 v59, v3;
	[tilespmem:s25+$0xF0] =	vst v4  }
0x2a0: {  	[tilespmem:s25+$0x90] =	vst v5  }
0x2a1: {  	s21 =	sadd.s32 $0x2E00, s17;
	p0 =	seq.s32 s15, $0x29;
	[tilespmem:s25+$0xA0] =	vst v3  }
0x2a2: {  	[spmem:s5] =	stream.indirect.scatter.add.f32 [tilespmem:s12], [sflag:$0x3], $0x80, s21, s31, $0xb8;
	[tilespmem:$0x1F650] =	vst v63  }
0x2a3: {  	s18 =	sshll.u32 @!p0 s15, $0x8;
	_ =	swait.ge [sflag:s9], $0x4000  }
0x2a4: {  	s20 =	simm.s32 @!p0 $0xB380;
	s18 =	sand.u32 @!p0 $0x3FFFFF00, s18;
	[sflag:s9] =	ssyncset.done $0x0  }
0x2a5: {  	s19 =	simm.s32 @!p0 $0x80;
	s18 =	sadd.s32 @!p0 $0x300, s18;
	[sflag:s9] =	ssyncadd.s32 $0xFFFFC000  }
0x2a6: {  	[tilespmem:s20], [sflag:$0x1] =	stream.indirect.gather @!p0 [hbm4b:s0+s19], $0x80, s18, s19, $0xb8;
	[tilespmem:$0x1F650] =	vst v63  }
0x2a7: {  	_ =	swait.ge [sflag:s8], $0x4000  }
0x2a8: {  	[sflag:s8] =	ssyncset.done $0x0  }
0x2a9: {  	[sflag:s8] =	ssyncadd.s32 $0xFFFFC000  }
0x2aa: {  	v3 =	vld [tilespmem:s16+$0x8600];
	_ =	sdelay $0x4  }
0x2ab: {  	[tilespmem:$0xB200] =	vst v3  }
0x2ac: {  	v3 =	vld [tilespmem:s17+$0x8690];
	_ =	sdelay $0x4  }
0x2ad: {  	[tilespmem:$0xB210] =	vst v3  }
0x2ae: {  	v3 =	vld [tilespmem:s17+$0x86A0];
	_ =	sdelay $0x4  }
0x2af: {  	[tilespmem:$0xB220] =	vst v3  }
0x2b0: {  	v3 =	vld [tilespmem:s17+$0x86B0];
	_ =	sdelay $0x4  }
0x2b1: {  	[tilespmem:$0xB230] =	vst v3  }
0x2b2: {  	v3 =	vld [tilespmem:s17+$0x86C0];
	_ =	sdelay $0x4  }
0x2b3: {  	[tilespmem:$0xB240] =	vst v3  }
0x2b4: {  	v3 =	vld [tilespmem:s17+$0x86D0];
	_ =	sdelay $0x4  }
0x2b5: {  	[tilespmem:$0xB250] =	vst v3  }
0x2b6: {  	v3 =	vld [tilespmem:s17+$0x86E0];
	_ =	sdelay $0x4  }
0x2b7: {  	[tilespmem:$0xB260] =	vst v3  }
0x2b8: {  	v3 =	vld [tilespmem:s17+$0x86F0];
	_ =	sdelay $0x2  }
0x2b9: {  	s26 =	simm.s32 $0x0  }
0x2ba: {  	s22 =	sand.u32 $0x1C0, s26  }
0x2bb: {  	s25 =	sshrl.u32 s22, $0x2;
	[tilespmem:$0xB270] =	vst v3  }
0x2bc: {  	v3 =	vld [tilespmem:s25+$0xB200]  }
0x2bd: {  	s17 =	simm.s32 $0x0  }
0x2be: {  	v4 =	vld [tilespmem:s17+$0xF380]  }
0x2bf: {  	s23 =	sand.u32 $0xC, s26;
	v5 =	vld [tilespmem:s17+$0xF3A0]  }
0x2c0: {  	v8 =	vmov s23;
	v60 =	vld [tilespmem:s17+$0xF3B0]  }
0x2c1: {  	v7 =	vld [tilespmem:s17+$0xF3F0];
	v8 =	vperm.xlane v3, v8  }
0x2c2: {  	v61 =	vld [tilespmem:s17+$0xF390]  }
0x2c3: {  	v62 =	vld [tilespmem:s17+$0xF3D0];
	v3 =	vmul.f32 v4, v8  }
0x2c4: {  	v6 =	vld [tilespmem:s17+$0xF3C0];
	v5 =	vmul.f32 v5, v8  }
0x2c5: {  	v12 =	vld [tilespmem:s17+$0xF3E0];
	v9 =	vmul.f32 v60, v8;
	[tilespmem:s17+$0xF380] =	vst v3  }
0x2c6: {  	v7 =	vmul.f32 v7, v8;
	[tilespmem:s17+$0xF3A0] =	vst v5  }
0x2c7: {  	v63 =	vmul.f32 v61, v8;
	[tilespmem:s17+$0xF3B0] =	vst v9  }
0x2c8: {  	v5 =	vmul.f32 v62, v8;
	[tilespmem:s17+$0xF3F0] =	vst v7  }
0x2c9: {  	v6 =	vmul.f32 v6, v8;
	[tilespmem:s17+$0xF390] =	vst v63  }
0x2ca: {  	v4 =	vld [tilespmem:s17+$0xF440];
	[tilespmem:s17+$0xF3D0] =	vst v5;
	v5 =	vmul.f32 v12, v8  }
0x2cb: {  	s24 =	simm.s32 $0x1;
	v3 =	vld [tilespmem:s17+$0xF450];
	[tilespmem:s17+$0xF3C0] =	vst v6  }
0x2cc: {  	s22 =	simm.s32 $0x2;
	s21 =	sand.u32 $0xD, s24;
	s20 =	simm.s32 $0x800;
	[tilespmem:s17+$0xF3E0] =	vst v5;
	v5 =	vld [tilespmem:s17+$0xF470]  }
0x2cd: {  	s18 =	simm.s32 $0x3;
	s19 =	sand.u32 $0xE, s22;
	s22 =	simm.s32 $0x0;
	v6 =	vld [tilespmem:s25+$0xB200]  }
.LBB2_15:
0x2ce: {  	p0 =	sne.s32 s20, $0xF800  }
0x2cf: {  	v7 =	vld [tilespmem:s17+$0xF460];
	s26 =	sadd.s32 $0x4, s26;
	s22 =	sadd.s32 $0x10, s22;
	s23 =	smov.u32 s20  }
0x2d0: {  	s20 =	sadd.s32 $0x800, s20;
	s11 =	sadd.s32 $0x1, s26;
	s14 =	sadd.s32 $0x2, s26;
	v8 =	vld [tilespmem:s17+$0xF420]  }
0x2d1: {  	v9 =	vmov s21;
	s24 =	sadd.s32 $0x3, s26;
	s14 =	sand.u32 $0xE, s14;
	s21 =	sand.u32 $0xD, s11;
	v10 =	vld [tilespmem:s17+$0xF410]  }
0x2d2: {  	v6 =	vperm.xlane v6, v9;
	v9 =	vld [tilespmem:s17+$0xF430]  }
0x2d3: {  	v11 =	vld [tilespmem:s17+$0xF400]  }
0x2d4: {  	v4 =	vmul.f32 v4, v6;
	v3 =	vmul.f32 v3, v6  }
0x2d5: {  	v7 =	vmul.f32 v7, v6;
	v8 =	vmul.f32 v8, v6  }
0x2d6: {  	v10 =	vmul.f32 v10, v6;
	[tilespmem:s17+$0xF440] =	vst v4;
	v4 =	vmul.f32 v5, v6  }
0x2d7: {  	[tilespmem:s17+$0xF420] =	vst v8;
	v5 =	vmul.f32 v9, v6  }
0x2d8: {  	v6 =	vmul.f32 v11, v6;
	[tilespmem:s17+$0xF410] =	vst v10  }
0x2d9: {  	[tilespmem:s17+$0xF430] =	vst v5  }
0x2da: {  	[tilespmem:s17+$0xF470] =	vst v4  }
0x2db: {  	[tilespmem:s17+$0xF400] =	vst v6;
	v4 =	vld [tilespmem:s17+$0xF4C0]  }
0x2dc: {  	[tilespmem:s17+$0xF450] =	vst v3;
	v3 =	vld [tilespmem:s17+$0xF4A0]  }
0x2dd: {  	[tilespmem:s17+$0xF460] =	vst v7;
	v5 =	vld [tilespmem:s17+$0xF4D0]  }
0x2de: {  	v6 =	vld [tilespmem:s25+$0xB200]  }
0x2df: {  	v7 =	vld [tilespmem:s17+$0xF4F0]  }
0x2e0: {  	v8 =	vld [tilespmem:s17+$0xF480]  }
0x2e1: {  	v9 =	vld [tilespmem:s17+$0xF4E0]  }
0x2e2: {  	v10 =	vmov s19;
	s19 =	smov.u32 s14;
	v11 =	vld [tilespmem:s17+$0xF490]  }
0x2e3: {  	v6 =	vperm.xlane v6, v10;
	v10 =	vld [tilespmem:s17+$0xF4B0];
	_ =	sdelay $0x1  }
0x2e4: {  	v8 =	vmul.f32 v8, v6;
	v7 =	vmul.f32 v7, v6  }
0x2e5: {  	v5 =	vmul.f32 v5, v6;
	v9 =	vmul.f32 v9, v6  }
0x2e6: {  	v3 =	vmul.f32 v3, v6;
	[tilespmem:s17+$0xF480] =	vst v8;
	v8 =	vmul.f32 v11, v6  }
0x2e7: {  	v4 =	vmul.f32 v4, v6;
	v10 =	vmul.f32 v10, v6;
	[tilespmem:s17+$0xF4E0] =	vst v9  }
0x2e8: {  	[tilespmem:s17+$0xF4D0] =	vst v5  }
0x2e9: {  	[tilespmem:s17+$0xF4F0] =	vst v7  }
0x2ea: {  	[tilespmem:s17+$0xF4A0] =	vst v3  }
0x2eb: {  	[tilespmem:s17+$0xF4B0] =	vst v10  }
0x2ec: {  	[tilespmem:s17+$0xF4C0] =	vst v4;
	_ =	sdelay $0x1  }
0x2ed: {  	s11 =	sand.u32 $0x1C0, s22;
	v3 =	vld [tilespmem:s17+$0xF570]  }
0x2ee: {  	s11 =	sshrl.u32 s11, $0x2;
	v4 =	vld [tilespmem:s17+$0xF550]  }
0x2ef: {  	[tilespmem:s17+$0xF490] =	vst v8;
	v5 =	vld [tilespmem:s17+$0xF530]  }
0x2f0: {  	v6 =	vld [tilespmem:s25+$0xB200];
	s25 =	smov.u32 s11  }
0x2f1: {  	v7 =	vld [tilespmem:s17+$0xF510]  }
0x2f2: {  	v8 =	vld [tilespmem:s17+$0xF500]  }
0x2f3: {  	v9 =	vld [tilespmem:s17+$0xF520]  }
0x2f4: {  	v10 =	vmov s18;
	s18 =	smov.u32 s24;
	v11 =	vld [tilespmem:s17+$0xF540]  }
0x2f5: {  	v6 =	vperm.xlane v6, v10;
	v10 =	vld [tilespmem:s17+$0xF560];
	_ =	sdelay $0x1  }
0x2f6: {  	v8 =	vmul.f32 v8, v6;
	v7 =	vmul.f32 v7, v6  }
0x2f7: {  	v5 =	vmul.f32 v5, v6;
	v9 =	vmul.f32 v9, v6  }
0x2f8: {  	v4 =	vmul.f32 v4, v6;
	[tilespmem:s17+$0xF500] =	vst v8;
	v8 =	vmul.f32 v11, v6  }
0x2f9: {  	v3 =	vmul.f32 v3, v6;
	[tilespmem:s17+$0xF520] =	vst v9;
	v9 =	vmul.f32 v10, v6  }
0x2fa: {  	[tilespmem:s17+$0xF530] =	vst v5  }
0x2fb: {  	[tilespmem:s17+$0xF540] =	vst v8  }
0x2fc: {  	[tilespmem:s17+$0xF550] =	vst v4  }
0x2fd: {  	[tilespmem:s17+$0xF560] =	vst v9  }
0x2fe: {  	[tilespmem:s17+$0xF570] =	vst v3  }
0x2ff: {  	[tilespmem:s17+$0xF510] =	vst v7  }
0x300: {  	v3 =	vld [tilespmem:s25+$0xB200]  }
0x301: {  	s17 =	sshra.s32 s23, $0x2  }
0x302: {  	v4 =	vld [tilespmem:s17+$0xF3A0]  }
0x303: {  	s11 =	sand.u32 $0xC, s26;
	v5 =	vld [tilespmem:s17+$0xF3C0]  }
0x304: {  	v6 =	vmov s11;
	v7 =	vld [tilespmem:s17+$0xF380]  }
0x305: {  	v6 =	vperm.xlane v3, v6;
	v3 =	vld [tilespmem:s17+$0xF3F0]  }
0x306: {  	v8 =	vld [tilespmem:s17+$0xF3B0]  }
0x307: {  	v9 =	vld [tilespmem:s17+$0xF390]  }
0x308: {  	v10 =	vld [tilespmem:s17+$0xF3D0]  }
0x309: {  	v7 =	vmul.f32 v7, v6;
	v11 =	vld [tilespmem:s17+$0xF3E0]  }
0x30a: {  	v12 =	vmul.f32 v4, v6;
	v5 =	vmul.f32 v5, v6;
	v4 =	vld [tilespmem:s17+$0xF440]  }
0x30b: {  	[tilespmem:s17+$0xF380] =	vst v7;
	v7 =	vmul.f32 v8, v6;
	v8 =	vmul.f32 v3, v6;
	v3 =	vld [tilespmem:s17+$0xF450]  }
0x30c: {  	v9 =	vmul.f32 v9, v6;
	[tilespmem:s17+$0xF3A0] =	vst v12  }
0x30d: {  	[tilespmem:s17+$0xF3B0] =	vst v7;
	v7 =	vmul.f32 v10, v6  }
0x30e: {  	v6 =	vmul.f32 v11, v6;
	[tilespmem:s17+$0xF3F0] =	vst v8  }
0x30f: {  	[tilespmem:s17+$0xF3D0] =	vst v7  }
.Ltmp8:
0x310: {  	[tilespmem:s17+$0xF390] =	vst v9;
	(pc) =	sbr.rel @p0 .LBB2_15-.Ltmp8, $4  }
0x311: {  	[tilespmem:s17+$0xF3C0] =	vst v5  }
0x312: {  	[tilespmem:s17+$0xF3E0] =	vst v6  }
0x313: {  	v6 =	vld [tilespmem:s25+$0xB200]  }
0x314: {  	v5 =	vld [tilespmem:s17+$0xF470]  }
0x315: {  	_ = 	snop  }
0x316: {  	v7 =	vld [tilespmem:s17+$0xF420]  }
0x317: {  	v8 =	vmov s21;
	v9 =	vld [tilespmem:s17+$0xF410]  }
0x318: {  	v39 =	vld [tilespmem:s17+$0xF430];
	v6 =	vperm.xlane v6, v8;
	_ =	sdelay $0x1  }
0x319: {  	v10 =	vld [tilespmem:s17+$0xF400];
	v4 =	vmul.f32 v4, v6  }
0x31a: {  	v7 =	vmul.f32 v7, v6  }
0x31b: {  	v11 =	vld [tilespmem:s17+$0xF460];
	v9 =	vmul.f32 v9, v6;
	[tilespmem:s17+$0xF440] =	vst v4  }
0x31c: {  	v40 =	vmul.f32 v39, v6;
	[tilespmem:s17+$0xF420] =	vst v7  }
0x31d: {  	v5 =	vmul.f32 v5, v6;
	[tilespmem:s17+$0xF410] =	vst v9  }
0x31e: {  	v41 =	vmul.f32 v10, v6;
	[tilespmem:s17+$0xF430] =	vst v40  }
0x31f: {  	v3 =	vmul.f32 v3, v6;
	[tilespmem:s17+$0xF470] =	vst v5  }
0x320: {  	v43 =	vmul.f32 v11, v6;
	[tilespmem:s17+$0xF400] =	vst v41  }
0x321: {  	[tilespmem:s17+$0xF450] =	vst v3  }
0x322: {  	[tilespmem:s17+$0xF460] =	vst v43  }
0x323: {  	v5 =	vld [tilespmem:s25+$0xB200];
	_ =	sdelay $0x1  }
0x324: {  	v44 =	vld [tilespmem:s17+$0xF480]  }
0x325: {  	v45 =	vld [tilespmem:s17+$0xF4E0]  }
0x326: {  	v46 =	vld [tilespmem:s17+$0xF4D0];
	v47 =	vmov s19  }
0x327: {  	v48 =	vld [tilespmem:s17+$0xF4F0];
	v5 =	vperm.xlane v5, v47  }
0x328: {  	v3 =	vld [tilespmem:s17+$0xF4A0]  }
0x329: {  	v49 =	vld [tilespmem:s17+$0xF4B0];
	v6 =	vmul.f32 v44, v5  }
0x32a: {  	v42 =	vld [tilespmem:s17+$0xF4C0];
	v7 =	vmul.f32 v45, v5  }
0x32b: {  	v50 =	vld [tilespmem:s17+$0xF490];
	v8 =	vmul.f32 v46, v5;
	[tilespmem:s17+$0xF480] =	vst v6  }
0x32c: {  	v51 =	vmul.f32 v48, v5;
	[tilespmem:s17+$0xF4E0] =	vst v7  }
0x32d: {  	v3 =	vmul.f32 v3, v5;
	[tilespmem:s17+$0xF4D0] =	vst v8  }
0x32e: {  	v52 =	vmul.f32 v49, v5;
	[tilespmem:s17+$0xF4F0] =	vst v51  }
0x32f: {  	v4 =	vmul.f32 v42, v5;
	[tilespmem:s17+$0xF4A0] =	vst v3  }
0x330: {  	[tilespmem:s17+$0xF4B0] =	vst v52;
	v3 =	vmul.f32 v50, v5  }
0x331: {  	[tilespmem:s17+$0xF4C0] =	vst v4  }
0x332: {  	[tilespmem:s17+$0xF490] =	vst v3  }
0x333: {  	v3 =	vld [tilespmem:s25+$0xB200];
	_ =	sdelay $0x1  }
0x334: {  	v55 =	vld [tilespmem:s17+$0xF500]  }
0x335: {  	v56 =	vld [tilespmem:s17+$0xF520]  }
0x336: {  	v57 =	vld [tilespmem:s17+$0xF530];
	v58 =	vmov s18  }
0x337: {  	v59 =	vld [tilespmem:s17+$0xF540];
	v3 =	vperm.xlane v3, v58  }
0x338: {  	v54 =	vld [tilespmem:s17+$0xF550]  }
0x339: {  	v60 =	vld [tilespmem:s17+$0xF560];
	v6 =	vmul.f32 v55, v3  }
0x33a: {  	v53 =	vld [tilespmem:s17+$0xF570];
	v7 =	vmul.f32 v56, v3  }
0x33b: {  	v61 =	vld [tilespmem:s17+$0xF510];
	v8 =	vmul.f32 v57, v3;
	[tilespmem:s17+$0xF500] =	vst v6  }
0x33c: {  	v62 =	vmul.f32 v59, v3;
	[tilespmem:s17+$0xF520] =	vst v7  }
0x33d: {  	s15 =	sadd.s32 $0x1, s15;
	v5 =	vmul.f32 v54, v3;
	[tilespmem:s17+$0xF530] =	vst v8  }
0x33e: {  	p0 =	sne.s32 s15, $0x2A;
	v63 =	vmul.f32 v60, v3;
	[tilespmem:s17+$0xF540] =	vst v62  }
.Ltmp9:
0x33f: {  	v4 =	vmul.f32 v53, v3;
	[tilespmem:s17+$0xF550] =	vst v5;
	(pc) =	sbr.rel @p0 .LBB2_12-.Ltmp9, $4  }
0x340: {  	v3 =	vmul.f32 v61, v3;
	[tilespmem:s17+$0xF560] =	vst v63  }
0x341: {  	[tilespmem:s17+$0xF570] =	vst v4  }
0x342: {  	s11 =	sadd.s32 $0x2E00, s16;
	[tilespmem:s17+$0xF510] =	vst v3  }
0x343: {  	[spmem:s5] =	stream.indirect.scatter.add.f32 [tilespmem:s13], [sflag:$0x3], $0x80, s11, s31, $0xb8;
	[tilespmem:$0x1F650] =	vst v63  }
0x344: {  	_ =	swait.ge [sflag:s9], $0x4000  }
0x345: {  	[sflag:s9] =	ssyncset.done $0x0  }
0x346: {  	[sflag:s9] =	ssyncadd.s32 $0xFFFFC000  }
0x347: {  	[bflag:$0x0] =	sbarrier.arrive $0xFFFF  }
0x348: {  	s20 =	rddreg [dreg:$0x12]  }
0x349: {  	[tilespmem:s12], [sflag:$0x4] =	stream.linear.gather [spmem:s20], $0x1800, $0x38;
	[tilespmem:$0x1F650] =	vst v63  }
0x34a: {  	_ =	swait.ge [sflag:s28], $0x1800  }
0x34b: {  	[sflag:s28] =	ssyncset.done $0x0  }
0x34c: {  	s11 =	rddreg [dreg:$0x8];
	[sflag:s28] =	ssyncadd.s32 $0xFFFFE800  }
0x34d: {  	[hbm4b:s11+s7] =	stream.linear.scatter [tilespmem:s12], [sflag:$0x4], $0x1800, $0x38;
	[tilespmem:$0x1F650] =	vst v63  }
0x34e: {  	_ =	swait.ge [sflag:s28], $0x1800  }
0x34f: {  	[sflag:s28] =	ssyncset.done $0x0  }
0x350: {  	s21 =	rddreg [dreg:$0x13];
	[sflag:s28] =	ssyncadd.s32 $0xFFFFE800  }
0x351: {  	[tilespmem:s12], [sflag:$0x4] =	stream.linear.gather [spmem:s21], $0x1800, $0x38;
	[tilespmem:$0x1F650] =	vst v63  }
0x352: {  	_ =	swait.ge [sflag:s28], $0x1800  }
0x353: {  	[sflag:s28] =	ssyncset.done $0x0  }
0x354: {  	s26 =	rddreg [dreg:$0x9];
	[sflag:s28] =	ssyncadd.s32 $0xFFFFE800  }
0x355: {  	[hbm4b:s26+s7] =	stream.linear.scatter [tilespmem:s12], [sflag:$0x4], $0x1800, $0x38;
	[tilespmem:$0x1F650] =	vst v63  }
0x356: {  	_ =	swait.ge [sflag:s28], $0x1800  }
0x357: {  	[sflag:s28] =	ssyncset.done $0x0  }
0x358: {  	s22 =	rddreg [dreg:$0x14];
	[sflag:s28] =	ssyncadd.s32 $0xFFFFE800  }
0x359: {  	[tilespmem:s12], [sflag:$0x4] =	stream.linear.gather [spmem:s22], $0x1800, $0x38;
	[tilespmem:$0x1F650] =	vst v63  }
0x35a: {  	_ =	swait.ge [sflag:s28], $0x1800  }
0x35b: {  	[sflag:s28] =	ssyncset.done $0x0  }
0x35c: {  	s14 =	rddreg [dreg:$0xa];
	[sflag:s28] =	ssyncadd.s32 $0xFFFFE800  }
0x35d: {  	[hbm4b:s14+s7] =	stream.linear.scatter [tilespmem:s12], [sflag:$0x4], $0x1800, $0x38;
	[tilespmem:$0x1F650] =	vst v63  }
0x35e: {  	_ =	swait.ge [sflag:s28], $0x1800  }
0x35f: {  	[sflag:s28] =	ssyncset.done $0x0  }
0x360: {  	s23 =	rddreg [dreg:$0x15];
	[sflag:s28] =	ssyncadd.s32 $0xFFFFE800  }
0x361: {  	[tilespmem:s12], [sflag:$0x4] =	stream.linear.gather [spmem:s23], $0x1800, $0x38;
	[tilespmem:$0x1F650] =	vst v63  }
0x362: {  	_ =	swait.ge [sflag:s28], $0x1800  }
0x363: {  	[sflag:s28] =	ssyncset.done $0x0  }
0x364: {  	s15 =	rddreg [dreg:$0xb];
	[sflag:s28] =	ssyncadd.s32 $0xFFFFE800  }
0x365: {  	[hbm4b:s15+s7] =	stream.linear.scatter [tilespmem:s12], [sflag:$0x4], $0x1800, $0x38;
	[tilespmem:$0x1F650] =	vst v63  }
0x366: {  	_ =	swait.ge [sflag:s28], $0x1800  }
0x367: {  	[sflag:s28] =	ssyncset.done $0x0  }
0x368: {  	s24 =	rddreg [dreg:$0x16];
	[sflag:s28] =	ssyncadd.s32 $0xFFFFE800  }
0x369: {  	[tilespmem:s12], [sflag:$0x4] =	stream.linear.gather [spmem:s24], $0x1800, $0x38;
	[tilespmem:$0x1F650] =	vst v63  }
0x36a: {  	_ =	swait.ge [sflag:s28], $0x1800  }
0x36b: {  	[sflag:s28] =	ssyncset.done $0x0  }
0x36c: {  	s16 =	rddreg [dreg:$0xc];
	[sflag:s28] =	ssyncadd.s32 $0xFFFFE800  }
0x36d: {  	[hbm4b:s16+s7] =	stream.linear.scatter [tilespmem:s12], [sflag:$0x4], $0x1800, $0x38;
	[tilespmem:$0x1F650] =	vst v63  }
0x36e: {  	_ =	swait.ge [sflag:s28], $0x1800  }
0x36f: {  	[sflag:s28] =	ssyncset.done $0x0  }
0x370: {  	s25 =	rddreg [dreg:$0x17];
	[sflag:s28] =	ssyncadd.s32 $0xFFFFE800  }
0x371: {  	[tilespmem:s12], [sflag:$0x4] =	stream.linear.gather [spmem:s25], $0x1800, $0x38;
	[tilespmem:$0x1F650] =	vst v63  }
0x372: {  	_ =	swait.ge [sflag:s28], $0x1800  }
0x373: {  	[sflag:s28] =	ssyncset.done $0x0  }
0x374: {  	s17 =	rddreg [dreg:$0xd];
	[sflag:s28] =	ssyncadd.s32 $0xFFFFE800  }
0x375: {  	[hbm4b:s17+s7] =	stream.linear.scatter [tilespmem:s12], [sflag:$0x4], $0x1800, $0x38;
	[tilespmem:$0x1F650] =	vst v63  }
0x376: {  	_ =	swait.ge [sflag:s28], $0x1800  }
0x377: {  	[sflag:s28] =	ssyncset.done $0x0  }
0x378: {  	s26 =	rddreg [dreg:$0x18];
	[sflag:s28] =	ssyncadd.s32 $0xFFFFE800  }
0x379: {  	[tilespmem:s12], [sflag:$0x4] =	stream.linear.gather [spmem:s26], $0x1800, $0x38;
	[tilespmem:$0x1F650] =	vst v63  }
0x37a: {  	_ =	swait.ge [sflag:s28], $0x1800  }
0x37b: {  	[sflag:s28] =	ssyncset.done $0x0  }
0x37c: {  	s18 =	rddreg [dreg:$0xe];
	[sflag:s28] =	ssyncadd.s32 $0xFFFFE800  }
0x37d: {  	[hbm4b:s18+s7] =	stream.linear.scatter [tilespmem:s12], [sflag:$0x4], $0x1800, $0x38;
	[tilespmem:$0x1F650] =	vst v63  }
0x37e: {  	_ =	swait.ge [sflag:s28], $0x1800  }
0x37f: {  	s14 =	rddreg [dreg:$0x1a]  }
0x380: {  	s19 =	rddreg [dreg:$0x19];
	s14 =	sadd.s32 $0x1, s14  }
0x381: {  	p0 =	sne.s32 s14, s19  }
.Ltmp10:
0x382: {  	_ = 	snop;
	(pc) =	sbr.rel @p0 .LBB2_1-.Ltmp10, $4  }
0x383: {  	[sflag:s28] =	ssyncset.done $0x0  }
0x384: {  	[sflag:s28] =	ssyncadd.s32 $0xFFFFE800  }
0x385: {  	[bflag:$0x0] =	sbarrier.arrive $0xFFFF  }
0x386: {  	s29 =	simm.s32 $0x200;
	s17 =	simm.s32 $0x5A00  }
0x387: {  	_ =	sfence.sel $0x180000  }
0x388: {  	[bflag:$0x0] =	sbarrier.arrive $0xFFFF  }
0x389: {  	_ =	strace $0x90000047  }
0x38a: {  	s0 =	stileid.u32;
	[bflag:$0x2] =	sbarrier.arrive $0xFFFF  }
0x38b: {  	p0 =	sne.s32 s0, $0x0;
	s0 =	rddreg [dreg:$0x7]  }
0x38c: {  	s0 =	sadd.s32 @!p0 $0x100000, s0  }
0x38d: {  	[sflag:s0] =	ssyncadd.tile.s32 @!p0 $0x1;
	_ =	shalt  }
.Lfunc_end2:
_tile_overlayer_lowered:
.L_overlay_start_2:
0x38e: {  	(tag) =	ssettag $0x2  }
0x38f: {  	s0 =	rddreg [dreg:$0x0];
	s2 =	stileid.u32  }
0x390: {  	s1 =	rddreg [dreg:$0x1];
	p0 =	sne.s32 s2, $0x0  }
0x391: {  	s3 =	rddreg [dreg:$0x2];
	[bflag:$0x3] =	sbarrier.arrive $0xFFFF;
	s2 =	simm.s32 @!p0 $0x1C04  }
0x392: {  	[timem:s3], [sflag:s2] =	dma.local @!p0 [hbm:s0], s1  }
0x393: {  	s0 =	simm.s32 @!p0 $0x4  }
0x394: {  	_ =	swait.ge @!p0 [sflag:s0], s1  }
0x395: {  	s1 =	ssub.s32 @!p0 $0x0, s1;
	[sflag:s0] =	ssyncset.done @!p0 $0x0  }
0x396: {  	[sflag:s0] =	ssyncadd.s32 @!p0 s1  }
0x397: {  	[bflag:$0x3] =	sbarrier.arrive $0xFFFF  }
0x398: {  	_ =	shalt  }

</sc_bundles>
